<compile_context>
chip_gen: v7x
topology: tpu7x:2x2x1
jax: 0.10.2.dev20260603
libtpu: 0.0.44.dev20260713+nightly
codegen_flags: <defaults>
</compile_context>

<pallas_src>
import functools

import jax
import jax.numpy as jnp
from jax import lax
from jax.experimental import pallas as pl
from jax.experimental.pallas import tpu as pltpu
from jax.experimental.pallas import tpu_sc as plsc

_CP = pltpu.CompilerParams(vmem_limit_bytes=67000000)

B, N, KD, VD = 4096, 200, 64, 64
BL = 128
_NW = 32
_ROWS_PER_W = (N + 1 + _NW - 1) // _NW


def _tc_body(nk_ref, nv_ref, km_ref, vm_ref, gate_ref, it_ref, wb_ref,
             out_vm_ref, out_read_ref):
    km = km_ref[...]
    vm = vm_ref[...]
    nv = nv_ref[...]
    it = it_ref[...]
    w = wb_ref[0, 0]
    bconf = wb_ref[0, 1]

    slot = jax.lax.broadcasted_iota(jnp.int32, (N, BL), 0)
    mask = slot <= it

    sim = jnp.sum(vm * nv[None, :, :], axis=1)
    sim = jnp.where(mask, sim, 0.0)

    m = jnp.max(sim, axis=0, keepdims=True)
    e = jnp.exp(sim - m)
    wv = e / jnp.sum(e, axis=0, keepdims=True)

    conf = jax.nn.sigmoid(sim * w + bconf)

    read_k = jnp.sum(wv[:, None, :] * km, axis=0)
    read_c = jnp.sum(wv * conf, axis=0, keepdims=True)

    scale = jax.nn.sigmoid(gate_ref[...])
    scale = scale * (it > 1).astype(jnp.float32)
    out_read_ref[:KD, :] = read_k * scale
    out_read_ref[KD:, :] = read_c * scale

    out_vm_ref[:N, :, :] = vm
    out_vm_ref[N:, :, :] = nv[None, :, :]


_sc_mesh = plsc.VectorSubcoreMesh(core_axis_name="c", subcore_axis_name="s")


_CH = 8
_NCH = KD // _CH


@functools.partial(
    pl.kernel,
    mesh=_sc_mesh,
    out_type=jax.ShapeDtypeStruct((N + 1, KD, B), jnp.float32),
    scratch_types=[
        pltpu.VMEM((_CH, B), jnp.float32),
        pltpu.VMEM((_CH, B), jnp.float32),
        pltpu.SemaphoreType.DMA,
        pltpu.SemaphoreType.DMA,
        pltpu.SemaphoreType.DMA,
        pltpu.SemaphoreType.DMA,
    ],
)
def _sc_append(km_hbm, nk_hbm, out_hbm, b0, b1, si0, si1, so0, so1):
    wid = lax.axis_index("s") * 2 + lax.axis_index("c")
    bufs = (b0, b1)
    isems = (si0, si1)
    osems = (so0, so1)

    def copy_row(src_row, dst_row):
        outs = [None, None]
        ins = [None, None]
        ins[0] = pltpu.async_copy(src_row.at[pl.ds(0, _CH)], bufs[0], isems[0])
        for j in range(_NCH):
            k = j % 2
            k1 = (j + 1) % 2
            if j + 1 < _NCH:
                if outs[k1] is not None:
                    outs[k1].wait()
                ins[k1] = pltpu.async_copy(
                    src_row.at[pl.ds((j + 1) * _CH, _CH)], bufs[k1], isems[k1])
            ins[k].wait()
            outs[k] = pltpu.async_copy(bufs[k], dst_row.at[pl.ds(j * _CH, _CH)],
                                       osems[k])
        for k in range(2):
            if outs[k] is not None:
                outs[k].wait()

    for i in range(_ROWS_PER_W):
        n = wid + _NW * i
        @pl.when(n < N)
        def _():
            copy_row(km_hbm.at[n], out_hbm.at[n])
    @pl.when(wid == _NW - 1)
    def _():
        copy_row(nk_hbm, out_hbm.at[N])


def kernel(new_key, new_value, key_memory, value_memory, gate, iteration, W_conf, b_conf):
    wb = jnp.concatenate([W_conf[0], b_conf]).reshape(1, 2)
    nkT = new_key.T
    nvT = new_value.T
    kmT = jnp.transpose(key_memory, (1, 2, 0))
    vmT = jnp.transpose(value_memory, (1, 2, 0))
    gateT = gate.T
    itT = iteration.T

    out_km = _sc_append(kmT, nkT)

    grid = (B // BL,)
    col = lambda i: (0, i)
    col3 = lambda i: (0, 0, i)
    fixed = lambda i: (0, 0)
    out_vm, out_read = pl.pallas_call(
        _tc_body,
        grid=grid,
        compiler_params=_CP,
        in_specs=[
            pl.BlockSpec((KD, BL), col),
            pl.BlockSpec((VD, BL), col),
            pl.BlockSpec((N, KD, BL), col3),
            pl.BlockSpec((N, VD, BL), col3),
            pl.BlockSpec((1, BL), col),
            pl.BlockSpec((1, BL), col),
            pl.BlockSpec((1, 2), fixed),
        ],
        out_specs=[
            pl.BlockSpec((N + 1, VD, BL), col3),
            pl.BlockSpec((KD + 1, BL), col),
        ],
        out_shape=[
            jax.ShapeDtypeStruct((N + 1, VD, B), jnp.float32),
            jax.ShapeDtypeStruct((KD + 1, B), jnp.float32),
        ],
    )(nkT, nvT, kmT, vmT, gateT, itT, wb)

    return (jnp.transpose(out_km, (2, 0, 1)),
            jnp.transpose(out_vm, (2, 0, 1)),
            out_read.T)

# --- scband reference (transcript-rebuilt; emitter-appended) ---
"""Pipeline reference for scband-key-value-memory-module-37125697307438 (READ-ONLY COPY).

The authoritative reference and input builder live on the scoring server;
editing this copy changes nothing except your own understanding.
"""

import jax, jax.numpy as jnp
import numpy as np

B, N, KD, VD = 4096, 200, 64, 64

def setup_inputs(seed: int = 0) -> dict:
    key = jax.random.key(seed)
    ks = jax.random.split(key, 8)
    new_key = jax.random.normal(ks[0], (B, KD), dtype=jnp.float32)
    new_value = jax.random.normal(ks[1], (B, VD), dtype=jnp.float32)
    key_memory = jax.random.normal(ks[2], (B, N, KD), dtype=jnp.float32)
    value_memory = jax.random.normal(ks[3], (B, N, VD), dtype=jnp.float32)
    gate = jax.random.normal(ks[4], (B, 1), dtype=jnp.float32)
    iteration = jax.random.randint(ks[5], (B, 1), 0, 200, dtype=jnp.int32)
    # confidence_fcn = FCNM(state_dim=1, hidden_units=[1], non_linearities=[None]) == Linear(1 -> 1)
    W_conf = jax.random.normal(ks[6], (1, 1), dtype=jnp.float32) * 0.1
    b_conf = jnp.zeros((1,), dtype=jnp.float32)
    return {"new_key": new_key, "new_value": new_value, "key_memory": key_memory,
            "value_memory": value_memory, "gate": gate, "iteration": iteration,
            "W_conf": W_conf, "b_conf": b_conf}

def reference(new_key, new_value, key_memory, value_memory, gate, iteration, W_conf, b_conf):
    b, n, vd = value_memory.shape
    kd = key_memory.shape[-1]
    # memory_mask: which memory slots are valid at this iteration
    memory_mask = (jnp.arange(n)[None, :] <= iteration).astype(value_memory.dtype)  # [B, N]
    vm = value_memory * memory_mask[..., None]                                      # [B, N, VD]
    # similarity of new_value against masked value memory
    sim = jnp.einsum('bnd,bd->bn', vm, new_value)                                   # [B, N]
    wv = jax.nn.softmax(sim, axis=-1)[..., None]                                    # [B, N, 1]
    # confidence: Linear(1->1) applied elementwise, then sigmoid
    conf = jax.nn.sigmoid(sim[..., None] * W_conf[0, 0] + b_conf[0])                # [B, N, 1]
    km_plus_conf = jnp.concatenate([key_memory, conf], axis=-1)                     # [B, N, KD+1]
    new_read_k = jnp.sum(wv * km_plus_conf, axis=1)                                 # [B, KD+1]
    new_read_k = jax.nn.sigmoid(gate) * new_read_k                                  # gate [B,1] broadcast
    # rows with iteration <= 1 were never scattered into -> remain zero
    not_first = iteration.reshape(-1) > 1                                           # [B]
    new_read_key_plus_conf = jnp.where(not_first[:, None], new_read_k,
                                       jnp.zeros_like(new_read_k))                  # scatter-equivalent
    # append new key/value items to memory
    new_key_memory = jnp.concatenate([key_memory, new_key[:, None, :]], axis=1)     # [B, N+1, KD]
    new_value_memory = jnp.concatenate([value_memory, new_value[:, None, :]], axis=1)  # [B, N+1, VD]
    return (new_key_memory, new_value_memory, new_read_key_plus_conf)

if __name__ == "__main__":
    import jax
    _d = setup_inputs()
    print(jax.jit(kernel)(*tuple(_d.values())))

</pallas_src>

<mosaic_0001>
#map = affine_map<(d0, d1) -> (0, 0, 0)>
#map1 = affine_map<(d0, d1) -> (0, 0)>
module attributes {stable_mosaic.version = 14 : i64} {
  func.func @_sc_append(%arg0: i32, %arg1: i32, %arg2: memref<200x64x4096xf32, #tpu.memory_space<hbm>>, %arg3: memref<64x4096xf32, #tpu.memory_space<hbm>>, %arg4: memref<201x64x4096xf32, #tpu.memory_space<hbm>>, %arg5: memref<8x4096xf32, #tpu.memory_space<vmem>>, %arg6: memref<8x4096xf32, #tpu.memory_space<vmem>>, %arg7: memref<!tpu.dma_semaphore, #tpu.memory_space<semaphore_mem>>, %arg8: memref<!tpu.dma_semaphore, #tpu.memory_space<semaphore_mem>>, %arg9: memref<!tpu.dma_semaphore, #tpu.memory_space<semaphore_mem>>, %arg10: memref<!tpu.dma_semaphore, #tpu.memory_space<semaphore_mem>>) attributes {dimension_semantics = [#tpu.dimension_semantics<core_parallel>, #tpu.dimension_semantics<subcore_parallel>], iteration_bounds = array<i64: 2, 16>, scalar_prefetch = 0 : i64, scratch_operands = 6 : i64, tpu.core_type = #tpu.core_type<sc_vector_subcore>, window_params = [{transform_indices = #map}, {transform_indices = #map1}, {transform_indices = #map}]} {
    %mul3A = arith.constant 2 : i32
    %mul3A_0 = arith.muli %arg1, %mul3A : i32
    %add3A = arith.addi %mul3A_0, %arg0 : i32
    %add3A_1 = arith.constant 0 : i32
    %add3A_2 = arith.addi %add3A, %add3A_1 : i32
    %lt3A = arith.constant 200 : i32
    %lt3A_3 = arith.cmpi slt, %add3A_2, %lt3A : i32
    %convert_element_type3A = arith.extui %lt3A_3 : i1 to i32
    %cond3A = arith.constant 0 : i32
    %cond3A_4 = arith.cmpi ne, %convert_element_type3A, %cond3A : i32
    scf.if %cond3A_4 {
      %dma_start3A = arith.constant 0 : i32
      %dma_start3A_51 = arith.constant 0 : i32
      %dma_start3A_52 = tpu.memref_slice %arg2[%add3A_2, %dma_start3A, %dma_start3A_51] : memref<200x64x4096xf32, #tpu.memory_space<hbm>> -> memref<1x64x4096xf32, #tpu.memory_space<hbm>>
      %dma_start3A_53 = tpu.memref_squeeze %dma_start3A_52 : memref<1x64x4096xf32, #tpu.memory_space<hbm>> -> memref<64x4096xf32, #tpu.memory_space<hbm>>
      %dma_start3A_54 = arith.constant 0 : i32
      %dma_start3A_55 = arith.constant 0 : i32
      %dma_start3A_56 = tpu.memref_slice %dma_start3A_53[%dma_start3A_54, %dma_start3A_55] : memref<64x4096xf32, #tpu.memory_space<hbm>> -> memref<8x4096xf32, #tpu.memory_space<hbm>>
      %dma_start3A_57 = arith.constant 0 : i32
      %dma_start3A_58 = arith.constant 0 : i32
      %dma_start3A_59 = tpu.memref_slice %arg2[%add3A_2, %dma_start3A_57, %dma_start3A_58] : memref<200x64x4096xf32, #tpu.memory_space<hbm>> -> memref<1x64x4096xf32, #tpu.memory_space<hbm>>
      %dma_start3A_60 = tpu.memref_squeeze %dma_start3A_59 : memref<1x64x4096xf32, #tpu.memory_space<hbm>> -> memref<64x4096xf32, #tpu.memory_space<hbm>>
      %dma_start3A_61 = arith.constant 0 : i32
      %dma_start3A_62 = arith.constant 0 : i32
      %dma_start3A_63 = tpu.memref_slice %dma_start3A_60[%dma_start3A_61, %dma_start3A_62] : memref<64x4096xf32, #tpu.memory_space<hbm>> -> memref<8x4096xf32, #tpu.memory_space<hbm>>
      tpu.enqueue_dma source(%dma_start3A_63 : memref<8x4096xf32, #tpu.memory_space<hbm>>) target(%arg5 : memref<8x4096xf32, #tpu.memory_space<vmem>>) target_semaphore(%arg7 : memref<!tpu.dma_semaphore, #tpu.memory_space<semaphore_mem>>)
      %dma_start3A_64 = arith.constant 0 : i32
      %dma_start3A_65 = arith.constant 0 : i32
      %dma_start3A_66 = tpu.memref_slice %arg2[%add3A_2, %dma_start3A_64, %dma_start3A_65] : memref<200x64x4096xf32, #tpu.memory_space<hbm>> -> memref<1x64x4096xf32, #tpu.memory_space<hbm>>
      %dma_start3A_67 = tpu.memref_squeeze %dma_start3A_66 : memref<1x64x4096xf32, #tpu.memory_space<hbm>> -> memref<64x4096xf32, #tpu.memory_space<hbm>>
      %dma_start3A_68 = arith.constant 8 : i32
      %dma_start3A_69 = arith.constant 0 : i32
      %dma_start3A_70 = tpu.memref_slice %dma_start3A_67[%dma_start3A_68, %dma_start3A_69] : memref<64x4096xf32, #tpu.memory_space<hbm>> -> memref<8x4096xf32, #tpu.memory_space<hbm>>
      %dma_start3A_71 = arith.constant 0 : i32
      %dma_start3A_72 = arith.constant 0 : i32
      %dma_start3A_73 = tpu.memref_slice %arg2[%add3A_2, %dma_start3A_71, %dma_start3A_72] : memref<200x64x4096xf32, #tpu.memory_space<hbm>> -> memref<1x64x4096xf32, #tpu.memory_space<hbm>>
      %dma_start3A_74 = tpu.memref_squeeze %dma_start3A_73 : memref<1x64x4096xf32, #tpu.memory_space<hbm>> -> memref<64x4096xf32, #tpu.memory_space<hbm>>
      %dma_start3A_75 = arith.constant 8 : i32
      %dma_start3A_76 = arith.constant 0 : i32
      %dma_start3A_77 = tpu.memref_slice %dma_start3A_74[%dma_start3A_75, %dma_start3A_76] : memref<64x4096xf32, #tpu.memory_space<hbm>> -> memref<8x4096xf32, #tpu.memory_space<hbm>>
      tpu.enqueue_dma source(%dma_start3A_77 : memref<8x4096xf32, #tpu.memory_space<hbm>>) target(%arg6 : memref<8x4096xf32, #tpu.memory_space<vmem>>) target_semaphore(%arg8 : memref<!tpu.dma_semaphore, #tpu.memory_space<semaphore_mem>>)
      %dma_wait3A = arith.constant 0 : i32
      %dma_wait3A_78 = arith.constant 0 : i32
      %dma_wait3A_79 = tpu.memref_slice %arg2[%add3A_2, %dma_wait3A, %dma_wait3A_78] : memref<200x64x4096xf32, #tpu.memory_space<hbm>> -> memref<1x64x4096xf32, #tpu.memory_space<hbm>>
      %dma_wait3A_80 = tpu.memref_squeeze %dma_wait3A_79 : memref<1x64x4096xf32, #tpu.memory_space<hbm>> -> memref<64x4096xf32, #tpu.memory_space<hbm>>
      %dma_wait3A_81 = arith.constant 0 : i32
      %dma_wait3A_82 = arith.constant 0 : i32
      %dma_wait3A_83 = tpu.memref_slice %dma_wait3A_80[%dma_wait3A_81, %dma_wait3A_82] : memref<64x4096xf32, #tpu.memory_space<hbm>> -> memref<8x4096xf32, #tpu.memory_space<hbm>>
      %dma_wait3A_84 = arith.constant 0 : i32
      %dma_wait3A_85 = arith.constant 0 : i32
      %dma_wait3A_86 = tpu.memref_slice %arg2[%add3A_2, %dma_wait3A_84, %dma_wait3A_85] : memref<200x64x4096xf32, #tpu.memory_space<hbm>> -> memref<1x64x4096xf32, #tpu.memory_space<hbm>>
      %dma_wait3A_87 = tpu.memref_squeeze %dma_wait3A_86 : memref<1x64x4096xf32, #tpu.memory_space<hbm>> -> memref<64x4096xf32, #tpu.memory_space<hbm>>
      %dma_wait3A_88 = arith.constant 0 : i32
      %dma_wait3A_89 = arith.constant 0 : i32
      %dma_wait3A_90 = tpu.memref_slice %dma_wait3A_87[%dma_wait3A_88, %dma_wait3A_89] : memref<64x4096xf32, #tpu.memory_space<hbm>> -> memref<8x4096xf32, #tpu.memory_space<hbm>>
      tpu.wait_dma2 semaphore(%arg7 : memref<!tpu.dma_semaphore, #tpu.memory_space<semaphore_mem>>) src(%dma_wait3A_90 : memref<8x4096xf32, #tpu.memory_space<hbm>>) dst(%arg5 : memref<8x4096xf32, #tpu.memory_space<vmem>>)
      %dma_start3A_91 = arith.constant 0 : i32
      %dma_start3A_92 = arith.constant 0 : i32
      %dma_start3A_93 = tpu.memref_slice %arg4[%add3A_2, %dma_start3A_91, %dma_start3A_92] : memref<201x64x4096xf32, #tpu.memory_space<hbm>> -> memref<1x64x4096xf32, #tpu.memory_space<hbm>>
      %dma_start3A_94 = tpu.memref_squeeze %dma_start3A_93 : memref<1x64x4096xf32, #tpu.memory_space<hbm>> -> memref<64x4096xf32, #tpu.memory_space<hbm>>
      %dma_start3A_95 = arith.constant 0 : i32
      %dma_start3A_96 = arith.constant 0 : i32
      %dma_start3A_97 = tpu.memref_slice %dma_start3A_94[%dma_start3A_95, %dma_start3A_96] : memref<64x4096xf32, #tpu.memory_space<hbm>> -> memref<8x4096xf32, #tpu.memory_space<hbm>>
      %dma_start3A_98 = arith.constant 0 : i32
      %dma_start3A_99 = arith.constant 0 : i32
      %dma_start3A_100 = tpu.memref_slice %arg4[%add3A_2, %dma_start3A_98, %dma_start3A_99] : memref<201x64x4096xf32, #tpu.memory_space<hbm>> -> memref<1x64x4096xf32, #tpu.memory_space<hbm>>
      %dma_start3A_101 = tpu.memref_squeeze %dma_start3A_100 : memref<1x64x4096xf32, #tpu.memory_space<hbm>> -> memref<64x4096xf32, #tpu.memory_space<hbm>>
      %dma_start3A_102 = arith.constant 0 : i32
      %dma_start3A_103 = arith.constant 0 : i32
      %dma_start3A_104 = tpu.memref_slice %dma_start3A_101[%dma_start3A_102, %dma_start3A_103] : memref<64x4096xf32, #tpu.memory_space<hbm>> -> memref<8x4096xf32, #tpu.memory_space<hbm>>
      tpu.enqueue_dma source(%arg5 : memref<8x4096xf32, #tpu.memory_space<vmem>>) target(%dma_start3A_104 : memref<8x4096xf32, #tpu.memory_space<hbm>>) target_semaphore(%arg9 : memref<!tpu.dma_semaphore, #tpu.memory_space<semaphore_mem>>)
      %dma_wait3A_105 = arith.constant 0 : i32
      %dma_wait3A_106 = arith.constant 0 : i32
      %dma_wait3A_107 = tpu.memref_slice %arg4[%add3A_2, %dma_wait3A_105, %dma_wait3A_106] : memref<201x64x4096xf32, #tpu.memory_space<hbm>> -> memref<1x64x4096xf32, #tpu.memory_space<hbm>>
      %dma_wait3A_108 = tpu.memref_squeeze %dma_wait3A_107 : memref<1x64x4096xf32, #tpu.memory_space<hbm>> -> memref<64x4096xf32, #tpu.memory_space<hbm>>
      %dma_wait3A_109 = arith.constant 0 : i32
      %dma_wait3A_110 = arith.constant 0 : i32
      %dma_wait3A_111 = tpu.memref_slice %dma_wait3A_108[%dma_wait3A_109, %dma_wait3A_110] : memref<64x4096xf32, #tpu.memory_space<hbm>> -> memref<8x4096xf32, #tpu.memory_space<hbm>>
      %dma_wait3A_112 = arith.constant 0 : i32
      %dma_wait3A_113 = arith.constant 0 : i32
      %dma_wait3A_114 = tpu.memref_slice %arg4[%add3A_2, %dma_wait3A_112, %dma_wait3A_113] : memref<201x64x4096xf32, #tpu.memory_space<hbm>> -> memref<1x64x4096xf32, #tpu.memory_space<hbm>>
      %dma_wait3A_115 = tpu.memref_squeeze %dma_wait3A_114 : memref<1x64x4096xf32, #tpu.memory_space<hbm>> -> memref<64x4096xf32, #tpu.memory_space<hbm>>
      %dma_wait3A_116 = arith.constant 0 : i32
      %dma_wait3A_117 = arith.constant 0 : i32
      %dma_wait3A_118 = tpu.memref_slice %dma_wait3A_115[%dma_wait3A_116, %dma_wait3A_117] : memref<64x4096xf32, #tpu.memory_space<hbm>> -> memref<8x4096xf32, #tpu.memory_space<hbm>>
      tpu.wait_dma2 semaphore(%arg9 : memref<!tpu.dma_semaphore, #tpu.memory_space<semaphore_mem>>) src(%arg5 : memref<8x4096xf32, #tpu.memory_space<vmem>>) dst(%dma_wait3A_118 : memref<8x4096xf32, #tpu.memory_space<hbm>>)
      %dma_start3A_119 = arith.constant 0 : i32
      %dma_start3A_120 = arith.constant 0 : i32
      %dma_start3A_121 = tpu.memref_slice %arg2[%add3A_2, %dma_start3A_119, %dma_start3A_120] : memref<200x64x4096xf32, #tpu.memory_space<hbm>> -> memref<1x64x4096xf32, #tpu.memory_space<hbm>>
      %dma_start3A_122 = tpu.memref_squeeze %dma_start3A_121 : memref<1x64x4096xf32, #tpu.memory_space<hbm>> -> memref<64x4096xf32, #tpu.memory_space<hbm>>
      %dma_start3A_123 = arith.constant 16 : i32
      %dma_start3A_124 = arith.constant 0 : i32
      %dma_start3A_125 = tpu.memref_slice %dma_start3A_122[%dma_start3A_123, %dma_start3A_124] : memref<64x4096xf32, #tpu.memory_space<hbm>> -> memref<8x4096xf32, #tpu.memory_space<hbm>>
      %dma_start3A_126 = arith.constant 0 : i32
      %dma_start3A_127 = arith.constant 0 : i32
      %dma_start3A_128 = tpu.memref_slice %arg2[%add3A_2, %dma_start3A_126, %dma_start3A_127] : memref<200x64x4096xf32, #tpu.memory_space<hbm>> -> memref<1x64x4096xf32, #tpu.memory_space<hbm>>
      %dma_start3A_129 = tpu.memref_squeeze %dma_start3A_128 : memref<1x64x4096xf32, #tpu.memory_space<hbm>> -> memref<64x4096xf32, #tpu.memory_space<hbm>>
      %dma_start3A_130 = arith.constant 16 : i32
      %dma_start3A_131 = arith.constant 0 : i32
      %dma_start3A_132 = tpu.memref_slice %dma_start3A_129[%dma_start3A_130, %dma_start3A_131] : memref<64x4096xf32, #tpu.memory_space<hbm>> -> memref<8x4096xf32, #tpu.memory_space<hbm>>
      tpu.enqueue_dma source(%dma_start3A_132 : memref<8x4096xf32, #tpu.memory_space<hbm>>) target(%arg5 : memref<8x4096xf32, #tpu.memory_space<vmem>>) target_semaphore(%arg7 : memref<!tpu.dma_semaphore, #tpu.memory_space<semaphore_mem>>)
      %dma_wait3A_133 = arith.constant 0 : i32
      %dma_wait3A_134 = arith.constant 0 : i32
      %dma_wait3A_135 = tpu.memref_slice %arg2[%add3A_2, %dma_wait3A_133, %dma_wait3A_134] : memref<200x64x4096xf32, #tpu.memory_space<hbm>> -> memref<1x64x4096xf32, #tpu.memory_space<hbm>>
      %dma_wait3A_136 = tpu.memref_squeeze %dma_wait3A_135 : memref<1x64x4096xf32, #tpu.memory_space<hbm>> -> memref<64x4096xf32, #tpu.memory_space<hbm>>
      %dma_wait3A_137 = arith.constant 8 : i32
      %dma_wait3A_138 = arith.constant 0 : i32
      %dma_wait3A_139 = tpu.memref_slice %dma_wait3A_136[%dma_wait3A_137, %dma_wait3A_138] : memref<64x4096xf32, #tpu.memory_space<hbm>> -> memref<8x4096xf32, #tpu.memory_space<hbm>>
      %dma_wait3A_140 = arith.constant 0 : i32
      %dma_wait3A_141 = arith.constant 0 : i32
      %dma_wait3A_142 = tpu.memref_slice %arg2[%add3A_2, %dma_wait3A_140, %dma_wait3A_141] : memref<200x64x4096xf32, #tpu.memory_space<hbm>> -> memref<1x64x4096xf32, #tpu.memory_space<hbm>>
      %dma_wait3A_143 = tpu.memref_squeeze %dma_wait3A_142 : memref<1x64x4096xf32, #tpu.memory_space<hbm>> -> memref<64x4096xf32, #tpu.memory_space<hbm>>
      %dma_wait3A_144 = arith.constant 8 : i32
      %dma_wait3A_145 = arith.constant 0 : i32
      %dma_wait3A_146 = tpu.memref_slice %dma_wait3A_143[%dma_wait3A_144, %dma_wait3A_145] : memref<64x4096xf32, #tpu.memory_space<hbm>> -> memref<8x4096xf32, #tpu.memory_space<hbm>>
      tpu.wait_dma2 semaphore(%arg8 : memref<!tpu.dma_semaphore, #tpu.memory_space<semaphore_mem>>) src(%dma_wait3A_146 : memref<8x4096xf32, #tpu.memory_space<hbm>>) dst(%arg6 : memref<8x4096xf32, #tpu.memory_space<vmem>>)
      %dma_start3A_147 = arith.constant 0 : i32
      %dma_start3A_148 = arith.constant 0 : i32
      %dma_start3A_149 = tpu.memref_slice %arg4[%add3A_2, %dma_start3A_147, %dma_start3A_148] : memref<201x64x4096xf32, #tpu.memory_space<hbm>> -> memref<1x64x4096xf32, #tpu.memory_space<hbm>>
      %dma_start3A_150 = tpu.memref_squeeze %dma_start3A_149 : memref<1x64x4096xf32, #tpu.memory_space<hbm>> -> memref<64x4096xf32, #tpu.memory_space<hbm>>
      %dma_start3A_151 = arith.constant 8 : i32
      %dma_start3A_152 = arith.constant 0 : i32
      %dma_start3A_153 = tpu.memref_slice %dma_start3A_150[%dma_start3A_151, %dma_start3A_152] : memref<64x4096xf32, #tpu.memory_space<hbm>> -> memref<8x4096xf32, #tpu.memory_space<hbm>>
      %dma_start3A_154 = arith.constant 0 : i32
      %dma_start3A_155 = arith.constant 0 : i32
      %dma_start3A_156 = tpu.memref_slice %arg4[%add3A_2, %dma_start3A_154, %dma_start3A_155] : memref<201x64x4096xf32, #tpu.memory_space<hbm>> -> memref<1x64x4096xf32, #tpu.memory_space<hbm>>
      %dma_start3A_157 = tpu.memref_squeeze %dma_start3A_156 : memref<1x64x4096xf32, #tpu.memory_space<hbm>> -> memref<64x4096xf32, #tpu.memory_space<hbm>>
      %dma_start3A_158 = arith.constant 8 : i32
      %dma_start3A_159 = arith.constant 0 : i32
      %dma_start3A_160 = tpu.memref_slice %dma_start3A_157[%dma_start3A_158, %dma_start3A_159] : memref<64x4096xf32, #tpu.memory_space<hbm>> -> memref<8x4096xf32, #tpu.memory_space<hbm>>
      tpu.enqueue_dma source(%arg6 : memref<8x4096xf32, #tpu.memory_space<vmem>>) target(%dma_start3A_160 : memref<8x4096xf32, #tpu.memory_space<hbm>>) target_semaphore(%arg10 : memref<!tpu.dma_semaphore, #tpu.memory_space<semaphore_mem>>)
      %dma_wait3A_161 = arith.constant 0 : i32
      %dma_wait3A_162 = arith.constant 0 : i32
      %dma_wait3A_163 = tpu.memref_slice %arg4[%add3A_2, %dma_wait3A_161, %dma_wait3A_162] : memref<201x64x4096xf32, #tpu.memory_space<hbm>> -> memref<1x64x4096xf32, #tpu.memory_space<hbm>>
      %dma_wait3A_164 = tpu.memref_squeeze %dma_wait3A_163 : memref<1x64x4096xf32, #tpu.memory_space<hbm>> -> memref<64x4096xf32, #tpu.memory_space<hbm>>
      %dma_wait3A_165 = arith.constant 8 : i32
      %dma_wait3A_166 = arith.constant 0 : i32
      %dma_wait3A_167 = tpu.memref_slice %dma_wait3A_164[%dma_wait3A_165, %dma_wait3A_166] : memref<64x4096xf32, #tpu.memory_space<hbm>> -> memref<8x4096xf32, #tpu.memory_space<hbm>>
      %dma_wait3A_168 = arith.constant 0 : i32
      %dma_wait3A_169 = arith.constant 0 : i32
      %dma_wait3A_170 = tpu.memref_slice %arg4[%add3A_2, %dma_wait3A_168, %dma_wait3A_169] : memref<201x64x4096xf32, #tpu.memory_space<hbm>> -> memref<1x64x4096xf32, #tpu.memory_space<hbm>>
      %dma_wait3A_171 = tpu.memref_squeeze %dma_wait3A_170 : memref<1x64x4096xf32, #tpu.memory_space<hbm>> -> memref<64x4096xf32, #tpu.memory_space<hbm>>
      %dma_wait3A_172 = arith.constant 8 : i32
      %dma_wait3A_173 = arith.constant 0 : i32
      %dma_wait3A_174 = tpu.memref_slice %dma_wait3A_171[%dma_wait3A_172, %dma_wait3A_173] : memref<64x4096xf32, #tpu.memory_space<hbm>> -> memref<8x4096xf32, #tpu.memory_space<hbm>>
      tpu.wait_dma2 semaphore(%arg10 : memref<!tpu.dma_semaphore, #tpu.memory_space<semaphore_mem>>) src(%arg6 : memref<8x4096xf32, #tpu.memory_space<vmem>>) dst(%dma_wait3A_174 : memref<8x4096xf32, #tpu.memory_space<hbm>>)
      %dma_start3A_175 = arith.constant 0 : i32
      %dma_start3A_176 = arith.constant 0 : i32
      %dma_start3A_177 = tpu.memref_slice %arg2[%add3A_2, %dma_start3A_175, %dma_start3A_176] : memref<200x64x4096xf32, #tpu.memory_space<hbm>> -> memref<1x64x4096xf32, #tpu.memory_space<hbm>>
      %dma_start3A_178 = tpu.memref_squeeze %dma_start3A_177 : memref<1x64x4096xf32, #tpu.memory_space<hbm>> -> memref<64x4096xf32, #tpu.memory_space<hbm>>
      %dma_start3A_179 = arith.constant 24 : i32
      %dma_start3A_180 = arith.constant 0 : i32
      %dma_start3A_181 = tpu.memref_slice %dma_start3A_178[%dma_start3A_179, %dma_start3A_180] : memref<64x4096xf32, #tpu.memory_space<hbm>> -> memref<8x4096xf32, #tpu.memory_space<hbm>>
      %dma_start3A_182 = arith.constant 0 : i32
      %dma_start3A_183 = arith.constant 0 : i32
      %dma_start3A_184 = tpu.memref_slice %arg2[%add3A_2, %dma_start3A_182, %dma_start3A_183] : memref<200x64x4096xf32, #tpu.memory_space<hbm>> -> memref<1x64x4096xf32, #tpu.memory_space<hbm>>
      %dma_start3A_185 = tpu.memref_squeeze %dma_start3A_184 : memref<1x64x4096xf32, #tpu.memory_space<hbm>> -> memref<64x4096xf32, #tpu.memory_space<hbm>>
      %dma_start3A_186 = arith.constant 24 : i32
      %dma_start3A_187 = arith.constant 0 : i32
      %dma_start3A_188 = tpu.memref_slice %dma_start3A_185[%dma_start3A_186, %dma_start3A_187] : memref<64x4096xf32, #tpu.memory_space<hbm>> -> memref<8x4096xf32, #tpu.memory_space<hbm>>
      tpu.enqueue_dma source(%dma_start3A_188 : memref<8x4096xf32, #tpu.memory_space<hbm>>) target(%arg6 : memref<8x4096xf32, #tpu.memory_space<vmem>>) target_semaphore(%arg8 : memref<!tpu.dma_semaphore, #tpu.memory_space<semaphore_mem>>)
      %dma_wait3A_189 = arith.constant 0 : i32
      %dma_wait3A_190 = arith.constant 0 : i32
      %dma_wait3A_191 = tpu.memref_slice %arg2[%add3A_2, %dma_wait3A_189, %dma_wait3A_190] : memref<200x64x4096xf32, #tpu.memory_space<hbm>> -> memref<1x64x4096xf32, #tpu.memory_space<hbm>>
      %dma_wait3A_192 = tpu.memref_squeeze %dma_wait3A_191 : memref<1x64x4096xf32, #tpu.memory_space<hbm>> -> memref<64x4096xf32, #tpu.memory_space<hbm>>
      %dma_wait3A_193 = arith.constant 16 : i32
      %dma_wait3A_194 = arith.constant 0 : i32
      %dma_wait3A_195 = tpu.memref_slice %dma_wait3A_192[%dma_wait3A_193, %dma_wait3A_194] : memref<64x4096xf32, #tpu.memory_space<hbm>> -> memref<8x4096xf32, #tpu.memory_space<hbm>>
      %dma_wait3A_196 = arith.constant 0 : i32
      %dma_wait3A_197 = arith.constant 0 : i32
      %dma_wait3A_198 = tpu.memref_slice %arg2[%add3A_2, %dma_wait3A_196, %dma_wait3A_197] : memref<200x64x4096xf32, #tpu.memory_space<hbm>> -> memref<1x64x4096xf32, #tpu.memory_space<hbm>>
      %dma_wait3A_199 = tpu.memref_squeeze %dma_wait3A_198 : memref<1x64x4096xf32, #tpu.memory_space<hbm>> -> memref<64x4096xf32, #tpu.memory_space<hbm>>
      %dma_wait3A_200 = arith.constant 16 : i32
      %dma_wait3A_201 = arith.constant 0 : i32
      %dma_wait3A_202 = tpu.memref_slice %dma_wait3A_199[%dma_wait3A_200, %dma_wait3A_201] : memref<64x4096xf32, #tpu.memory_space<hbm>> -> memref<8x4096xf32, #tpu.memory_space<hbm>>
      tpu.wait_dma2 semaphore(%arg7 : memref<!tpu.dma_semaphore, #tpu.memory_space<semaphore_mem>>) src(%dma_wait3A_202 : memref<8x4096xf32, #tpu.memory_space<hbm>>) dst(%arg5 : memref<8x4096xf32, #tpu.memory_space<vmem>>)
      %dma_start3A_203 = arith.constant 0 : i32
      %dma_start3A_204 = arith.constant 0 : i32
      %dma_start3A_205 = tpu.memref_slice %arg4[%add3A_2, %dma_start3A_203, %dma_start3A_204] : memref<201x64x4096xf32, #tpu.memory_space<hbm>> -> memref<1x64x4096xf32, #tpu.memory_space<hbm>>
      %dma_start3A_206 = tpu.memref_squeeze %dma_start3A_205 : memref<1x64x4096xf32, #tpu.memory_space<hbm>> -> memref<64x4096xf32, #tpu.memory_space<hbm>>
      %dma_start3A_207 = arith.constant 16 : i32
      %dma_start3A_208 = arith.constant 0 : i32
      %dma_start3A_209 = tpu.memref_slice %dma_start3A_206[%dma_start3A_207, %dma_start3A_208] : memref<64x4096xf32, #tpu.memory_space<hbm>> -> memref<8x4096xf32, #tpu.memory_space<hbm>>
      %dma_start3A_210 = arith.constant 0 : i32
      %dma_start3A_211 = arith.constant 0 : i32
      %dma_start3A_212 = tpu.memref_slice %arg4[%add3A_2, %dma_start3A_210, %dma_start3A_211] : memref<201x64x4096xf32, #tpu.memory_space<hbm>> -> memref<1x64x4096xf32, #tpu.memory_space<hbm>>
      %dma_start3A_213 = tpu.memref_squeeze %dma_start3A_212 : memref<1x64x4096xf32, #tpu.memory_space<hbm>> -> memref<64x4096xf32, #tpu.memory_space<hbm>>
      %dma_start3A_214 = arith.constant 16 : i32
      %dma_start3A_215 = arith.constant 0 : i32
      %dma_start3A_216 = tpu.memref_slice %dma_start3A_213[%dma_start3A_214, %dma_start3A_215] : memref<64x4096xf32, #tpu.memory_space<hbm>> -> memref<8x4096xf32, #tpu.memory_space<hbm>>
      tpu.enqueue_dma source(%arg5 : memref<8x4096xf32, #tpu.memory_space<vmem>>) target(%dma_start3A_216 : memref<8x4096xf32, #tpu.memory_space<hbm>>) target_semaphore(%arg9 : memref<!tpu.dma_semaphore, #tpu.memory_space<semaphore_mem>>)
      %dma_wait3A_217 = arith.constant 0 : i32
      %dma_wait3A_218 = arith.constant 0 : i32
      %dma_wait3A_219 = tpu.memref_slice %arg4[%add3A_2, %dma_wait3A_217, %dma_wait3A_218] : memref<201x64x4096xf32, #tpu.memory_space<hbm>> -> memref<1x64x4096xf32, #tpu.memory_space<hbm>>
      %dma_wait3A_220 = tpu.memref_squeeze %dma_wait3A_219 : memref<1x64x4096xf32, #tpu.memory_space<hbm>> -> memref<64x4096xf32, #tpu.memory_space<hbm>>
      %dma_wait3A_221 = arith.constant 16 : i32
      %dma_wait3A_222 = arith.constant 0 : i32
      %dma_wait3A_223 = tpu.memref_slice %dma_wait3A_220[%dma_wait3A_221, %dma_wait3A_222] : memref<64x4096xf32, #tpu.memory_space<hbm>> -> memref<8x4096xf32, #tpu.memory_space<hbm>>
      %dma_wait3A_224 = arith.constant 0 : i32
      %dma_wait3A_225 = arith.constant 0 : i32
      %dma_wait3A_226 = tpu.memref_slice %arg4[%add3A_2, %dma_wait3A_224, %dma_wait3A_225] : memref<201x64x4096xf32, #tpu.memory_space<hbm>> -> memref<1x64x4096xf32, #tpu.memory_space<hbm>>
      %dma_wait3A_227 = tpu.memref_squeeze %dma_wait3A_226 : memref<1x64x4096xf32, #tpu.memory_space<hbm>> -> memref<64x4096xf32, #tpu.memory_space<hbm>>
      %dma_wait3A_228 = arith.constant 16 : i32
      %dma_wait3A_229 = arith.constant 0 : i32
      %dma_wait3A_230 = tpu.memref_slice %dma_wait3A_227[%dma_wait3A_228, %dma_wait3A_229] : memref<64x4096xf32, #tpu.memory_space<hbm>> -> memref<8x4096xf32, #tpu.memory_space<hbm>>
      tpu.wait_dma2 semaphore(%arg9 : memref<!tpu.dma_semaphore, #tpu.memory_space<semaphore_mem>>) src(%arg5 : memref<8x4096xf32, #tpu.memory_space<vmem>>) dst(%dma_wait3A_230 : memref<8x4096xf32, #tpu.memory_space<hbm>>)
      %dma_start3A_231 = arith.constant 0 : i32
      %dma_start3A_232 = arith.constant 0 : i32
      %dma_start3A_233 = tpu.memref_slice %arg2[%add3A_2, %dma_start3A_231, %dma_start3A_232] : memref<200x64x4096xf32, #tpu.memory_space<hbm>> -> memref<1x64x4096xf32, #tpu.memory_space<hbm>>
      %dma_start3A_234 = tpu.memref_squeeze %dma_start3A_233 : memref<1x64x4096xf32, #tpu.memory_space<hbm>> -> memref<64x4096xf32, #tpu.memory_space<hbm>>
      %dma_start3A_235 = arith.constant 32 : i32
      %dma_start3A_236 = arith.constant 0 : i32
      %dma_start3A_237 = tpu.memref_slice %dma_start3A_234[%dma_start3A_235, %dma_start3A_236] : memref<64x4096xf32, #tpu.memory_space<hbm>> -> memref<8x4096xf32, #tpu.memory_space<hbm>>
      %dma_start3A_238 = arith.constant 0 : i32
      %dma_start3A_239 = arith.constant 0 : i32
      %dma_start3A_240 = tpu.memref_slice %arg2[%add3A_2, %dma_start3A_238, %dma_start3A_239] : memref<200x64x4096xf32, #tpu.memory_space<hbm>> -> memref<1x64x4096xf32, #tpu.memory_space<hbm>>
      %dma_start3A_241 = tpu.memref_squeeze %dma_start3A_240 : memref<1x64x4096xf32, #tpu.memory_space<hbm>> -> memref<64x4096xf32, #tpu.memory_space<hbm>>
      %dma_start3A_242 = arith.constant 32 : i32
      %dma_start3A_243 = arith.constant 0 : i32
      %dma_start3A_244 = tpu.memref_slice %dma_start3A_241[%dma_start3A_242, %dma_start3A_243] : memref<64x4096xf32, #tpu.memory_space<hbm>> -> memref<8x4096xf32, #tpu.memory_space<hbm>>
      tpu.enqueue_dma source(%dma_start3A_244 : memref<8x4096xf32, #tpu.memory_space<hbm>>) target(%arg5 : memref<8x4096xf32, #tpu.memory_space<vmem>>) target_semaphore(%arg7 : memref<!tpu.dma_semaphore, #tpu.memory_space<semaphore_mem>>)
      %dma_wait3A_245 = arith.constant 0 : i32
      %dma_wait3A_246 = arith.constant 0 : i32
      %dma_wait3A_247 = tpu.memref_slice %arg2[%add3A_2, %dma_wait3A_245, %dma_wait3A_246] : memref<200x64x4096xf32, #tpu.memory_space<hbm>> -> memref<1x64x4096xf32, #tpu.memory_space<hbm>>
      %dma_wait3A_248 = tpu.memref_squeeze %dma_wait3A_247 : memref<1x64x4096xf32, #tpu.memory_space<hbm>> -> memref<64x4096xf32, #tpu.memory_space<hbm>>
      %dma_wait3A_249 = arith.constant 24 : i32
      %dma_wait3A_250 = arith.constant 0 : i32
      %dma_wait3A_251 = tpu.memref_slice %dma_wait3A_248[%dma_wait3A_249, %dma_wait3A_250] : memref<64x4096xf32, #tpu.memory_space<hbm>> -> memref<8x4096xf32, #tpu.memory_space<hbm>>
      %dma_wait3A_252 = arith.constant 0 : i32
      %dma_wait3A_253 = arith.constant 0 : i32
      %dma_wait3A_254 = tpu.memref_slice %arg2[%add3A_2, %dma_wait3A_252, %dma_wait3A_253] : memref<200x64x4096xf32, #tpu.memory_space<hbm>> -> memref<1x64x4096xf32, #tpu.memory_space<hbm>>
      %dma_wait3A_255 = tpu.memref_squeeze %dma_wait3A_254 : memref<1x64x4096xf32, #tpu.memory_space<hbm>> -> memref<64x4096xf32, #tpu.memory_space<hbm>>
      %dma_wait3A_256 = arith.constant 24 : i32
      %dma_wait3A_257 = arith.constant 0 : i32
      %dma_wait3A_258 = tpu.memref_slice %dma_wait3A_255[%dma_wait3A_256, %dma_wait3A_257] : memref<64x4096xf32, #tpu.memory_space<hbm>> -> memref<8x4096xf32, #tpu.memory_space<hbm>>
      tpu.wait_dma2 semaphore(%arg8 : memref<!tpu.dma_semaphore, #tpu.memory_space<semaphore_mem>>) src(%dma_wait3A_258 : memref<8x4096xf32, #tpu.memory_space<hbm>>) dst(%arg6 : memref<8x4096xf32, #tpu.memory_space<vmem>>)
      %dma_start3A_259 = arith.constant 0 : i32
      %dma_start3A_260 = arith.constant 0 : i32
      %dma_start3A_261 = tpu.memref_slice %arg4[%add3A_2, %dma_start3A_259, %dma_start3A_260] : memref<201x64x4096xf32, #tpu.memory_space<hbm>> -> memref<1x64x4096xf32, #tpu.memory_space<hbm>>
      %dma_start3A_262 = tpu.memref_squeeze %dma_start3A_261 : memref<1x64x4096xf32, #tpu.memory_space<hbm>> -> memref<64x4096xf32, #tpu.memory_space<hbm>>
      %dma_start3A_263 = arith.constant 24 : i32
      %dma_start3A_264 = arith.constant 0 : i32
      %dma_start3A_265 = tpu.memref_slice %dma_start3A_262[%dma_start3A_263, %dma_start3A_264] : memref<64x4096xf32, #tpu.memory_space<hbm>> -> memref<8x4096xf32, #tpu.memory_space<hbm>>
      %dma_start3A_266 = arith.constant 0 : i32
      %dma_start3A_267 = arith.constant 0 : i32
      %dma_start3A_268 = tpu.memref_slice %arg4[%add3A_2, %dma_start3A_266, %dma_start3A_267] : memref<201x64x4096xf32, #tpu.memory_space<hbm>> -> memref<1x64x4096xf32, #tpu.memory_space<hbm>>
      %dma_start3A_269 = tpu.memref_squeeze %dma_start3A_268 : memref<1x64x4096xf32, #tpu.memory_space<hbm>> -> memref<64x4096xf32, #tpu.memory_space<hbm>>
      %dma_start3A_270 = arith.constant 24 : i32
      %dma_start3A_271 = arith.constant 0 : i32
      %dma_start3A_272 = tpu.memref_slice %dma_start3A_269[%dma_start3A_270, %dma_start3A_271] : memref<64x4096xf32, #tpu.memory_space<hbm>> -> memref<8x4096xf32, #tpu.memory_space<hbm>>
      tpu.enqueue_dma source(%arg6 : memref<8x4096xf32, #tpu.memory_space<vmem>>) target(%dma_start3A_272 : memref<8x4096xf32, #tpu.memory_space<hbm>>) target_semaphore(%arg10 : memref<!tpu.dma_semaphore, #tpu.memory_space<semaphore_mem>>)
      %dma_wait3A_273 = arith.constant 0 : i32
      %dma_wait3A_274 = arith.constant 0 : i32
      %dma_wait3A_275 = tpu.memref_slice %arg4[%add3A_2, %dma_wait3A_273, %dma_wait3A_274] : memref<201x64x4096xf32, #tpu.memory_space<hbm>> -> memref<1x64x4096xf32, #tpu.memory_space<hbm>>
      %dma_wait3A_276 = tpu.memref_squeeze %dma_wait3A_275 : memref<1x64x4096xf32, #tpu.memory_space<hbm>> -> memref<64x4096xf32, #tpu.memory_space<hbm>>
      %dma_wait3A_277 = arith.constant 24 : i32
      %dma_wait3A_278 = arith.constant 0 : i32
      %dma_wait3A_279 = tpu.memref_slice %dma_wait3A_276[%dma_wait3A_277, %dma_wait3A_278] : memref<64x4096xf32, #tpu.memory_space<hbm>> -> memref<8x4096xf32, #tpu.memory_space<hbm>>
      %dma_wait3A_280 = arith.constant 0 : i32
      %dma_wait3A_281 = arith.constant 0 : i32
      %dma_wait3A_282 = tpu.memref_slice %arg4[%add3A_2, %dma_wait3A_280, %dma_wait3A_281] : memref<201x64x4096xf32, #tpu.memory_space<hbm>> -> memref<1x64x4096xf32, #tpu.memory_space<hbm>>
      %dma_wait3A_283 = tpu.memref_squeeze %dma_wait3A_282 : memref<1x64x4096xf32, #tpu.memory_space<hbm>> -> memref<64x4096xf32, #tpu.memory_space<hbm>>
      %dma_wait3A_284 = arith.constant 24 : i32
      %dma_wait3A_285 = arith.constant 0 : i32
      %dma_wait3A_286 = tpu.memref_slice %dma_wait3A_283[%dma_wait3A_284, %dma_wait3A_285] : memref<64x4096xf32, #tpu.memory_space<hbm>> -> memref<8x4096xf32, #tpu.memory_space<hbm>>
      tpu.wait_dma2 semaphore(%arg10 : memref<!tpu.dma_semaphore, #tpu.memory_space<semaphore_mem>>) src(%arg6 : memref<8x4096xf32, #tpu.memory_space<vmem>>) dst(%dma_wait3A_286 : memref<8x4096xf32, #tpu.memory_space<hbm>>)
      %dma_start3A_287 = arith.constant 0 : i32
      %dma_start3A_288 = arith.constant 0 : i32
      %dma_start3A_289 = tpu.memref_slice %arg2[%add3A_2, %dma_start3A_287, %dma_start3A_288] : memref<200x64x4096xf32, #tpu.memory_space<hbm>> -> memref<1x64x4096xf32, #tpu.memory_space<hbm>>
      %dma_start3A_290 = tpu.memref_squeeze %dma_start3A_289 : memref<1x64x4096xf32, #tpu.memory_space<hbm>> -> memref<64x4096xf32, #tpu.memory_space<hbm>>
      %dma_start3A_291 = arith.constant 40 : i32
      %dma_start3A_292 = arith.constant 0 : i32
      %dma_start3A_293 = tpu.memref_slice %dma_start3A_290[%dma_start3A_291, %dma_start3A_292] : memref<64x4096xf32, #tpu.memory_space<hbm>> -> memref<8x4096xf32, #tpu.memory_space<hbm>>
      %dma_start3A_294 = arith.constant 0 : i32
      %dma_start3A_295 = arith.constant 0 : i32
      %dma_start3A_296 = tpu.memref_slice %arg2[%add3A_2, %dma_start3A_294, %dma_start3A_295] : memref<200x64x4096xf32, #tpu.memory_space<hbm>> -> memref<1x64x4096xf32, #tpu.memory_space<hbm>>
      %dma_start3A_297 = tpu.memref_squeeze %dma_start3A_296 : memref<1x64x4096xf32, #tpu.memory_space<hbm>> -> memref<64x4096xf32, #tpu.memory_space<hbm>>
      %dma_start3A_298 = arith.constant 40 : i32
      %dma_start3A_299 = arith.constant 0 : i32
      %dma_start3A_300 = tpu.memref_slice %dma_start3A_297[%dma_start3A_298, %dma_start3A_299] : memref<64x4096xf32, #tpu.memory_space<hbm>> -> memref<8x4096xf32, #tpu.memory_space<hbm>>
      tpu.enqueue_dma source(%dma_start3A_300 : memref<8x4096xf32, #tpu.memory_space<hbm>>) target(%arg6 : memref<8x4096xf32, #tpu.memory_space<vmem>>) target_semaphore(%arg8 : memref<!tpu.dma_semaphore, #tpu.memory_space<semaphore_mem>>)
      %dma_wait3A_301 = arith.constant 0 : i32
      %dma_wait3A_302 = arith.constant 0 : i32
      %dma_wait3A_303 = tpu.memref_slice %arg2[%add3A_2, %dma_wait3A_301, %dma_wait3A_302] : memref<200x64x4096xf32, #tpu.memory_space<hbm>> -> memref<1x64x4096xf32, #tpu.memory_space<hbm>>
      %dma_wait3A_304 = tpu.memref_squeeze %dma_wait3A_303 : memref<1x64x4096xf32, #tpu.memory_space<hbm>> -> memref<64x4096xf32, #tpu.memory_space<hbm>>
      %dma_wait3A_305 = arith.constant 32 : i32
      %dma_wait3A_306 = arith.constant 0 : i32
      %dma_wait3A_307 = tpu.memref_slice %dma_wait3A_304[%dma_wait3A_305, %dma_wait3A_306] : memref<64x4096xf32, #tpu.memory_space<hbm>> -> memref<8x4096xf32, #tpu.memory_space<hbm>>
      %dma_wait3A_308 = arith.constant 0 : i32
      %dma_wait3A_309 = arith.constant 0 : i32
      %dma_wait3A_310 = tpu.memref_slice %arg2[%add3A_2, %dma_wait3A_308, %dma_wait3A_309] : memref<200x64x4096xf32, #tpu.memory_space<hbm>> -> memref<1x64x4096xf32, #tpu.memory_space<hbm>>
      %dma_wait3A_311 = tpu.memref_squeeze %dma_wait3A_310 : memref<1x64x4096xf32, #tpu.memory_space<hbm>> -> memref<64x4096xf32, #tpu.memory_space<hbm>>
      %dma_wait3A_312 = arith.constant 32 : i32
      %dma_wait3A_313 = arith.constant 0 : i32
      %dma_wait3A_314 = tpu.memref_slice %dma_wait3A_311[%dma_wait3A_312, %dma_wait3A_313] : memref<64x4096xf32, #tpu.memory_space<hbm>> -> memref<8x4096xf32, #tpu.memory_space<hbm>>
      tpu.wait_dma2 semaphore(%arg7 : memref<!tpu.dma_semaphore, #tpu.memory_space<semaphore_mem>>) src(%dma_wait3A_314 : memref<8x4096xf32, #tpu.memory_space<hbm>>) dst(%arg5 : memref<8x4096xf32, #tpu.memory_space<vmem>>)
      %dma_start3A_315 = arith.constant 0 : i32
      %dma_start3A_316 = arith.constant 0 : i32
      %dma_start3A_317 = tpu.memref_slice %arg4[%add3A_2, %dma_start3A_315, %dma_start3A_316] : memref<201x64x4096xf32, #tpu.memory_space<hbm>> -> memref<1x64x4096xf32, #tpu.memory_space<hbm>>
      %dma_start3A_318 = tpu.memref_squeeze %dma_start3A_317 : memref<1x64x4096xf32, #tpu.memory_space<hbm>> -> memref<64x4096xf32, #tpu.memory_space<hbm>>
      %dma_start3A_319 = arith.constant 32 : i32
      %dma_start3A_320 = arith.constant 0 : i32
      %dma_start3A_321 = tpu.memref_slice %dma_start3A_318[%dma_start3A_319, %dma_start3A_320] : memref<64x4096xf32, #tpu.memory_space<hbm>> -> memref<8x4096xf32, #tpu.memory_space<hbm>>
      %dma_start3A_322 = arith.constant 0 : i32
      %dma_start3A_323 = arith.constant 0 : i32
      %dma_start3A_324 = tpu.memref_slice %arg4[%add3A_2, %dma_start3A_322, %dma_start3A_323] : memref<201x64x4096xf32, #tpu.memory_space<hbm>> -> memref<1x64x4096xf32, #tpu.memory_space<hbm>>
      %dma_start3A_325 = tpu.memref_squeeze %dma_start3A_324 : memref<1x64x4096xf32, #tpu.memory_space<hbm>> -> memref<64x4096xf32, #tpu.memory_space<hbm>>
      %dma_start3A_326 = arith.constant 32 : i32
      %dma_start3A_327 = arith.constant 0 : i32
      %dma_start3A_328 = tpu.memref_slice %dma_start3A_325[%dma_start3A_326, %dma_start3A_327] : memref<64x4096xf32, #tpu.memory_space<hbm>> -> memref<8x4096xf32, #tpu.memory_space<hbm>>
      tpu.enqueue_dma source(%arg5 : memref<8x4096xf32, #tpu.memory_space<vmem>>) target(%dma_start3A_328 : memref<8x4096xf32, #tpu.memory_space<hbm>>) target_semaphore(%arg9 : memref<!tpu.dma_semaphore, #tpu.memory_space<semaphore_mem>>)
      %dma_wait3A_329 = arith.constant 0 : i32
      %dma_wait3A_330 = arith.constant 0 : i32
      %dma_wait3A_331 = tpu.memref_slice %arg4[%add3A_2, %dma_wait3A_329, %dma_wait3A_330] : memref<201x64x4096xf32, #tpu.memory_space<hbm>> -> memref<1x64x4096xf32, #tpu.memory_space<hbm>>
      %dma_wait3A_332 = tpu.memref_squeeze %dma_wait3A_331 : memref<1x64x4096xf32, #tpu.memory_space<hbm>> -> memref<64x4096xf32, #tpu.memory_space<hbm>>
      %dma_wait3A_333 = arith.constant 32 : i32
      %dma_wait3A_334 = arith.constant 0 : i32
      %dma_wait3A_335 = tpu.memref_slice %dma_wait3A_332[%dma_wait3A_333, %dma_wait3A_334] : memref<64x4096xf32, #tpu.memory_space<hbm>> -> memref<8x4096xf32, #tpu.memory_space<hbm>>
      %dma_wait3A_336 = arith.constant 0 : i32
      %dma_wait3A_337 = arith.constant 0 : i32
      %dma_wait3A_338 = tpu.memref_slice %arg4[%add3A_2, %dma_wait3A_336, %dma_wait3A_337] : memref<201x64x4096xf32, #tpu.memory_space<hbm>> -> memref<1x64x4096xf32, #tpu.memory_space<hbm>>
      %dma_wait3A_339 = tpu.memref_squeeze %dma_wait3A_338 : memref<1x64x4096xf32, #tpu.memory_space<hbm>> -> memref<64x4096xf32, #tpu.memory_space<hbm>>
      %dma_wait3A_340 = arith.constant 32 : i32
      %dma_wait3A_341 = arith.constant 0 : i32
      %dma_wait3A_342 = tpu.memref_slice %dma_wait3A_339[%dma_wait3A_340, %dma_wait3A_341] : memref<64x4096xf32, #tpu.memory_space<hbm>> -> memref<8x4096xf32, #tpu.memory_space<hbm>>
      tpu.wait_dma2 semaphore(%arg9 : memref<!tpu.dma_semaphore, #tpu.memory_space<semaphore_mem>>) src(%arg5 : memref<8x4096xf32, #tpu.memory_space<vmem>>) dst(%dma_wait3A_342 : memref<8x4096xf32, #tpu.memory_space<hbm>>)
      %dma_start3A_343 = arith.constant 0 : i32
      %dma_start3A_344 = arith.constant 0 : i32
      %dma_start3A_345 = tpu.memref_slice %arg2[%add3A_2, %dma_start3A_343, %dma_start3A_344] : memref<200x64x4096xf32, #tpu.memory_space<hbm>> -> memref<1x64x4096xf32, #tpu.memory_space<hbm>>
      %dma_start3A_346 = tpu.memref_squeeze %dma_start3A_345 : memref<1x64x4096xf32, #tpu.memory_space<hbm>> -> memref<64x4096xf32, #tpu.memory_space<hbm>>
      %dma_start3A_347 = arith.constant 48 : i32
      %dma_start3A_348 = arith.constant 0 : i32
      %dma_start3A_349 = tpu.memref_slice %dma_start3A_346[%dma_start3A_347, %dma_start3A_348] : memref<64x4096xf32, #tpu.memory_space<hbm>> -> memref<8x4096xf32, #tpu.memory_space<hbm>>
      %dma_start3A_350 = arith.constant 0 : i32
      %dma_start3A_351 = arith.constant 0 : i32
      %dma_start3A_352 = tpu.memref_slice %arg2[%add3A_2, %dma_start3A_350, %dma_start3A_351] : memref<200x64x4096xf32, #tpu.memory_space<hbm>> -> memref<1x64x4096xf32, #tpu.memory_space<hbm>>
      %dma_start3A_353 = tpu.memref_squeeze %dma_start3A_352 : memref<1x64x4096xf32, #tpu.memory_space<hbm>> -> memref<64x4096xf32, #tpu.memory_space<hbm>>
      %dma_start3A_354 = arith.constant 48 : i32
      %dma_start3A_355 = arith.constant 0 : i32
      %dma_start3A_356 = tpu.memref_slice %dma_start3A_353[%dma_start3A_354, %dma_start3A_355] : memref<64x4096xf32, #tpu.memory_space<hbm>> -> memref<8x4096xf32, #tpu.memory_space<hbm>>
      tpu.enqueue_dma source(%dma_start3A_356 : memref<8x4096xf32, #tpu.memory_space<hbm>>) target(%arg5 : memref<8x4096xf32, #tpu.memory_space<vmem>>) target_semaphore(%arg7 : memref<!tpu.dma_semaphore, #tpu.memory_space<semaphore_mem>>)
      %dma_wait3A_357 = arith.constant 0 : i32
      %dma_wait3A_358 = arith.constant 0 : i32
      %dma_wait3A_359 = tpu.memref_slice %arg2[%add3A_2, %dma_wait3A_357, %dma_wait3A_358] : memref<200x64x4096xf32, #tpu.memory_space<hbm>> -> memref<1x64x4096xf32, #tpu.memory_space<hbm>>
      %dma_wait3A_360 = tpu.memref_squeeze %dma_wait3A_359 : memref<1x64x4096xf32, #tpu.memory_space<hbm>> -> memref<64x4096xf32, #tpu.memory_space<hbm>>
      %dma_wait3A_361 = arith.constant 40 : i32
      %dma_wait3A_362 = arith.constant 0 : i32
      %dma_wait3A_363 = tpu.memref_slice %dma_wait3A_360[%dma_wait3A_361, %dma_wait3A_362] : memref<64x4096xf32, #tpu.memory_space<hbm>> -> memref<8x4096xf32, #tpu.memory_space<hbm>>
      %dma_wait3A_364 = arith.constant 0 : i32
      %dma_wait3A_365 = arith.constant 0 : i32
      %dma_wait3A_366 = tpu.memref_slice %arg2[%add3A_2, %dma_wait3A_364, %dma_wait3A_365] : memref<200x64x4096xf32, #tpu.memory_space<hbm>> -> memref<1x64x4096xf32, #tpu.memory_space<hbm>>
      %dma_wait3A_367 = tpu.memref_squeeze %dma_wait3A_366 : memref<1x64x4096xf32, #tpu.memory_space<hbm>> -> memref<64x4096xf32, #tpu.memory_space<hbm>>
      %dma_wait3A_368 = arith.constant 40 : i32
      %dma_wait3A_369 = arith.constant 0 : i32
      %dma_wait3A_370 = tpu.memref_slice %dma_wait3A_367[%dma_wait3A_368, %dma_wait3A_369] : memref<64x4096xf32, #tpu.memory_space<hbm>> -> memref<8x4096xf32, #tpu.memory_space<hbm>>
      tpu.wait_dma2 semaphore(%arg8 : memref<!tpu.dma_semaphore, #tpu.memory_space<semaphore_mem>>) src(%dma_wait3A_370 : memref<8x4096xf32, #tpu.memory_space<hbm>>) dst(%arg6 : memref<8x4096xf32, #tpu.memory_space<vmem>>)
      %dma_start3A_371 = arith.constant 0 : i32
      %dma_start3A_372 = arith.constant 0 : i32
      %dma_start3A_373 = tpu.memref_slice %arg4[%add3A_2, %dma_start3A_371, %dma_start3A_372] : memref<201x64x4096xf32, #tpu.memory_space<hbm>> -> memref<1x64x4096xf32, #tpu.memory_space<hbm>>
      %dma_start3A_374 = tpu.memref_squeeze %dma_start3A_373 : memref<1x64x4096xf32, #tpu.memory_space<hbm>> -> memref<64x4096xf32, #tpu.memory_space<hbm>>
      %dma_start3A_375 = arith.constant 40 : i32
      %dma_start3A_376 = arith.constant 0 : i32
      %dma_start3A_377 = tpu.memref_slice %dma_start3A_374[%dma_start3A_375, %dma_start3A_376] : memref<64x4096xf32, #tpu.memory_space<hbm>> -> memref<8x4096xf32, #tpu.memory_space<hbm>>
      %dma_start3A_378 = arith.constant 0 : i32
      %dma_start3A_379 = arith.constant 0 : i32
      %dma_start3A_380 = tpu.memref_slice %arg4[%add3A_2, %dma_start3A_378, %dma_start3A_379] : memref<201x64x4096xf32, #tpu.memory_space<hbm>> -> memref<1x64x4096xf32, #tpu.memory_space<hbm>>
      %dma_start3A_381 = tpu.memref_squeeze %dma_start3A_380 : memref<1x64x4096xf32, #tpu.memory_space<hbm>> -> memref<64x4096xf32, #tpu.memory_space<hbm>>
      %dma_start3A_382 = arith.constant 40 : i32
      %dma_start3A_383 = arith.constant 0 : i32
      %dma_start3A_384 = tpu.memref_slice %dma_start3A_381[%dma_start3A_382, %dma_start3A_383] : memref<64x4096xf32, #tpu.memory_space<hbm>> -> memref<8x4096xf32, #tpu.memory_space<hbm>>
      tpu.enqueue_dma source(%arg6 : memref<8x4096xf32, #tpu.memory_space<vmem>>) target(%dma_start3A_384 : memref<8x4096xf32, #tpu.memory_space<hbm>>) target_semaphore(%arg10 : memref<!tpu.dma_semaphore, #tpu.memory_space<semaphore_mem>>)
      %dma_wait3A_385 = arith.constant 0 : i32
      %dma_wait3A_386 = arith.constant 0 : i32
      %dma_wait3A_387 = tpu.memref_slice %arg4[%add3A_2, %dma_wait3A_385, %dma_wait3A_386] : memref<201x64x4096xf32, #tpu.memory_space<hbm>> -> memref<1x64x4096xf32, #tpu.memory_space<hbm>>
      %dma_wait3A_388 = tpu.memref_squeeze %dma_wait3A_387 : memref<1x64x4096xf32, #tpu.memory_space<hbm>> -> memref<64x4096xf32, #tpu.memory_space<hbm>>
      %dma_wait3A_389 = arith.constant 40 : i32
      %dma_wait3A_390 = arith.constant 0 : i32
      %dma_wait3A_391 = tpu.memref_slice %dma_wait3A_388[%dma_wait3A_389, %dma_wait3A_390] : memref<64x4096xf32, #tpu.memory_space<hbm>> -> memref<8x4096xf32, #tpu.memory_space<hbm>>
      %dma_wait3A_392 = arith.constant 0 : i32
      %dma_wait3A_393 = arith.constant 0 : i32
      %dma_wait3A_394 = tpu.memref_slice %arg4[%add3A_2, %dma_wait3A_392, %dma_wait3A_393] : memref<201x64x4096xf32, #tpu.memory_space<hbm>> -> memref<1x64x4096xf32, #tpu.memory_space<hbm>>
      %dma_wait3A_395 = tpu.memref_squeeze %dma_wait3A_394 : memref<1x64x4096xf32, #tpu.memory_space<hbm>> -> memref<64x4096xf32, #tpu.memory_space<hbm>>
      %dma_wait3A_396 = arith.constant 40 : i32
      %dma_wait3A_397 = arith.constant 0 : i32
      %dma_wait3A_398 = tpu.memref_slice %dma_wait3A_395[%dma_wait3A_396, %dma_wait3A_397] : memref<64x4096xf32, #tpu.memory_space<hbm>> -> memref<8x4096xf32, #tpu.memory_space<hbm>>
      tpu.wait_dma2 semaphore(%arg10 : memref<!tpu.dma_semaphore, #tpu.memory_space<semaphore_mem>>) src(%arg6 : memref<8x4096xf32, #tpu.memory_space<vmem>>) dst(%dma_wait3A_398 : memref<8x4096xf32, #tpu.memory_space<hbm>>)
      %dma_start3A_399 = arith.constant 0 : i32
      %dma_start3A_400 = arith.constant 0 : i32
      %dma_start3A_401 = tpu.memref_slice %arg2[%add3A_2, %dma_start3A_399, %dma_start3A_400] : memref<200x64x4096xf32, #tpu.memory_space<hbm>> -> memref<1x64x4096xf32, #tpu.memory_space<hbm>>
      %dma_start3A_402 = tpu.memref_squeeze %dma_start3A_401 : memref<1x64x4096xf32, #tpu.memory_space<hbm>> -> memref<64x4096xf32, #tpu.memory_space<hbm>>
      %dma_start3A_403 = arith.constant 56 : i32
      %dma_start3A_404 = arith.constant 0 : i32
      %dma_start3A_405 = tpu.memref_slice %dma_start3A_402[%dma_start3A_403, %dma_start3A_404] : memref<64x4096xf32, #tpu.memory_space<hbm>> -> memref<8x4096xf32, #tpu.memory_space<hbm>>
      %dma_start3A_406 = arith.constant 0 : i32
      %dma_start3A_407 = arith.constant 0 : i32
      %dma_start3A_408 = tpu.memref_slice %arg2[%add3A_2, %dma_start3A_406, %dma_start3A_407] : memref<200x64x4096xf32, #tpu.memory_space<hbm>> -> memref<1x64x4096xf32, #tpu.memory_space<hbm>>
      %dma_start3A_409 = tpu.memref_squeeze %dma_start3A_408 : memref<1x64x4096xf32, #tpu.memory_space<hbm>> -> memref<64x4096xf32, #tpu.memory_space<hbm>>
      %dma_start3A_410 = arith.constant 56 : i32
      %dma_start3A_411 = arith.constant 0 : i32
      %dma_start3A_412 = tpu.memref_slice %dma_start3A_409[%dma_start3A_410, %dma_start3A_411] : memref<64x4096xf32, #tpu.memory_space<hbm>> -> memref<8x4096xf32, #tpu.memory_space<hbm>>
      tpu.enqueue_dma source(%dma_start3A_412 : memref<8x4096xf32, #tpu.memory_space<hbm>>) target(%arg6 : memref<8x4096xf32, #tpu.memory_space<vmem>>) target_semaphore(%arg8 : memref<!tpu.dma_semaphore, #tpu.memory_space<semaphore_mem>>)
      %dma_wait3A_413 = arith.constant 0 : i32
      %dma_wait3A_414 = arith.constant 0 : i32
      %dma_wait3A_415 = tpu.memref_slice %arg2[%add3A_2, %dma_wait3A_413, %dma_wait3A_414] : memref<200x64x4096xf32, #tpu.memory_space<hbm>> -> memref<1x64x4096xf32, #tpu.memory_space<hbm>>
      %dma_wait3A_416 = tpu.memref_squeeze %dma_wait3A_415 : memref<1x64x4096xf32, #tpu.memory_space<hbm>> -> memref<64x4096xf32, #tpu.memory_space<hbm>>
      %dma_wait3A_417 = arith.constant 48 : i32
      %dma_wait3A_418 = arith.constant 0 : i32
      %dma_wait3A_419 = tpu.memref_slice %dma_wait3A_416[%dma_wait3A_417, %dma_wait3A_418] : memref<64x4096xf32, #tpu.memory_space<hbm>> -> memref<8x4096xf32, #tpu.memory_space<hbm>>
      %dma_wait3A_420 = arith.constant 0 : i32
      %dma_wait3A_421 = arith.constant 0 : i32
      %dma_wait3A_422 = tpu.memref_slice %arg2[%add3A_2, %dma_wait3A_420, %dma_wait3A_421] : memref<200x64x4096xf32, #tpu.memory_space<hbm>> -> memref<1x64x4096xf32, #tpu.memory_space<hbm>>
      %dma_wait3A_423 = tpu.memref_squeeze %dma_wait3A_422 : memref<1x64x4096xf32, #tpu.memory_space<hbm>> -> memref<64x4096xf32, #tpu.memory_space<hbm>>
      %dma_wait3A_424 = arith.constant 48 : i32
      %dma_wait3A_425 = arith.constant 0 : i32
      %dma_wait3A_426 = tpu.memref_slice %dma_wait3A_423[%dma_wait3A_424, %dma_wait3A_425] : memref<64x4096xf32, #tpu.memory_space<hbm>> -> memref<8x4096xf32, #tpu.memory_space<hbm>>
      tpu.wait_dma2 semaphore(%arg7 : memref<!tpu.dma_semaphore, #tpu.memory_space<semaphore_mem>>) src(%dma_wait3A_426 : memref<8x4096xf32, #tpu.memory_space<hbm>>) dst(%arg5 : memref<8x4096xf32, #tpu.memory_space<vmem>>)
      %dma_start3A_427 = arith.constant 0 : i32
      %dma_start3A_428 = arith.constant 0 : i32
      %dma_start3A_429 = tpu.memref_slice %arg4[%add3A_2, %dma_start3A_427, %dma_start3A_428] : memref<201x64x4096xf32, #tpu.memory_space<hbm>> -> memref<1x64x4096xf32, #tpu.memory_space<hbm>>
      %dma_start3A_430 = tpu.memref_squeeze %dma_start3A_429 : memref<1x64x4096xf32, #tpu.memory_space<hbm>> -> memref<64x4096xf32, #tpu.memory_space<hbm>>
      %dma_start3A_431 = arith.constant 48 : i32
      %dma_start3A_432 = arith.constant 0 : i32
      %dma_start3A_433 = tpu.memref_slice %dma_start3A_430[%dma_start3A_431, %dma_start3A_432] : memref<64x4096xf32, #tpu.memory_space<hbm>> -> memref<8x4096xf32, #tpu.memory_space<hbm>>
      %dma_start3A_434 = arith.constant 0 : i32
      %dma_start3A_435 = arith.constant 0 : i32
      %dma_start3A_436 = tpu.memref_slice %arg4[%add3A_2, %dma_start3A_434, %dma_start3A_435] : memref<201x64x4096xf32, #tpu.memory_space<hbm>> -> memref<1x64x4096xf32, #tpu.memory_space<hbm>>
      %dma_start3A_437 = tpu.memref_squeeze %dma_start3A_436 : memref<1x64x4096xf32, #tpu.memory_space<hbm>> -> memref<64x4096xf32, #tpu.memory_space<hbm>>
      %dma_start3A_438 = arith.constant 48 : i32
      %dma_start3A_439 = arith.constant 0 : i32
      %dma_start3A_440 = tpu.memref_slice %dma_start3A_437[%dma_start3A_438, %dma_start3A_439] : memref<64x4096xf32, #tpu.memory_space<hbm>> -> memref<8x4096xf32, #tpu.memory_space<hbm>>
      tpu.enqueue_dma source(%arg5 : memref<8x4096xf32, #tpu.memory_space<vmem>>) target(%dma_start3A_440 : memref<8x4096xf32, #tpu.memory_space<hbm>>) target_semaphore(%arg9 : memref<!tpu.dma_semaphore, #tpu.memory_space<semaphore_mem>>)
      %dma_wait3A_441 = arith.constant 0 : i32
      %dma_wait3A_442 = arith.constant 0 : i32
      %dma_wait3A_443 = tpu.memref_slice %arg2[%add3A_2, %dma_wait3A_441, %dma_wait3A_442] : memref<200x64x4096xf32, #tpu.memory_space<hbm>> -> memref<1x64x4096xf32, #tpu.memory_space<hbm>>
      %dma_wait3A_444 = tpu.memref_squeeze %dma_wait3A_443 : memref<1x64x4096xf32, #tpu.memory_space<hbm>> -> memref<64x4096xf32, #tpu.memory_space<hbm>>
      %dma_wait3A_445 = arith.constant 56 : i32
      %dma_wait3A_446 = arith.constant 0 : i32
      %dma_wait3A_447 = tpu.memref_slice %dma_wait3A_444[%dma_wait3A_445, %dma_wait3A_446] : memref<64x4096xf32, #tpu.memory_space<hbm>> -> memref<8x4096xf32, #tpu.memory_space<hbm>>
      %dma_wait3A_448 = arith.constant 0 : i32
      %dma_wait3A_449 = arith.constant 0 : i32
      %dma_wait3A_450 = tpu.memref_slice %arg2[%add3A_2, %dma_wait3A_448, %dma_wait3A_449] : memref<200x64x4096xf32, #tpu.memory_space<hbm>> -> memref<1x64x4096xf32, #tpu.memory_space<hbm>>
      %dma_wait3A_451 = tpu.memref_squeeze %dma_wait3A_450 : memref<1x64x4096xf32, #tpu.memory_space<hbm>> -> memref<64x4096xf32, #tpu.memory_space<hbm>>
      %dma_wait3A_452 = arith.constant 56 : i32
      %dma_wait3A_453 = arith.constant 0 : i32
      %dma_wait3A_454 = tpu.memref_slice %dma_wait3A_451[%dma_wait3A_452, %dma_wait3A_453] : memref<64x4096xf32, #tpu.memory_space<hbm>> -> memref<8x4096xf32, #tpu.memory_space<hbm>>
      tpu.wait_dma2 semaphore(%arg8 : memref<!tpu.dma_semaphore, #tpu.memory_space<semaphore_mem>>) src(%dma_wait3A_454 : memref<8x4096xf32, #tpu.memory_space<hbm>>) dst(%arg6 : memref<8x4096xf32, #tpu.memory_space<vmem>>)
      %dma_start3A_455 = arith.constant 0 : i32
      %dma_start3A_456 = arith.constant 0 : i32
      %dma_start3A_457 = tpu.memref_slice %arg4[%add3A_2, %dma_start3A_455, %dma_start3A_456] : memref<201x64x4096xf32, #tpu.memory_space<hbm>> -> memref<1x64x4096xf32, #tpu.memory_space<hbm>>
      %dma_start3A_458 = tpu.memref_squeeze %dma_start3A_457 : memref<1x64x4096xf32, #tpu.memory_space<hbm>> -> memref<64x4096xf32, #tpu.memory_space<hbm>>
      %dma_start3A_459 = arith.constant 56 : i32
      %dma_start3A_460 = arith.constant 0 : i32
      %dma_start3A_461 = tpu.memref_slice %dma_start3A_458[%dma_start3A_459, %dma_start3A_460] : memref<64x4096xf32, #tpu.memory_space<hbm>> -> memref<8x4096xf32, #tpu.memory_space<hbm>>
      %dma_start3A_462 = arith.constant 0 : i32
      %dma_start3A_463 = arith.constant 0 : i32
      %dma_start3A_464 = tpu.memref_slice %arg4[%add3A_2, %dma_start3A_462, %dma_start3A_463] : memref<201x64x4096xf32, #tpu.memory_space<hbm>> -> memref<1x64x4096xf32, #tpu.memory_space<hbm>>
      %dma_start3A_465 = tpu.memref_squeeze %dma_start3A_464 : memref<1x64x4096xf32, #tpu.memory_space<hbm>> -> memref<64x4096xf32, #tpu.memory_space<hbm>>
      %dma_start3A_466 = arith.constant 56 : i32
      %dma_start3A_467 = arith.constant 0 : i32
      %dma_start3A_468 = tpu.memref_slice %dma_start3A_465[%dma_start3A_466, %dma_start3A_467] : memref<64x4096xf32, #tpu.memory_space<hbm>> -> memref<8x4096xf32, #tpu.memory_space<hbm>>
      tpu.enqueue_dma source(%arg6 : memref<8x4096xf32, #tpu.memory_space<vmem>>) target(%dma_start3A_468 : memref<8x4096xf32, #tpu.memory_space<hbm>>) target_semaphore(%arg10 : memref<!tpu.dma_semaphore, #tpu.memory_space<semaphore_mem>>)
      %dma_wait3A_469 = arith.constant 0 : i32
      %dma_wait3A_470 = arith.constant 0 : i32
      %dma_wait3A_471 = tpu.memref_slice %arg4[%add3A_2, %dma_wait3A_469, %dma_wait3A_470] : memref<201x64x4096xf32, #tpu.memory_space<hbm>> -> memref<1x64x4096xf32, #tpu.memory_space<hbm>>
      %dma_wait3A_472 = tpu.memref_squeeze %dma_wait3A_471 : memref<1x64x4096xf32, #tpu.memory_space<hbm>> -> memref<64x4096xf32, #tpu.memory_space<hbm>>
      %dma_wait3A_473 = arith.constant 48 : i32
      %dma_wait3A_474 = arith.constant 0 : i32
      %dma_wait3A_475 = tpu.memref_slice %dma_wait3A_472[%dma_wait3A_473, %dma_wait3A_474] : memref<64x4096xf32, #tpu.memory_space<hbm>> -> memref<8x4096xf32, #tpu.memory_space<hbm>>
      %dma_wait3A_476 = arith.constant 0 : i32
      %dma_wait3A_477 = arith.constant 0 : i32
      %dma_wait3A_478 = tpu.memref_slice %arg4[%add3A_2, %dma_wait3A_476, %dma_wait3A_477] : memref<201x64x4096xf32, #tpu.memory_space<hbm>> -> memref<1x64x4096xf32, #tpu.memory_space<hbm>>
      %dma_wait3A_479 = tpu.memref_squeeze %dma_wait3A_478 : memref<1x64x4096xf32, #tpu.memory_space<hbm>> -> memref<64x4096xf32, #tpu.memory_space<hbm>>
      %dma_wait3A_480 = arith.constant 48 : i32
      %dma_wait3A_481 = arith.constant 0 : i32
      %dma_wait3A_482 = tpu.memref_slice %dma_wait3A_479[%dma_wait3A_480, %dma_wait3A_481] : memref<64x4096xf32, #tpu.memory_space<hbm>> -> memref<8x4096xf32, #tpu.memory_space<hbm>>
      tpu.wait_dma2 semaphore(%arg9 : memref<!tpu.dma_semaphore, #tpu.memory_space<semaphore_mem>>) src(%arg5 : memref<8x4096xf32, #tpu.memory_space<vmem>>) dst(%dma_wait3A_482 : memref<8x4096xf32, #tpu.memory_space<hbm>>)
      %dma_wait3A_483 = arith.constant 0 : i32
      %dma_wait3A_484 = arith.constant 0 : i32
      %dma_wait3A_485 = tpu.memref_slice %arg4[%add3A_2, %dma_wait3A_483, %dma_wait3A_484] : memref<201x64x4096xf32, #tpu.memory_space<hbm>> -> memref<1x64x4096xf32, #tpu.memory_space<hbm>>
      %dma_wait3A_486 = tpu.memref_squeeze %dma_wait3A_485 : memref<1x64x4096xf32, #tpu.memory_space<hbm>> -> memref<64x4096xf32, #tpu.memory_space<hbm>>
      %dma_wait3A_487 = arith.constant 56 : i32
      %dma_wait3A_488 = arith.constant 0 : i32
      %dma_wait3A_489 = tpu.memref_slice %dma_wait3A_486[%dma_wait3A_487, %dma_wait3A_488] : memref<64x4096xf32, #tpu.memory_space<hbm>> -> memref<8x4096xf32, #tpu.memory_space<hbm>>
      %dma_wait3A_490 = arith.constant 0 : i32
      %dma_wait3A_491 = arith.constant 0 : i32
      %dma_wait3A_492 = tpu.memref_slice %arg4[%add3A_2, %dma_wait3A_490, %dma_wait3A_491] : memref<201x64x4096xf32, #tpu.memory_space<hbm>> -> memref<1x64x4096xf32, #tpu.memory_space<hbm>>
      %dma_wait3A_493 = tpu.memref_squeeze %dma_wait3A_492 : memref<1x64x4096xf32, #tpu.memory_space<hbm>> -> memref<64x4096xf32, #tpu.memory_space<hbm>>
      %dma_wait3A_494 = arith.constant 56 : i32
      %dma_wait3A_495 = arith.constant 0 : i32
      %dma_wait3A_496 = tpu.memref_slice %dma_wait3A_493[%dma_wait3A_494, %dma_wait3A_495] : memref<64x4096xf32, #tpu.memory_space<hbm>> -> memref<8x4096xf32, #tpu.memory_space<hbm>>
      tpu.wait_dma2 semaphore(%arg10 : memref<!tpu.dma_semaphore, #tpu.memory_space<semaphore_mem>>) src(%arg6 : memref<8x4096xf32, #tpu.memory_space<vmem>>) dst(%dma_wait3A_496 : memref<8x4096xf32, #tpu.memory_space<hbm>>)
    } else {
    }
    %add3A_5 = arith.constant 32 : i32
    %add3A_6 = arith.addi %add3A, %add3A_5 : i32
    %lt3A_7 = arith.constant 200 : i32
    %lt3A_8 = arith.cmpi slt, %add3A_6, %lt3A_7 : i32
    %convert_element_type3A_9 = arith.extui %lt3A_8 : i1 to i32
    %cond3A_10 = arith.constant 0 : i32
    %cond3A_11 = arith.cmpi ne, %convert_element_type3A_9, %cond3A_10 : i32
    scf.if %cond3A_11 {
      %dma_start3A = arith.constant 0 : i32
      %dma_start3A_51 = arith.constant 0 : i32
      %dma_start3A_52 = tpu.memref_slice %arg2[%add3A_6, %dma_start3A, %dma_start3A_51] : memref<200x64x4096xf32, #tpu.memory_space<hbm>> -> memref<1x64x4096xf32, #tpu.memory_space<hbm>>
      %dma_start3A_53 = tpu.memref_squeeze %dma_start3A_52 : memref<1x64x4096xf32, #tpu.memory_space<hbm>> -> memref<64x4096xf32, #tpu.memory_space<hbm>>
      %dma_start3A_54 = arith.constant 0 : i32
      %dma_start3A_55 = arith.constant 0 : i32
      %dma_start3A_56 = tpu.memref_slice %dma_start3A_53[%dma_start3A_54, %dma_start3A_55] : memref<64x4096xf32, #tpu.memory_space<hbm>> -> memref<8x4096xf32, #tpu.memory_space<hbm>>
      %dma_start3A_57 = arith.constant 0 : i32
      %dma_start3A_58 = arith.constant 0 : i32
      %dma_start3A_59 = tpu.memref_slice %arg2[%add3A_6, %dma_start3A_57, %dma_start3A_58] : memref<200x64x4096xf32, #tpu.memory_space<hbm>> -> memref<1x64x4096xf32, #tpu.memory_space<hbm>>
      %dma_start3A_60 = tpu.memref_squeeze %dma_start3A_59 : memref<1x64x4096xf32, #tpu.memory_space<hbm>> -> memref<64x4096xf32, #tpu.memory_space<hbm>>
      %dma_start3A_61 = arith.constant 0 : i32
      %dma_start3A_62 = arith.constant 0 : i32
      %dma_start3A_63 = tpu.memref_slice %dma_start3A_60[%dma_start3A_61, %dma_start3A_62] : memref<64x4096xf32, #tpu.memory_space<hbm>> -> memref<8x4096xf32, #tpu.memory_space<hbm>>
      tpu.enqueue_dma source(%dma_start3A_63 : memref<8x4096xf32, #tpu.memory_space<hbm>>) target(%arg5 : memref<8x4096xf32, #tpu.memory_space<vmem>>) target_semaphore(%arg7 : memref<!tpu.dma_semaphore, #tpu.memory_space<semaphore_mem>>)
      %dma_start3A_64 = arith.constant 0 : i32
      %dma_start3A_65 = arith.constant 0 : i32
      %dma_start3A_66 = tpu.memref_slice %arg2[%add3A_6, %dma_start3A_64, %dma_start3A_65] : memref<200x64x4096xf32, #tpu.memory_space<hbm>> -> memref<1x64x4096xf32, #tpu.memory_space<hbm>>
      %dma_start3A_67 = tpu.memref_squeeze %dma_start3A_66 : memref<1x64x4096xf32, #tpu.memory_space<hbm>> -> memref<64x4096xf32, #tpu.memory_space<hbm>>
      %dma_start3A_68 = arith.constant 8 : i32
      %dma_start3A_69 = arith.constant 0 : i32
      %dma_start3A_70 = tpu.memref_slice %dma_start3A_67[%dma_start3A_68, %dma_start3A_69] : memref<64x4096xf32, #tpu.memory_space<hbm>> -> memref<8x4096xf32, #tpu.memory_space<hbm>>
      %dma_start3A_71 = arith.constant 0 : i32
      %dma_start3A_72 = arith.constant 0 : i32
      %dma_start3A_73 = tpu.memref_slice %arg2[%add3A_6, %dma_start3A_71, %dma_start3A_72] : memref<200x64x4096xf32, #tpu.memory_space<hbm>> -> memref<1x64x4096xf32, #tpu.memory_space<hbm>>
      %dma_start3A_74 = tpu.memref_squeeze %dma_start3A_73 : memref<1x64x4096xf32, #tpu.memory_space<hbm>> -> memref<64x4096xf32, #tpu.memory_space<hbm>>
      %dma_start3A_75 = arith.constant 8 : i32
      %dma_start3A_76 = arith.constant 0 : i32
      %dma_start3A_77 = tpu.memref_slice %dma_start3A_74[%dma_start3A_75, %dma_start3A_76] : memref<64x4096xf32, #tpu.memory_space<hbm>> -> memref<8x4096xf32, #tpu.memory_space<hbm>>
      tpu.enqueue_dma source(%dma_start3A_77 : memref<8x4096xf32, #tpu.memory_space<hbm>>) target(%arg6 : memref<8x4096xf32, #tpu.memory_space<vmem>>) target_semaphore(%arg8 : memref<!tpu.dma_semaphore, #tpu.memory_space<semaphore_mem>>)
      %dma_wait3A = arith.constant 0 : i32
      %dma_wait3A_78 = arith.constant 0 : i32
      %dma_wait3A_79 = tpu.memref_slice %arg2[%add3A_6, %dma_wait3A, %dma_wait3A_78] : memref<200x64x4096xf32, #tpu.memory_space<hbm>> -> memref<1x64x4096xf32, #tpu.memory_space<hbm>>
      %dma_wait3A_80 = tpu.memref_squeeze %dma_wait3A_79 : memref<1x64x4096xf32, #tpu.memory_space<hbm>> -> memref<64x4096xf32, #tpu.memory_space<hbm>>
      %dma_wait3A_81 = arith.constant 0 : i32
      %dma_wait3A_82 = arith.constant 0 : i32
      %dma_wait3A_83 = tpu.memref_slice %dma_wait3A_80[%dma_wait3A_81, %dma_wait3A_82] : memref<64x4096xf32, #tpu.memory_space<hbm>> -> memref<8x4096xf32, #tpu.memory_space<hbm>>
      %dma_wait3A_84 = arith.constant 0 : i32
      %dma_wait3A_85 = arith.constant 0 : i32
      %dma_wait3A_86 = tpu.memref_slice %arg2[%add3A_6, %dma_wait3A_84, %dma_wait3A_85] : memref<200x64x4096xf32, #tpu.memory_space<hbm>> -> memref<1x64x4096xf32, #tpu.memory_space<hbm>>
      %dma_wait3A_87 = tpu.memref_squeeze %dma_wait3A_86 : memref<1x64x4096xf32, #tpu.memory_space<hbm>> -> memref<64x4096xf32, #tpu.memory_space<hbm>>
      %dma_wait3A_88 = arith.constant 0 : i32
      %dma_wait3A_89 = arith.constant 0 : i32
      %dma_wait3A_90 = tpu.memref_slice %dma_wait3A_87[%dma_wait3A_88, %dma_wait3A_89] : memref<64x4096xf32, #tpu.memory_space<hbm>> -> memref<8x4096xf32, #tpu.memory_space<hbm>>
      tpu.wait_dma2 semaphore(%arg7 : memref<!tpu.dma_semaphore, #tpu.memory_space<semaphore_mem>>) src(%dma_wait3A_90 : memref<8x4096xf32, #tpu.memory_space<hbm>>) dst(%arg5 : memref<8x4096xf32, #tpu.memory_space<vmem>>)
      %dma_start3A_91 = arith.constant 0 : i32
      %dma_start3A_92 = arith.constant 0 : i32
      %dma_start3A_93 = tpu.memref_slice %arg4[%add3A_6, %dma_start3A_91, %dma_start3A_92] : memref<201x64x4096xf32, #tpu.memory_space<hbm>> -> memref<1x64x4096xf32, #tpu.memory_space<hbm>>
      %dma_start3A_94 = tpu.memref_squeeze %dma_start3A_93 : memref<1x64x4096xf32, #tpu.memory_space<hbm>> -> memref<64x4096xf32, #tpu.memory_space<hbm>>
      %dma_start3A_95 = arith.constant 0 : i32
      %dma_start3A_96 = arith.constant 0 : i32
      %dma_start3A_97 = tpu.memref_slice %dma_start3A_94[%dma_start3A_95, %dma_start3A_96] : memref<64x4096xf32, #tpu.memory_space<hbm>> -> memref<8x4096xf32, #tpu.memory_space<hbm>>
      %dma_start3A_98 = arith.constant 0 : i32
      %dma_start3A_99 = arith.constant 0 : i32
      %dma_start3A_100 = tpu.memref_slice %arg4[%add3A_6, %dma_start3A_98, %dma_start3A_99] : memref<201x64x4096xf32, #tpu.memory_space<hbm>> -> memref<1x64x4096xf32, #tpu.memory_space<hbm>>
      %dma_start3A_101 = tpu.memref_squeeze %dma_start3A_100 : memref<1x64x4096xf32, #tpu.memory_space<hbm>> -> memref<64x4096xf32, #tpu.memory_space<hbm>>
      %dma_start3A_102 = arith.constant 0 : i32
      %dma_start3A_103 = arith.constant 0 : i32
      %dma_start3A_104 = tpu.memref_slice %dma_start3A_101[%dma_start3A_102, %dma_start3A_103] : memref<64x4096xf32, #tpu.memory_space<hbm>> -> memref<8x4096xf32, #tpu.memory_space<hbm>>
      tpu.enqueue_dma source(%arg5 : memref<8x4096xf32, #tpu.memory_space<vmem>>) target(%dma_start3A_104 : memref<8x4096xf32, #tpu.memory_space<hbm>>) target_semaphore(%arg9 : memref<!tpu.dma_semaphore, #tpu.memory_space<semaphore_mem>>)
      %dma_wait3A_105 = arith.constant 0 : i32
      %dma_wait3A_106 = arith.constant 0 : i32
      %dma_wait3A_107 = tpu.memref_slice %arg4[%add3A_6, %dma_wait3A_105, %dma_wait3A_106] : memref<201x64x4096xf32, #tpu.memory_space<hbm>> -> memref<1x64x4096xf32, #tpu.memory_space<hbm>>
      %dma_wait3A_108 = tpu.memref_squeeze %dma_wait3A_107 : memref<1x64x4096xf32, #tpu.memory_space<hbm>> -> memref<64x4096xf32, #tpu.memory_space<hbm>>
      %dma_wait3A_109 = arith.constant 0 : i32
      %dma_wait3A_110 = arith.constant 0 : i32
      %dma_wait3A_111 = tpu.memref_slice %dma_wait3A_108[%dma_wait3A_109, %dma_wait3A_110] : memref<64x4096xf32, #tpu.memory_space<hbm>> -> memref<8x4096xf32, #tpu.memory_space<hbm>>
      %dma_wait3A_112 = arith.constant 0 : i32
      %dma_wait3A_113 = arith.constant 0 : i32
      %dma_wait3A_114 = tpu.memref_slice %arg4[%add3A_6, %dma_wait3A_112, %dma_wait3A_113] : memref<201x64x4096xf32, #tpu.memory_space<hbm>> -> memref<1x64x4096xf32, #tpu.memory_space<hbm>>
      %dma_wait3A_115 = tpu.memref_squeeze %dma_wait3A_114 : memref<1x64x4096xf32, #tpu.memory_space<hbm>> -> memref<64x4096xf32, #tpu.memory_space<hbm>>
      %dma_wait3A_116 = arith.constant 0 : i32
      %dma_wait3A_117 = arith.constant 0 : i32
      %dma_wait3A_118 = tpu.memref_slice %dma_wait3A_115[%dma_wait3A_116, %dma_wait3A_117] : memref<64x4096xf32, #tpu.memory_space<hbm>> -> memref<8x4096xf32, #tpu.memory_space<hbm>>
      tpu.wait_dma2 semaphore(%arg9 : memref<!tpu.dma_semaphore, #tpu.memory_space<semaphore_mem>>) src(%arg5 : memref<8x4096xf32, #tpu.memory_space<vmem>>) dst(%dma_wait3A_118 : memref<8x4096xf32, #tpu.memory_space<hbm>>)
      %dma_start3A_119 = arith.constant 0 : i32
      %dma_start3A_120 = arith.constant 0 : i32
      %dma_start3A_121 = tpu.memref_slice %arg2[%add3A_6, %dma_start3A_119, %dma_start3A_120] : memref<200x64x4096xf32, #tpu.memory_space<hbm>> -> memref<1x64x4096xf32, #tpu.memory_space<hbm>>
      %dma_start3A_122 = tpu.memref_squeeze %dma_start3A_121 : memref<1x64x4096xf32, #tpu.memory_space<hbm>> -> memref<64x4096xf32, #tpu.memory_space<hbm>>
      %dma_start3A_123 = arith.constant 16 : i32
      %dma_start3A_124 = arith.constant 0 : i32
      %dma_start3A_125 = tpu.memref_slice %dma_start3A_122[%dma_start3A_123, %dma_start3A_124] : memref<64x4096xf32, #tpu.memory_space<hbm>> -> memref<8x4096xf32, #tpu.memory_space<hbm>>
      %dma_start3A_126 = arith.constant 0 : i32
      %dma_start3A_127 = arith.constant 0 : i32
      %dma_start3A_128 = tpu.memref_slice %arg2[%add3A_6, %dma_start3A_126, %dma_start3A_127] : memref<200x64x4096xf32, #tpu.memory_space<hbm>> -> memref<1x64x4096xf32, #tpu.memory_space<hbm>>
      %dma_start3A_129 = tpu.memref_squeeze %dma_start3A_128 : memref<1x64x4096xf32, #tpu.memory_space<hbm>> -> memref<64x4096xf32, #tpu.memory_space<hbm>>
      %dma_start3A_130 = arith.constant 16 : i32
      %dma_start3A_131 = arith.constant 0 : i32
      %dma_start3A_132 = tpu.memref_slice %dma_start3A_129[%dma_start3A_130, %dma_start3A_131] : memref<64x4096xf32, #tpu.memory_space<hbm>> -> memref<8x4096xf32, #tpu.memory_space<hbm>>
      tpu.enqueue_dma source(%dma_start3A_132 : memref<8x4096xf32, #tpu.memory_space<hbm>>) target(%arg5 : memref<8x4096xf32, #tpu.memory_space<vmem>>) target_semaphore(%arg7 : memref<!tpu.dma_semaphore, #tpu.memory_space<semaphore_mem>>)
      %dma_wait3A_133 = arith.constant 0 : i32
      %dma_wait3A_134 = arith.constant 0 : i32
      %dma_wait3A_135 = tpu.memref_slice %arg2[%add3A_6, %dma_wait3A_133, %dma_wait3A_134] : memref<200x64x4096xf32, #tpu.memory_space<hbm>> -> memref<1x64x4096xf32, #tpu.memory_space<hbm>>
      %dma_wait3A_136 = tpu.memref_squeeze %dma_wait3A_135 : memref<1x64x4096xf32, #tpu.memory_space<hbm>> -> memref<64x4096xf32, #tpu.memory_space<hbm>>
      %dma_wait3A_137 = arith.constant 8 : i32
      %dma_wait3A_138 = arith.constant 0 : i32
      %dma_wait3A_139 = tpu.memref_slice %dma_wait3A_136[%dma_wait3A_137, %dma_wait3A_138] : memref<64x4096xf32, #tpu.memory_space<hbm>> -> memref<8x4096xf32, #tpu.memory_space<hbm>>
      %dma_wait3A_140 = arith.constant 0 : i32
      %dma_wait3A_141 = arith.constant 0 : i32
      %dma_wait3A_142 = tpu.memref_slice %arg2[%add3A_6, %dma_wait3A_140, %dma_wait3A_141] : memref<200x64x4096xf32, #tpu.memory_space<hbm>> -> memref<1x64x4096xf32, #tpu.memory_space<hbm>>
      %dma_wait3A_143 = tpu.memref_squeeze %dma_wait3A_142 : memref<1x64x4096xf32, #tpu.memory_space<hbm>> -> memref<64x4096xf32, #tpu.memory_space<hbm>>
      %dma_wait3A_144 = arith.constant 8 : i32
      %dma_wait3A_145 = arith.constant 0 : i32
      %dma_wait3A_146 = tpu.memref_slice %dma_wait3A_143[%dma_wait3A_144, %dma_wait3A_145] : memref<64x4096xf32, #tpu.memory_space<hbm>> -> memref<8x4096xf32, #tpu.memory_space<hbm>>
      tpu.wait_dma2 semaphore(%arg8 : memref<!tpu.dma_semaphore, #tpu.memory_space<semaphore_mem>>) src(%dma_wait3A_146 : memref<8x4096xf32, #tpu.memory_space<hbm>>) dst(%arg6 : memref<8x4096xf32, #tpu.memory_space<vmem>>)
      %dma_start3A_147 = arith.constant 0 : i32
      %dma_start3A_148 = arith.constant 0 : i32
      %dma_start3A_149 = tpu.memref_slice %arg4[%add3A_6, %dma_start3A_147, %dma_start3A_148] : memref<201x64x4096xf32, #tpu.memory_space<hbm>> -> memref<1x64x4096xf32, #tpu.memory_space<hbm>>
      %dma_start3A_150 = tpu.memref_squeeze %dma_start3A_149 : memref<1x64x4096xf32, #tpu.memory_space<hbm>> -> memref<64x4096xf32, #tpu.memory_space<hbm>>
      %dma_start3A_151 = arith.constant 8 : i32
      %dma_start3A_152 = arith.constant 0 : i32
      %dma_start3A_153 = tpu.memref_slice %dma_start3A_150[%dma_start3A_151, %dma_start3A_152] : memref<64x4096xf32, #tpu.memory_space<hbm>> -> memref<8x4096xf32, #tpu.memory_space<hbm>>
      %dma_start3A_154 = arith.constant 0 : i32
      %dma_start3A_155 = arith.constant 0 : i32
      %dma_start3A_156 = tpu.memref_slice %arg4[%add3A_6, %dma_start3A_154, %dma_start3A_155] : memref<201x64x4096xf32, #tpu.memory_space<hbm>> -> memref<1x64x4096xf32, #tpu.memory_space<hbm>>
      %dma_start3A_157 = tpu.memref_squeeze %dma_start3A_156 : memref<1x64x4096xf32, #tpu.memory_space<hbm>> -> memref<64x4096xf32, #tpu.memory_space<hbm>>
      %dma_start3A_158 = arith.constant 8 : i32
      %dma_start3A_159 = arith.constant 0 : i32
      %dma_start3A_160 = tpu.memref_slice %dma_start3A_157[%dma_start3A_158, %dma_start3A_159] : memref<64x4096xf32, #tpu.memory_space<hbm>> -> memref<8x4096xf32, #tpu.memory_space<hbm>>
      tpu.enqueue_dma source(%arg6 : memref<8x4096xf32, #tpu.memory_space<vmem>>) target(%dma_start3A_160 : memref<8x4096xf32, #tpu.memory_space<hbm>>) target_semaphore(%arg10 : memref<!tpu.dma_semaphore, #tpu.memory_space<semaphore_mem>>)
      %dma_wait3A_161 = arith.constant 0 : i32
      %dma_wait3A_162 = arith.constant 0 : i32
      %dma_wait3A_163 = tpu.memref_slice %arg4[%add3A_6, %dma_wait3A_161, %dma_wait3A_162] : memref<201x64x4096xf32, #tpu.memory_space<hbm>> -> memref<1x64x4096xf32, #tpu.memory_space<hbm>>
      %dma_wait3A_164 = tpu.memref_squeeze %dma_wait3A_163 : memref<1x64x4096xf32, #tpu.memory_space<hbm>> -> memref<64x4096xf32, #tpu.memory_space<hbm>>
      %dma_wait3A_165 = arith.constant 8 : i32
      %dma_wait3A_166 = arith.constant 0 : i32
      %dma_wait3A_167 = tpu.memref_slice %dma_wait3A_164[%dma_wait3A_165, %dma_wait3A_166] : memref<64x4096xf32, #tpu.memory_space<hbm>> -> memref<8x4096xf32, #tpu.memory_space<hbm>>
      %dma_wait3A_168 = arith.constant 0 : i32
      %dma_wait3A_169 = arith.constant 0 : i32
      %dma_wait3A_170 = tpu.memref_slice %arg4[%add3A_6, %dma_wait3A_168, %dma_wait3A_169] : memref<201x64x4096xf32, #tpu.memory_space<hbm>> -> memref<1x64x4096xf32, #tpu.memory_space<hbm>>
      %dma_wait3A_171 = tpu.memref_squeeze %dma_wait3A_170 : memref<1x64x4096xf32, #tpu.memory_space<hbm>> -> memref<64x4096xf32, #tpu.memory_space<hbm>>
      %dma_wait3A_172 = arith.constant 8 : i32
      %dma_wait3A_173 = arith.constant 0 : i32
      %dma_wait3A_174 = tpu.memref_slice %dma_wait3A_171[%dma_wait3A_172, %dma_wait3A_173] : memref<64x4096xf32, #tpu.memory_space<hbm>> -> memref<8x4096xf32, #tpu.memory_space<hbm>>
      tpu.wait_dma2 semaphore(%arg10 : memref<!tpu.dma_semaphore, #tpu.memory_space<semaphore_mem>>) src(%arg6 : memref<8x4096xf32, #tpu.memory_space<vmem>>) dst(%dma_wait3A_174 : memref<8x4096xf32, #tpu.memory_space<hbm>>)
      %dma_start3A_175 = arith.constant 0 : i32
      %dma_start3A_176 = arith.constant 0 : i32
      %dma_start3A_177 = tpu.memref_slice %arg2[%add3A_6, %dma_start3A_175, %dma_start3A_176] : memref<200x64x4096xf32, #tpu.memory_space<hbm>> -> memref<1x64x4096xf32, #tpu.memory_space<hbm>>
      %dma_start3A_178 = tpu.memref_squeeze %dma_start3A_177 : memref<1x64x4096xf32, #tpu.memory_space<hbm>> -> memref<64x4096xf32, #tpu.memory_space<hbm>>
      %dma_start3A_179 = arith.constant 24 : i32
      %dma_start3A_180 = arith.constant 0 : i32
      %dma_start3A_181 = tpu.memref_slice %dma_start3A_178[%dma_start3A_179, %dma_start3A_180] : memref<64x4096xf32, #tpu.memory_space<hbm>> -> memref<8x4096xf32, #tpu.memory_space<hbm>>
      %dma_start3A_182 = arith.constant 0 : i32
      %dma_start3A_183 = arith.constant 0 : i32
      %dma_start3A_184 = tpu.memref_slice %arg2[%add3A_6, %dma_start3A_182, %dma_start3A_183] : memref<200x64x4096xf32, #tpu.memory_space<hbm>> -> memref<1x64x4096xf32, #tpu.memory_space<hbm>>
      %dma_start3A_185 = tpu.memref_squeeze %dma_start3A_184 : memref<1x64x4096xf32, #tpu.memory_space<hbm>> -> memref<64x4096xf32, #tpu.memory_space<hbm>>
      %dma_start3A_186 = arith.constant 24 : i32
      %dma_start3A_187 = arith.constant 0 : i32
      %dma_start3A_188 = tpu.memref_slice %dma_start3A_185[%dma_start3A_186, %dma_start3A_187] : memref<64x4096xf32, #tpu.memory_space<hbm>> -> memref<8x4096xf32, #tpu.memory_space<hbm>>
      tpu.enqueue_dma source(%dma_start3A_188 : memref<8x4096xf32, #tpu.memory_space<hbm>>) target(%arg6 : memref<8x4096xf32, #tpu.memory_space<vmem>>) target_semaphore(%arg8 : memref<!tpu.dma_semaphore, #tpu.memory_space<semaphore_mem>>)
      %dma_wait3A_189 = arith.constant 0 : i32
      %dma_wait3A_190 = arith.constant 0 : i32
      %dma_wait3A_191 = tpu.memref_slice %arg2[%add3A_6, %dma_wait3A_189, %dma_wait3A_190] : memref<200x64x4096xf32, #tpu.memory_space<hbm>> -> memref<1x64x4096xf32, #tpu.memory_space<hbm>>
      %dma_wait3A_192 = tpu.memref_squeeze %dma_wait3A_191 : memref<1x64x4096xf32, #tpu.memory_space<hbm>> -> memref<64x4096xf32, #tpu.memory_space<hbm>>
      %dma_wait3A_193 = arith.constant 16 : i32
      %dma_wait3A_194 = arith.constant 0 : i32
      %dma_wait3A_195 = tpu.memref_slice %dma_wait3A_192[%dma_wait3A_193, %dma_wait3A_194] : memref<64x4096xf32, #tpu.memory_space<hbm>> -> memref<8x4096xf32, #tpu.memory_space<hbm>>
      %dma_wait3A_196 = arith.constant 0 : i32
      %dma_wait3A_197 = arith.constant 0 : i32
      %dma_wait3A_198 = tpu.memref_slice %arg2[%add3A_6, %dma_wait3A_196, %dma_wait3A_197] : memref<200x64x4096xf32, #tpu.memory_space<hbm>> -> memref<1x64x4096xf32, #tpu.memory_space<hbm>>
      %dma_wait3A_199 = tpu.memref_squeeze %dma_wait3A_198 : memref<1x64x4096xf32, #tpu.memory_space<hbm>> -> memref<64x4096xf32, #tpu.memory_space<hbm>>
      %dma_wait3A_200 = arith.constant 16 : i32
      %dma_wait3A_201 = arith.constant 0 : i32
      %dma_wait3A_202 = tpu.memref_slice %dma_wait3A_199[%dma_wait3A_200, %dma_wait3A_201] : memref<64x4096xf32, #tpu.memory_space<hbm>> -> memref<8x4096xf32, #tpu.memory_space<hbm>>
      tpu.wait_dma2 semaphore(%arg7 : memref<!tpu.dma_semaphore, #tpu.memory_space<semaphore_mem>>) src(%dma_wait3A_202 : memref<8x4096xf32, #tpu.memory_space<hbm>>) dst(%arg5 : memref<8x4096xf32, #tpu.memory_space<vmem>>)
      %dma_start3A_203 = arith.constant 0 : i32
      %dma_start3A_204 = arith.constant 0 : i32
      %dma_start3A_205 = tpu.memref_slice %arg4[%add3A_6, %dma_start3A_203, %dma_start3A_204] : memref<201x64x4096xf32, #tpu.memory_space<hbm>> -> memref<1x64x4096xf32, #tpu.memory_space<hbm>>
      %dma_start3A_206 = tpu.memref_squeeze %dma_start3A_205 : memref<1x64x4096xf32, #tpu.memory_space<hbm>> -> memref<64x4096xf32, #tpu.memory_space<hbm>>
      %dma_start3A_207 = arith.constant 16 : i32
      %dma_start3A_208 = arith.constant 0 : i32
      %dma_start3A_209 = tpu.memref_slice %dma_start3A_206[%dma_start3A_207, %dma_start3A_208] : memref<64x4096xf32, #tpu.memory_space<hbm>> -> memref<8x4096xf32, #tpu.memory_space<hbm>>
      %dma_start3A_210 = arith.constant 0 : i32
      %dma_start3A_211 = arith.constant 0 : i32
      %dma_start3A_212 = tpu.memref_slice %arg4[%add3A_6, %dma_start3A_210, %dma_start3A_211] : memref<201x64x4096xf32, #tpu.memory_space<hbm>> -> memref<1x64x4096xf32, #tpu.memory_space<hbm>>
      %dma_start3A_213 = tpu.memref_squeeze %dma_start3A_212 : memref<1x64x4096xf32, #tpu.memory_space<hbm>> -> memref<64x4096xf32, #tpu.memory_space<hbm>>
      %dma_start3A_214 = arith.constant 16 : i32
      %dma_start3A_215 = arith.constant 0 : i32
      %dma_start3A_216 = tpu.memref_slice %dma_start3A_213[%dma_start3A_214, %dma_start3A_215] : memref<64x4096xf32, #tpu.memory_space<hbm>> -> memref<8x4096xf32, #tpu.memory_space<hbm>>
      tpu.enqueue_dma source(%arg5 : memref<8x4096xf32, #tpu.memory_space<vmem>>) target(%dma_start3A_216 : memref<8x4096xf32, #tpu.memory_space<hbm>>) target_semaphore(%arg9 : memref<!tpu.dma_semaphore, #tpu.memory_space<semaphore_mem>>)
      %dma_wait3A_217 = arith.constant 0 : i32
      %dma_wait3A_218 = arith.constant 0 : i32
      %dma_wait3A_219 = tpu.memref_slice %arg4[%add3A_6, %dma_wait3A_217, %dma_wait3A_218] : memref<201x64x4096xf32, #tpu.memory_space<hbm>> -> memref<1x64x4096xf32, #tpu.memory_space<hbm>>
      %dma_wait3A_220 = tpu.memref_squeeze %dma_wait3A_219 : memref<1x64x4096xf32, #tpu.memory_space<hbm>> -> memref<64x4096xf32, #tpu.memory_space<hbm>>
      %dma_wait3A_221 = arith.constant 16 : i32
      %dma_wait3A_222 = arith.constant 0 : i32
      %dma_wait3A_223 = tpu.memref_slice %dma_wait3A_220[%dma_wait3A_221, %dma_wait3A_222] : memref<64x4096xf32, #tpu.memory_space<hbm>> -> memref<8x4096xf32, #tpu.memory_space<hbm>>
      %dma_wait3A_224 = arith.constant 0 : i32
      %dma_wait3A_225 = arith.constant 0 : i32
      %dma_wait3A_226 = tpu.memref_slice %arg4[%add3A_6, %dma_wait3A_224, %dma_wait3A_225] : memref<201x64x4096xf32, #tpu.memory_space<hbm>> -> memref<1x64x4096xf32, #tpu.memory_space<hbm>>
      %dma_wait3A_227 = tpu.memref_squeeze %dma_wait3A_226 : memref<1x64x4096xf32, #tpu.memory_space<hbm>> -> memref<64x4096xf32, #tpu.memory_space<hbm>>
      %dma_wait3A_228 = arith.constant 16 : i32
      %dma_wait3A_229 = arith.constant 0 : i32
      %dma_wait3A_230 = tpu.memref_slice %dma_wait3A_227[%dma_wait3A_228, %dma_wait3A_229] : memref<64x4096xf32, #tpu.memory_space<hbm>> -> memref<8x4096xf32, #tpu.memory_space<hbm>>
      tpu.wait_dma2 semaphore(%arg9 : memref<!tpu.dma_semaphore, #tpu.memory_space<semaphore_mem>>) src(%arg5 : memref<8x4096xf32, #tpu.memory_space<vmem>>) dst(%dma_wait3A_230 : memref<8x4096xf32, #tpu.memory_space<hbm>>)
      %dma_start3A_231 = arith.constant 0 : i32
      %dma_start3A_232 = arith.constant 0 : i32
      %dma_start3A_233 = tpu.memref_slice %arg2[%add3A_6, %dma_start3A_231, %dma_start3A_232] : memref<200x64x4096xf32, #tpu.memory_space<hbm>> -> memref<1x64x4096xf32, #tpu.memory_space<hbm>>
      %dma_start3A_234 = tpu.memref_squeeze %dma_start3A_233 : memref<1x64x4096xf32, #tpu.memory_space<hbm>> -> memref<64x4096xf32, #tpu.memory_space<hbm>>
      %dma_start3A_235 = arith.constant 32 : i32
      %dma_start3A_236 = arith.constant 0 : i32
      %dma_start3A_237 = tpu.memref_slice %dma_start3A_234[%dma_start3A_235, %dma_start3A_236] : memref<64x4096xf32, #tpu.memory_space<hbm>> -> memref<8x4096xf32, #tpu.memory_space<hbm>>
      %dma_start3A_238 = arith.constant 0 : i32
      %dma_start3A_239 = arith.constant 0 : i32
      %dma_start3A_240 = tpu.memref_slice %arg2[%add3A_6, %dma_start3A_238, %dma_start3A_239] : memref<200x64x4096xf32, #tpu.memory_space<hbm>> -> memref<1x64x4096xf32, #tpu.memory_space<hbm>>
      %dma_start3A_241 = tpu.memref_squeeze %dma_start3A_240 : memref<1x64x4096xf32, #tpu.memory_space<hbm>> -> memref<64x4096xf32, #tpu.memory_space<hbm>>
      %dma_start3A_242 = arith.constant 32 : i32
      %dma_start3A_243 = arith.constant 0 : i32
      %dma_start3A_244 = tpu.memref_slice %dma_start3A_241[%dma_start3A_242, %dma_start3A_243] : memref<64x4096xf32, #tpu.memory_space<hbm>> -> memref<8x4096xf32, #tpu.memory_space<hbm>>
      tpu.enqueue_dma source(%dma_start3A_244 : memref<8x4096xf32, #tpu.memory_space<hbm>>) target(%arg5 : memref<8x4096xf32, #tpu.memory_space<vmem>>) target_semaphore(%arg7 : memref<!tpu.dma_semaphore, #tpu.memory_space<semaphore_mem>>)
      %dma_wait3A_245 = arith.constant 0 : i32
      %dma_wait3A_246 = arith.constant 0 : i32
      %dma_wait3A_247 = tpu.memref_slice %arg2[%add3A_6, %dma_wait3A_245, %dma_wait3A_246] : memref<200x64x4096xf32, #tpu.memory_space<hbm>> -> memref<1x64x4096xf32, #tpu.memory_space<hbm>>
      %dma_wait3A_248 = tpu.memref_squeeze %dma_wait3A_247 : memref<1x64x4096xf32, #tpu.memory_space<hbm>> -> memref<64x4096xf32, #tpu.memory_space<hbm>>
      %dma_wait3A_249 = arith.constant 24 : i32
      %dma_wait3A_250 = arith.constant 0 : i32
      %dma_wait3A_251 = tpu.memref_slice %dma_wait3A_248[%dma_wait3A_249, %dma_wait3A_250] : memref<64x4096xf32, #tpu.memory_space<hbm>> -> memref<8x4096xf32, #tpu.memory_space<hbm>>
      %dma_wait3A_252 = arith.constant 0 : i32
      %dma_wait3A_253 = arith.constant 0 : i32
      %dma_wait3A_254 = tpu.memref_slice %arg2[%add3A_6, %dma_wait3A_252, %dma_wait3A_253] : memref<200x64x4096xf32, #tpu.memory_space<hbm>> -> memref<1x64x4096xf32, #tpu.memory_space<hbm>>
      %dma_wait3A_255 = tpu.memref_squeeze %dma_wait3A_254 : memref<1x64x4096xf32, #tpu.memory_space<hbm>> -> memref<64x4096xf32, #tpu.memory_space<hbm>>
      %dma_wait3A_256 = arith.constant 24 : i32
      %dma_wait3A_257 = arith.constant 0 : i32
      %dma_wait3A_258 = tpu.memref_slice %dma_wait3A_255[%dma_wait3A_256, %dma_wait3A_257] : memref<64x4096xf32, #tpu.memory_space<hbm>> -> memref<8x4096xf32, #tpu.memory_space<hbm>>
      tpu.wait_dma2 semaphore(%arg8 : memref<!tpu.dma_semaphore, #tpu.memory_space<semaphore_mem>>) src(%dma_wait3A_258 : memref<8x4096xf32, #tpu.memory_space<hbm>>) dst(%arg6 : memref<8x4096xf32, #tpu.memory_space<vmem>>)
      %dma_start3A_259 = arith.constant 0 : i32
      %dma_start3A_260 = arith.constant 0 : i32
      %dma_start3A_261 = tpu.memref_slice %arg4[%add3A_6, %dma_start3A_259, %dma_start3A_260] : memref<201x64x4096xf32, #tpu.memory_space<hbm>> -> memref<1x64x4096xf32, #tpu.memory_space<hbm>>
      %dma_start3A_262 = tpu.memref_squeeze %dma_start3A_261 : memref<1x64x4096xf32, #tpu.memory_space<hbm>> -> memref<64x4096xf32, #tpu.memory_space<hbm>>
      %dma_start3A_263 = arith.constant 24 : i32
      %dma_start3A_264 = arith.constant 0 : i32
      %dma_start3A_265 = tpu.memref_slice %dma_start3A_262[%dma_start3A_263, %dma_start3A_264] : memref<64x4096xf32, #tpu.memory_space<hbm>> -> memref<8x4096xf32, #tpu.memory_space<hbm>>
      %dma_start3A_266 = arith.constant 0 : i32
      %dma_start3A_267 = arith.constant 0 : i32
      %dma_start3A_268 = tpu.memref_slice %arg4[%add3A_6, %dma_start3A_266, %dma_start3A_267] : memref<201x64x4096xf32, #tpu.memory_space<hbm>> -> memref<1x64x4096xf32, #tpu.memory_space<hbm>>
      %dma_start3A_269 = tpu.memref_squeeze %dma_start3A_268 : memref<1x64x4096xf32, #tpu.memory_space<hbm>> -> memref<64x4096xf32, #tpu.memory_space<hbm>>
      %dma_start3A_270 = arith.constant 24 : i32
      %dma_start3A_271 = arith.constant 0 : i32
      %dma_start3A_272 = tpu.memref_slice %dma_start3A_269[%dma_start3A_270, %dma_start3A_271] : memref<64x4096xf32, #tpu.memory_space<hbm>> -> memref<8x4096xf32, #tpu.memory_space<hbm>>
      tpu.enqueue_dma source(%arg6 : memref<8x4096xf32, #tpu.memory_space<vmem>>) target(%dma_start3A_272 : memref<8x4096xf32, #tpu.memory_space<hbm>>) target_semaphore(%arg10 : memref<!tpu.dma_semaphore, #tpu.memory_space<semaphore_mem>>)
      %dma_wait3A_273 = arith.constant 0 : i32
      %dma_wait3A_274 = arith.constant 0 : i32
      %dma_wait3A_275 = tpu.memref_slice %arg4[%add3A_6, %dma_wait3A_273, %dma_wait3A_274] : memref<201x64x4096xf32, #tpu.memory_space<hbm>> -> memref<1x64x4096xf32, #tpu.memory_space<hbm>>
      %dma_wait3A_276 = tpu.memref_squeeze %dma_wait3A_275 : memref<1x64x4096xf32, #tpu.memory_space<hbm>> -> memref<64x4096xf32, #tpu.memory_space<hbm>>
      %dma_wait3A_277 = arith.constant 24 : i32
      %dma_wait3A_278 = arith.constant 0 : i32
      %dma_wait3A_279 = tpu.memref_slice %dma_wait3A_276[%dma_wait3A_277, %dma_wait3A_278] : memref<64x4096xf32, #tpu.memory_space<hbm>> -> memref<8x4096xf32, #tpu.memory_space<hbm>>
      %dma_wait3A_280 = arith.constant 0 : i32
      %dma_wait3A_281 = arith.constant 0 : i32
      %dma_wait3A_282 = tpu.memref_slice %arg4[%add3A_6, %dma_wait3A_280, %dma_wait3A_281] : memref<201x64x4096xf32, #tpu.memory_space<hbm>> -> memref<1x64x4096xf32, #tpu.memory_space<hbm>>
      %dma_wait3A_283 = tpu.memref_squeeze %dma_wait3A_282 : memref<1x64x4096xf32, #tpu.memory_space<hbm>> -> memref<64x4096xf32, #tpu.memory_space<hbm>>
      %dma_wait3A_284 = arith.constant 24 : i32
      %dma_wait3A_285 = arith.constant 0 : i32
      %dma_wait3A_286 = tpu.memref_slice %dma_wait3A_283[%dma_wait3A_284, %dma_wait3A_285] : memref<64x4096xf32, #tpu.memory_space<hbm>> -> memref<8x4096xf32, #tpu.memory_space<hbm>>
      tpu.wait_dma2 semaphore(%arg10 : memref<!tpu.dma_semaphore, #tpu.memory_space<semaphore_mem>>) src(%arg6 : memref<8x4096xf32, #tpu.memory_space<vmem>>) dst(%dma_wait3A_286 : memref<8x4096xf32, #tpu.memory_space<hbm>>)
      %dma_start3A_287 = arith.constant 0 : i32
      %dma_start3A_288 = arith.constant 0 : i32
      %dma_start3A_289 = tpu.memref_slice %arg2[%add3A_6, %dma_start3A_287, %dma_start3A_288] : memref<200x64x4096xf32, #tpu.memory_space<hbm>> -> memref<1x64x4096xf32, #tpu.memory_space<hbm>>
      %dma_start3A_290 = tpu.memref_squeeze %dma_start3A_289 : memref<1x64x4096xf32, #tpu.memory_space<hbm>> -> memref<64x4096xf32, #tpu.memory_space<hbm>>
      %dma_start3A_291 = arith.constant 40 : i32
      %dma_start3A_292 = arith.constant 0 : i32
      %dma_start3A_293 = tpu.memref_slice %dma_start3A_290[%dma_start3A_291, %dma_start3A_292] : memref<64x4096xf32, #tpu.memory_space<hbm>> -> memref<8x4096xf32, #tpu.memory_space<hbm>>
      %dma_start3A_294 = arith.constant 0 : i32
      %dma_start3A_295 = arith.constant 0 : i32
      %dma_start3A_296 = tpu.memref_slice %arg2[%add3A_6, %dma_start3A_294, %dma_start3A_295] : memref<200x64x4096xf32, #tpu.memory_space<hbm>> -> memref<1x64x4096xf32, #tpu.memory_space<hbm>>
      %dma_start3A_297 = tpu.memref_squeeze %dma_start3A_296 : memref<1x64x4096xf32, #tpu.memory_space<hbm>> -> memref<64x4096xf32, #tpu.memory_space<hbm>>
      %dma_start3A_298 = arith.constant 40 : i32
      %dma_start3A_299 = arith.constant 0 : i32
      %dma_start3A_300 = tpu.memref_slice %dma_start3A_297[%dma_start3A_298, %dma_start3A_299] : memref<64x4096xf32, #tpu.memory_space<hbm>> -> memref<8x4096xf32, #tpu.memory_space<hbm>>
      tpu.enqueue_dma source(%dma_start3A_300 : memref<8x4096xf32, #tpu.memory_space<hbm>>) target(%arg6 : memref<8x4096xf32, #tpu.memory_space<vmem>>) target_semaphore(%arg8 : memref<!tpu.dma_semaphore, #tpu.memory_space<semaphore_mem>>)
      %dma_wait3A_301 = arith.constant 0 : i32
      %dma_wait3A_302 = arith.constant 0 : i32
      %dma_wait3A_303 = tpu.memref_slice %arg2[%add3A_6, %dma_wait3A_301, %dma_wait3A_302] : memref<200x64x4096xf32, #tpu.memory_space<hbm>> -> memref<1x64x4096xf32, #tpu.memory_space<hbm>>
      %dma_wait3A_304 = tpu.memref_squeeze %dma_wait3A_303 : memref<1x64x4096xf32, #tpu.memory_space<hbm>> -> memref<64x4096xf32, #tpu.memory_space<hbm>>
      %dma_wait3A_305 = arith.constant 32 : i32
      %dma_wait3A_306 = arith.constant 0 : i32
      %dma_wait3A_307 = tpu.memref_slice %dma_wait3A_304[%dma_wait3A_305, %dma_wait3A_306] : memref<64x4096xf32, #tpu.memory_space<hbm>> -> memref<8x4096xf32, #tpu.memory_space<hbm>>
      %dma_wait3A_308 = arith.constant 0 : i32
      %dma_wait3A_309 = arith.constant 0 : i32
      %dma_wait3A_310 = tpu.memref_slice %arg2[%add3A_6, %dma_wait3A_308, %dma_wait3A_309] : memref<200x64x4096xf32, #tpu.memory_space<hbm>> -> memref<1x64x4096xf32, #tpu.memory_space<hbm>>
      %dma_wait3A_311 = tpu.memref_squeeze %dma_wait3A_310 : memref<1x64x4096xf32, #tpu.memory_space<hbm>> -> memref<64x4096xf32, #tpu.memory_space<hbm>>
      %dma_wait3A_312 = arith.constant 32 : i32
      %dma_wait3A_313 = arith.constant 0 : i32
      %dma_wait3A_314 = tpu.memref_slice %dma_wait3A_311[%dma_wait3A_312, %dma_wait3A_313] : memref<64x4096xf32, #tpu.memory_space<hbm>> -> memref<8x4096xf32, #tpu.memory_space<hbm>>
      tpu.wait_dma2 semaphore(%arg7 : memref<!tpu.dma_semaphore, #tpu.memory_space<semaphore_mem>>) src(%dma_wait3A_314 : memref<8x4096xf32, #tpu.memory_space<hbm>>) dst(%arg5 : memref<8x4096xf32, #tpu.memory_space<vmem>>)
      %dma_start3A_315 = arith.constant 0 : i32
      %dma_start3A_316 = arith.constant 0 : i32
      %dma_start3A_317 = tpu.memref_slice %arg4[%add3A_6, %dma_start3A_315, %dma_start3A_316] : memref<201x64x4096xf32, #tpu.memory_space<hbm>> -> memref<1x64x4096xf32, #tpu.memory_space<hbm>>
      %dma_start3A_318 = tpu.memref_squeeze %dma_start3A_317 : memref<1x64x4096xf32, #tpu.memory_space<hbm>> -> memref<64x4096xf32, #tpu.memory_space<hbm>>
      %dma_start3A_319 = arith.constant 32 : i32
      %dma_start3A_320 = arith.constant 0 : i32
      %dma_start3A_321 = tpu.memref_slice %dma_start3A_318[%dma_start3A_319, %dma_start3A_320] : memref<64x4096xf32, #tpu.memory_space<hbm>> -> memref<8x4096xf32, #tpu.memory_space<hbm>>
      %dma_start3A_322 = arith.constant 0 : i32
      %dma_start3A_323 = arith.constant 0 : i32
      %dma_start3A_324 = tpu.memref_slice %arg4[%add3A_6, %dma_start3A_322, %dma_start3A_323] : memref<201x64x4096xf32, #tpu.memory_space<hbm>> -> memref<1x64x4096xf32, #tpu.memory_space<hbm>>
      %dma_start3A_325 = tpu.memref_squeeze %dma_start3A_324 : memref<1x64x4096xf32, #tpu.memory_space<hbm>> -> memref<64x4096xf32, #tpu.memory_space<hbm>>
      %dma_start3A_326 = arith.constant 32 : i32
      %dma_start3A_327 = arith.constant 0 : i32
      %dma_start3A_328 = tpu.memref_slice %dma_start3A_325[%dma_start3A_326, %dma_start3A_327] : memref<64x4096xf32, #tpu.memory_space<hbm>> -> memref<8x4096xf32, #tpu.memory_space<hbm>>
      tpu.enqueue_dma source(%arg5 : memref<8x4096xf32, #tpu.memory_space<vmem>>) target(%dma_start3A_328 : memref<8x4096xf32, #tpu.memory_space<hbm>>) target_semaphore(%arg9 : memref<!tpu.dma_semaphore, #tpu.memory_space<semaphore_mem>>)
      %dma_wait3A_329 = arith.constant 0 : i32
      %dma_wait3A_330 = arith.constant 0 : i32
      %dma_wait3A_331 = tpu.memref_slice %arg4[%add3A_6, %dma_wait3A_329, %dma_wait3A_330] : memref<201x64x4096xf32, #tpu.memory_space<hbm>> -> memref<1x64x4096xf32, #tpu.memory_space<hbm>>
      %dma_wait3A_332 = tpu.memref_squeeze %dma_wait3A_331 : memref<1x64x4096xf32, #tpu.memory_space<hbm>> -> memref<64x4096xf32, #tpu.memory_space<hbm>>
      %dma_wait3A_333 = arith.constant 32 : i32
      %dma_wait3A_334 = arith.constant 0 : i32
      %dma_wait3A_335 = tpu.memref_slice %dma_wait3A_332[%dma_wait3A_333, %dma_wait3A_334] : memref<64x4096xf32, #tpu.memory_space<hbm>> -> memref<8x4096xf32, #tpu.memory_space<hbm>>
      %dma_wait3A_336 = arith.constant 0 : i32
      %dma_wait3A_337 = arith.constant 0 : i32
      %dma_wait3A_338 = tpu.memref_slice %arg4[%add3A_6, %dma_wait3A_336, %dma_wait3A_337] : memref<201x64x4096xf32, #tpu.memory_space<hbm>> -> memref<1x64x4096xf32, #tpu.memory_space<hbm>>
      %dma_wait3A_339 = tpu.memref_squeeze %dma_wait3A_338 : memref<1x64x4096xf32, #tpu.memory_space<hbm>> -> memref<64x4096xf32, #tpu.memory_space<hbm>>
      %dma_wait3A_340 = arith.constant 32 : i32
      %dma_wait3A_341 = arith.constant 0 : i32
      %dma_wait3A_342 = tpu.memref_slice %dma_wait3A_339[%dma_wait3A_340, %dma_wait3A_341] : memref<64x4096xf32, #tpu.memory_space<hbm>> -> memref<8x4096xf32, #tpu.memory_space<hbm>>
      tpu.wait_dma2 semaphore(%arg9 : memref<!tpu.dma_semaphore, #tpu.memory_space<semaphore_mem>>) src(%arg5 : memref<8x4096xf32, #tpu.memory_space<vmem>>) dst(%dma_wait3A_342 : memref<8x4096xf32, #tpu.memory_space<hbm>>)
      %dma_start3A_343 = arith.constant 0 : i32
      %dma_start3A_344 = arith.constant 0 : i32
      %dma_start3A_345 = tpu.memref_slice %arg2[%add3A_6, %dma_start3A_343, %dma_start3A_344] : memref<200x64x4096xf32, #tpu.memory_space<hbm>> -> memref<1x64x4096xf32, #tpu.memory_space<hbm>>
      %dma_start3A_346 = tpu.memref_squeeze %dma_start3A_345 : memref<1x64x4096xf32, #tpu.memory_space<hbm>> -> memref<64x4096xf32, #tpu.memory_space<hbm>>
      %dma_start3A_347 = arith.constant 48 : i32
      %dma_start3A_348 = arith.constant 0 : i32
      %dma_start3A_349 = tpu.memref_slice %dma_start3A_346[%dma_start3A_347, %dma_start3A_348] : memref<64x4096xf32, #tpu.memory_space<hbm>> -> memref<8x4096xf32, #tpu.memory_space<hbm>>
      %dma_start3A_350 = arith.constant 0 : i32
      %dma_start3A_351 = arith.constant 0 : i32
      %dma_start3A_352 = tpu.memref_slice %arg2[%add3A_6, %dma_start3A_350, %dma_start3A_351] : memref<200x64x4096xf32, #tpu.memory_space<hbm>> -> memref<1x64x4096xf32, #tpu.memory_space<hbm>>
      %dma_start3A_353 = tpu.memref_squeeze %dma_start3A_352 : memref<1x64x4096xf32, #tpu.memory_space<hbm>> -> memref<64x4096xf32, #tpu.memory_space<hbm>>
      %dma_start3A_354 = arith.constant 48 : i32
      %dma_start3A_355 = arith.constant 0 : i32
      %dma_start3A_356 = tpu.memref_slice %dma_start3A_353[%dma_start3A_354, %dma_start3A_355] : memref<64x4096xf32, #tpu.memory_space<hbm>> -> memref<8x4096xf32, #tpu.memory_space<hbm>>
      tpu.enqueue_dma source(%dma_start3A_356 : memref<8x4096xf32, #tpu.memory_space<hbm>>) target(%arg5 : memref<8x4096xf32, #tpu.memory_space<vmem>>) target_semaphore(%arg7 : memref<!tpu.dma_semaphore, #tpu.memory_space<semaphore_mem>>)
      %dma_wait3A_357 = arith.constant 0 : i32
      %dma_wait3A_358 = arith.constant 0 : i32
      %dma_wait3A_359 = tpu.memref_slice %arg2[%add3A_6, %dma_wait3A_357, %dma_wait3A_358] : memref<200x64x4096xf32, #tpu.memory_space<hbm>> -> memref<1x64x4096xf32, #tpu.memory_space<hbm>>
      %dma_wait3A_360 = tpu.memref_squeeze %dma_wait3A_359 : memref<1x64x4096xf32, #tpu.memory_space<hbm>> -> memref<64x4096xf32, #tpu.memory_space<hbm>>
      %dma_wait3A_361 = arith.constant 40 : i32
      %dma_wait3A_362 = arith.constant 0 : i32
      %dma_wait3A_363 = tpu.memref_slice %dma_wait3A_360[%dma_wait3A_361, %dma_wait3A_362] : memref<64x4096xf32, #tpu.memory_space<hbm>> -> memref<8x4096xf32, #tpu.memory_space<hbm>>
      %dma_wait3A_364 = arith.constant 0 : i32
      %dma_wait3A_365 = arith.constant 0 : i32
      %dma_wait3A_366 = tpu.memref_slice %arg2[%add3A_6, %dma_wait3A_364, %dma_wait3A_365] : memref<200x64x4096xf32, #tpu.memory_space<hbm>> -> memref<1x64x4096xf32, #tpu.memory_space<hbm>>
      %dma_wait3A_367 = tpu.memref_squeeze %dma_wait3A_366 : memref<1x64x4096xf32, #tpu.memory_space<hbm>> -> memref<64x4096xf32, #tpu.memory_space<hbm>>
      %dma_wait3A_368 = arith.constant 40 : i32
      %dma_wait3A_369 = arith.constant 0 : i32
      %dma_wait3A_370 = tpu.memref_slice %dma_wait3A_367[%dma_wait3A_368, %dma_wait3A_369] : memref<64x4096xf32, #tpu.memory_space<hbm>> -> memref<8x4096xf32, #tpu.memory_space<hbm>>
      tpu.wait_dma2 semaphore(%arg8 : memref<!tpu.dma_semaphore, #tpu.memory_space<semaphore_mem>>) src(%dma_wait3A_370 : memref<8x4096xf32, #tpu.memory_space<hbm>>) dst(%arg6 : memref<8x4096xf32, #tpu.memory_space<vmem>>)
      %dma_start3A_371 = arith.constant 0 : i32
      %dma_start3A_372 = arith.constant 0 : i32
      %dma_start3A_373 = tpu.memref_slice %arg4[%add3A_6, %dma_start3A_371, %dma_start3A_372] : memref<201x64x4096xf32, #tpu.memory_space<hbm>> -> memref<1x64x4096xf32, #tpu.memory_space<hbm>>
      %dma_start3A_374 = tpu.memref_squeeze %dma_start3A_373 : memref<1x64x4096xf32, #tpu.memory_space<hbm>> -> memref<64x4096xf32, #tpu.memory_space<hbm>>
      %dma_start3A_375 = arith.constant 40 : i32
      %dma_start3A_376 = arith.constant 0 : i32
      %dma_start3A_377 = tpu.memref_slice %dma_start3A_374[%dma_start3A_375, %dma_start3A_376] : memref<64x4096xf32, #tpu.memory_space<hbm>> -> memref<8x4096xf32, #tpu.memory_space<hbm>>
      %dma_start3A_378 = arith.constant 0 : i32
      %dma_start3A_379 = arith.constant 0 : i32
      %dma_start3A_380 = tpu.memref_slice %arg4[%add3A_6, %dma_start3A_378, %dma_start3A_379] : memref<201x64x4096xf32, #tpu.memory_space<hbm>> -> memref<1x64x4096xf32, #tpu.memory_space<hbm>>
      %dma_start3A_381 = tpu.memref_squeeze %dma_start3A_380 : memref<1x64x4096xf32, #tpu.memory_space<hbm>> -> memref<64x4096xf32, #tpu.memory_space<hbm>>
      %dma_start3A_382 = arith.constant 40 : i32
      %dma_start3A_383 = arith.constant 0 : i32
      %dma_start3A_384 = tpu.memref_slice %dma_start3A_381[%dma_start3A_382, %dma_start3A_383] : memref<64x4096xf32, #tpu.memory_space<hbm>> -> memref<8x4096xf32, #tpu.memory_space<hbm>>
      tpu.enqueue_dma source(%arg6 : memref<8x4096xf32, #tpu.memory_space<vmem>>) target(%dma_start3A_384 : memref<8x4096xf32, #tpu.memory_space<hbm>>) target_semaphore(%arg10 : memref<!tpu.dma_semaphore, #tpu.memory_space<semaphore_mem>>)
      %dma_wait3A_385 = arith.constant 0 : i32
      %dma_wait3A_386 = arith.constant 0 : i32
      %dma_wait3A_387 = tpu.memref_slice %arg4[%add3A_6, %dma_wait3A_385, %dma_wait3A_386] : memref<201x64x4096xf32, #tpu.memory_space<hbm>> -> memref<1x64x4096xf32, #tpu.memory_space<hbm>>
      %dma_wait3A_388 = tpu.memref_squeeze %dma_wait3A_387 : memref<1x64x4096xf32, #tpu.memory_space<hbm>> -> memref<64x4096xf32, #tpu.memory_space<hbm>>
      %dma_wait3A_389 = arith.constant 40 : i32
      %dma_wait3A_390 = arith.constant 0 : i32
      %dma_wait3A_391 = tpu.memref_slice %dma_wait3A_388[%dma_wait3A_389, %dma_wait3A_390] : memref<64x4096xf32, #tpu.memory_space<hbm>> -> memref<8x4096xf32, #tpu.memory_space<hbm>>
      %dma_wait3A_392 = arith.constant 0 : i32
      %dma_wait3A_393 = arith.constant 0 : i32
      %dma_wait3A_394 = tpu.memref_slice %arg4[%add3A_6, %dma_wait3A_392, %dma_wait3A_393] : memref<201x64x4096xf32, #tpu.memory_space<hbm>> -> memref<1x64x4096xf32, #tpu.memory_space<hbm>>
      %dma_wait3A_395 = tpu.memref_squeeze %dma_wait3A_394 : memref<1x64x4096xf32, #tpu.memory_space<hbm>> -> memref<64x4096xf32, #tpu.memory_space<hbm>>
      %dma_wait3A_396 = arith.constant 40 : i32
      %dma_wait3A_397 = arith.constant 0 : i32
      %dma_wait3A_398 = tpu.memref_slice %dma_wait3A_395[%dma_wait3A_396, %dma_wait3A_397] : memref<64x4096xf32, #tpu.memory_space<hbm>> -> memref<8x4096xf32, #tpu.memory_space<hbm>>
      tpu.wait_dma2 semaphore(%arg10 : memref<!tpu.dma_semaphore, #tpu.memory_space<semaphore_mem>>) src(%arg6 : memref<8x4096xf32, #tpu.memory_space<vmem>>) dst(%dma_wait3A_398 : memref<8x4096xf32, #tpu.memory_space<hbm>>)
      %dma_start3A_399 = arith.constant 0 : i32
      %dma_start3A_400 = arith.constant 0 : i32
      %dma_start3A_401 = tpu.memref_slice %arg2[%add3A_6, %dma_start3A_399, %dma_start3A_400] : memref<200x64x4096xf32, #tpu.memory_space<hbm>> -> memref<1x64x4096xf32, #tpu.memory_space<hbm>>
      %dma_start3A_402 = tpu.memref_squeeze %dma_start3A_401 : memref<1x64x4096xf32, #tpu.memory_space<hbm>> -> memref<64x4096xf32, #tpu.memory_space<hbm>>
      %dma_start3A_403 = arith.constant 56 : i32
      %dma_start3A_404 = arith.constant 0 : i32
      %dma_start3A_405 = tpu.memref_slice %dma_start3A_402[%dma_start3A_403, %dma_start3A_404] : memref<64x4096xf32, #tpu.memory_space<hbm>> -> memref<8x4096xf32, #tpu.memory_space<hbm>>
      %dma_start3A_406 = arith.constant 0 : i32
      %dma_start3A_407 = arith.constant 0 : i32
      %dma_start3A_408 = tpu.memref_slice %arg2[%add3A_6, %dma_start3A_406, %dma_start3A_407] : memref<200x64x4096xf32, #tpu.memory_space<hbm>> -> memref<1x64x4096xf32, #tpu.memory_space<hbm>>
      %dma_start3A_409 = tpu.memref_squeeze %dma_start3A_408 : memref<1x64x4096xf32, #tpu.memory_space<hbm>> -> memref<64x4096xf32, #tpu.memory_space<hbm>>
      %dma_start3A_410 = arith.constant 56 : i32
      %dma_start3A_411 = arith.constant 0 : i32
      %dma_start3A_412 = tpu.memref_slice %dma_start3A_409[%dma_start3A_410, %dma_start3A_411] : memref<64x4096xf32, #tpu.memory_space<hbm>> -> memref<8x4096xf32, #tpu.memory_space<hbm>>
      tpu.enqueue_dma source(%dma_start3A_412 : memref<8x4096xf32, #tpu.memory_space<hbm>>) target(%arg6 : memref<8x4096xf32, #tpu.memory_space<vmem>>) target_semaphore(%arg8 : memref<!tpu.dma_semaphore, #tpu.memory_space<semaphore_mem>>)
      %dma_wait3A_413 = arith.constant 0 : i32
      %dma_wait3A_414 = arith.constant 0 : i32
      %dma_wait3A_415 = tpu.memref_slice %arg2[%add3A_6, %dma_wait3A_413, %dma_wait3A_414] : memref<200x64x4096xf32, #tpu.memory_space<hbm>> -> memref<1x64x4096xf32, #tpu.memory_space<hbm>>
      %dma_wait3A_416 = tpu.memref_squeeze %dma_wait3A_415 : memref<1x64x4096xf32, #tpu.memory_space<hbm>> -> memref<64x4096xf32, #tpu.memory_space<hbm>>
      %dma_wait3A_417 = arith.constant 48 : i32
      %dma_wait3A_418 = arith.constant 0 : i32
      %dma_wait3A_419 = tpu.memref_slice %dma_wait3A_416[%dma_wait3A_417, %dma_wait3A_418] : memref<64x4096xf32, #tpu.memory_space<hbm>> -> memref<8x4096xf32, #tpu.memory_space<hbm>>
      %dma_wait3A_420 = arith.constant 0 : i32
      %dma_wait3A_421 = arith.constant 0 : i32
      %dma_wait3A_422 = tpu.memref_slice %arg2[%add3A_6, %dma_wait3A_420, %dma_wait3A_421] : memref<200x64x4096xf32, #tpu.memory_space<hbm>> -> memref<1x64x4096xf32, #tpu.memory_space<hbm>>
      %dma_wait3A_423 = tpu.memref_squeeze %dma_wait3A_422 : memref<1x64x4096xf32, #tpu.memory_space<hbm>> -> memref<64x4096xf32, #tpu.memory_space<hbm>>
      %dma_wait3A_424 = arith.constant 48 : i32
      %dma_wait3A_425 = arith.constant 0 : i32
      %dma_wait3A_426 = tpu.memref_slice %dma_wait3A_423[%dma_wait3A_424, %dma_wait3A_425] : memref<64x4096xf32, #tpu.memory_space<hbm>> -> memref<8x4096xf32, #tpu.memory_space<hbm>>
      tpu.wait_dma2 semaphore(%arg7 : memref<!tpu.dma_semaphore, #tpu.memory_space<semaphore_mem>>) src(%dma_wait3A_426 : memref<8x4096xf32, #tpu.memory_space<hbm>>) dst(%arg5 : memref<8x4096xf32, #tpu.memory_space<vmem>>)
      %dma_start3A_427 = arith.constant 0 : i32
      %dma_start3A_428 = arith.constant 0 : i32
      %dma_start3A_429 = tpu.memref_slice %arg4[%add3A_6, %dma_start3A_427, %dma_start3A_428] : memref<201x64x4096xf32, #tpu.memory_space<hbm>> -> memref<1x64x4096xf32, #tpu.memory_space<hbm>>
      %dma_start3A_430 = tpu.memref_squeeze %dma_start3A_429 : memref<1x64x4096xf32, #tpu.memory_space<hbm>> -> memref<64x4096xf32, #tpu.memory_space<hbm>>
      %dma_start3A_431 = arith.constant 48 : i32
      %dma_start3A_432 = arith.constant 0 : i32
      %dma_start3A_433 = tpu.memref_slice %dma_start3A_430[%dma_start3A_431, %dma_start3A_432] : memref<64x4096xf32, #tpu.memory_space<hbm>> -> memref<8x4096xf32, #tpu.memory_space<hbm>>
      %dma_start3A_434 = arith.constant 0 : i32
      %dma_start3A_435 = arith.constant 0 : i32
      %dma_start3A_436 = tpu.memref_slice %arg4[%add3A_6, %dma_start3A_434, %dma_start3A_435] : memref<201x64x4096xf32, #tpu.memory_space<hbm>> -> memref<1x64x4096xf32, #tpu.memory_space<hbm>>
      %dma_start3A_437 = tpu.memref_squeeze %dma_start3A_436 : memref<1x64x4096xf32, #tpu.memory_space<hbm>> -> memref<64x4096xf32, #tpu.memory_space<hbm>>
      %dma_start3A_438 = arith.constant 48 : i32
      %dma_start3A_439 = arith.constant 0 : i32
      %dma_start3A_440 = tpu.memref_slice %dma_start3A_437[%dma_start3A_438, %dma_start3A_439] : memref<64x4096xf32, #tpu.memory_space<hbm>> -> memref<8x4096xf32, #tpu.memory_space<hbm>>
      tpu.enqueue_dma source(%arg5 : memref<8x4096xf32, #tpu.memory_space<vmem>>) target(%dma_start3A_440 : memref<8x4096xf32, #tpu.memory_space<hbm>>) target_semaphore(%arg9 : memref<!tpu.dma_semaphore, #tpu.memory_space<semaphore_mem>>)
      %dma_wait3A_441 = arith.constant 0 : i32
      %dma_wait3A_442 = arith.constant 0 : i32
      %dma_wait3A_443 = tpu.memref_slice %arg2[%add3A_6, %dma_wait3A_441, %dma_wait3A_442] : memref<200x64x4096xf32, #tpu.memory_space<hbm>> -> memref<1x64x4096xf32, #tpu.memory_space<hbm>>
      %dma_wait3A_444 = tpu.memref_squeeze %dma_wait3A_443 : memref<1x64x4096xf32, #tpu.memory_space<hbm>> -> memref<64x4096xf32, #tpu.memory_space<hbm>>
      %dma_wait3A_445 = arith.constant 56 : i32
      %dma_wait3A_446 = arith.constant 0 : i32
      %dma_wait3A_447 = tpu.memref_slice %dma_wait3A_444[%dma_wait3A_445, %dma_wait3A_446] : memref<64x4096xf32, #tpu.memory_space<hbm>> -> memref<8x4096xf32, #tpu.memory_space<hbm>>
      %dma_wait3A_448 = arith.constant 0 : i32
      %dma_wait3A_449 = arith.constant 0 : i32
      %dma_wait3A_450 = tpu.memref_slice %arg2[%add3A_6, %dma_wait3A_448, %dma_wait3A_449] : memref<200x64x4096xf32, #tpu.memory_space<hbm>> -> memref<1x64x4096xf32, #tpu.memory_space<hbm>>
      %dma_wait3A_451 = tpu.memref_squeeze %dma_wait3A_450 : memref<1x64x4096xf32, #tpu.memory_space<hbm>> -> memref<64x4096xf32, #tpu.memory_space<hbm>>
      %dma_wait3A_452 = arith.constant 56 : i32
      %dma_wait3A_453 = arith.constant 0 : i32
      %dma_wait3A_454 = tpu.memref_slice %dma_wait3A_451[%dma_wait3A_452, %dma_wait3A_453] : memref<64x4096xf32, #tpu.memory_space<hbm>> -> memref<8x4096xf32, #tpu.memory_space<hbm>>
      tpu.wait_dma2 semaphore(%arg8 : memref<!tpu.dma_semaphore, #tpu.memory_space<semaphore_mem>>) src(%dma_wait3A_454 : memref<8x4096xf32, #tpu.memory_space<hbm>>) dst(%arg6 : memref<8x4096xf32, #tpu.memory_space<vmem>>)
      %dma_start3A_455 = arith.constant 0 : i32
      %dma_start3A_456 = arith.constant 0 : i32
      %dma_start3A_457 = tpu.memref_slice %arg4[%add3A_6, %dma_start3A_455, %dma_start3A_456] : memref<201x64x4096xf32, #tpu.memory_space<hbm>> -> memref<1x64x4096xf32, #tpu.memory_space<hbm>>
      %dma_start3A_458 = tpu.memref_squeeze %dma_start3A_457 : memref<1x64x4096xf32, #tpu.memory_space<hbm>> -> memref<64x4096xf32, #tpu.memory_space<hbm>>
      %dma_start3A_459 = arith.constant 56 : i32
      %dma_start3A_460 = arith.constant 0 : i32
      %dma_start3A_461 = tpu.memref_slice %dma_start3A_458[%dma_start3A_459, %dma_start3A_460] : memref<64x4096xf32, #tpu.memory_space<hbm>> -> memref<8x4096xf32, #tpu.memory_space<hbm>>
      %dma_start3A_462 = arith.constant 0 : i32
      %dma_start3A_463 = arith.constant 0 : i32
      %dma_start3A_464 = tpu.memref_slice %arg4[%add3A_6, %dma_start3A_462, %dma_start3A_463] : memref<201x64x4096xf32, #tpu.memory_space<hbm>> -> memref<1x64x4096xf32, #tpu.memory_space<hbm>>
      %dma_start3A_465 = tpu.memref_squeeze %dma_start3A_464 : memref<1x64x4096xf32, #tpu.memory_space<hbm>> -> memref<64x4096xf32, #tpu.memory_space<hbm>>
      %dma_start3A_466 = arith.constant 56 : i32
      %dma_start3A_467 = arith.constant 0 : i32
      %dma_start3A_468 = tpu.memref_slice %dma_start3A_465[%dma_start3A_466, %dma_start3A_467] : memref<64x4096xf32, #tpu.memory_space<hbm>> -> memref<8x4096xf32, #tpu.memory_space<hbm>>
      tpu.enqueue_dma source(%arg6 : memref<8x4096xf32, #tpu.memory_space<vmem>>) target(%dma_start3A_468 : memref<8x4096xf32, #tpu.memory_space<hbm>>) target_semaphore(%arg10 : memref<!tpu.dma_semaphore, #tpu.memory_space<semaphore_mem>>)
      %dma_wait3A_469 = arith.constant 0 : i32
      %dma_wait3A_470 = arith.constant 0 : i32
      %dma_wait3A_471 = tpu.memref_slice %arg4[%add3A_6, %dma_wait3A_469, %dma_wait3A_470] : memref<201x64x4096xf32, #tpu.memory_space<hbm>> -> memref<1x64x4096xf32, #tpu.memory_space<hbm>>
      %dma_wait3A_472 = tpu.memref_squeeze %dma_wait3A_471 : memref<1x64x4096xf32, #tpu.memory_space<hbm>> -> memref<64x4096xf32, #tpu.memory_space<hbm>>
      %dma_wait3A_473 = arith.constant 48 : i32
      %dma_wait3A_474 = arith.constant 0 : i32
      %dma_wait3A_475 = tpu.memref_slice %dma_wait3A_472[%dma_wait3A_473, %dma_wait3A_474] : memref<64x4096xf32, #tpu.memory_space<hbm>> -> memref<8x4096xf32, #tpu.memory_space<hbm>>
      %dma_wait3A_476 = arith.constant 0 : i32
      %dma_wait3A_477 = arith.constant 0 : i32
      %dma_wait3A_478 = tpu.memref_slice %arg4[%add3A_6, %dma_wait3A_476, %dma_wait3A_477] : memref<201x64x4096xf32, #tpu.memory_space<hbm>> -> memref<1x64x4096xf32, #tpu.memory_space<hbm>>
      %dma_wait3A_479 = tpu.memref_squeeze %dma_wait3A_478 : memref<1x64x4096xf32, #tpu.memory_space<hbm>> -> memref<64x4096xf32, #tpu.memory_space<hbm>>
      %dma_wait3A_480 = arith.constant 48 : i32
      %dma_wait3A_481 = arith.constant 0 : i32
      %dma_wait3A_482 = tpu.memref_slice %dma_wait3A_479[%dma_wait3A_480, %dma_wait3A_481] : memref<64x4096xf32, #tpu.memory_space<hbm>> -> memref<8x4096xf32, #tpu.memory_space<hbm>>
      tpu.wait_dma2 semaphore(%arg9 : memref<!tpu.dma_semaphore, #tpu.memory_space<semaphore_mem>>) src(%arg5 : memref<8x4096xf32, #tpu.memory_space<vmem>>) dst(%dma_wait3A_482 : memref<8x4096xf32, #tpu.memory_space<hbm>>)
      %dma_wait3A_483 = arith.constant 0 : i32
      %dma_wait3A_484 = arith.constant 0 : i32
      %dma_wait3A_485 = tpu.memref_slice %arg4[%add3A_6, %dma_wait3A_483, %dma_wait3A_484] : memref<201x64x4096xf32, #tpu.memory_space<hbm>> -> memref<1x64x4096xf32, #tpu.memory_space<hbm>>
      %dma_wait3A_486 = tpu.memref_squeeze %dma_wait3A_485 : memref<1x64x4096xf32, #tpu.memory_space<hbm>> -> memref<64x4096xf32, #tpu.memory_space<hbm>>
      %dma_wait3A_487 = arith.constant 56 : i32
      %dma_wait3A_488 = arith.constant 0 : i32
      %dma_wait3A_489 = tpu.memref_slice %dma_wait3A_486[%dma_wait3A_487, %dma_wait3A_488] : memref<64x4096xf32, #tpu.memory_space<hbm>> -> memref<8x4096xf32, #tpu.memory_space<hbm>>
      %dma_wait3A_490 = arith.constant 0 : i32
      %dma_wait3A_491 = arith.constant 0 : i32
      %dma_wait3A_492 = tpu.memref_slice %arg4[%add3A_6, %dma_wait3A_490, %dma_wait3A_491] : memref<201x64x4096xf32, #tpu.memory_space<hbm>> -> memref<1x64x4096xf32, #tpu.memory_space<hbm>>
      %dma_wait3A_493 = tpu.memref_squeeze %dma_wait3A_492 : memref<1x64x4096xf32, #tpu.memory_space<hbm>> -> memref<64x4096xf32, #tpu.memory_space<hbm>>
      %dma_wait3A_494 = arith.constant 56 : i32
      %dma_wait3A_495 = arith.constant 0 : i32
      %dma_wait3A_496 = tpu.memref_slice %dma_wait3A_493[%dma_wait3A_494, %dma_wait3A_495] : memref<64x4096xf32, #tpu.memory_space<hbm>> -> memref<8x4096xf32, #tpu.memory_space<hbm>>
      tpu.wait_dma2 semaphore(%arg10 : memref<!tpu.dma_semaphore, #tpu.memory_space<semaphore_mem>>) src(%arg6 : memref<8x4096xf32, #tpu.memory_space<vmem>>) dst(%dma_wait3A_496 : memref<8x4096xf32, #tpu.memory_space<hbm>>)
    } else {
    }
    %add3A_12 = arith.constant 64 : i32
    %add3A_13 = arith.addi %add3A, %add3A_12 : i32
    %lt3A_14 = arith.constant 200 : i32
    %lt3A_15 = arith.cmpi slt, %add3A_13, %lt3A_14 : i32
    %convert_element_type3A_16 = arith.extui %lt3A_15 : i1 to i32
    %cond3A_17 = arith.constant 0 : i32
    %cond3A_18 = arith.cmpi ne, %convert_element_type3A_16, %cond3A_17 : i32
    scf.if %cond3A_18 {
      %dma_start3A = arith.constant 0 : i32
      %dma_start3A_51 = arith.constant 0 : i32
      %dma_start3A_52 = tpu.memref_slice %arg2[%add3A_13, %dma_start3A, %dma_start3A_51] : memref<200x64x4096xf32, #tpu.memory_space<hbm>> -> memref<1x64x4096xf32, #tpu.memory_space<hbm>>
      %dma_start3A_53 = tpu.memref_squeeze %dma_start3A_52 : memref<1x64x4096xf32, #tpu.memory_space<hbm>> -> memref<64x4096xf32, #tpu.memory_space<hbm>>
      %dma_start3A_54 = arith.constant 0 : i32
      %dma_start3A_55 = arith.constant 0 : i32
      %dma_start3A_56 = tpu.memref_slice %dma_start3A_53[%dma_start3A_54, %dma_start3A_55] : memref<64x4096xf32, #tpu.memory_space<hbm>> -> memref<8x4096xf32, #tpu.memory_space<hbm>>
      %dma_start3A_57 = arith.constant 0 : i32
      %dma_start3A_58 = arith.constant 0 : i32
      %dma_start3A_59 = tpu.memref_slice %arg2[%add3A_13, %dma_start3A_57, %dma_start3A_58] : memref<200x64x4096xf32, #tpu.memory_space<hbm>> -> memref<1x64x4096xf32, #tpu.memory_space<hbm>>
      %dma_start3A_60 = tpu.memref_squeeze %dma_start3A_59 : memref<1x64x4096xf32, #tpu.memory_space<hbm>> -> memref<64x4096xf32, #tpu.memory_space<hbm>>
      %dma_start3A_61 = arith.constant 0 : i32
      %dma_start3A_62 = arith.constant 0 : i32
      %dma_start3A_63 = tpu.memref_slice %dma_start3A_60[%dma_start3A_61, %dma_start3A_62] : memref<64x4096xf32, #tpu.memory_space<hbm>> -> memref<8x4096xf32, #tpu.memory_space<hbm>>
      tpu.enqueue_dma source(%dma_start3A_63 : memref<8x4096xf32, #tpu.memory_space<hbm>>) target(%arg5 : memref<8x4096xf32, #tpu.memory_space<vmem>>) target_semaphore(%arg7 : memref<!tpu.dma_semaphore, #tpu.memory_space<semaphore_mem>>)
      %dma_start3A_64 = arith.constant 0 : i32
      %dma_start3A_65 = arith.constant 0 : i32
      %dma_start3A_66 = tpu.memref_slice %arg2[%add3A_13, %dma_start3A_64, %dma_start3A_65] : memref<200x64x4096xf32, #tpu.memory_space<hbm>> -> memref<1x64x4096xf32, #tpu.memory_space<hbm>>
      %dma_start3A_67 = tpu.memref_squeeze %dma_start3A_66 : memref<1x64x4096xf32, #tpu.memory_space<hbm>> -> memref<64x4096xf32, #tpu.memory_space<hbm>>
      %dma_start3A_68 = arith.constant 8 : i32
      %dma_start3A_69 = arith.constant 0 : i32
      %dma_start3A_70 = tpu.memref_slice %dma_start3A_67[%dma_start3A_68, %dma_start3A_69] : memref<64x4096xf32, #tpu.memory_space<hbm>> -> memref<8x4096xf32, #tpu.memory_space<hbm>>
      %dma_start3A_71 = arith.constant 0 : i32
      %dma_start3A_72 = arith.constant 0 : i32
      %dma_start3A_73 = tpu.memref_slice %arg2[%add3A_13, %dma_start3A_71, %dma_start3A_72] : memref<200x64x4096xf32, #tpu.memory_space<hbm>> -> memref<1x64x4096xf32, #tpu.memory_space<hbm>>
      %dma_start3A_74 = tpu.memref_squeeze %dma_start3A_73 : memref<1x64x4096xf32, #tpu.memory_space<hbm>> -> memref<64x4096xf32, #tpu.memory_space<hbm>>
      %dma_start3A_75 = arith.constant 8 : i32
      %dma_start3A_76 = arith.constant 0 : i32
      %dma_start3A_77 = tpu.memref_slice %dma_start3A_74[%dma_start3A_75, %dma_start3A_76] : memref<64x4096xf32, #tpu.memory_space<hbm>> -> memref<8x4096xf32, #tpu.memory_space<hbm>>
      tpu.enqueue_dma source(%dma_start3A_77 : memref<8x4096xf32, #tpu.memory_space<hbm>>) target(%arg6 : memref<8x4096xf32, #tpu.memory_space<vmem>>) target_semaphore(%arg8 : memref<!tpu.dma_semaphore, #tpu.memory_space<semaphore_mem>>)
      %dma_wait3A = arith.constant 0 : i32
      %dma_wait3A_78 = arith.constant 0 : i32
      %dma_wait3A_79 = tpu.memref_slice %arg2[%add3A_13, %dma_wait3A, %dma_wait3A_78] : memref<200x64x4096xf32, #tpu.memory_space<hbm>> -> memref<1x64x4096xf32, #tpu.memory_space<hbm>>
      %dma_wait3A_80 = tpu.memref_squeeze %dma_wait3A_79 : memref<1x64x4096xf32, #tpu.memory_space<hbm>> -> memref<64x4096xf32, #tpu.memory_space<hbm>>
      %dma_wait3A_81 = arith.constant 0 : i32
      %dma_wait3A_82 = arith.constant 0 : i32
      %dma_wait3A_83 = tpu.memref_slice %dma_wait3A_80[%dma_wait3A_81, %dma_wait3A_82] : memref<64x4096xf32, #tpu.memory_space<hbm>> -> memref<8x4096xf32, #tpu.memory_space<hbm>>
      %dma_wait3A_84 = arith.constant 0 : i32
      %dma_wait3A_85 = arith.constant 0 : i32
      %dma_wait3A_86 = tpu.memref_slice %arg2[%add3A_13, %dma_wait3A_84, %dma_wait3A_85] : memref<200x64x4096xf32, #tpu.memory_space<hbm>> -> memref<1x64x4096xf32, #tpu.memory_space<hbm>>
      %dma_wait3A_87 = tpu.memref_squeeze %dma_wait3A_86 : memref<1x64x4096xf32, #tpu.memory_space<hbm>> -> memref<64x4096xf32, #tpu.memory_space<hbm>>
      %dma_wait3A_88 = arith.constant 0 : i32
      %dma_wait3A_89 = arith.constant 0 : i32
      %dma_wait3A_90 = tpu.memref_slice %dma_wait3A_87[%dma_wait3A_88, %dma_wait3A_89] : memref<64x4096xf32, #tpu.memory_space<hbm>> -> memref<8x4096xf32, #tpu.memory_space<hbm>>
      tpu.wait_dma2 semaphore(%arg7 : memref<!tpu.dma_semaphore, #tpu.memory_space<semaphore_mem>>) src(%dma_wait3A_90 : memref<8x4096xf32, #tpu.memory_space<hbm>>) dst(%arg5 : memref<8x4096xf32, #tpu.memory_space<vmem>>)
      %dma_start3A_91 = arith.constant 0 : i32
      %dma_start3A_92 = arith.constant 0 : i32
      %dma_start3A_93 = tpu.memref_slice %arg4[%add3A_13, %dma_start3A_91, %dma_start3A_92] : memref<201x64x4096xf32, #tpu.memory_space<hbm>> -> memref<1x64x4096xf32, #tpu.memory_space<hbm>>
      %dma_start3A_94 = tpu.memref_squeeze %dma_start3A_93 : memref<1x64x4096xf32, #tpu.memory_space<hbm>> -> memref<64x4096xf32, #tpu.memory_space<hbm>>
      %dma_start3A_95 = arith.constant 0 : i32
      %dma_start3A_96 = arith.constant 0 : i32
      %dma_start3A_97 = tpu.memref_slice %dma_start3A_94[%dma_start3A_95, %dma_start3A_96] : memref<64x4096xf32, #tpu.memory_space<hbm>> -> memref<8x4096xf32, #tpu.memory_space<hbm>>
      %dma_start3A_98 = arith.constant 0 : i32
      %dma_start3A_99 = arith.constant 0 : i32
      %dma_start3A_100 = tpu.memref_slice %arg4[%add3A_13, %dma_start3A_98, %dma_start3A_99] : memref<201x64x4096xf32, #tpu.memory_space<hbm>> -> memref<1x64x4096xf32, #tpu.memory_space<hbm>>
      %dma_start3A_101 = tpu.memref_squeeze %dma_start3A_100 : memref<1x64x4096xf32, #tpu.memory_space<hbm>> -> memref<64x4096xf32, #tpu.memory_space<hbm>>
      %dma_start3A_102 = arith.constant 0 : i32
      %dma_start3A_103 = arith.constant 0 : i32
      %dma_start3A_104 = tpu.memref_slice %dma_start3A_101[%dma_start3A_102, %dma_start3A_103] : memref<64x4096xf32, #tpu.memory_space<hbm>> -> memref<8x4096xf32, #tpu.memory_space<hbm>>
      tpu.enqueue_dma source(%arg5 : memref<8x4096xf32, #tpu.memory_space<vmem>>) target(%dma_start3A_104 : memref<8x4096xf32, #tpu.memory_space<hbm>>) target_semaphore(%arg9 : memref<!tpu.dma_semaphore, #tpu.memory_space<semaphore_mem>>)
      %dma_wait3A_105 = arith.constant 0 : i32
      %dma_wait3A_106 = arith.constant 0 : i32
      %dma_wait3A_107 = tpu.memref_slice %arg4[%add3A_13, %dma_wait3A_105, %dma_wait3A_106] : memref<201x64x4096xf32, #tpu.memory_space<hbm>> -> memref<1x64x4096xf32, #tpu.memory_space<hbm>>
      %dma_wait3A_108 = tpu.memref_squeeze %dma_wait3A_107 : memref<1x64x4096xf32, #tpu.memory_space<hbm>> -> memref<64x4096xf32, #tpu.memory_space<hbm>>
      %dma_wait3A_109 = arith.constant 0 : i32
      %dma_wait3A_110 = arith.constant 0 : i32
      %dma_wait3A_111 = tpu.memref_slice %dma_wait3A_108[%dma_wait3A_109, %dma_wait3A_110] : memref<64x4096xf32, #tpu.memory_space<hbm>> -> memref<8x4096xf32, #tpu.memory_space<hbm>>
      %dma_wait3A_112 = arith.constant 0 : i32
      %dma_wait3A_113 = arith.constant 0 : i32
      %dma_wait3A_114 = tpu.memref_slice %arg4[%add3A_13, %dma_wait3A_112, %dma_wait3A_113] : memref<201x64x4096xf32, #tpu.memory_space<hbm>> -> memref<1x64x4096xf32, #tpu.memory_space<hbm>>
      %dma_wait3A_115 = tpu.memref_squeeze %dma_wait3A_114 : memref<1x64x4096xf32, #tpu.memory_space<hbm>> -> memref<64x4096xf32, #tpu.memory_space<hbm>>
      %dma_wait3A_116 = arith.constant 0 : i32
      %dma_wait3A_117 = arith.constant 0 : i32
      %dma_wait3A_118 = tpu.memref_slice %dma_wait3A_115[%dma_wait3A_116, %dma_wait3A_117] : memref<64x4096xf32, #tpu.memory_space<hbm>> -> memref<8x4096xf32, #tpu.memory_space<hbm>>
      tpu.wait_dma2 semaphore(%arg9 : memref<!tpu.dma_semaphore, #tpu.memory_space<semaphore_mem>>) src(%arg5 : memref<8x4096xf32, #tpu.memory_space<vmem>>) dst(%dma_wait3A_118 : memref<8x4096xf32, #tpu.memory_space<hbm>>)
      %dma_start3A_119 = arith.constant 0 : i32
      %dma_start3A_120 = arith.constant 0 : i32
      %dma_start3A_121 = tpu.memref_slice %arg2[%add3A_13, %dma_start3A_119, %dma_start3A_120] : memref<200x64x4096xf32, #tpu.memory_space<hbm>> -> memref<1x64x4096xf32, #tpu.memory_space<hbm>>
      %dma_start3A_122 = tpu.memref_squeeze %dma_start3A_121 : memref<1x64x4096xf32, #tpu.memory_space<hbm>> -> memref<64x4096xf32, #tpu.memory_space<hbm>>
      %dma_start3A_123 = arith.constant 16 : i32
      %dma_start3A_124 = arith.constant 0 : i32
      %dma_start3A_125 = tpu.memref_slice %dma_start3A_122[%dma_start3A_123, %dma_start3A_124] : memref<64x4096xf32, #tpu.memory_space<hbm>> -> memref<8x4096xf32, #tpu.memory_space<hbm>>
      %dma_start3A_126 = arith.constant 0 : i32
      %dma_start3A_127 = arith.constant 0 : i32
      %dma_start3A_128 = tpu.memref_slice %arg2[%add3A_13, %dma_start3A_126, %dma_start3A_127] : memref<200x64x4096xf32, #tpu.memory_space<hbm>> -> memref<1x64x4096xf32, #tpu.memory_space<hbm>>
      %dma_start3A_129 = tpu.memref_squeeze %dma_start3A_128 : memref<1x64x4096xf32, #tpu.memory_space<hbm>> -> memref<64x4096xf32, #tpu.memory_space<hbm>>
      %dma_start3A_130 = arith.constant 16 : i32
      %dma_start3A_131 = arith.constant 0 : i32
      %dma_start3A_132 = tpu.memref_slice %dma_start3A_129[%dma_start3A_130, %dma_start3A_131] : memref<64x4096xf32, #tpu.memory_space<hbm>> -> memref<8x4096xf32, #tpu.memory_space<hbm>>
      tpu.enqueue_dma source(%dma_start3A_132 : memref<8x4096xf32, #tpu.memory_space<hbm>>) target(%arg5 : memref<8x4096xf32, #tpu.memory_space<vmem>>) target_semaphore(%arg7 : memref<!tpu.dma_semaphore, #tpu.memory_space<semaphore_mem>>)
      %dma_wait3A_133 = arith.constant 0 : i32
      %dma_wait3A_134 = arith.constant 0 : i32
      %dma_wait3A_135 = tpu.memref_slice %arg2[%add3A_13, %dma_wait3A_133, %dma_wait3A_134] : memref<200x64x4096xf32, #tpu.memory_space<hbm>> -> memref<1x64x4096xf32, #tpu.memory_space<hbm>>
      %dma_wait3A_136 = tpu.memref_squeeze %dma_wait3A_135 : memref<1x64x4096xf32, #tpu.memory_space<hbm>> -> memref<64x4096xf32, #tpu.memory_space<hbm>>
      %dma_wait3A_137 = arith.constant 8 : i32
      %dma_wait3A_138 = arith.constant 0 : i32
      %dma_wait3A_139 = tpu.memref_slice %dma_wait3A_136[%dma_wait3A_137, %dma_wait3A_138] : memref<64x4096xf32, #tpu.memory_space<hbm>> -> memref<8x4096xf32, #tpu.memory_space<hbm>>
      %dma_wait3A_140 = arith.constant 0 : i32
      %dma_wait3A_141 = arith.constant 0 : i32
      %dma_wait3A_142 = tpu.memref_slice %arg2[%add3A_13, %dma_wait3A_140, %dma_wait3A_141] : memref<200x64x4096xf32, #tpu.memory_space<hbm>> -> memref<1x64x4096xf32, #tpu.memory_space<hbm>>
      %dma_wait3A_143 = tpu.memref_squeeze %dma_wait3A_142 : memref<1x64x4096xf32, #tpu.memory_space<hbm>> -> memref<64x4096xf32, #tpu.memory_space<hbm>>
      %dma_wait3A_144 = arith.constant 8 : i32
      %dma_wait3A_145 = arith.constant 0 : i32
      %dma_wait3A_146 = tpu.memref_slice %dma_wait3A_143[%dma_wait3A_144, %dma_wait3A_145] : memref<64x4096xf32, #tpu.memory_space<hbm>> -> memref<8x4096xf32, #tpu.memory_space<hbm>>
      tpu.wait_dma2 semaphore(%arg8 : memref<!tpu.dma_semaphore, #tpu.memory_space<semaphore_mem>>) src(%dma_wait3A_146 : memref<8x4096xf32, #tpu.memory_space<hbm>>) dst(%arg6 : memref<8x4096xf32, #tpu.memory_space<vmem>>)
      %dma_start3A_147 = arith.constant 0 : i32
      %dma_start3A_148 = arith.constant 0 : i32
      %dma_start3A_149 = tpu.memref_slice %arg4[%add3A_13, %dma_start3A_147, %dma_start3A_148] : memref<201x64x4096xf32, #tpu.memory_space<hbm>> -> memref<1x64x4096xf32, #tpu.memory_space<hbm>>
      %dma_start3A_150 = tpu.memref_squeeze %dma_start3A_149 : memref<1x64x4096xf32, #tpu.memory_space<hbm>> -> memref<64x4096xf32, #tpu.memory_space<hbm>>
      %dma_start3A_151 = arith.constant 8 : i32
      %dma_start3A_152 = arith.constant 0 : i32
      %dma_start3A_153 = tpu.memref_slice %dma_start3A_150[%dma_start3A_151, %dma_start3A_152] : memref<64x4096xf32, #tpu.memory_space<hbm>> -> memref<8x4096xf32, #tpu.memory_space<hbm>>
      %dma_start3A_154 = arith.constant 0 : i32
      %dma_start3A_155 = arith.constant 0 : i32
      %dma_start3A_156 = tpu.memref_slice %arg4[%add3A_13, %dma_start3A_154, %dma_start3A_155] : memref<201x64x4096xf32, #tpu.memory_space<hbm>> -> memref<1x64x4096xf32, #tpu.memory_space<hbm>>
      %dma_start3A_157 = tpu.memref_squeeze %dma_start3A_156 : memref<1x64x4096xf32, #tpu.memory_space<hbm>> -> memref<64x4096xf32, #tpu.memory_space<hbm>>
      %dma_start3A_158 = arith.constant 8 : i32
      %dma_start3A_159 = arith.constant 0 : i32
      %dma_start3A_160 = tpu.memref_slice %dma_start3A_157[%dma_start3A_158, %dma_start3A_159] : memref<64x4096xf32, #tpu.memory_space<hbm>> -> memref<8x4096xf32, #tpu.memory_space<hbm>>
      tpu.enqueue_dma source(%arg6 : memref<8x4096xf32, #tpu.memory_space<vmem>>) target(%dma_start3A_160 : memref<8x4096xf32, #tpu.memory_space<hbm>>) target_semaphore(%arg10 : memref<!tpu.dma_semaphore, #tpu.memory_space<semaphore_mem>>)
      %dma_wait3A_161 = arith.constant 0 : i32
      %dma_wait3A_162 = arith.constant 0 : i32
      %dma_wait3A_163 = tpu.memref_slice %arg4[%add3A_13, %dma_wait3A_161, %dma_wait3A_162] : memref<201x64x4096xf32, #tpu.memory_space<hbm>> -> memref<1x64x4096xf32, #tpu.memory_space<hbm>>
      %dma_wait3A_164 = tpu.memref_squeeze %dma_wait3A_163 : memref<1x64x4096xf32, #tpu.memory_space<hbm>> -> memref<64x4096xf32, #tpu.memory_space<hbm>>
      %dma_wait3A_165 = arith.constant 8 : i32
      %dma_wait3A_166 = arith.constant 0 : i32
      %dma_wait3A_167 = tpu.memref_slice %dma_wait3A_164[%dma_wait3A_165, %dma_wait3A_166] : memref<64x4096xf32, #tpu.memory_space<hbm>> -> memref<8x4096xf32, #tpu.memory_space<hbm>>
      %dma_wait3A_168 = arith.constant 0 : i32
      %dma_wait3A_169 = arith.constant 0 : i32
      %dma_wait3A_170 = tpu.memref_slice %arg4[%add3A_13, %dma_wait3A_168, %dma_wait3A_169] : memref<201x64x4096xf32, #tpu.memory_space<hbm>> -> memref<1x64x4096xf32, #tpu.memory_space<hbm>>
      %dma_wait3A_171 = tpu.memref_squeeze %dma_wait3A_170 : memref<1x64x4096xf32, #tpu.memory_space<hbm>> -> memref<64x4096xf32, #tpu.memory_space<hbm>>
      %dma_wait3A_172 = arith.constant 8 : i32
      %dma_wait3A_173 = arith.constant 0 : i32
      %dma_wait3A_174 = tpu.memref_slice %dma_wait3A_171[%dma_wait3A_172, %dma_wait3A_173] : memref<64x4096xf32, #tpu.memory_space<hbm>> -> memref<8x4096xf32, #tpu.memory_space<hbm>>
      tpu.wait_dma2 semaphore(%arg10 : memref<!tpu.dma_semaphore, #tpu.memory_space<semaphore_mem>>) src(%arg6 : memref<8x4096xf32, #tpu.memory_space<vmem>>) dst(%dma_wait3A_174 : memref<8x4096xf32, #tpu.memory_space<hbm>>)
      %dma_start3A_175 = arith.constant 0 : i32
      %dma_start3A_176 = arith.constant 0 : i32
      %dma_start3A_177 = tpu.memref_slice %arg2[%add3A_13, %dma_start3A_175, %dma_start3A_176] : memref<200x64x4096xf32, #tpu.memory_space<hbm>> -> memref<1x64x4096xf32, #tpu.memory_space<hbm>>
      %dma_start3A_178 = tpu.memref_squeeze %dma_start3A_177 : memref<1x64x4096xf32, #tpu.memory_space<hbm>> -> memref<64x4096xf32, #tpu.memory_space<hbm>>
      %dma_start3A_179 = arith.constant 24 : i32
      %dma_start3A_180 = arith.constant 0 : i32
      %dma_start3A_181 = tpu.memref_slice %dma_start3A_178[%dma_start3A_179, %dma_start3A_180] : memref<64x4096xf32, #tpu.memory_space<hbm>> -> memref<8x4096xf32, #tpu.memory_space<hbm>>
      %dma_start3A_182 = arith.constant 0 : i32
      %dma_start3A_183 = arith.constant 0 : i32
      %dma_start3A_184 = tpu.memref_slice %arg2[%add3A_13, %dma_start3A_182, %dma_start3A_183] : memref<200x64x4096xf32, #tpu.memory_space<hbm>> -> memref<1x64x4096xf32, #tpu.memory_space<hbm>>
      %dma_start3A_185 = tpu.memref_squeeze %dma_start3A_184 : memref<1x64x4096xf32, #tpu.memory_space<hbm>> -> memref<64x4096xf32, #tpu.memory_space<hbm>>
      %dma_start3A_186 = arith.constant 24 : i32
      %dma_start3A_187 = arith.constant 0 : i32
      %dma_start3A_188 = tpu.memref_slice %dma_start3A_185[%dma_start3A_186, %dma_start3A_187] : memref<64x4096xf32, #tpu.memory_space<hbm>> -> memref<8x4096xf32, #tpu.memory_space<hbm>>
      tpu.enqueue_dma source(%dma_start3A_188 : memref<8x4096xf32, #tpu.memory_space<hbm>>) target(%arg6 : memref<8x4096xf32, #tpu.memory_space<vmem>>) target_semaphore(%arg8 : memref<!tpu.dma_semaphore, #tpu.memory_space<semaphore_mem>>)
      %dma_wait3A_189 = arith.constant 0 : i32
      %dma_wait3A_190 = arith.constant 0 : i32
      %dma_wait3A_191 = tpu.memref_slice %arg2[%add3A_13, %dma_wait3A_189, %dma_wait3A_190] : memref<200x64x4096xf32, #tpu.memory_space<hbm>> -> memref<1x64x4096xf32, #tpu.memory_space<hbm>>
      %dma_wait3A_192 = tpu.memref_squeeze %dma_wait3A_191 : memref<1x64x4096xf32, #tpu.memory_space<hbm>> -> memref<64x4096xf32, #tpu.memory_space<hbm>>
      %dma_wait3A_193 = arith.constant 16 : i32
      %dma_wait3A_194 = arith.constant 0 : i32
      %dma_wait3A_195 = tpu.memref_slice %dma_wait3A_192[%dma_wait3A_193, %dma_wait3A_194] : memref<64x4096xf32, #tpu.memory_space<hbm>> -> memref<8x4096xf32, #tpu.memory_space<hbm>>
      %dma_wait3A_196 = arith.constant 0 : i32
      %dma_wait3A_197 = arith.constant 0 : i32
      %dma_wait3A_198 = tpu.memref_slice %arg2[%add3A_13, %dma_wait3A_196, %dma_wait3A_197] : memref<200x64x4096xf32, #tpu.memory_space<hbm>> -> memref<1x64x4096xf32, #tpu.memory_space<hbm>>
      %dma_wait3A_199 = tpu.memref_squeeze %dma_wait3A_198 : memref<1x64x4096xf32, #tpu.memory_space<hbm>> -> memref<64x4096xf32, #tpu.memory_space<hbm>>
      %dma_wait3A_200 = arith.constant 16 : i32
      %dma_wait3A_201 = arith.constant 0 : i32
      %dma_wait3A_202 = tpu.memref_slice %dma_wait3A_199[%dma_wait3A_200, %dma_wait3A_201] : memref<64x4096xf32, #tpu.memory_space<hbm>> -> memref<8x4096xf32, #tpu.memory_space<hbm>>
      tpu.wait_dma2 semaphore(%arg7 : memref<!tpu.dma_semaphore, #tpu.memory_space<semaphore_mem>>) src(%dma_wait3A_202 : memref<8x4096xf32, #tpu.memory_space<hbm>>) dst(%arg5 : memref<8x4096xf32, #tpu.memory_space<vmem>>)
      %dma_start3A_203 = arith.constant 0 : i32
      %dma_start3A_204 = arith.constant 0 : i32
      %dma_start3A_205 = tpu.memref_slice %arg4[%add3A_13, %dma_start3A_203, %dma_start3A_204] : memref<201x64x4096xf32, #tpu.memory_space<hbm>> -> memref<1x64x4096xf32, #tpu.memory_space<hbm>>
      %dma_start3A_206 = tpu.memref_squeeze %dma_start3A_205 : memref<1x64x4096xf32, #tpu.memory_space<hbm>> -> memref<64x4096xf32, #tpu.memory_space<hbm>>
      %dma_start3A_207 = arith.constant 16 : i32
      %dma_start3A_208 = arith.constant 0 : i32
      %dma_start3A_209 = tpu.memref_slice %dma_start3A_206[%dma_start3A_207, %dma_start3A_208] : memref<64x4096xf32, #tpu.memory_space<hbm>> -> memref<8x4096xf32, #tpu.memory_space<hbm>>
      %dma_start3A_210 = arith.constant 0 : i32
      %dma_start3A_211 = arith.constant 0 : i32
      %dma_start3A_212 = tpu.memref_slice %arg4[%add3A_13, %dma_start3A_210, %dma_start3A_211] : memref<201x64x4096xf32, #tpu.memory_space<hbm>> -> memref<1x64x4096xf32, #tpu.memory_space<hbm>>
      %dma_start3A_213 = tpu.memref_squeeze %dma_start3A_212 : memref<1x64x4096xf32, #tpu.memory_space<hbm>> -> memref<64x4096xf32, #tpu.memory_space<hbm>>
      %dma_start3A_214 = arith.constant 16 : i32
      %dma_start3A_215 = arith.constant 0 : i32
      %dma_start3A_216 = tpu.memref_slice %dma_start3A_213[%dma_start3A_214, %dma_start3A_215] : memref<64x4096xf32, #tpu.memory_space<hbm>> -> memref<8x4096xf32, #tpu.memory_space<hbm>>
      tpu.enqueue_dma source(%arg5 : memref<8x4096xf32, #tpu.memory_space<vmem>>) target(%dma_start3A_216 : memref<8x4096xf32, #tpu.memory_space<hbm>>) target_semaphore(%arg9 : memref<!tpu.dma_semaphore, #tpu.memory_space<semaphore_mem>>)
      %dma_wait3A_217 = arith.constant 0 : i32
      %dma_wait3A_218 = arith.constant 0 : i32
      %dma_wait3A_219 = tpu.memref_slice %arg4[%add3A_13, %dma_wait3A_217, %dma_wait3A_218] : memref<201x64x4096xf32, #tpu.memory_space<hbm>> -> memref<1x64x4096xf32, #tpu.memory_space<hbm>>
      %dma_wait3A_220 = tpu.memref_squeeze %dma_wait3A_219 : memref<1x64x4096xf32, #tpu.memory_space<hbm>> -> memref<64x4096xf32, #tpu.memory_space<hbm>>
      %dma_wait3A_221 = arith.constant 16 : i32
      %dma_wait3A_222 = arith.constant 0 : i32
      %dma_wait3A_223 = tpu.memref_slice %dma_wait3A_220[%dma_wait3A_221, %dma_wait3A_222] : memref<64x4096xf32, #tpu.memory_space<hbm>> -> memref<8x4096xf32, #tpu.memory_space<hbm>>
      %dma_wait3A_224 = arith.constant 0 : i32
      %dma_wait3A_225 = arith.constant 0 : i32
      %dma_wait3A_226 = tpu.memref_slice %arg4[%add3A_13, %dma_wait3A_224, %dma_wait3A_225] : memref<201x64x4096xf32, #tpu.memory_space<hbm>> -> memref<1x64x4096xf32, #tpu.memory_space<hbm>>
      %dma_wait3A_227 = tpu.memref_squeeze %dma_wait3A_226 : memref<1x64x4096xf32, #tpu.memory_space<hbm>> -> memref<64x4096xf32, #tpu.memory_space<hbm>>
      %dma_wait3A_228 = arith.constant 16 : i32
      %dma_wait3A_229 = arith.constant 0 : i32
      %dma_wait3A_230 = tpu.memref_slice %dma_wait3A_227[%dma_wait3A_228, %dma_wait3A_229] : memref<64x4096xf32, #tpu.memory_space<hbm>> -> memref<8x4096xf32, #tpu.memory_space<hbm>>
      tpu.wait_dma2 semaphore(%arg9 : memref<!tpu.dma_semaphore, #tpu.memory_space<semaphore_mem>>) src(%arg5 : memref<8x4096xf32, #tpu.memory_space<vmem>>) dst(%dma_wait3A_230 : memref<8x4096xf32, #tpu.memory_space<hbm>>)
      %dma_start3A_231 = arith.constant 0 : i32
      %dma_start3A_232 = arith.constant 0 : i32
      %dma_start3A_233 = tpu.memref_slice %arg2[%add3A_13, %dma_start3A_231, %dma_start3A_232] : memref<200x64x4096xf32, #tpu.memory_space<hbm>> -> memref<1x64x4096xf32, #tpu.memory_space<hbm>>
      %dma_start3A_234 = tpu.memref_squeeze %dma_start3A_233 : memref<1x64x4096xf32, #tpu.memory_space<hbm>> -> memref<64x4096xf32, #tpu.memory_space<hbm>>
      %dma_start3A_235 = arith.constant 32 : i32
      %dma_start3A_236 = arith.constant 0 : i32
      %dma_start3A_237 = tpu.memref_slice %dma_start3A_234[%dma_start3A_235, %dma_start3A_236] : memref<64x4096xf32, #tpu.memory_space<hbm>> -> memref<8x4096xf32, #tpu.memory_space<hbm>>
      %dma_start3A_238 = arith.constant 0 : i32
      %dma_start3A_239 = arith.constant 0 : i32
      %dma_start3A_240 = tpu.memref_slice %arg2[%add3A_13, %dma_start3A_238, %dma_start3A_239] : memref<200x64x4096xf32, #tpu.memory_space<hbm>> -> memref<1x64x4096xf32, #tpu.memory_space<hbm>>
      %dma_start3A_241 = tpu.memref_squeeze %dma_start3A_240 : memref<1x64x4096xf32, #tpu.memory_space<hbm>> -> memref<64x4096xf32, #tpu.memory_space<hbm>>
      %dma_start3A_242 = arith.constant 32 : i32
      %dma_start3A_243 = arith.constant 0 : i32
      %dma_start3A_244 = tpu.memref_slice %dma_start3A_241[%dma_start3A_242, %dma_start3A_243] : memref<64x4096xf32, #tpu.memory_space<hbm>> -> memref<8x4096xf32, #tpu.memory_space<hbm>>
      tpu.enqueue_dma source(%dma_start3A_244 : memref<8x4096xf32, #tpu.memory_space<hbm>>) target(%arg5 : memref<8x4096xf32, #tpu.memory_space<vmem>>) target_semaphore(%arg7 : memref<!tpu.dma_semaphore, #tpu.memory_space<semaphore_mem>>)
      %dma_wait3A_245 = arith.constant 0 : i32
      %dma_wait3A_246 = arith.constant 0 : i32
      %dma_wait3A_247 = tpu.memref_slice %arg2[%add3A_13, %dma_wait3A_245, %dma_wait3A_246] : memref<200x64x4096xf32, #tpu.memory_space<hbm>> -> memref<1x64x4096xf32, #tpu.memory_space<hbm>>
      %dma_wait3A_248 = tpu.memref_squeeze %dma_wait3A_247 : memref<1x64x4096xf32, #tpu.memory_space<hbm>> -> memref<64x4096xf32, #tpu.memory_space<hbm>>
      %dma_wait3A_249 = arith.constant 24 : i32
      %dma_wait3A_250 = arith.constant 0 : i32
      %dma_wait3A_251 = tpu.memref_slice %dma_wait3A_248[%dma_wait3A_249, %dma_wait3A_250] : memref<64x4096xf32, #tpu.memory_space<hbm>> -> memref<8x4096xf32, #tpu.memory_space<hbm>>
      %dma_wait3A_252 = arith.constant 0 : i32
      %dma_wait3A_253 = arith.constant 0 : i32
      %dma_wait3A_254 = tpu.memref_slice %arg2[%add3A_13, %dma_wait3A_252, %dma_wait3A_253] : memref<200x64x4096xf32, #tpu.memory_space<hbm>> -> memref<1x64x4096xf32, #tpu.memory_space<hbm>>
      %dma_wait3A_255 = tpu.memref_squeeze %dma_wait3A_254 : memref<1x64x4096xf32, #tpu.memory_space<hbm>> -> memref<64x4096xf32, #tpu.memory_space<hbm>>
      %dma_wait3A_256 = arith.constant 24 : i32
      %dma_wait3A_257 = arith.constant 0 : i32
      %dma_wait3A_258 = tpu.memref_slice %dma_wait3A_255[%dma_wait3A_256, %dma_wait3A_257] : memref<64x4096xf32, #tpu.memory_space<hbm>> -> memref<8x4096xf32, #tpu.memory_space<hbm>>
      tpu.wait_dma2 semaphore(%arg8 : memref<!tpu.dma_semaphore, #tpu.memory_space<semaphore_mem>>) src(%dma_wait3A_258 : memref<8x4096xf32, #tpu.memory_space<hbm>>) dst(%arg6 : memref<8x4096xf32, #tpu.memory_space<vmem>>)
      %dma_start3A_259 = arith.constant 0 : i32
      %dma_start3A_260 = arith.constant 0 : i32
      %dma_start3A_261 = tpu.memref_slice %arg4[%add3A_13, %dma_start3A_259, %dma_start3A_260] : memref<201x64x4096xf32, #tpu.memory_space<hbm>> -> memref<1x64x4096xf32, #tpu.memory_space<hbm>>
      %dma_start3A_262 = tpu.memref_squeeze %dma_start3A_261 : memref<1x64x4096xf32, #tpu.memory_space<hbm>> -> memref<64x4096xf32, #tpu.memory_space<hbm>>
      %dma_start3A_263 = arith.constant 24 : i32
      %dma_start3A_264 = arith.constant 0 : i32
      %dma_start3A_265 = tpu.memref_slice %dma_start3A_262[%dma_start3A_263, %dma_start3A_264] : memref<64x4096xf32, #tpu.memory_space<hbm>> -> memref<8x4096xf32, #tpu.memory_space<hbm>>
      %dma_start3A_266 = arith.constant 0 : i32
      %dma_start3A_267 = arith.constant 0 : i32
      %dma_start3A_268 = tpu.memref_slice %arg4[%add3A_13, %dma_start3A_266, %dma_start3A_267] : memref<201x64x4096xf32, #tpu.memory_space<hbm>> -> memref<1x64x4096xf32, #tpu.memory_space<hbm>>
      %dma_start3A_269 = tpu.memref_squeeze %dma_start3A_268 : memref<1x64x4096xf32, #tpu.memory_space<hbm>> -> memref<64x4096xf32, #tpu.memory_space<hbm>>
      %dma_start3A_270 = arith.constant 24 : i32
      %dma_start3A_271 = arith.constant 0 : i32
      %dma_start3A_272 = tpu.memref_slice %dma_start3A_269[%dma_start3A_270, %dma_start3A_271] : memref<64x4096xf32, #tpu.memory_space<hbm>> -> memref<8x4096xf32, #tpu.memory_space<hbm>>
      tpu.enqueue_dma source(%arg6 : memref<8x4096xf32, #tpu.memory_space<vmem>>) target(%dma_start3A_272 : memref<8x4096xf32, #tpu.memory_space<hbm>>) target_semaphore(%arg10 : memref<!tpu.dma_semaphore, #tpu.memory_space<semaphore_mem>>)
      %dma_wait3A_273 = arith.constant 0 : i32
      %dma_wait3A_274 = arith.constant 0 : i32
      %dma_wait3A_275 = tpu.memref_slice %arg4[%add3A_13, %dma_wait3A_273, %dma_wait3A_274] : memref<201x64x4096xf32, #tpu.memory_space<hbm>> -> memref<1x64x4096xf32, #tpu.memory_space<hbm>>
      %dma_wait3A_276 = tpu.memref_squeeze %dma_wait3A_275 : memref<1x64x4096xf32, #tpu.memory_space<hbm>> -> memref<64x4096xf32, #tpu.memory_space<hbm>>
      %dma_wait3A_277 = arith.constant 24 : i32
      %dma_wait3A_278 = arith.constant 0 : i32
      %dma_wait3A_279 = tpu.memref_slice %dma_wait3A_276[%dma_wait3A_277, %dma_wait3A_278] : memref<64x4096xf32, #tpu.memory_space<hbm>> -> memref<8x4096xf32, #tpu.memory_space<hbm>>
      %dma_wait3A_280 = arith.constant 0 : i32
      %dma_wait3A_281 = arith.constant 0 : i32
      %dma_wait3A_282 = tpu.memref_slice %arg4[%add3A_13, %dma_wait3A_280, %dma_wait3A_281] : memref<201x64x4096xf32, #tpu.memory_space<hbm>> -> memref<1x64x4096xf32, #tpu.memory_space<hbm>>
      %dma_wait3A_283 = tpu.memref_squeeze %dma_wait3A_282 : memref<1x64x4096xf32, #tpu.memory_space<hbm>> -> memref<64x4096xf32, #tpu.memory_space<hbm>>
      %dma_wait3A_284 = arith.constant 24 : i32
      %dma_wait3A_285 = arith.constant 0 : i32
      %dma_wait3A_286 = tpu.memref_slice %dma_wait3A_283[%dma_wait3A_284, %dma_wait3A_285] : memref<64x4096xf32, #tpu.memory_space<hbm>> -> memref<8x4096xf32, #tpu.memory_space<hbm>>
      tpu.wait_dma2 semaphore(%arg10 : memref<!tpu.dma_semaphore, #tpu.memory_space<semaphore_mem>>) src(%arg6 : memref<8x4096xf32, #tpu.memory_space<vmem>>) dst(%dma_wait3A_286 : memref<8x4096xf32, #tpu.memory_space<hbm>>)
      %dma_start3A_287 = arith.constant 0 : i32
      %dma_start3A_288 = arith.constant 0 : i32
      %dma_start3A_289 = tpu.memref_slice %arg2[%add3A_13, %dma_start3A_287, %dma_start3A_288] : memref<200x64x4096xf32, #tpu.memory_space<hbm>> -> memref<1x64x4096xf32, #tpu.memory_space<hbm>>
      %dma_start3A_290 = tpu.memref_squeeze %dma_start3A_289 : memref<1x64x4096xf32, #tpu.memory_space<hbm>> -> memref<64x4096xf32, #tpu.memory_space<hbm>>
      %dma_start3A_291 = arith.constant 40 : i32
      %dma_start3A_292 = arith.constant 0 : i32
      %dma_start3A_293 = tpu.memref_slice %dma_start3A_290[%dma_start3A_291, %dma_start3A_292] : memref<64x4096xf32, #tpu.memory_space<hbm>> -> memref<8x4096xf32, #tpu.memory_space<hbm>>
      %dma_start3A_294 = arith.constant 0 : i32
      %dma_start3A_295 = arith.constant 0 : i32
      %dma_start3A_296 = tpu.memref_slice %arg2[%add3A_13, %dma_start3A_294, %dma_start3A_295] : memref<200x64x4096xf32, #tpu.memory_space<hbm>> -> memref<1x64x4096xf32, #tpu.memory_space<hbm>>
      %dma_start3A_297 = tpu.memref_squeeze %dma_start3A_296 : memref<1x64x4096xf32, #tpu.memory_space<hbm>> -> memref<64x4096xf32, #tpu.memory_space<hbm>>
      %dma_start3A_298 = arith.constant 40 : i32
      %dma_start3A_299 = arith.constant 0 : i32
      %dma_start3A_300 = tpu.memref_slice %dma_start3A_297[%dma_start3A_298, %dma_start3A_299] : memref<64x4096xf32, #tpu.memory_space<hbm>> -> memref<8x4096xf32, #tpu.memory_space<hbm>>
      tpu.enqueue_dma source(%dma_start3A_300 : memref<8x4096xf32, #tpu.memory_space<hbm>>) target(%arg6 : memref<8x4096xf32, #tpu.memory_space<vmem>>) target_semaphore(%arg8 : memref<!tpu.dma_semaphore, #tpu.memory_space<semaphore_mem>>)
      %dma_wait3A_301 = arith.constant 0 : i32
      %dma_wait3A_302 = arith.constant 0 : i32
      %dma_wait3A_303 = tpu.memref_slice %arg2[%add3A_13, %dma_wait3A_301, %dma_wait3A_302] : memref<200x64x4096xf32, #tpu.memory_space<hbm>> -> memref<1x64x4096xf32, #tpu.memory_space<hbm>>
      %dma_wait3A_304 = tpu.memref_squeeze %dma_wait3A_303 : memref<1x64x4096xf32, #tpu.memory_space<hbm>> -> memref<64x4096xf32, #tpu.memory_space<hbm>>
      %dma_wait3A_305 = arith.constant 32 : i32
      %dma_wait3A_306 = arith.constant 0 : i32
      %dma_wait3A_307 = tpu.memref_slice %dma_wait3A_304[%dma_wait3A_305, %dma_wait3A_306] : memref<64x4096xf32, #tpu.memory_space<hbm>> -> memref<8x4096xf32, #tpu.memory_space<hbm>>
      %dma_wait3A_308 = arith.constant 0 : i32
      %dma_wait3A_309 = arith.constant 0 : i32
      %dma_wait3A_310 = tpu.memref_slice %arg2[%add3A_13, %dma_wait3A_308, %dma_wait3A_309] : memref<200x64x4096xf32, #tpu.memory_space<hbm>> -> memref<1x64x4096xf32, #tpu.memory_space<hbm>>
      %dma_wait3A_311 = tpu.memref_squeeze %dma_wait3A_310 : memref<1x64x4096xf32, #tpu.memory_space<hbm>> -> memref<64x4096xf32, #tpu.memory_space<hbm>>
      %dma_wait3A_312 = arith.constant 32 : i32
      %dma_wait3A_313 = arith.constant 0 : i32
      %dma_wait3A_314 = tpu.memref_slice %dma_wait3A_311[%dma_wait3A_312, %dma_wait3A_313] : memref<64x4096xf32, #tpu.memory_space<hbm>> -> memref<8x4096xf32, #tpu.memory_space<hbm>>
      tpu.wait_dma2 semaphore(%arg7 : memref<!tpu.dma_semaphore, #tpu.memory_space<semaphore_mem>>) src(%dma_wait3A_314 : memref<8x4096xf32, #tpu.memory_space<hbm>>) dst(%arg5 : memref<8x4096xf32, #tpu.memory_space<vmem>>)
      %dma_start3A_315 = arith.constant 0 : i32
      %dma_start3A_316 = arith.constant 0 : i32
      %dma_start3A_317 = tpu.memref_slice %arg4[%add3A_13, %dma_start3A_315, %dma_start3A_316] : memref<201x64x4096xf32, #tpu.memory_space<hbm>> -> memref<1x64x4096xf32, #tpu.memory_space<hbm>>
      %dma_start3A_318 = tpu.memref_squeeze %dma_start3A_317 : memref<1x64x4096xf32, #tpu.memory_space<hbm>> -> memref<64x4096xf32, #tpu.memory_space<hbm>>
      %dma_start3A_319 = arith.constant 32 : i32
      %dma_start3A_320 = arith.constant 0 : i32
      %dma_start3A_321 = tpu.memref_slice %dma_start3A_318[%dma_start3A_319, %dma_start3A_320] : memref<64x4096xf32, #tpu.memory_space<hbm>> -> memref<8x4096xf32, #tpu.memory_space<hbm>>
      %dma_start3A_322 = arith.constant 0 : i32
      %dma_start3A_323 = arith.constant 0 : i32
      %dma_start3A_324 = tpu.memref_slice %arg4[%add3A_13, %dma_start3A_322, %dma_start3A_323] : memref<201x64x4096xf32, #tpu.memory_space<hbm>> -> memref<1x64x4096xf32, #tpu.memory_space<hbm>>
      %dma_start3A_325 = tpu.memref_squeeze %dma_start3A_324 : memref<1x64x4096xf32, #tpu.memory_space<hbm>> -> memref<64x4096xf32, #tpu.memory_space<hbm>>
      %dma_start3A_326 = arith.constant 32 : i32
      %dma_start3A_327 = arith.constant 0 : i32
      %dma_start3A_328 = tpu.memref_slice %dma_start3A_325[%dma_start3A_326, %dma_start3A_327] : memref<64x4096xf32, #tpu.memory_space<hbm>> -> memref<8x4096xf32, #tpu.memory_space<hbm>>
      tpu.enqueue_dma source(%arg5 : memref<8x4096xf32, #tpu.memory_space<vmem>>) target(%dma_start3A_328 : memref<8x4096xf32, #tpu.memory_space<hbm>>) target_semaphore(%arg9 : memref<!tpu.dma_semaphore, #tpu.memory_space<semaphore_mem>>)
      %dma_wait3A_329 = arith.constant 0 : i32
      %dma_wait3A_330 = arith.constant 0 : i32
      %dma_wait3A_331 = tpu.memref_slice %arg4[%add3A_13, %dma_wait3A_329, %dma_wait3A_330] : memref<201x64x4096xf32, #tpu.memory_space<hbm>> -> memref<1x64x4096xf32, #tpu.memory_space<hbm>>
      %dma_wait3A_332 = tpu.memref_squeeze %dma_wait3A_331 : memref<1x64x4096xf32, #tpu.memory_space<hbm>> -> memref<64x4096xf32, #tpu.memory_space<hbm>>
      %dma_wait3A_333 = arith.constant 32 : i32
      %dma_wait3A_334 = arith.constant 0 : i32
      %dma_wait3A_335 = tpu.memref_slice %dma_wait3A_332[%dma_wait3A_333, %dma_wait3A_334] : memref<64x4096xf32, #tpu.memory_space<hbm>> -> memref<8x4096xf32, #tpu.memory_space<hbm>>
      %dma_wait3A_336 = arith.constant 0 : i32
      %dma_wait3A_337 = arith.constant 0 : i32
      %dma_wait3A_338 = tpu.memref_slice %arg4[%add3A_13, %dma_wait3A_336, %dma_wait3A_337] : memref<201x64x4096xf32, #tpu.memory_space<hbm>> -> memref<1x64x4096xf32, #tpu.memory_space<hbm>>
      %dma_wait3A_339 = tpu.memref_squeeze %dma_wait3A_338 : memref<1x64x4096xf32, #tpu.memory_space<hbm>> -> memref<64x4096xf32, #tpu.memory_space<hbm>>
      %dma_wait3A_340 = arith.constant 32 : i32
      %dma_wait3A_341 = arith.constant 0 : i32
      %dma_wait3A_342 = tpu.memref_slice %dma_wait3A_339[%dma_wait3A_340, %dma_wait3A_341] : memref<64x4096xf32, #tpu.memory_space<hbm>> -> memref<8x4096xf32, #tpu.memory_space<hbm>>
      tpu.wait_dma2 semaphore(%arg9 : memref<!tpu.dma_semaphore, #tpu.memory_space<semaphore_mem>>) src(%arg5 : memref<8x4096xf32, #tpu.memory_space<vmem>>) dst(%dma_wait3A_342 : memref<8x4096xf32, #tpu.memory_space<hbm>>)
      %dma_start3A_343 = arith.constant 0 : i32
      %dma_start3A_344 = arith.constant 0 : i32
      %dma_start3A_345 = tpu.memref_slice %arg2[%add3A_13, %dma_start3A_343, %dma_start3A_344] : memref<200x64x4096xf32, #tpu.memory_space<hbm>> -> memref<1x64x4096xf32, #tpu.memory_space<hbm>>
      %dma_start3A_346 = tpu.memref_squeeze %dma_start3A_345 : memref<1x64x4096xf32, #tpu.memory_space<hbm>> -> memref<64x4096xf32, #tpu.memory_space<hbm>>
      %dma_start3A_347 = arith.constant 48 : i32
      %dma_start3A_348 = arith.constant 0 : i32
      %dma_start3A_349 = tpu.memref_slice %dma_start3A_346[%dma_start3A_347, %dma_start3A_348] : memref<64x4096xf32, #tpu.memory_space<hbm>> -> memref<8x4096xf32, #tpu.memory_space<hbm>>
      %dma_start3A_350 = arith.constant 0 : i32
      %dma_start3A_351 = arith.constant 0 : i32
      %dma_start3A_352 = tpu.memref_slice %arg2[%add3A_13, %dma_start3A_350, %dma_start3A_351] : memref<200x64x4096xf32, #tpu.memory_space<hbm>> -> memref<1x64x4096xf32, #tpu.memory_space<hbm>>
      %dma_start3A_353 = tpu.memref_squeeze %dma_start3A_352 : memref<1x64x4096xf32, #tpu.memory_space<hbm>> -> memref<64x4096xf32, #tpu.memory_space<hbm>>
      %dma_start3A_354 = arith.constant 48 : i32
      %dma_start3A_355 = arith.constant 0 : i32
      %dma_start3A_356 = tpu.memref_slice %dma_start3A_353[%dma_start3A_354, %dma_start3A_355] : memref<64x4096xf32, #tpu.memory_space<hbm>> -> memref<8x4096xf32, #tpu.memory_space<hbm>>
      tpu.enqueue_dma source(%dma_start3A_356 : memref<8x4096xf32, #tpu.memory_space<hbm>>) target(%arg5 : memref<8x4096xf32, #tpu.memory_space<vmem>>) target_semaphore(%arg7 : memref<!tpu.dma_semaphore, #tpu.memory_space<semaphore_mem>>)
      %dma_wait3A_357 = arith.constant 0 : i32
      %dma_wait3A_358 = arith.constant 0 : i32
      %dma_wait3A_359 = tpu.memref_slice %arg2[%add3A_13, %dma_wait3A_357, %dma_wait3A_358] : memref<200x64x4096xf32, #tpu.memory_space<hbm>> -> memref<1x64x4096xf32, #tpu.memory_space<hbm>>
      %dma_wait3A_360 = tpu.memref_squeeze %dma_wait3A_359 : memref<1x64x4096xf32, #tpu.memory_space<hbm>> -> memref<64x4096xf32, #tpu.memory_space<hbm>>
      %dma_wait3A_361 = arith.constant 40 : i32
      %dma_wait3A_362 = arith.constant 0 : i32
      %dma_wait3A_363 = tpu.memref_slice %dma_wait3A_360[%dma_wait3A_361, %dma_wait3A_362] : memref<64x4096xf32, #tpu.memory_space<hbm>> -> memref<8x4096xf32, #tpu.memory_space<hbm>>
      %dma_wait3A_364 = arith.constant 0 : i32
      %dma_wait3A_365 = arith.constant 0 : i32
      %dma_wait3A_366 = tpu.memref_slice %arg2[%add3A_13, %dma_wait3A_364, %dma_wait3A_365] : memref<200x64x4096xf32, #tpu.memory_space<hbm>> -> memref<1x64x4096xf32, #tpu.memory_space<hbm>>
      %dma_wait3A_367 = tpu.memref_squeeze %dma_wait3A_366 : memref<1x64x4096xf32, #tpu.memory_space<hbm>> -> memref<64x4096xf32, #tpu.memory_space<hbm>>
      %dma_wait3A_368 = arith.constant 40 : i32
      %dma_wait3A_369 = arith.constant 0 : i32
      %dma_wait3A_370 = tpu.memref_slice %dma_wait3A_367[%dma_wait3A_368, %dma_wait3A_369] : memref<64x4096xf32, #tpu.memory_space<hbm>> -> memref<8x4096xf32, #tpu.memory_space<hbm>>
      tpu.wait_dma2 semaphore(%arg8 : memref<!tpu.dma_semaphore, #tpu.memory_space<semaphore_mem>>) src(%dma_wait3A_370 : memref<8x4096xf32, #tpu.memory_space<hbm>>) dst(%arg6 : memref<8x4096xf32, #tpu.memory_space<vmem>>)
      %dma_start3A_371 = arith.constant 0 : i32
      %dma_start3A_372 = arith.constant 0 : i32
      %dma_start3A_373 = tpu.memref_slice %arg4[%add3A_13, %dma_start3A_371, %dma_start3A_372] : memref<201x64x4096xf32, #tpu.memory_space<hbm>> -> memref<1x64x4096xf32, #tpu.memory_space<hbm>>
      %dma_start3A_374 = tpu.memref_squeeze %dma_start3A_373 : memref<1x64x4096xf32, #tpu.memory_space<hbm>> -> memref<64x4096xf32, #tpu.memory_space<hbm>>
      %dma_start3A_375 = arith.constant 40 : i32
      %dma_start3A_376 = arith.constant 0 : i32
      %dma_start3A_377 = tpu.memref_slice %dma_start3A_374[%dma_start3A_375, %dma_start3A_376] : memref<64x4096xf32, #tpu.memory_space<hbm>> -> memref<8x4096xf32, #tpu.memory_space<hbm>>
      %dma_start3A_378 = arith.constant 0 : i32
      %dma_start3A_379 = arith.constant 0 : i32
      %dma_start3A_380 = tpu.memref_slice %arg4[%add3A_13, %dma_start3A_378, %dma_start3A_379] : memref<201x64x4096xf32, #tpu.memory_space<hbm>> -> memref<1x64x4096xf32, #tpu.memory_space<hbm>>
      %dma_start3A_381 = tpu.memref_squeeze %dma_start3A_380 : memref<1x64x4096xf32, #tpu.memory_space<hbm>> -> memref<64x4096xf32, #tpu.memory_space<hbm>>
      %dma_start3A_382 = arith.constant 40 : i32
      %dma_start3A_383 = arith.constant 0 : i32
      %dma_start3A_384 = tpu.memref_slice %dma_start3A_381[%dma_start3A_382, %dma_start3A_383] : memref<64x4096xf32, #tpu.memory_space<hbm>> -> memref<8x4096xf32, #tpu.memory_space<hbm>>
      tpu.enqueue_dma source(%arg6 : memref<8x4096xf32, #tpu.memory_space<vmem>>) target(%dma_start3A_384 : memref<8x4096xf32, #tpu.memory_space<hbm>>) target_semaphore(%arg10 : memref<!tpu.dma_semaphore, #tpu.memory_space<semaphore_mem>>)
      %dma_wait3A_385 = arith.constant 0 : i32
      %dma_wait3A_386 = arith.constant 0 : i32
      %dma_wait3A_387 = tpu.memref_slice %arg4[%add3A_13, %dma_wait3A_385, %dma_wait3A_386] : memref<201x64x4096xf32, #tpu.memory_space<hbm>> -> memref<1x64x4096xf32, #tpu.memory_space<hbm>>
      %dma_wait3A_388 = tpu.memref_squeeze %dma_wait3A_387 : memref<1x64x4096xf32, #tpu.memory_space<hbm>> -> memref<64x4096xf32, #tpu.memory_space<hbm>>
      %dma_wait3A_389 = arith.constant 40 : i32
      %dma_wait3A_390 = arith.constant 0 : i32
      %dma_wait3A_391 = tpu.memref_slice %dma_wait3A_388[%dma_wait3A_389, %dma_wait3A_390] : memref<64x4096xf32, #tpu.memory_space<hbm>> -> memref<8x4096xf32, #tpu.memory_space<hbm>>
      %dma_wait3A_392 = arith.constant 0 : i32
      %dma_wait3A_393 = arith.constant 0 : i32
      %dma_wait3A_394 = tpu.memref_slice %arg4[%add3A_13, %dma_wait3A_392, %dma_wait3A_393] : memref<201x64x4096xf32, #tpu.memory_space<hbm>> -> memref<1x64x4096xf32, #tpu.memory_space<hbm>>
      %dma_wait3A_395 = tpu.memref_squeeze %dma_wait3A_394 : memref<1x64x4096xf32, #tpu.memory_space<hbm>> -> memref<64x4096xf32, #tpu.memory_space<hbm>>
      %dma_wait3A_396 = arith.constant 40 : i32
      %dma_wait3A_397 = arith.constant 0 : i32
      %dma_wait3A_398 = tpu.memref_slice %dma_wait3A_395[%dma_wait3A_396, %dma_wait3A_397] : memref<64x4096xf32, #tpu.memory_space<hbm>> -> memref<8x4096xf32, #tpu.memory_space<hbm>>
      tpu.wait_dma2 semaphore(%arg10 : memref<!tpu.dma_semaphore, #tpu.memory_space<semaphore_mem>>) src(%arg6 : memref<8x4096xf32, #tpu.memory_space<vmem>>) dst(%dma_wait3A_398 : memref<8x4096xf32, #tpu.memory_space<hbm>>)
      %dma_start3A_399 = arith.constant 0 : i32
      %dma_start3A_400 = arith.constant 0 : i32
      %dma_start3A_401 = tpu.memref_slice %arg2[%add3A_13, %dma_start3A_399, %dma_start3A_400] : memref<200x64x4096xf32, #tpu.memory_space<hbm>> -> memref<1x64x4096xf32, #tpu.memory_space<hbm>>
      %dma_start3A_402 = tpu.memref_squeeze %dma_start3A_401 : memref<1x64x4096xf32, #tpu.memory_space<hbm>> -> memref<64x4096xf32, #tpu.memory_space<hbm>>
      %dma_start3A_403 = arith.constant 56 : i32
      %dma_start3A_404 = arith.constant 0 : i32
      %dma_start3A_405 = tpu.memref_slice %dma_start3A_402[%dma_start3A_403, %dma_start3A_404] : memref<64x4096xf32, #tpu.memory_space<hbm>> -> memref<8x4096xf32, #tpu.memory_space<hbm>>
      %dma_start3A_406 = arith.constant 0 : i32
      %dma_start3A_407 = arith.constant 0 : i32
      %dma_start3A_408 = tpu.memref_slice %arg2[%add3A_13, %dma_start3A_406, %dma_start3A_407] : memref<200x64x4096xf32, #tpu.memory_space<hbm>> -> memref<1x64x4096xf32, #tpu.memory_space<hbm>>
      %dma_start3A_409 = tpu.memref_squeeze %dma_start3A_408 : memref<1x64x4096xf32, #tpu.memory_space<hbm>> -> memref<64x4096xf32, #tpu.memory_space<hbm>>
      %dma_start3A_410 = arith.constant 56 : i32
      %dma_start3A_411 = arith.constant 0 : i32
      %dma_start3A_412 = tpu.memref_slice %dma_start3A_409[%dma_start3A_410, %dma_start3A_411] : memref<64x4096xf32, #tpu.memory_space<hbm>> -> memref<8x4096xf32, #tpu.memory_space<hbm>>
      tpu.enqueue_dma source(%dma_start3A_412 : memref<8x4096xf32, #tpu.memory_space<hbm>>) target(%arg6 : memref<8x4096xf32, #tpu.memory_space<vmem>>) target_semaphore(%arg8 : memref<!tpu.dma_semaphore, #tpu.memory_space<semaphore_mem>>)
      %dma_wait3A_413 = arith.constant 0 : i32
      %dma_wait3A_414 = arith.constant 0 : i32
      %dma_wait3A_415 = tpu.memref_slice %arg2[%add3A_13, %dma_wait3A_413, %dma_wait3A_414] : memref<200x64x4096xf32, #tpu.memory_space<hbm>> -> memref<1x64x4096xf32, #tpu.memory_space<hbm>>
      %dma_wait3A_416 = tpu.memref_squeeze %dma_wait3A_415 : memref<1x64x4096xf32, #tpu.memory_space<hbm>> -> memref<64x4096xf32, #tpu.memory_space<hbm>>
      %dma_wait3A_417 = arith.constant 48 : i32
      %dma_wait3A_418 = arith.constant 0 : i32
      %dma_wait3A_419 = tpu.memref_slice %dma_wait3A_416[%dma_wait3A_417, %dma_wait3A_418] : memref<64x4096xf32, #tpu.memory_space<hbm>> -> memref<8x4096xf32, #tpu.memory_space<hbm>>
      %dma_wait3A_420 = arith.constant 0 : i32
      %dma_wait3A_421 = arith.constant 0 : i32
      %dma_wait3A_422 = tpu.memref_slice %arg2[%add3A_13, %dma_wait3A_420, %dma_wait3A_421] : memref<200x64x4096xf32, #tpu.memory_space<hbm>> -> memref<1x64x4096xf32, #tpu.memory_space<hbm>>
      %dma_wait3A_423 = tpu.memref_squeeze %dma_wait3A_422 : memref<1x64x4096xf32, #tpu.memory_space<hbm>> -> memref<64x4096xf32, #tpu.memory_space<hbm>>
      %dma_wait3A_424 = arith.constant 48 : i32
      %dma_wait3A_425 = arith.constant 0 : i32
      %dma_wait3A_426 = tpu.memref_slice %dma_wait3A_423[%dma_wait3A_424, %dma_wait3A_425] : memref<64x4096xf32, #tpu.memory_space<hbm>> -> memref<8x4096xf32, #tpu.memory_space<hbm>>
      tpu.wait_dma2 semaphore(%arg7 : memref<!tpu.dma_semaphore, #tpu.memory_space<semaphore_mem>>) src(%dma_wait3A_426 : memref<8x4096xf32, #tpu.memory_space<hbm>>) dst(%arg5 : memref<8x4096xf32, #tpu.memory_space<vmem>>)
      %dma_start3A_427 = arith.constant 0 : i32
      %dma_start3A_428 = arith.constant 0 : i32
      %dma_start3A_429 = tpu.memref_slice %arg4[%add3A_13, %dma_start3A_427, %dma_start3A_428] : memref<201x64x4096xf32, #tpu.memory_space<hbm>> -> memref<1x64x4096xf32, #tpu.memory_space<hbm>>
      %dma_start3A_430 = tpu.memref_squeeze %dma_start3A_429 : memref<1x64x4096xf32, #tpu.memory_space<hbm>> -> memref<64x4096xf32, #tpu.memory_space<hbm>>
      %dma_start3A_431 = arith.constant 48 : i32
      %dma_start3A_432 = arith.constant 0 : i32
      %dma_start3A_433 = tpu.memref_slice %dma_start3A_430[%dma_start3A_431, %dma_start3A_432] : memref<64x4096xf32, #tpu.memory_space<hbm>> -> memref<8x4096xf32, #tpu.memory_space<hbm>>
      %dma_start3A_434 = arith.constant 0 : i32
      %dma_start3A_435 = arith.constant 0 : i32
      %dma_start3A_436 = tpu.memref_slice %arg4[%add3A_13, %dma_start3A_434, %dma_start3A_435] : memref<201x64x4096xf32, #tpu.memory_space<hbm>> -> memref<1x64x4096xf32, #tpu.memory_space<hbm>>
      %dma_start3A_437 = tpu.memref_squeeze %dma_start3A_436 : memref<1x64x4096xf32, #tpu.memory_space<hbm>> -> memref<64x4096xf32, #tpu.memory_space<hbm>>
      %dma_start3A_438 = arith.constant 48 : i32
      %dma_start3A_439 = arith.constant 0 : i32
      %dma_start3A_440 = tpu.memref_slice %dma_start3A_437[%dma_start3A_438, %dma_start3A_439] : memref<64x4096xf32, #tpu.memory_space<hbm>> -> memref<8x4096xf32, #tpu.memory_space<hbm>>
      tpu.enqueue_dma source(%arg5 : memref<8x4096xf32, #tpu.memory_space<vmem>>) target(%dma_start3A_440 : memref<8x4096xf32, #tpu.memory_space<hbm>>) target_semaphore(%arg9 : memref<!tpu.dma_semaphore, #tpu.memory_space<semaphore_mem>>)
      %dma_wait3A_441 = arith.constant 0 : i32
      %dma_wait3A_442 = arith.constant 0 : i32
      %dma_wait3A_443 = tpu.memref_slice %arg2[%add3A_13, %dma_wait3A_441, %dma_wait3A_442] : memref<200x64x4096xf32, #tpu.memory_space<hbm>> -> memref<1x64x4096xf32, #tpu.memory_space<hbm>>
      %dma_wait3A_444 = tpu.memref_squeeze %dma_wait3A_443 : memref<1x64x4096xf32, #tpu.memory_space<hbm>> -> memref<64x4096xf32, #tpu.memory_space<hbm>>
      %dma_wait3A_445 = arith.constant 56 : i32
      %dma_wait3A_446 = arith.constant 0 : i32
      %dma_wait3A_447 = tpu.memref_slice %dma_wait3A_444[%dma_wait3A_445, %dma_wait3A_446] : memref<64x4096xf32, #tpu.memory_space<hbm>> -> memref<8x4096xf32, #tpu.memory_space<hbm>>
      %dma_wait3A_448 = arith.constant 0 : i32
      %dma_wait3A_449 = arith.constant 0 : i32
      %dma_wait3A_450 = tpu.memref_slice %arg2[%add3A_13, %dma_wait3A_448, %dma_wait3A_449] : memref<200x64x4096xf32, #tpu.memory_space<hbm>> -> memref<1x64x4096xf32, #tpu.memory_space<hbm>>
      %dma_wait3A_451 = tpu.memref_squeeze %dma_wait3A_450 : memref<1x64x4096xf32, #tpu.memory_space<hbm>> -> memref<64x4096xf32, #tpu.memory_space<hbm>>
      %dma_wait3A_452 = arith.constant 56 : i32
      %dma_wait3A_453 = arith.constant 0 : i32
      %dma_wait3A_454 = tpu.memref_slice %dma_wait3A_451[%dma_wait3A_452, %dma_wait3A_453] : memref<64x4096xf32, #tpu.memory_space<hbm>> -> memref<8x4096xf32, #tpu.memory_space<hbm>>
      tpu.wait_dma2 semaphore(%arg8 : memref<!tpu.dma_semaphore, #tpu.memory_space<semaphore_mem>>) src(%dma_wait3A_454 : memref<8x4096xf32, #tpu.memory_space<hbm>>) dst(%arg6 : memref<8x4096xf32, #tpu.memory_space<vmem>>)
      %dma_start3A_455 = arith.constant 0 : i32
      %dma_start3A_456 = arith.constant 0 : i32
      %dma_start3A_457 = tpu.memref_slice %arg4[%add3A_13, %dma_start3A_455, %dma_start3A_456] : memref<201x64x4096xf32, #tpu.memory_space<hbm>> -> memref<1x64x4096xf32, #tpu.memory_space<hbm>>
      %dma_start3A_458 = tpu.memref_squeeze %dma_start3A_457 : memref<1x64x4096xf32, #tpu.memory_space<hbm>> -> memref<64x4096xf32, #tpu.memory_space<hbm>>
      %dma_start3A_459 = arith.constant 56 : i32
      %dma_start3A_460 = arith.constant 0 : i32
      %dma_start3A_461 = tpu.memref_slice %dma_start3A_458[%dma_start3A_459, %dma_start3A_460] : memref<64x4096xf32, #tpu.memory_space<hbm>> -> memref<8x4096xf32, #tpu.memory_space<hbm>>
      %dma_start3A_462 = arith.constant 0 : i32
      %dma_start3A_463 = arith.constant 0 : i32
      %dma_start3A_464 = tpu.memref_slice %arg4[%add3A_13, %dma_start3A_462, %dma_start3A_463] : memref<201x64x4096xf32, #tpu.memory_space<hbm>> -> memref<1x64x4096xf32, #tpu.memory_space<hbm>>
      %dma_start3A_465 = tpu.memref_squeeze %dma_start3A_464 : memref<1x64x4096xf32, #tpu.memory_space<hbm>> -> memref<64x4096xf32, #tpu.memory_space<hbm>>
      %dma_start3A_466 = arith.constant 56 : i32
      %dma_start3A_467 = arith.constant 0 : i32
      %dma_start3A_468 = tpu.memref_slice %dma_start3A_465[%dma_start3A_466, %dma_start3A_467] : memref<64x4096xf32, #tpu.memory_space<hbm>> -> memref<8x4096xf32, #tpu.memory_space<hbm>>
      tpu.enqueue_dma source(%arg6 : memref<8x4096xf32, #tpu.memory_space<vmem>>) target(%dma_start3A_468 : memref<8x4096xf32, #tpu.memory_space<hbm>>) target_semaphore(%arg10 : memref<!tpu.dma_semaphore, #tpu.memory_space<semaphore_mem>>)
      %dma_wait3A_469 = arith.constant 0 : i32
      %dma_wait3A_470 = arith.constant 0 : i32
      %dma_wait3A_471 = tpu.memref_slice %arg4[%add3A_13, %dma_wait3A_469, %dma_wait3A_470] : memref<201x64x4096xf32, #tpu.memory_space<hbm>> -> memref<1x64x4096xf32, #tpu.memory_space<hbm>>
      %dma_wait3A_472 = tpu.memref_squeeze %dma_wait3A_471 : memref<1x64x4096xf32, #tpu.memory_space<hbm>> -> memref<64x4096xf32, #tpu.memory_space<hbm>>
      %dma_wait3A_473 = arith.constant 48 : i32
      %dma_wait3A_474 = arith.constant 0 : i32
      %dma_wait3A_475 = tpu.memref_slice %dma_wait3A_472[%dma_wait3A_473, %dma_wait3A_474] : memref<64x4096xf32, #tpu.memory_space<hbm>> -> memref<8x4096xf32, #tpu.memory_space<hbm>>
      %dma_wait3A_476 = arith.constant 0 : i32
      %dma_wait3A_477 = arith.constant 0 : i32
      %dma_wait3A_478 = tpu.memref_slice %arg4[%add3A_13, %dma_wait3A_476, %dma_wait3A_477] : memref<201x64x4096xf32, #tpu.memory_space<hbm>> -> memref<1x64x4096xf32, #tpu.memory_space<hbm>>
      %dma_wait3A_479 = tpu.memref_squeeze %dma_wait3A_478 : memref<1x64x4096xf32, #tpu.memory_space<hbm>> -> memref<64x4096xf32, #tpu.memory_space<hbm>>
      %dma_wait3A_480 = arith.constant 48 : i32
      %dma_wait3A_481 = arith.constant 0 : i32
      %dma_wait3A_482 = tpu.memref_slice %dma_wait3A_479[%dma_wait3A_480, %dma_wait3A_481] : memref<64x4096xf32, #tpu.memory_space<hbm>> -> memref<8x4096xf32, #tpu.memory_space<hbm>>
      tpu.wait_dma2 semaphore(%arg9 : memref<!tpu.dma_semaphore, #tpu.memory_space<semaphore_mem>>) src(%arg5 : memref<8x4096xf32, #tpu.memory_space<vmem>>) dst(%dma_wait3A_482 : memref<8x4096xf32, #tpu.memory_space<hbm>>)
      %dma_wait3A_483 = arith.constant 0 : i32
      %dma_wait3A_484 = arith.constant 0 : i32
      %dma_wait3A_485 = tpu.memref_slice %arg4[%add3A_13, %dma_wait3A_483, %dma_wait3A_484] : memref<201x64x4096xf32, #tpu.memory_space<hbm>> -> memref<1x64x4096xf32, #tpu.memory_space<hbm>>
      %dma_wait3A_486 = tpu.memref_squeeze %dma_wait3A_485 : memref<1x64x4096xf32, #tpu.memory_space<hbm>> -> memref<64x4096xf32, #tpu.memory_space<hbm>>
      %dma_wait3A_487 = arith.constant 56 : i32
      %dma_wait3A_488 = arith.constant 0 : i32
      %dma_wait3A_489 = tpu.memref_slice %dma_wait3A_486[%dma_wait3A_487, %dma_wait3A_488] : memref<64x4096xf32, #tpu.memory_space<hbm>> -> memref<8x4096xf32, #tpu.memory_space<hbm>>
      %dma_wait3A_490 = arith.constant 0 : i32
      %dma_wait3A_491 = arith.constant 0 : i32
      %dma_wait3A_492 = tpu.memref_slice %arg4[%add3A_13, %dma_wait3A_490, %dma_wait3A_491] : memref<201x64x4096xf32, #tpu.memory_space<hbm>> -> memref<1x64x4096xf32, #tpu.memory_space<hbm>>
      %dma_wait3A_493 = tpu.memref_squeeze %dma_wait3A_492 : memref<1x64x4096xf32, #tpu.memory_space<hbm>> -> memref<64x4096xf32, #tpu.memory_space<hbm>>
      %dma_wait3A_494 = arith.constant 56 : i32
      %dma_wait3A_495 = arith.constant 0 : i32
      %dma_wait3A_496 = tpu.memref_slice %dma_wait3A_493[%dma_wait3A_494, %dma_wait3A_495] : memref<64x4096xf32, #tpu.memory_space<hbm>> -> memref<8x4096xf32, #tpu.memory_space<hbm>>
      tpu.wait_dma2 semaphore(%arg10 : memref<!tpu.dma_semaphore, #tpu.memory_space<semaphore_mem>>) src(%arg6 : memref<8x4096xf32, #tpu.memory_space<vmem>>) dst(%dma_wait3A_496 : memref<8x4096xf32, #tpu.memory_space<hbm>>)
    } else {
    }
    %add3A_19 = arith.constant 96 : i32
    %add3A_20 = arith.addi %add3A, %add3A_19 : i32
    %lt3A_21 = arith.constant 200 : i32
    %lt3A_22 = arith.cmpi slt, %add3A_20, %lt3A_21 : i32
    %convert_element_type3A_23 = arith.extui %lt3A_22 : i1 to i32
    %cond3A_24 = arith.constant 0 : i32
    %cond3A_25 = arith.cmpi ne, %convert_element_type3A_23, %cond3A_24 : i32
    scf.if %cond3A_25 {
      %dma_start3A = arith.constant 0 : i32
      %dma_start3A_51 = arith.constant 0 : i32
      %dma_start3A_52 = tpu.memref_slice %arg2[%add3A_20, %dma_start3A, %dma_start3A_51] : memref<200x64x4096xf32, #tpu.memory_space<hbm>> -> memref<1x64x4096xf32, #tpu.memory_space<hbm>>
      %dma_start3A_53 = tpu.memref_squeeze %dma_start3A_52 : memref<1x64x4096xf32, #tpu.memory_space<hbm>> -> memref<64x4096xf32, #tpu.memory_space<hbm>>
      %dma_start3A_54 = arith.constant 0 : i32
      %dma_start3A_55 = arith.constant 0 : i32
      %dma_start3A_56 = tpu.memref_slice %dma_start3A_53[%dma_start3A_54, %dma_start3A_55] : memref<64x4096xf32, #tpu.memory_space<hbm>> -> memref<8x4096xf32, #tpu.memory_space<hbm>>
      %dma_start3A_57 = arith.constant 0 : i32
      %dma_start3A_58 = arith.constant 0 : i32
      %dma_start3A_59 = tpu.memref_slice %arg2[%add3A_20, %dma_start3A_57, %dma_start3A_58] : memref<200x64x4096xf32, #tpu.memory_space<hbm>> -> memref<1x64x4096xf32, #tpu.memory_space<hbm>>
      %dma_start3A_60 = tpu.memref_squeeze %dma_start3A_59 : memref<1x64x4096xf32, #tpu.memory_space<hbm>> -> memref<64x4096xf32, #tpu.memory_space<hbm>>
      %dma_start3A_61 = arith.constant 0 : i32
      %dma_start3A_62 = arith.constant 0 : i32
      %dma_start3A_63 = tpu.memref_slice %dma_start3A_60[%dma_start3A_61, %dma_start3A_62] : memref<64x4096xf32, #tpu.memory_space<hbm>> -> memref<8x4096xf32, #tpu.memory_space<hbm>>
      tpu.enqueue_dma source(%dma_start3A_63 : memref<8x4096xf32, #tpu.memory_space<hbm>>) target(%arg5 : memref<8x4096xf32, #tpu.memory_space<vmem>>) target_semaphore(%arg7 : memref<!tpu.dma_semaphore, #tpu.memory_space<semaphore_mem>>)
      %dma_start3A_64 = arith.constant 0 : i32
      %dma_start3A_65 = arith.constant 0 : i32
      %dma_start3A_66 = tpu.memref_slice %arg2[%add3A_20, %dma_start3A_64, %dma_start3A_65] : memref<200x64x4096xf32, #tpu.memory_space<hbm>> -> memref<1x64x4096xf32, #tpu.memory_space<hbm>>
      %dma_start3A_67 = tpu.memref_squeeze %dma_start3A_66 : memref<1x64x4096xf32, #tpu.memory_space<hbm>> -> memref<64x4096xf32, #tpu.memory_space<hbm>>
      %dma_start3A_68 = arith.constant 8 : i32
      %dma_start3A_69 = arith.constant 0 : i32
      %dma_start3A_70 = tpu.memref_slice %dma_start3A_67[%dma_start3A_68, %dma_start3A_69] : memref<64x4096xf32, #tpu.memory_space<hbm>> -> memref<8x4096xf32, #tpu.memory_space<hbm>>
      %dma_start3A_71 = arith.constant 0 : i32
      %dma_start3A_72 = arith.constant 0 : i32
      %dma_start3A_73 = tpu.memref_slice %arg2[%add3A_20, %dma_start3A_71, %dma_start3A_72] : memref<200x64x4096xf32, #tpu.memory_space<hbm>> -> memref<1x64x4096xf32, #tpu.memory_space<hbm>>
      %dma_start3A_74 = tpu.memref_squeeze %dma_start3A_73 : memref<1x64x4096xf32, #tpu.memory_space<hbm>> -> memref<64x4096xf32, #tpu.memory_space<hbm>>
      %dma_start3A_75 = arith.constant 8 : i32
      %dma_start3A_76 = arith.constant 0 : i32
      %dma_start3A_77 = tpu.memref_slice %dma_start3A_74[%dma_start3A_75, %dma_start3A_76] : memref<64x4096xf32, #tpu.memory_space<hbm>> -> memref<8x4096xf32, #tpu.memory_space<hbm>>
      tpu.enqueue_dma source(%dma_start3A_77 : memref<8x4096xf32, #tpu.memory_space<hbm>>) target(%arg6 : memref<8x4096xf32, #tpu.memory_space<vmem>>) target_semaphore(%arg8 : memref<!tpu.dma_semaphore, #tpu.memory_space<semaphore_mem>>)
      %dma_wait3A = arith.constant 0 : i32
      %dma_wait3A_78 = arith.constant 0 : i32
      %dma_wait3A_79 = tpu.memref_slice %arg2[%add3A_20, %dma_wait3A, %dma_wait3A_78] : memref<200x64x4096xf32, #tpu.memory_space<hbm>> -> memref<1x64x4096xf32, #tpu.memory_space<hbm>>
      %dma_wait3A_80 = tpu.memref_squeeze %dma_wait3A_79 : memref<1x64x4096xf32, #tpu.memory_space<hbm>> -> memref<64x4096xf32, #tpu.memory_space<hbm>>
      %dma_wait3A_81 = arith.constant 0 : i32
      %dma_wait3A_82 = arith.constant 0 : i32
      %dma_wait3A_83 = tpu.memref_slice %dma_wait3A_80[%dma_wait3A_81, %dma_wait3A_82] : memref<64x4096xf32, #tpu.memory_space<hbm>> -> memref<8x4096xf32, #tpu.memory_space<hbm>>
      %dma_wait3A_84 = arith.constant 0 : i32
      %dma_wait3A_85 = arith.constant 0 : i32
      %dma_wait3A_86 = tpu.memref_slice %arg2[%add3A_20, %dma_wait3A_84, %dma_wait3A_85] : memref<200x64x4096xf32, #tpu.memory_space<hbm>> -> memref<1x64x4096xf32, #tpu.memory_space<hbm>>
      %dma_wait3A_87 = tpu.memref_squeeze %dma_wait3A_86 : memref<1x64x4096xf32, #tpu.memory_space<hbm>> -> memref<64x4096xf32, #tpu.memory_space<hbm>>
      %dma_wait3A_88 = arith.constant 0 : i32
      %dma_wait3A_89 = arith.constant 0 : i32
      %dma_wait3A_90 = tpu.memref_slice %dma_wait3A_87[%dma_wait3A_88, %dma_wait3A_89] : memref<64x4096xf32, #tpu.memory_space<hbm>> -> memref<8x4096xf32, #tpu.memory_space<hbm>>
      tpu.wait_dma2 semaphore(%arg7 : memref<!tpu.dma_semaphore, #tpu.memory_space<semaphore_mem>>) src(%dma_wait3A_90 : memref<8x4096xf32, #tpu.memory_space<hbm>>) dst(%arg5 : memref<8x4096xf32, #tpu.memory_space<vmem>>)
      %dma_start3A_91 = arith.constant 0 : i32
      %dma_start3A_92 = arith.constant 0 : i32
      %dma_start3A_93 = tpu.memref_slice %arg4[%add3A_20, %dma_start3A_91, %dma_start3A_92] : memref<201x64x4096xf32, #tpu.memory_space<hbm>> -> memref<1x64x4096xf32, #tpu.memory_space<hbm>>
      %dma_start3A_94 = tpu.memref_squeeze %dma_start3A_93 : memref<1x64x4096xf32, #tpu.memory_space<hbm>> -> memref<64x4096xf32, #tpu.memory_space<hbm>>
      %dma_start3A_95 = arith.constant 0 : i32
      %dma_start3A_96 = arith.constant 0 : i32
      %dma_start3A_97 = tpu.memref_slice %dma_start3A_94[%dma_start3A_95, %dma_start3A_96] : memref<64x4096xf32, #tpu.memory_space<hbm>> -> memref<8x4096xf32, #tpu.memory_space<hbm>>
      %dma_start3A_98 = arith.constant 0 : i32
      %dma_start3A_99 = arith.constant 0 : i32
      %dma_start3A_100 = tpu.memref_slice %arg4[%add3A_20, %dma_start3A_98, %dma_start3A_99] : memref<201x64x4096xf32, #tpu.memory_space<hbm>> -> memref<1x64x4096xf32, #tpu.memory_space<hbm>>
      %dma_start3A_101 = tpu.memref_squeeze %dma_start3A_100 : memref<1x64x4096xf32, #tpu.memory_space<hbm>> -> memref<64x4096xf32, #tpu.memory_space<hbm>>
      %dma_start3A_102 = arith.constant 0 : i32
      %dma_start3A_103 = arith.constant 0 : i32
      %dma_start3A_104 = tpu.memref_slice %dma_start3A_101[%dma_start3A_102, %dma_start3A_103] : memref<64x4096xf32, #tpu.memory_space<hbm>> -> memref<8x4096xf32, #tpu.memory_space<hbm>>
      tpu.enqueue_dma source(%arg5 : memref<8x4096xf32, #tpu.memory_space<vmem>>) target(%dma_start3A_104 : memref<8x4096xf32, #tpu.memory_space<hbm>>) target_semaphore(%arg9 : memref<!tpu.dma_semaphore, #tpu.memory_space<semaphore_mem>>)
      %dma_wait3A_105 = arith.constant 0 : i32
      %dma_wait3A_106 = arith.constant 0 : i32
      %dma_wait3A_107 = tpu.memref_slice %arg4[%add3A_20, %dma_wait3A_105, %dma_wait3A_106] : memref<201x64x4096xf32, #tpu.memory_space<hbm>> -> memref<1x64x4096xf32, #tpu.memory_space<hbm>>
      %dma_wait3A_108 = tpu.memref_squeeze %dma_wait3A_107 : memref<1x64x4096xf32, #tpu.memory_space<hbm>> -> memref<64x4096xf32, #tpu.memory_space<hbm>>
      %dma_wait3A_109 = arith.constant 0 : i32
      %dma_wait3A_110 = arith.constant 0 : i32
      %dma_wait3A_111 = tpu.memref_slice %dma_wait3A_108[%dma_wait3A_109, %dma_wait3A_110] : memref<64x4096xf32, #tpu.memory_space<hbm>> -> memref<8x4096xf32, #tpu.memory_space<hbm>>
      %dma_wait3A_112 = arith.constant 0 : i32
      %dma_wait3A_113 = arith.constant 0 : i32
      %dma_wait3A_114 = tpu.memref_slice %arg4[%add3A_20, %dma_wait3A_112, %dma_wait3A_113] : memref<201x64x4096xf32, #tpu.memory_space<hbm>> -> memref<1x64x4096xf32, #tpu.memory_space<hbm>>
      %dma_wait3A_115 = tpu.memref_squeeze %dma_wait3A_114 : memref<1x64x4096xf32, #tpu.memory_space<hbm>> -> memref<64x4096xf32, #tpu.memory_space<hbm>>
      %dma_wait3A_116 = arith.constant 0 : i32
      %dma_wait3A_117 = arith.constant 0 : i32
      %dma_wait3A_118 = tpu.memref_slice %dma_wait3A_115[%dma_wait3A_116, %dma_wait3A_117] : memref<64x4096xf32, #tpu.memory_space<hbm>> -> memref<8x4096xf32, #tpu.memory_space<hbm>>
      tpu.wait_dma2 semaphore(%arg9 : memref<!tpu.dma_semaphore, #tpu.memory_space<semaphore_mem>>) src(%arg5 : memref<8x4096xf32, #tpu.memory_space<vmem>>) dst(%dma_wait3A_118 : memref<8x4096xf32, #tpu.memory_space<hbm>>)
      %dma_start3A_119 = arith.constant 0 : i32
      %dma_start3A_120 = arith.constant 0 : i32
      %dma_start3A_121 = tpu.memref_slice %arg2[%add3A_20, %dma_start3A_119, %dma_start3A_120] : memref<200x64x4096xf32, #tpu.memory_space<hbm>> -> memref<1x64x4096xf32, #tpu.memory_space<hbm>>
      %dma_start3A_122 = tpu.memref_squeeze %dma_start3A_121 : memref<1x64x4096xf32, #tpu.memory_space<hbm>> -> memref<64x4096xf32, #tpu.memory_space<hbm>>
      %dma_start3A_123 = arith.constant 16 : i32
      %dma_start3A_124 = arith.constant 0 : i32
      %dma_start3A_125 = tpu.memref_slice %dma_start3A_122[%dma_start3A_123, %dma_start3A_124] : memref<64x4096xf32, #tpu.memory_space<hbm>> -> memref<8x4096xf32, #tpu.memory_space<hbm>>
      %dma_start3A_126 = arith.constant 0 : i32
      %dma_start3A_127 = arith.constant 0 : i32
      %dma_start3A_128 = tpu.memref_slice %arg2[%add3A_20, %dma_start3A_126, %dma_start3A_127] : memref<200x64x4096xf32, #tpu.memory_space<hbm>> -> memref<1x64x4096xf32, #tpu.memory_space<hbm>>
      %dma_start3A_129 = tpu.memref_squeeze %dma_start3A_128 : memref<1x64x4096xf32, #tpu.memory_space<hbm>> -> memref<64x4096xf32, #tpu.memory_space<hbm>>
      %dma_start3A_130 = arith.constant 16 : i32
      %dma_start3A_131 = arith.constant 0 : i32
      %dma_start3A_132 = tpu.memref_slice %dma_start3A_129[%dma_start3A_130, %dma_start3A_131] : memref<64x4096xf32, #tpu.memory_space<hbm>> -> memref<8x4096xf32, #tpu.memory_space<hbm>>
      tpu.enqueue_dma source(%dma_start3A_132 : memref<8x4096xf32, #tpu.memory_space<hbm>>) target(%arg5 : memref<8x4096xf32, #tpu.memory_space<vmem>>) target_semaphore(%arg7 : memref<!tpu.dma_semaphore, #tpu.memory_space<semaphore_mem>>)
      %dma_wait3A_133 = arith.constant 0 : i32
      %dma_wait3A_134 = arith.constant 0 : i32
      %dma_wait3A_135 = tpu.memref_slice %arg2[%add3A_20, %dma_wait3A_133, %dma_wait3A_134] : memref<200x64x4096xf32, #tpu.memory_space<hbm>> -> memref<1x64x4096xf32, #tpu.memory_space<hbm>>
      %dma_wait3A_136 = tpu.memref_squeeze %dma_wait3A_135 : memref<1x64x4096xf32, #tpu.memory_space<hbm>> -> memref<64x4096xf32, #tpu.memory_space<hbm>>
      %dma_wait3A_137 = arith.constant 8 : i32
      %dma_wait3A_138 = arith.constant 0 : i32
      %dma_wait3A_139 = tpu.memref_slice %dma_wait3A_136[%dma_wait3A_137, %dma_wait3A_138] : memref<64x4096xf32, #tpu.memory_space<hbm>> -> memref<8x4096xf32, #tpu.memory_space<hbm>>
      %dma_wait3A_140 = arith.constant 0 : i32
      %dma_wait3A_141 = arith.constant 0 : i32
      %dma_wait3A_142 = tpu.memref_slice %arg2[%add3A_20, %dma_wait3A_140, %dma_wait3A_141] : memref<200x64x4096xf32, #tpu.memory_space<hbm>> -> memref<1x64x4096xf32, #tpu.memory_space<hbm>>
      %dma_wait3A_143 = tpu.memref_squeeze %dma_wait3A_142 : memref<1x64x4096xf32, #tpu.memory_space<hbm>> -> memref<64x4096xf32, #tpu.memory_space<hbm>>
      %dma_wait3A_144 = arith.constant 8 : i32
      %dma_wait3A_145 = arith.constant 0 : i32
      %dma_wait3A_146 = tpu.memref_slice %dma_wait3A_143[%dma_wait3A_144, %dma_wait3A_145] : memref<64x4096xf32, #tpu.memory_space<hbm>> -> memref<8x4096xf32, #tpu.memory_space<hbm>>
      tpu.wait_dma2 semaphore(%arg8 : memref<!tpu.dma_semaphore, #tpu.memory_space<semaphore_mem>>) src(%dma_wait3A_146 : memref<8x4096xf32, #tpu.memory_space<hbm>>) dst(%arg6 : memref<8x4096xf32, #tpu.memory_space<vmem>>)
      %dma_start3A_147 = arith.constant 0 : i32
      %dma_start3A_148 = arith.constant 0 : i32
      %dma_start3A_149 = tpu.memref_slice %arg4[%add3A_20, %dma_start3A_147, %dma_start3A_148] : memref<201x64x4096xf32, #tpu.memory_space<hbm>> -> memref<1x64x4096xf32, #tpu.memory_space<hbm>>
      %dma_start3A_150 = tpu.memref_squeeze %dma_start3A_149 : memref<1x64x4096xf32, #tpu.memory_space<hbm>> -> memref<64x4096xf32, #tpu.memory_space<hbm>>
      %dma_start3A_151 = arith.constant 8 : i32
      %dma_start3A_152 = arith.constant 0 : i32
      %dma_start3A_153 = tpu.memref_slice %dma_start3A_150[%dma_start3A_151, %dma_start3A_152] : memref<64x4096xf32, #tpu.memory_space<hbm>> -> memref<8x4096xf32, #tpu.memory_space<hbm>>
      %dma_start3A_154 = arith.constant 0 : i32
      %dma_start3A_155 = arith.constant 0 : i32
      %dma_start3A_156 = tpu.memref_slice %arg4[%add3A_20, %dma_start3A_154, %dma_start3A_155] : memref<201x64x4096xf32, #tpu.memory_space<hbm>> -> memref<1x64x4096xf32, #tpu.memory_space<hbm>>
      %dma_start3A_157 = tpu.memref_squeeze %dma_start3A_156 : memref<1x64x4096xf32, #tpu.memory_space<hbm>> -> memref<64x4096xf32, #tpu.memory_space<hbm>>
      %dma_start3A_158 = arith.constant 8 : i32
      %dma_start3A_159 = arith.constant 0 : i32
      %dma_start3A_160 = tpu.memref_slice %dma_start3A_157[%dma_start3A_158, %dma_start3A_159] : memref<64x4096xf32, #tpu.memory_space<hbm>> -> memref<8x4096xf32, #tpu.memory_space<hbm>>
      tpu.enqueue_dma source(%arg6 : memref<8x4096xf32, #tpu.memory_space<vmem>>) target(%dma_start3A_160 : memref<8x4096xf32, #tpu.memory_space<hbm>>) target_semaphore(%arg10 : memref<!tpu.dma_semaphore, #tpu.memory_space<semaphore_mem>>)
      %dma_wait3A_161 = arith.constant 0 : i32
      %dma_wait3A_162 = arith.constant 0 : i32
      %dma_wait3A_163 = tpu.memref_slice %arg4[%add3A_20, %dma_wait3A_161, %dma_wait3A_162] : memref<201x64x4096xf32, #tpu.memory_space<hbm>> -> memref<1x64x4096xf32, #tpu.memory_space<hbm>>
      %dma_wait3A_164 = tpu.memref_squeeze %dma_wait3A_163 : memref<1x64x4096xf32, #tpu.memory_space<hbm>> -> memref<64x4096xf32, #tpu.memory_space<hbm>>
      %dma_wait3A_165 = arith.constant 8 : i32
      %dma_wait3A_166 = arith.constant 0 : i32
      %dma_wait3A_167 = tpu.memref_slice %dma_wait3A_164[%dma_wait3A_165, %dma_wait3A_166] : memref<64x4096xf32, #tpu.memory_space<hbm>> -> memref<8x4096xf32, #tpu.memory_space<hbm>>
      %dma_wait3A_168 = arith.constant 0 : i32
      %dma_wait3A_169 = arith.constant 0 : i32
      %dma_wait3A_170 = tpu.memref_slice %arg4[%add3A_20, %dma_wait3A_168, %dma_wait3A_169] : memref<201x64x4096xf32, #tpu.memory_space<hbm>> -> memref<1x64x4096xf32, #tpu.memory_space<hbm>>
      %dma_wait3A_171 = tpu.memref_squeeze %dma_wait3A_170 : memref<1x64x4096xf32, #tpu.memory_space<hbm>> -> memref<64x4096xf32, #tpu.memory_space<hbm>>
      %dma_wait3A_172 = arith.constant 8 : i32
      %dma_wait3A_173 = arith.constant 0 : i32
      %dma_wait3A_174 = tpu.memref_slice %dma_wait3A_171[%dma_wait3A_172, %dma_wait3A_173] : memref<64x4096xf32, #tpu.memory_space<hbm>> -> memref<8x4096xf32, #tpu.memory_space<hbm>>
      tpu.wait_dma2 semaphore(%arg10 : memref<!tpu.dma_semaphore, #tpu.memory_space<semaphore_mem>>) src(%arg6 : memref<8x4096xf32, #tpu.memory_space<vmem>>) dst(%dma_wait3A_174 : memref<8x4096xf32, #tpu.memory_space<hbm>>)
      %dma_start3A_175 = arith.constant 0 : i32
      %dma_start3A_176 = arith.constant 0 : i32
      %dma_start3A_177 = tpu.memref_slice %arg2[%add3A_20, %dma_start3A_175, %dma_start3A_176] : memref<200x64x4096xf32, #tpu.memory_space<hbm>> -> memref<1x64x4096xf32, #tpu.memory_space<hbm>>
      %dma_start3A_178 = tpu.memref_squeeze %dma_start3A_177 : memref<1x64x4096xf32, #tpu.memory_space<hbm>> -> memref<64x4096xf32, #tpu.memory_space<hbm>>
      %dma_start3A_179 = arith.constant 24 : i32
      %dma_start3A_180 = arith.constant 0 : i32
      %dma_start3A_181 = tpu.memref_slice %dma_start3A_178[%dma_start3A_179, %dma_start3A_180] : memref<64x4096xf32, #tpu.memory_space<hbm>> -> memref<8x4096xf32, #tpu.memory_space<hbm>>
      %dma_start3A_182 = arith.constant 0 : i32
      %dma_start3A_183 = arith.constant 0 : i32
      %dma_start3A_184 = tpu.memref_slice %arg2[%add3A_20, %dma_start3A_182, %dma_start3A_183] : memref<200x64x4096xf32, #tpu.memory_space<hbm>> -> memref<1x64x4096xf32, #tpu.memory_space<hbm>>
      %dma_start3A_185 = tpu.memref_squeeze %dma_start3A_184 : memref<1x64x4096xf32, #tpu.memory_space<hbm>> -> memref<64x4096xf32, #tpu.memory_space<hbm>>
      %dma_start3A_186 = arith.constant 24 : i32
      %dma_start3A_187 = arith.constant 0 : i32
      %dma_start3A_188 = tpu.memref_slice %dma_start3A_185[%dma_start3A_186, %dma_start3A_187] : memref<64x4096xf32, #tpu.memory_space<hbm>> -> memref<8x4096xf32, #tpu.memory_space<hbm>>
      tpu.enqueue_dma source(%dma_start3A_188 : memref<8x4096xf32, #tpu.memory_space<hbm>>) target(%arg6 : memref<8x4096xf32, #tpu.memory_space<vmem>>) target_semaphore(%arg8 : memref<!tpu.dma_semaphore, #tpu.memory_space<semaphore_mem>>)
      %dma_wait3A_189 = arith.constant 0 : i32
      %dma_wait3A_190 = arith.constant 0 : i32
      %dma_wait3A_191 = tpu.memref_slice %arg2[%add3A_20, %dma_wait3A_189, %dma_wait3A_190] : memref<200x64x4096xf32, #tpu.memory_space<hbm>> -> memref<1x64x4096xf32, #tpu.memory_space<hbm>>
      %dma_wait3A_192 = tpu.memref_squeeze %dma_wait3A_191 : memref<1x64x4096xf32, #tpu.memory_space<hbm>> -> memref<64x4096xf32, #tpu.memory_space<hbm>>
      %dma_wait3A_193 = arith.constant 16 : i32
      %dma_wait3A_194 = arith.constant 0 : i32
      %dma_wait3A_195 = tpu.memref_slice %dma_wait3A_192[%dma_wait3A_193, %dma_wait3A_194] : memref<64x4096xf32, #tpu.memory_space<hbm>> -> memref<8x4096xf32, #tpu.memory_space<hbm>>
      %dma_wait3A_196 = arith.constant 0 : i32
      %dma_wait3A_197 = arith.constant 0 : i32
      %dma_wait3A_198 = tpu.memref_slice %arg2[%add3A_20, %dma_wait3A_196, %dma_wait3A_197] : memref<200x64x4096xf32, #tpu.memory_space<hbm>> -> memref<1x64x4096xf32, #tpu.memory_space<hbm>>
      %dma_wait3A_199 = tpu.memref_squeeze %dma_wait3A_198 : memref<1x64x4096xf32, #tpu.memory_space<hbm>> -> memref<64x4096xf32, #tpu.memory_space<hbm>>
      %dma_wait3A_200 = arith.constant 16 : i32
      %dma_wait3A_201 = arith.constant 0 : i32
      %dma_wait3A_202 = tpu.memref_slice %dma_wait3A_199[%dma_wait3A_200, %dma_wait3A_201] : memref<64x4096xf32, #tpu.memory_space<hbm>> -> memref<8x4096xf32, #tpu.memory_space<hbm>>
      tpu.wait_dma2 semaphore(%arg7 : memref<!tpu.dma_semaphore, #tpu.memory_space<semaphore_mem>>) src(%dma_wait3A_202 : memref<8x4096xf32, #tpu.memory_space<hbm>>) dst(%arg5 : memref<8x4096xf32, #tpu.memory_space<vmem>>)
      %dma_start3A_203 = arith.constant 0 : i32
      %dma_start3A_204 = arith.constant 0 : i32
      %dma_start3A_205 = tpu.memref_slice %arg4[%add3A_20, %dma_start3A_203, %dma_start3A_204] : memref<201x64x4096xf32, #tpu.memory_space<hbm>> -> memref<1x64x4096xf32, #tpu.memory_space<hbm>>
      %dma_start3A_206 = tpu.memref_squeeze %dma_start3A_205 : memref<1x64x4096xf32, #tpu.memory_space<hbm>> -> memref<64x4096xf32, #tpu.memory_space<hbm>>
      %dma_start3A_207 = arith.constant 16 : i32
      %dma_start3A_208 = arith.constant 0 : i32
      %dma_start3A_209 = tpu.memref_slice %dma_start3A_206[%dma_start3A_207, %dma_start3A_208] : memref<64x4096xf32, #tpu.memory_space<hbm>> -> memref<8x4096xf32, #tpu.memory_space<hbm>>
      %dma_start3A_210 = arith.constant 0 : i32
      %dma_start3A_211 = arith.constant 0 : i32
      %dma_start3A_212 = tpu.memref_slice %arg4[%add3A_20, %dma_start3A_210, %dma_start3A_211] : memref<201x64x4096xf32, #tpu.memory_space<hbm>> -> memref<1x64x4096xf32, #tpu.memory_space<hbm>>
      %dma_start3A_213 = tpu.memref_squeeze %dma_start3A_212 : memref<1x64x4096xf32, #tpu.memory_space<hbm>> -> memref<64x4096xf32, #tpu.memory_space<hbm>>
      %dma_start3A_214 = arith.constant 16 : i32
      %dma_start3A_215 = arith.constant 0 : i32
      %dma_start3A_216 = tpu.memref_slice %dma_start3A_213[%dma_start3A_214, %dma_start3A_215] : memref<64x4096xf32, #tpu.memory_space<hbm>> -> memref<8x4096xf32, #tpu.memory_space<hbm>>
      tpu.enqueue_dma source(%arg5 : memref<8x4096xf32, #tpu.memory_space<vmem>>) target(%dma_start3A_216 : memref<8x4096xf32, #tpu.memory_space<hbm>>) target_semaphore(%arg9 : memref<!tpu.dma_semaphore, #tpu.memory_space<semaphore_mem>>)
      %dma_wait3A_217 = arith.constant 0 : i32
      %dma_wait3A_218 = arith.constant 0 : i32
      %dma_wait3A_219 = tpu.memref_slice %arg4[%add3A_20, %dma_wait3A_217, %dma_wait3A_218] : memref<201x64x4096xf32, #tpu.memory_space<hbm>> -> memref<1x64x4096xf32, #tpu.memory_space<hbm>>
      %dma_wait3A_220 = tpu.memref_squeeze %dma_wait3A_219 : memref<1x64x4096xf32, #tpu.memory_space<hbm>> -> memref<64x4096xf32, #tpu.memory_space<hbm>>
      %dma_wait3A_221 = arith.constant 16 : i32
      %dma_wait3A_222 = arith.constant 0 : i32
      %dma_wait3A_223 = tpu.memref_slice %dma_wait3A_220[%dma_wait3A_221, %dma_wait3A_222] : memref<64x4096xf32, #tpu.memory_space<hbm>> -> memref<8x4096xf32, #tpu.memory_space<hbm>>
      %dma_wait3A_224 = arith.constant 0 : i32
      %dma_wait3A_225 = arith.constant 0 : i32
      %dma_wait3A_226 = tpu.memref_slice %arg4[%add3A_20, %dma_wait3A_224, %dma_wait3A_225] : memref<201x64x4096xf32, #tpu.memory_space<hbm>> -> memref<1x64x4096xf32, #tpu.memory_space<hbm>>
      %dma_wait3A_227 = tpu.memref_squeeze %dma_wait3A_226 : memref<1x64x4096xf32, #tpu.memory_space<hbm>> -> memref<64x4096xf32, #tpu.memory_space<hbm>>
      %dma_wait3A_228 = arith.constant 16 : i32
      %dma_wait3A_229 = arith.constant 0 : i32
      %dma_wait3A_230 = tpu.memref_slice %dma_wait3A_227[%dma_wait3A_228, %dma_wait3A_229] : memref<64x4096xf32, #tpu.memory_space<hbm>> -> memref<8x4096xf32, #tpu.memory_space<hbm>>
      tpu.wait_dma2 semaphore(%arg9 : memref<!tpu.dma_semaphore, #tpu.memory_space<semaphore_mem>>) src(%arg5 : memref<8x4096xf32, #tpu.memory_space<vmem>>) dst(%dma_wait3A_230 : memref<8x4096xf32, #tpu.memory_space<hbm>>)
      %dma_start3A_231 = arith.constant 0 : i32
      %dma_start3A_232 = arith.constant 0 : i32
      %dma_start3A_233 = tpu.memref_slice %arg2[%add3A_20, %dma_start3A_231, %dma_start3A_232] : memref<200x64x4096xf32, #tpu.memory_space<hbm>> -> memref<1x64x4096xf32, #tpu.memory_space<hbm>>
      %dma_start3A_234 = tpu.memref_squeeze %dma_start3A_233 : memref<1x64x4096xf32, #tpu.memory_space<hbm>> -> memref<64x4096xf32, #tpu.memory_space<hbm>>
      %dma_start3A_235 = arith.constant 32 : i32
      %dma_start3A_236 = arith.constant 0 : i32
      %dma_start3A_237 = tpu.memref_slice %dma_start3A_234[%dma_start3A_235, %dma_start3A_236] : memref<64x4096xf32, #tpu.memory_space<hbm>> -> memref<8x4096xf32, #tpu.memory_space<hbm>>
      %dma_start3A_238 = arith.constant 0 : i32
      %dma_start3A_239 = arith.constant 0 : i32
      %dma_start3A_240 = tpu.memref_slice %arg2[%add3A_20, %dma_start3A_238, %dma_start3A_239] : memref<200x64x4096xf32, #tpu.memory_space<hbm>> -> memref<1x64x4096xf32, #tpu.memory_space<hbm>>
      %dma_start3A_241 = tpu.memref_squeeze %dma_start3A_240 : memref<1x64x4096xf32, #tpu.memory_space<hbm>> -> memref<64x4096xf32, #tpu.memory_space<hbm>>
      %dma_start3A_242 = arith.constant 32 : i32
      %dma_start3A_243 = arith.constant 0 : i32
      %dma_start3A_244 = tpu.memref_slice %dma_start3A_241[%dma_start3A_242, %dma_start3A_243] : memref<64x4096xf32, #tpu.memory_space<hbm>> -> memref<8x4096xf32, #tpu.memory_space<hbm>>
      tpu.enqueue_dma source(%dma_start3A_244 : memref<8x4096xf32, #tpu.memory_space<hbm>>) target(%arg5 : memref<8x4096xf32, #tpu.memory_space<vmem>>) target_semaphore(%arg7 : memref<!tpu.dma_semaphore, #tpu.memory_space<semaphore_mem>>)
      %dma_wait3A_245 = arith.constant 0 : i32
      %dma_wait3A_246 = arith.constant 0 : i32
      %dma_wait3A_247 = tpu.memref_slice %arg2[%add3A_20, %dma_wait3A_245, %dma_wait3A_246] : memref<200x64x4096xf32, #tpu.memory_space<hbm>> -> memref<1x64x4096xf32, #tpu.memory_space<hbm>>
      %dma_wait3A_248 = tpu.memref_squeeze %dma_wait3A_247 : memref<1x64x4096xf32, #tpu.memory_space<hbm>> -> memref<64x4096xf32, #tpu.memory_space<hbm>>
      %dma_wait3A_249 = arith.constant 24 : i32
      %dma_wait3A_250 = arith.constant 0 : i32
      %dma_wait3A_251 = tpu.memref_slice %dma_wait3A_248[%dma_wait3A_249, %dma_wait3A_250] : memref<64x4096xf32, #tpu.memory_space<hbm>> -> memref<8x4096xf32, #tpu.memory_space<hbm>>
      %dma_wait3A_252 = arith.constant 0 : i32
      %dma_wait3A_253 = arith.constant 0 : i32
      %dma_wait3A_254 = tpu.memref_slice %arg2[%add3A_20, %dma_wait3A_252, %dma_wait3A_253] : memref<200x64x4096xf32, #tpu.memory_space<hbm>> -> memref<1x64x4096xf32, #tpu.memory_space<hbm>>
      %dma_wait3A_255 = tpu.memref_squeeze %dma_wait3A_254 : memref<1x64x4096xf32, #tpu.memory_space<hbm>> -> memref<64x4096xf32, #tpu.memory_space<hbm>>
      %dma_wait3A_256 = arith.constant 24 : i32
      %dma_wait3A_257 = arith.constant 0 : i32
      %dma_wait3A_258 = tpu.memref_slice %dma_wait3A_255[%dma_wait3A_256, %dma_wait3A_257] : memref<64x4096xf32, #tpu.memory_space<hbm>> -> memref<8x4096xf32, #tpu.memory_space<hbm>>
      tpu.wait_dma2 semaphore(%arg8 : memref<!tpu.dma_semaphore, #tpu.memory_space<semaphore_mem>>) src(%dma_wait3A_258 : memref<8x4096xf32, #tpu.memory_space<hbm>>) dst(%arg6 : memref<8x4096xf32, #tpu.memory_space<vmem>>)
      %dma_start3A_259 = arith.constant 0 : i32
      %dma_start3A_260 = arith.constant 0 : i32
      %dma_start3A_261 = tpu.memref_slice %arg4[%add3A_20, %dma_start3A_259, %dma_start3A_260] : memref<201x64x4096xf32, #tpu.memory_space<hbm>> -> memref<1x64x4096xf32, #tpu.memory_space<hbm>>
      %dma_start3A_262 = tpu.memref_squeeze %dma_start3A_261 : memref<1x64x4096xf32, #tpu.memory_space<hbm>> -> memref<64x4096xf32, #tpu.memory_space<hbm>>
      %dma_start3A_263 = arith.constant 24 : i32
      %dma_start3A_264 = arith.constant 0 : i32
      %dma_start3A_265 = tpu.memref_slice %dma_start3A_262[%dma_start3A_263, %dma_start3A_264] : memref<64x4096xf32, #tpu.memory_space<hbm>> -> memref<8x4096xf32, #tpu.memory_space<hbm>>
      %dma_start3A_266 = arith.constant 0 : i32
      %dma_start3A_267 = arith.constant 0 : i32
      %dma_start3A_268 = tpu.memref_slice %arg4[%add3A_20, %dma_start3A_266, %dma_start3A_267] : memref<201x64x4096xf32, #tpu.memory_space<hbm>> -> memref<1x64x4096xf32, #tpu.memory_space<hbm>>
      %dma_start3A_269 = tpu.memref_squeeze %dma_start3A_268 : memref<1x64x4096xf32, #tpu.memory_space<hbm>> -> memref<64x4096xf32, #tpu.memory_space<hbm>>
      %dma_start3A_270 = arith.constant 24 : i32
      %dma_start3A_271 = arith.constant 0 : i32
      %dma_start3A_272 = tpu.memref_slice %dma_start3A_269[%dma_start3A_270, %dma_start3A_271] : memref<64x4096xf32, #tpu.memory_space<hbm>> -> memref<8x4096xf32, #tpu.memory_space<hbm>>
      tpu.enqueue_dma source(%arg6 : memref<8x4096xf32, #tpu.memory_space<vmem>>) target(%dma_start3A_272 : memref<8x4096xf32, #tpu.memory_space<hbm>>) target_semaphore(%arg10 : memref<!tpu.dma_semaphore, #tpu.memory_space<semaphore_mem>>)
      %dma_wait3A_273 = arith.constant 0 : i32
      %dma_wait3A_274 = arith.constant 0 : i32
      %dma_wait3A_275 = tpu.memref_slice %arg4[%add3A_20, %dma_wait3A_273, %dma_wait3A_274] : memref<201x64x4096xf32, #tpu.memory_space<hbm>> -> memref<1x64x4096xf32, #tpu.memory_space<hbm>>
      %dma_wait3A_276 = tpu.memref_squeeze %dma_wait3A_275 : memref<1x64x4096xf32, #tpu.memory_space<hbm>> -> memref<64x4096xf32, #tpu.memory_space<hbm>>
      %dma_wait3A_277 = arith.constant 24 : i32
      %dma_wait3A_278 = arith.constant 0 : i32
      %dma_wait3A_279 = tpu.memref_slice %dma_wait3A_276[%dma_wait3A_277, %dma_wait3A_278] : memref<64x4096xf32, #tpu.memory_space<hbm>> -> memref<8x4096xf32, #tpu.memory_space<hbm>>
      %dma_wait3A_280 = arith.constant 0 : i32
      %dma_wait3A_281 = arith.constant 0 : i32
      %dma_wait3A_282 = tpu.memref_slice %arg4[%add3A_20, %dma_wait3A_280, %dma_wait3A_281] : memref<201x64x4096xf32, #tpu.memory_space<hbm>> -> memref<1x64x4096xf32, #tpu.memory_space<hbm>>
      %dma_wait3A_283 = tpu.memref_squeeze %dma_wait3A_282 : memref<1x64x4096xf32, #tpu.memory_space<hbm>> -> memref<64x4096xf32, #tpu.memory_space<hbm>>
      %dma_wait3A_284 = arith.constant 24 : i32
      %dma_wait3A_285 = arith.constant 0 : i32
      %dma_wait3A_286 = tpu.memref_slice %dma_wait3A_283[%dma_wait3A_284, %dma_wait3A_285] : memref<64x4096xf32, #tpu.memory_space<hbm>> -> memref<8x4096xf32, #tpu.memory_space<hbm>>
      tpu.wait_dma2 semaphore(%arg10 : memref<!tpu.dma_semaphore, #tpu.memory_space<semaphore_mem>>) src(%arg6 : memref<8x4096xf32, #tpu.memory_space<vmem>>) dst(%dma_wait3A_286 : memref<8x4096xf32, #tpu.memory_space<hbm>>)
      %dma_start3A_287 = arith.constant 0 : i32
      %dma_start3A_288 = arith.constant 0 : i32
      %dma_start3A_289 = tpu.memref_slice %arg2[%add3A_20, %dma_start3A_287, %dma_start3A_288] : memref<200x64x4096xf32, #tpu.memory_space<hbm>> -> memref<1x64x4096xf32, #tpu.memory_space<hbm>>
      %dma_start3A_290 = tpu.memref_squeeze %dma_start3A_289 : memref<1x64x4096xf32, #tpu.memory_space<hbm>> -> memref<64x4096xf32, #tpu.memory_space<hbm>>
      %dma_start3A_291 = arith.constant 40 : i32
      %dma_start3A_292 = arith.constant 0 : i32
      %dma_start3A_293 = tpu.memref_slice %dma_start3A_290[%dma_start3A_291, %dma_start3A_292] : memref<64x4096xf32, #tpu.memory_space<hbm>> -> memref<8x4096xf32, #tpu.memory_space<hbm>>
      %dma_start3A_294 = arith.constant 0 : i32
      %dma_start3A_295 = arith.constant 0 : i32
      %dma_start3A_296 = tpu.memref_slice %arg2[%add3A_20, %dma_start3A_294, %dma_start3A_295] : memref<200x64x4096xf32, #tpu.memory_space<hbm>> -> memref<1x64x4096xf32, #tpu.memory_space<hbm>>
      %dma_start3A_297 = tpu.memref_squeeze %dma_start3A_296 : memref<1x64x4096xf32, #tpu.memory_space<hbm>> -> memref<64x4096xf32, #tpu.memory_space<hbm>>
      %dma_start3A_298 = arith.constant 40 : i32
      %dma_start3A_299 = arith.constant 0 : i32
      %dma_start3A_300 = tpu.memref_slice %dma_start3A_297[%dma_start3A_298, %dma_start3A_299] : memref<64x4096xf32, #tpu.memory_space<hbm>> -> memref<8x4096xf32, #tpu.memory_space<hbm>>
      tpu.enqueue_dma source(%dma_start3A_300 : memref<8x4096xf32, #tpu.memory_space<hbm>>) target(%arg6 : memref<8x4096xf32, #tpu.memory_space<vmem>>) target_semaphore(%arg8 : memref<!tpu.dma_semaphore, #tpu.memory_space<semaphore_mem>>)
      %dma_wait3A_301 = arith.constant 0 : i32
      %dma_wait3A_302 = arith.constant 0 : i32
      %dma_wait3A_303 = tpu.memref_slice %arg2[%add3A_20, %dma_wait3A_301, %dma_wait3A_302] : memref<200x64x4096xf32, #tpu.memory_space<hbm>> -> memref<1x64x4096xf32, #tpu.memory_space<hbm>>
      %dma_wait3A_304 = tpu.memref_squeeze %dma_wait3A_303 : memref<1x64x4096xf32, #tpu.memory_space<hbm>> -> memref<64x4096xf32, #tpu.memory_space<hbm>>
      %dma_wait3A_305 = arith.constant 32 : i32
      %dma_wait3A_306 = arith.constant 0 : i32
      %dma_wait3A_307 = tpu.memref_slice %dma_wait3A_304[%dma_wait3A_305, %dma_wait3A_306] : memref<64x4096xf32, #tpu.memory_space<hbm>> -> memref<8x4096xf32, #tpu.memory_space<hbm>>
      %dma_wait3A_308 = arith.constant 0 : i32
      %dma_wait3A_309 = arith.constant 0 : i32
      %dma_wait3A_310 = tpu.memref_slice %arg2[%add3A_20, %dma_wait3A_308, %dma_wait3A_309] : memref<200x64x4096xf32, #tpu.memory_space<hbm>> -> memref<1x64x4096xf32, #tpu.memory_space<hbm>>
      %dma_wait3A_311 = tpu.memref_squeeze %dma_wait3A_310 : memref<1x64x4096xf32, #tpu.memory_space<hbm>> -> memref<64x4096xf32, #tpu.memory_space<hbm>>
      %dma_wait3A_312 = arith.constant 32 : i32
      %dma_wait3A_313 = arith.constant 0 : i32
      %dma_wait3A_314 = tpu.memref_slice %dma_wait3A_311[%dma_wait3A_312, %dma_wait3A_313] : memref<64x4096xf32, #tpu.memory_space<hbm>> -> memref<8x4096xf32, #tpu.memory_space<hbm>>
      tpu.wait_dma2 semaphore(%arg7 : memref<!tpu.dma_semaphore, #tpu.memory_space<semaphore_mem>>) src(%dma_wait3A_314 : memref<8x4096xf32, #tpu.memory_space<hbm>>) dst(%arg5 : memref<8x4096xf32, #tpu.memory_space<vmem>>)
      %dma_start3A_315 = arith.constant 0 : i32
      %dma_start3A_316 = arith.constant 0 : i32
      %dma_start3A_317 = tpu.memref_slice %arg4[%add3A_20, %dma_start3A_315, %dma_start3A_316] : memref<201x64x4096xf32, #tpu.memory_space<hbm>> -> memref<1x64x4096xf32, #tpu.memory_space<hbm>>
      %dma_start3A_318 = tpu.memref_squeeze %dma_start3A_317 : memref<1x64x4096xf32, #tpu.memory_space<hbm>> -> memref<64x4096xf32, #tpu.memory_space<hbm>>
      %dma_start3A_319 = arith.constant 32 : i32
      %dma_start3A_320 = arith.constant 0 : i32
      %dma_start3A_321 = tpu.memref_slice %dma_start3A_318[%dma_start3A_319, %dma_start3A_320] : memref<64x4096xf32, #tpu.memory_space<hbm>> -> memref<8x4096xf32, #tpu.memory_space<hbm>>
      %dma_start3A_322 = arith.constant 0 : i32
      %dma_start3A_323 = arith.constant 0 : i32
      %dma_start3A_324 = tpu.memref_slice %arg4[%add3A_20, %dma_start3A_322, %dma_start3A_323] : memref<201x64x4096xf32, #tpu.memory_space<hbm>> -> memref<1x64x4096xf32, #tpu.memory_space<hbm>>
      %dma_start3A_325 = tpu.memref_squeeze %dma_start3A_324 : memref<1x64x4096xf32, #tpu.memory_space<hbm>> -> memref<64x4096xf32, #tpu.memory_space<hbm>>
      %dma_start3A_326 = arith.constant 32 : i32
      %dma_start3A_327 = arith.constant 0 : i32
      %dma_start3A_328 = tpu.memref_slice %dma_start3A_325[%dma_start3A_326, %dma_start3A_327] : memref<64x4096xf32, #tpu.memory_space<hbm>> -> memref<8x4096xf32, #tpu.memory_space<hbm>>
      tpu.enqueue_dma source(%arg5 : memref<8x4096xf32, #tpu.memory_space<vmem>>) target(%dma_start3A_328 : memref<8x4096xf32, #tpu.memory_space<hbm>>) target_semaphore(%arg9 : memref<!tpu.dma_semaphore, #tpu.memory_space<semaphore_mem>>)
      %dma_wait3A_329 = arith.constant 0 : i32
      %dma_wait3A_330 = arith.constant 0 : i32
      %dma_wait3A_331 = tpu.memref_slice %arg4[%add3A_20, %dma_wait3A_329, %dma_wait3A_330] : memref<201x64x4096xf32, #tpu.memory_space<hbm>> -> memref<1x64x4096xf32, #tpu.memory_space<hbm>>
      %dma_wait3A_332 = tpu.memref_squeeze %dma_wait3A_331 : memref<1x64x4096xf32, #tpu.memory_space<hbm>> -> memref<64x4096xf32, #tpu.memory_space<hbm>>
      %dma_wait3A_333 = arith.constant 32 : i32
      %dma_wait3A_334 = arith.constant 0 : i32
      %dma_wait3A_335 = tpu.memref_slice %dma_wait3A_332[%dma_wait3A_333, %dma_wait3A_334] : memref<64x4096xf32, #tpu.memory_space<hbm>> -> memref<8x4096xf32, #tpu.memory_space<hbm>>
      %dma_wait3A_336 = arith.constant 0 : i32
      %dma_wait3A_337 = arith.constant 0 : i32
      %dma_wait3A_338 = tpu.memref_slice %arg4[%add3A_20, %dma_wait3A_336, %dma_wait3A_337] : memref<201x64x4096xf32, #tpu.memory_space<hbm>> -> memref<1x64x4096xf32, #tpu.memory_space<hbm>>
      %dma_wait3A_339 = tpu.memref_squeeze %dma_wait3A_338 : memref<1x64x4096xf32, #tpu.memory_space<hbm>> -> memref<64x4096xf32, #tpu.memory_space<hbm>>
      %dma_wait3A_340 = arith.constant 32 : i32
      %dma_wait3A_341 = arith.constant 0 : i32
      %dma_wait3A_342 = tpu.memref_slice %dma_wait3A_339[%dma_wait3A_340, %dma_wait3A_341] : memref<64x4096xf32, #tpu.memory_space<hbm>> -> memref<8x4096xf32, #tpu.memory_space<hbm>>
      tpu.wait_dma2 semaphore(%arg9 : memref<!tpu.dma_semaphore, #tpu.memory_space<semaphore_mem>>) src(%arg5 : memref<8x4096xf32, #tpu.memory_space<vmem>>) dst(%dma_wait3A_342 : memref<8x4096xf32, #tpu.memory_space<hbm>>)
      %dma_start3A_343 = arith.constant 0 : i32
      %dma_start3A_344 = arith.constant 0 : i32
      %dma_start3A_345 = tpu.memref_slice %arg2[%add3A_20, %dma_start3A_343, %dma_start3A_344] : memref<200x64x4096xf32, #tpu.memory_space<hbm>> -> memref<1x64x4096xf32, #tpu.memory_space<hbm>>
      %dma_start3A_346 = tpu.memref_squeeze %dma_start3A_345 : memref<1x64x4096xf32, #tpu.memory_space<hbm>> -> memref<64x4096xf32, #tpu.memory_space<hbm>>
      %dma_start3A_347 = arith.constant 48 : i32
      %dma_start3A_348 = arith.constant 0 : i32
      %dma_start3A_349 = tpu.memref_slice %dma_start3A_346[%dma_start3A_347, %dma_start3A_348] : memref<64x4096xf32, #tpu.memory_space<hbm>> -> memref<8x4096xf32, #tpu.memory_space<hbm>>
      %dma_start3A_350 = arith.constant 0 : i32
      %dma_start3A_351 = arith.constant 0 : i32
      %dma_start3A_352 = tpu.memref_slice %arg2[%add3A_20, %dma_start3A_350, %dma_start3A_351] : memref<200x64x4096xf32, #tpu.memory_space<hbm>> -> memref<1x64x4096xf32, #tpu.memory_space<hbm>>
      %dma_start3A_353 = tpu.memref_squeeze %dma_start3A_352 : memref<1x64x4096xf32, #tpu.memory_space<hbm>> -> memref<64x4096xf32, #tpu.memory_space<hbm>>
      %dma_start3A_354 = arith.constant 48 : i32
      %dma_start3A_355 = arith.constant 0 : i32
      %dma_start3A_356 = tpu.memref_slice %dma_start3A_353[%dma_start3A_354, %dma_start3A_355] : memref<64x4096xf32, #tpu.memory_space<hbm>> -> memref<8x4096xf32, #tpu.memory_space<hbm>>
      tpu.enqueue_dma source(%dma_start3A_356 : memref<8x4096xf32, #tpu.memory_space<hbm>>) target(%arg5 : memref<8x4096xf32, #tpu.memory_space<vmem>>) target_semaphore(%arg7 : memref<!tpu.dma_semaphore, #tpu.memory_space<semaphore_mem>>)
      %dma_wait3A_357 = arith.constant 0 : i32
      %dma_wait3A_358 = arith.constant 0 : i32
      %dma_wait3A_359 = tpu.memref_slice %arg2[%add3A_20, %dma_wait3A_357, %dma_wait3A_358] : memref<200x64x4096xf32, #tpu.memory_space<hbm>> -> memref<1x64x4096xf32, #tpu.memory_space<hbm>>
      %dma_wait3A_360 = tpu.memref_squeeze %dma_wait3A_359 : memref<1x64x4096xf32, #tpu.memory_space<hbm>> -> memref<64x4096xf32, #tpu.memory_space<hbm>>
      %dma_wait3A_361 = arith.constant 40 : i32
      %dma_wait3A_362 = arith.constant 0 : i32
      %dma_wait3A_363 = tpu.memref_slice %dma_wait3A_360[%dma_wait3A_361, %dma_wait3A_362] : memref<64x4096xf32, #tpu.memory_space<hbm>> -> memref<8x4096xf32, #tpu.memory_space<hbm>>
      %dma_wait3A_364 = arith.constant 0 : i32
      %dma_wait3A_365 = arith.constant 0 : i32
      %dma_wait3A_366 = tpu.memref_slice %arg2[%add3A_20, %dma_wait3A_364, %dma_wait3A_365] : memref<200x64x4096xf32, #tpu.memory_space<hbm>> -> memref<1x64x4096xf32, #tpu.memory_space<hbm>>
      %dma_wait3A_367 = tpu.memref_squeeze %dma_wait3A_366 : memref<1x64x4096xf32, #tpu.memory_space<hbm>> -> memref<64x4096xf32, #tpu.memory_space<hbm>>
      %dma_wait3A_368 = arith.constant 40 : i32
      %dma_wait3A_369 = arith.constant 0 : i32
      %dma_wait3A_370 = tpu.memref_slice %dma_wait3A_367[%dma_wait3A_368, %dma_wait3A_369] : memref<64x4096xf32, #tpu.memory_space<hbm>> -> memref<8x4096xf32, #tpu.memory_space<hbm>>
      tpu.wait_dma2 semaphore(%arg8 : memref<!tpu.dma_semaphore, #tpu.memory_space<semaphore_mem>>) src(%dma_wait3A_370 : memref<8x4096xf32, #tpu.memory_space<hbm>>) dst(%arg6 : memref<8x4096xf32, #tpu.memory_space<vmem>>)
      %dma_start3A_371 = arith.constant 0 : i32
      %dma_start3A_372 = arith.constant 0 : i32
      %dma_start3A_373 = tpu.memref_slice %arg4[%add3A_20, %dma_start3A_371, %dma_start3A_372] : memref<201x64x4096xf32, #tpu.memory_space<hbm>> -> memref<1x64x4096xf32, #tpu.memory_space<hbm>>
      %dma_start3A_374 = tpu.memref_squeeze %dma_start3A_373 : memref<1x64x4096xf32, #tpu.memory_space<hbm>> -> memref<64x4096xf32, #tpu.memory_space<hbm>>
      %dma_start3A_375 = arith.constant 40 : i32
      %dma_start3A_376 = arith.constant 0 : i32
      %dma_start3A_377 = tpu.memref_slice %dma_start3A_374[%dma_start3A_375, %dma_start3A_376] : memref<64x4096xf32, #tpu.memory_space<hbm>> -> memref<8x4096xf32, #tpu.memory_space<hbm>>
      %dma_start3A_378 = arith.constant 0 : i32
      %dma_start3A_379 = arith.constant 0 : i32
      %dma_start3A_380 = tpu.memref_slice %arg4[%add3A_20, %dma_start3A_378, %dma_start3A_379] : memref<201x64x4096xf32, #tpu.memory_space<hbm>> -> memref<1x64x4096xf32, #tpu.memory_space<hbm>>
      %dma_start3A_381 = tpu.memref_squeeze %dma_start3A_380 : memref<1x64x4096xf32, #tpu.memory_space<hbm>> -> memref<64x4096xf32, #tpu.memory_space<hbm>>
      %dma_start3A_382 = arith.constant 40 : i32
      %dma_start3A_383 = arith.constant 0 : i32
      %dma_start3A_384 = tpu.memref_slice %dma_start3A_381[%dma_start3A_382, %dma_start3A_383] : memref<64x4096xf32, #tpu.memory_space<hbm>> -> memref<8x4096xf32, #tpu.memory_space<hbm>>
      tpu.enqueue_dma source(%arg6 : memref<8x4096xf32, #tpu.memory_space<vmem>>) target(%dma_start3A_384 : memref<8x4096xf32, #tpu.memory_space<hbm>>) target_semaphore(%arg10 : memref<!tpu.dma_semaphore, #tpu.memory_space<semaphore_mem>>)
      %dma_wait3A_385 = arith.constant 0 : i32
      %dma_wait3A_386 = arith.constant 0 : i32
      %dma_wait3A_387 = tpu.memref_slice %arg4[%add3A_20, %dma_wait3A_385, %dma_wait3A_386] : memref<201x64x4096xf32, #tpu.memory_space<hbm>> -> memref<1x64x4096xf32, #tpu.memory_space<hbm>>
      %dma_wait3A_388 = tpu.memref_squeeze %dma_wait3A_387 : memref<1x64x4096xf32, #tpu.memory_space<hbm>> -> memref<64x4096xf32, #tpu.memory_space<hbm>>
      %dma_wait3A_389 = arith.constant 40 : i32
      %dma_wait3A_390 = arith.constant 0 : i32
      %dma_wait3A_391 = tpu.memref_slice %dma_wait3A_388[%dma_wait3A_389, %dma_wait3A_390] : memref<64x4096xf32, #tpu.memory_space<hbm>> -> memref<8x4096xf32, #tpu.memory_space<hbm>>
      %dma_wait3A_392 = arith.constant 0 : i32
      %dma_wait3A_393 = arith.constant 0 : i32
      %dma_wait3A_394 = tpu.memref_slice %arg4[%add3A_20, %dma_wait3A_392, %dma_wait3A_393] : memref<201x64x4096xf32, #tpu.memory_space<hbm>> -> memref<1x64x4096xf32, #tpu.memory_space<hbm>>
      %dma_wait3A_395 = tpu.memref_squeeze %dma_wait3A_394 : memref<1x64x4096xf32, #tpu.memory_space<hbm>> -> memref<64x4096xf32, #tpu.memory_space<hbm>>
      %dma_wait3A_396 = arith.constant 40 : i32
      %dma_wait3A_397 = arith.constant 0 : i32
      %dma_wait3A_398 = tpu.memref_slice %dma_wait3A_395[%dma_wait3A_396, %dma_wait3A_397] : memref<64x4096xf32, #tpu.memory_space<hbm>> -> memref<8x4096xf32, #tpu.memory_space<hbm>>
      tpu.wait_dma2 semaphore(%arg10 : memref<!tpu.dma_semaphore, #tpu.memory_space<semaphore_mem>>) src(%arg6 : memref<8x4096xf32, #tpu.memory_space<vmem>>) dst(%dma_wait3A_398 : memref<8x4096xf32, #tpu.memory_space<hbm>>)
      %dma_start3A_399 = arith.constant 0 : i32
      %dma_start3A_400 = arith.constant 0 : i32
      %dma_start3A_401 = tpu.memref_slice %arg2[%add3A_20, %dma_start3A_399, %dma_start3A_400] : memref<200x64x4096xf32, #tpu.memory_space<hbm>> -> memref<1x64x4096xf32, #tpu.memory_space<hbm>>
      %dma_start3A_402 = tpu.memref_squeeze %dma_start3A_401 : memref<1x64x4096xf32, #tpu.memory_space<hbm>> -> memref<64x4096xf32, #tpu.memory_space<hbm>>
      %dma_start3A_403 = arith.constant 56 : i32
      %dma_start3A_404 = arith.constant 0 : i32
      %dma_start3A_405 = tpu.memref_slice %dma_start3A_402[%dma_start3A_403, %dma_start3A_404] : memref<64x4096xf32, #tpu.memory_space<hbm>> -> memref<8x4096xf32, #tpu.memory_space<hbm>>
      %dma_start3A_406 = arith.constant 0 : i32
      %dma_start3A_407 = arith.constant 0 : i32
      %dma_start3A_408 = tpu.memref_slice %arg2[%add3A_20, %dma_start3A_406, %dma_start3A_407] : memref<200x64x4096xf32, #tpu.memory_space<hbm>> -> memref<1x64x4096xf32, #tpu.memory_space<hbm>>
      %dma_start3A_409 = tpu.memref_squeeze %dma_start3A_408 : memref<1x64x4096xf32, #tpu.memory_space<hbm>> -> memref<64x4096xf32, #tpu.memory_space<hbm>>
      %dma_start3A_410 = arith.constant 56 : i32
      %dma_start3A_411 = arith.constant 0 : i32
      %dma_start3A_412 = tpu.memref_slice %dma_start3A_409[%dma_start3A_410, %dma_start3A_411] : memref<64x4096xf32, #tpu.memory_space<hbm>> -> memref<8x4096xf32, #tpu.memory_space<hbm>>
      tpu.enqueue_dma source(%dma_start3A_412 : memref<8x4096xf32, #tpu.memory_space<hbm>>) target(%arg6 : memref<8x4096xf32, #tpu.memory_space<vmem>>) target_semaphore(%arg8 : memref<!tpu.dma_semaphore, #tpu.memory_space<semaphore_mem>>)
      %dma_wait3A_413 = arith.constant 0 : i32
      %dma_wait3A_414 = arith.constant 0 : i32
      %dma_wait3A_415 = tpu.memref_slice %arg2[%add3A_20, %dma_wait3A_413, %dma_wait3A_414] : memref<200x64x4096xf32, #tpu.memory_space<hbm>> -> memref<1x64x4096xf32, #tpu.memory_space<hbm>>
      %dma_wait3A_416 = tpu.memref_squeeze %dma_wait3A_415 : memref<1x64x4096xf32, #tpu.memory_space<hbm>> -> memref<64x4096xf32, #tpu.memory_space<hbm>>
      %dma_wait3A_417 = arith.constant 48 : i32
      %dma_wait3A_418 = arith.constant 0 : i32
      %dma_wait3A_419 = tpu.memref_slice %dma_wait3A_416[%dma_wait3A_417, %dma_wait3A_418] : memref<64x4096xf32, #tpu.memory_space<hbm>> -> memref<8x4096xf32, #tpu.memory_space<hbm>>
      %dma_wait3A_420 = arith.constant 0 : i32
      %dma_wait3A_421 = arith.constant 0 : i32
      %dma_wait3A_422 = tpu.memref_slice %arg2[%add3A_20, %dma_wait3A_420, %dma_wait3A_421] : memref<200x64x4096xf32, #tpu.memory_space<hbm>> -> memref<1x64x4096xf32, #tpu.memory_space<hbm>>
      %dma_wait3A_423 = tpu.memref_squeeze %dma_wait3A_422 : memref<1x64x4096xf32, #tpu.memory_space<hbm>> -> memref<64x4096xf32, #tpu.memory_space<hbm>>
      %dma_wait3A_424 = arith.constant 48 : i32
      %dma_wait3A_425 = arith.constant 0 : i32
      %dma_wait3A_426 = tpu.memref_slice %dma_wait3A_423[%dma_wait3A_424, %dma_wait3A_425] : memref<64x4096xf32, #tpu.memory_space<hbm>> -> memref<8x4096xf32, #tpu.memory_space<hbm>>
      tpu.wait_dma2 semaphore(%arg7 : memref<!tpu.dma_semaphore, #tpu.memory_space<semaphore_mem>>) src(%dma_wait3A_426 : memref<8x4096xf32, #tpu.memory_space<hbm>>) dst(%arg5 : memref<8x4096xf32, #tpu.memory_space<vmem>>)
      %dma_start3A_427 = arith.constant 0 : i32
      %dma_start3A_428 = arith.constant 0 : i32
      %dma_start3A_429 = tpu.memref_slice %arg4[%add3A_20, %dma_start3A_427, %dma_start3A_428] : memref<201x64x4096xf32, #tpu.memory_space<hbm>> -> memref<1x64x4096xf32, #tpu.memory_space<hbm>>
      %dma_start3A_430 = tpu.memref_squeeze %dma_start3A_429 : memref<1x64x4096xf32, #tpu.memory_space<hbm>> -> memref<64x4096xf32, #tpu.memory_space<hbm>>
      %dma_start3A_431 = arith.constant 48 : i32
      %dma_start3A_432 = arith.constant 0 : i32
      %dma_start3A_433 = tpu.memref_slice %dma_start3A_430[%dma_start3A_431, %dma_start3A_432] : memref<64x4096xf32, #tpu.memory_space<hbm>> -> memref<8x4096xf32, #tpu.memory_space<hbm>>
      %dma_start3A_434 = arith.constant 0 : i32
      %dma_start3A_435 = arith.constant 0 : i32
      %dma_start3A_436 = tpu.memref_slice %arg4[%add3A_20, %dma_start3A_434, %dma_start3A_435] : memref<201x64x4096xf32, #tpu.memory_space<hbm>> -> memref<1x64x4096xf32, #tpu.memory_space<hbm>>
      %dma_start3A_437 = tpu.memref_squeeze %dma_start3A_436 : memref<1x64x4096xf32, #tpu.memory_space<hbm>> -> memref<64x4096xf32, #tpu.memory_space<hbm>>
      %dma_start3A_438 = arith.constant 48 : i32
      %dma_start3A_439 = arith.constant 0 : i32
      %dma_start3A_440 = tpu.memref_slice %dma_start3A_437[%dma_start3A_438, %dma_start3A_439] : memref<64x4096xf32, #tpu.memory_space<hbm>> -> memref<8x4096xf32, #tpu.memory_space<hbm>>
      tpu.enqueue_dma source(%arg5 : memref<8x4096xf32, #tpu.memory_space<vmem>>) target(%dma_start3A_440 : memref<8x4096xf32, #tpu.memory_space<hbm>>) target_semaphore(%arg9 : memref<!tpu.dma_semaphore, #tpu.memory_space<semaphore_mem>>)
      %dma_wait3A_441 = arith.constant 0 : i32
      %dma_wait3A_442 = arith.constant 0 : i32
      %dma_wait3A_443 = tpu.memref_slice %arg2[%add3A_20, %dma_wait3A_441, %dma_wait3A_442] : memref<200x64x4096xf32, #tpu.memory_space<hbm>> -> memref<1x64x4096xf32, #tpu.memory_space<hbm>>
      %dma_wait3A_444 = tpu.memref_squeeze %dma_wait3A_443 : memref<1x64x4096xf32, #tpu.memory_space<hbm>> -> memref<64x4096xf32, #tpu.memory_space<hbm>>
      %dma_wait3A_445 = arith.constant 56 : i32
      %dma_wait3A_446 = arith.constant 0 : i32
      %dma_wait3A_447 = tpu.memref_slice %dma_wait3A_444[%dma_wait3A_445, %dma_wait3A_446] : memref<64x4096xf32, #tpu.memory_space<hbm>> -> memref<8x4096xf32, #tpu.memory_space<hbm>>
      %dma_wait3A_448 = arith.constant 0 : i32
      %dma_wait3A_449 = arith.constant 0 : i32
      %dma_wait3A_450 = tpu.memref_slice %arg2[%add3A_20, %dma_wait3A_448, %dma_wait3A_449] : memref<200x64x4096xf32, #tpu.memory_space<hbm>> -> memref<1x64x4096xf32, #tpu.memory_space<hbm>>
      %dma_wait3A_451 = tpu.memref_squeeze %dma_wait3A_450 : memref<1x64x4096xf32, #tpu.memory_space<hbm>> -> memref<64x4096xf32, #tpu.memory_space<hbm>>
      %dma_wait3A_452 = arith.constant 56 : i32
      %dma_wait3A_453 = arith.constant 0 : i32
      %dma_wait3A_454 = tpu.memref_slice %dma_wait3A_451[%dma_wait3A_452, %dma_wait3A_453] : memref<64x4096xf32, #tpu.memory_space<hbm>> -> memref<8x4096xf32, #tpu.memory_space<hbm>>
      tpu.wait_dma2 semaphore(%arg8 : memref<!tpu.dma_semaphore, #tpu.memory_space<semaphore_mem>>) src(%dma_wait3A_454 : memref<8x4096xf32, #tpu.memory_space<hbm>>) dst(%arg6 : memref<8x4096xf32, #tpu.memory_space<vmem>>)
      %dma_start3A_455 = arith.constant 0 : i32
      %dma_start3A_456 = arith.constant 0 : i32
      %dma_start3A_457 = tpu.memref_slice %arg4[%add3A_20, %dma_start3A_455, %dma_start3A_456] : memref<201x64x4096xf32, #tpu.memory_space<hbm>> -> memref<1x64x4096xf32, #tpu.memory_space<hbm>>
      %dma_start3A_458 = tpu.memref_squeeze %dma_start3A_457 : memref<1x64x4096xf32, #tpu.memory_space<hbm>> -> memref<64x4096xf32, #tpu.memory_space<hbm>>
      %dma_start3A_459 = arith.constant 56 : i32
      %dma_start3A_460 = arith.constant 0 : i32
      %dma_start3A_461 = tpu.memref_slice %dma_start3A_458[%dma_start3A_459, %dma_start3A_460] : memref<64x4096xf32, #tpu.memory_space<hbm>> -> memref<8x4096xf32, #tpu.memory_space<hbm>>
      %dma_start3A_462 = arith.constant 0 : i32
      %dma_start3A_463 = arith.constant 0 : i32
      %dma_start3A_464 = tpu.memref_slice %arg4[%add3A_20, %dma_start3A_462, %dma_start3A_463] : memref<201x64x4096xf32, #tpu.memory_space<hbm>> -> memref<1x64x4096xf32, #tpu.memory_space<hbm>>
      %dma_start3A_465 = tpu.memref_squeeze %dma_start3A_464 : memref<1x64x4096xf32, #tpu.memory_space<hbm>> -> memref<64x4096xf32, #tpu.memory_space<hbm>>
      %dma_start3A_466 = arith.constant 56 : i32
      %dma_start3A_467 = arith.constant 0 : i32
      %dma_start3A_468 = tpu.memref_slice %dma_start3A_465[%dma_start3A_466, %dma_start3A_467] : memref<64x4096xf32, #tpu.memory_space<hbm>> -> memref<8x4096xf32, #tpu.memory_space<hbm>>
      tpu.enqueue_dma source(%arg6 : memref<8x4096xf32, #tpu.memory_space<vmem>>) target(%dma_start3A_468 : memref<8x4096xf32, #tpu.memory_space<hbm>>) target_semaphore(%arg10 : memref<!tpu.dma_semaphore, #tpu.memory_space<semaphore_mem>>)
      %dma_wait3A_469 = arith.constant 0 : i32
      %dma_wait3A_470 = arith.constant 0 : i32
      %dma_wait3A_471 = tpu.memref_slice %arg4[%add3A_20, %dma_wait3A_469, %dma_wait3A_470] : memref<201x64x4096xf32, #tpu.memory_space<hbm>> -> memref<1x64x4096xf32, #tpu.memory_space<hbm>>
      %dma_wait3A_472 = tpu.memref_squeeze %dma_wait3A_471 : memref<1x64x4096xf32, #tpu.memory_space<hbm>> -> memref<64x4096xf32, #tpu.memory_space<hbm>>
      %dma_wait3A_473 = arith.constant 48 : i32
      %dma_wait3A_474 = arith.constant 0 : i32
      %dma_wait3A_475 = tpu.memref_slice %dma_wait3A_472[%dma_wait3A_473, %dma_wait3A_474] : memref<64x4096xf32, #tpu.memory_space<hbm>> -> memref<8x4096xf32, #tpu.memory_space<hbm>>
      %dma_wait3A_476 = arith.constant 0 : i32
      %dma_wait3A_477 = arith.constant 0 : i32
      %dma_wait3A_478 = tpu.memref_slice %arg4[%add3A_20, %dma_wait3A_476, %dma_wait3A_477] : memref<201x64x4096xf32, #tpu.memory_space<hbm>> -> memref<1x64x4096xf32, #tpu.memory_space<hbm>>
      %dma_wait3A_479 = tpu.memref_squeeze %dma_wait3A_478 : memref<1x64x4096xf32, #tpu.memory_space<hbm>> -> memref<64x4096xf32, #tpu.memory_space<hbm>>
      %dma_wait3A_480 = arith.constant 48 : i32
      %dma_wait3A_481 = arith.constant 0 : i32
      %dma_wait3A_482 = tpu.memref_slice %dma_wait3A_479[%dma_wait3A_480, %dma_wait3A_481] : memref<64x4096xf32, #tpu.memory_space<hbm>> -> memref<8x4096xf32, #tpu.memory_space<hbm>>
      tpu.wait_dma2 semaphore(%arg9 : memref<!tpu.dma_semaphore, #tpu.memory_space<semaphore_mem>>) src(%arg5 : memref<8x4096xf32, #tpu.memory_space<vmem>>) dst(%dma_wait3A_482 : memref<8x4096xf32, #tpu.memory_space<hbm>>)
      %dma_wait3A_483 = arith.constant 0 : i32
      %dma_wait3A_484 = arith.constant 0 : i32
      %dma_wait3A_485 = tpu.memref_slice %arg4[%add3A_20, %dma_wait3A_483, %dma_wait3A_484] : memref<201x64x4096xf32, #tpu.memory_space<hbm>> -> memref<1x64x4096xf32, #tpu.memory_space<hbm>>
      %dma_wait3A_486 = tpu.memref_squeeze %dma_wait3A_485 : memref<1x64x4096xf32, #tpu.memory_space<hbm>> -> memref<64x4096xf32, #tpu.memory_space<hbm>>
      %dma_wait3A_487 = arith.constant 56 : i32
      %dma_wait3A_488 = arith.constant 0 : i32
      %dma_wait3A_489 = tpu.memref_slice %dma_wait3A_486[%dma_wait3A_487, %dma_wait3A_488] : memref<64x4096xf32, #tpu.memory_space<hbm>> -> memref<8x4096xf32, #tpu.memory_space<hbm>>
      %dma_wait3A_490 = arith.constant 0 : i32
      %dma_wait3A_491 = arith.constant 0 : i32
      %dma_wait3A_492 = tpu.memref_slice %arg4[%add3A_20, %dma_wait3A_490, %dma_wait3A_491] : memref<201x64x4096xf32, #tpu.memory_space<hbm>> -> memref<1x64x4096xf32, #tpu.memory_space<hbm>>
      %dma_wait3A_493 = tpu.memref_squeeze %dma_wait3A_492 : memref<1x64x4096xf32, #tpu.memory_space<hbm>> -> memref<64x4096xf32, #tpu.memory_space<hbm>>
      %dma_wait3A_494 = arith.constant 56 : i32
      %dma_wait3A_495 = arith.constant 0 : i32
      %dma_wait3A_496 = tpu.memref_slice %dma_wait3A_493[%dma_wait3A_494, %dma_wait3A_495] : memref<64x4096xf32, #tpu.memory_space<hbm>> -> memref<8x4096xf32, #tpu.memory_space<hbm>>
      tpu.wait_dma2 semaphore(%arg10 : memref<!tpu.dma_semaphore, #tpu.memory_space<semaphore_mem>>) src(%arg6 : memref<8x4096xf32, #tpu.memory_space<vmem>>) dst(%dma_wait3A_496 : memref<8x4096xf32, #tpu.memory_space<hbm>>)
    } else {
    }
    %add3A_26 = arith.constant 128 : i32
    %add3A_27 = arith.addi %add3A, %add3A_26 : i32
    %lt3A_28 = arith.constant 200 : i32
    %lt3A_29 = arith.cmpi slt, %add3A_27, %lt3A_28 : i32
    %convert_element_type3A_30 = arith.extui %lt3A_29 : i1 to i32
    %cond3A_31 = arith.constant 0 : i32
    %cond3A_32 = arith.cmpi ne, %convert_element_type3A_30, %cond3A_31 : i32
    scf.if %cond3A_32 {
      %dma_start3A = arith.constant 0 : i32
      %dma_start3A_51 = arith.constant 0 : i32
      %dma_start3A_52 = tpu.memref_slice %arg2[%add3A_27, %dma_start3A, %dma_start3A_51] : memref<200x64x4096xf32, #tpu.memory_space<hbm>> -> memref<1x64x4096xf32, #tpu.memory_space<hbm>>
      %dma_start3A_53 = tpu.memref_squeeze %dma_start3A_52 : memref<1x64x4096xf32, #tpu.memory_space<hbm>> -> memref<64x4096xf32, #tpu.memory_space<hbm>>
      %dma_start3A_54 = arith.constant 0 : i32
      %dma_start3A_55 = arith.constant 0 : i32
      %dma_start3A_56 = tpu.memref_slice %dma_start3A_53[%dma_start3A_54, %dma_start3A_55] : memref<64x4096xf32, #tpu.memory_space<hbm>> -> memref<8x4096xf32, #tpu.memory_space<hbm>>
      %dma_start3A_57 = arith.constant 0 : i32
      %dma_start3A_58 = arith.constant 0 : i32
      %dma_start3A_59 = tpu.memref_slice %arg2[%add3A_27, %dma_start3A_57, %dma_start3A_58] : memref<200x64x4096xf32, #tpu.memory_space<hbm>> -> memref<1x64x4096xf32, #tpu.memory_space<hbm>>
      %dma_start3A_60 = tpu.memref_squeeze %dma_start3A_59 : memref<1x64x4096xf32, #tpu.memory_space<hbm>> -> memref<64x4096xf32, #tpu.memory_space<hbm>>
      %dma_start3A_61 = arith.constant 0 : i32
      %dma_start3A_62 = arith.constant 0 : i32
      %dma_start3A_63 = tpu.memref_slice %dma_start3A_60[%dma_start3A_61, %dma_start3A_62] : memref<64x4096xf32, #tpu.memory_space<hbm>> -> memref<8x4096xf32, #tpu.memory_space<hbm>>
      tpu.enqueue_dma source(%dma_start3A_63 : memref<8x4096xf32, #tpu.memory_space<hbm>>) target(%arg5 : memref<8x4096xf32, #tpu.memory_space<vmem>>) target_semaphore(%arg7 : memref<!tpu.dma_semaphore, #tpu.memory_space<semaphore_mem>>)
      %dma_start3A_64 = arith.constant 0 : i32
      %dma_start3A_65 = arith.constant 0 : i32
      %dma_start3A_66 = tpu.memref_slice %arg2[%add3A_27, %dma_start3A_64, %dma_start3A_65] : memref<200x64x4096xf32, #tpu.memory_space<hbm>> -> memref<1x64x4096xf32, #tpu.memory_space<hbm>>
      %dma_start3A_67 = tpu.memref_squeeze %dma_start3A_66 : memref<1x64x4096xf32, #tpu.memory_space<hbm>> -> memref<64x4096xf32, #tpu.memory_space<hbm>>
      %dma_start3A_68 = arith.constant 8 : i32
      %dma_start3A_69 = arith.constant 0 : i32
      %dma_start3A_70 = tpu.memref_slice %dma_start3A_67[%dma_start3A_68, %dma_start3A_69] : memref<64x4096xf32, #tpu.memory_space<hbm>> -> memref<8x4096xf32, #tpu.memory_space<hbm>>
      %dma_start3A_71 = arith.constant 0 : i32
      %dma_start3A_72 = arith.constant 0 : i32
      %dma_start3A_73 = tpu.memref_slice %arg2[%add3A_27, %dma_start3A_71, %dma_start3A_72] : memref<200x64x4096xf32, #tpu.memory_space<hbm>> -> memref<1x64x4096xf32, #tpu.memory_space<hbm>>
      %dma_start3A_74 = tpu.memref_squeeze %dma_start3A_73 : memref<1x64x4096xf32, #tpu.memory_space<hbm>> -> memref<64x4096xf32, #tpu.memory_space<hbm>>
      %dma_start3A_75 = arith.constant 8 : i32
      %dma_start3A_76 = arith.constant 0 : i32
      %dma_start3A_77 = tpu.memref_slice %dma_start3A_74[%dma_start3A_75, %dma_start3A_76] : memref<64x4096xf32, #tpu.memory_space<hbm>> -> memref<8x4096xf32, #tpu.memory_space<hbm>>
      tpu.enqueue_dma source(%dma_start3A_77 : memref<8x4096xf32, #tpu.memory_space<hbm>>) target(%arg6 : memref<8x4096xf32, #tpu.memory_space<vmem>>) target_semaphore(%arg8 : memref<!tpu.dma_semaphore, #tpu.memory_space<semaphore_mem>>)
      %dma_wait3A = arith.constant 0 : i32
      %dma_wait3A_78 = arith.constant 0 : i32
      %dma_wait3A_79 = tpu.memref_slice %arg2[%add3A_27, %dma_wait3A, %dma_wait3A_78] : memref<200x64x4096xf32, #tpu.memory_space<hbm>> -> memref<1x64x4096xf32, #tpu.memory_space<hbm>>
      %dma_wait3A_80 = tpu.memref_squeeze %dma_wait3A_79 : memref<1x64x4096xf32, #tpu.memory_space<hbm>> -> memref<64x4096xf32, #tpu.memory_space<hbm>>
      %dma_wait3A_81 = arith.constant 0 : i32
      %dma_wait3A_82 = arith.constant 0 : i32
      %dma_wait3A_83 = tpu.memref_slice %dma_wait3A_80[%dma_wait3A_81, %dma_wait3A_82] : memref<64x4096xf32, #tpu.memory_space<hbm>> -> memref<8x4096xf32, #tpu.memory_space<hbm>>
      %dma_wait3A_84 = arith.constant 0 : i32
      %dma_wait3A_85 = arith.constant 0 : i32
      %dma_wait3A_86 = tpu.memref_slice %arg2[%add3A_27, %dma_wait3A_84, %dma_wait3A_85] : memref<200x64x4096xf32, #tpu.memory_space<hbm>> -> memref<1x64x4096xf32, #tpu.memory_space<hbm>>
      %dma_wait3A_87 = tpu.memref_squeeze %dma_wait3A_86 : memref<1x64x4096xf32, #tpu.memory_space<hbm>> -> memref<64x4096xf32, #tpu.memory_space<hbm>>
      %dma_wait3A_88 = arith.constant 0 : i32
      %dma_wait3A_89 = arith.constant 0 : i32
      %dma_wait3A_90 = tpu.memref_slice %dma_wait3A_87[%dma_wait3A_88, %dma_wait3A_89] : memref<64x4096xf32, #tpu.memory_space<hbm>> -> memref<8x4096xf32, #tpu.memory_space<hbm>>
      tpu.wait_dma2 semaphore(%arg7 : memref<!tpu.dma_semaphore, #tpu.memory_space<semaphore_mem>>) src(%dma_wait3A_90 : memref<8x4096xf32, #tpu.memory_space<hbm>>) dst(%arg5 : memref<8x4096xf32, #tpu.memory_space<vmem>>)
      %dma_start3A_91 = arith.constant 0 : i32
      %dma_start3A_92 = arith.constant 0 : i32
      %dma_start3A_93 = tpu.memref_slice %arg4[%add3A_27, %dma_start3A_91, %dma_start3A_92] : memref<201x64x4096xf32, #tpu.memory_space<hbm>> -> memref<1x64x4096xf32, #tpu.memory_space<hbm>>
      %dma_start3A_94 = tpu.memref_squeeze %dma_start3A_93 : memref<1x64x4096xf32, #tpu.memory_space<hbm>> -> memref<64x4096xf32, #tpu.memory_space<hbm>>
      %dma_start3A_95 = arith.constant 0 : i32
      %dma_start3A_96 = arith.constant 0 : i32
      %dma_start3A_97 = tpu.memref_slice %dma_start3A_94[%dma_start3A_95, %dma_start3A_96] : memref<64x4096xf32, #tpu.memory_space<hbm>> -> memref<8x4096xf32, #tpu.memory_space<hbm>>
      %dma_start3A_98 = arith.constant 0 : i32
      %dma_start3A_99 = arith.constant 0 : i32
      %dma_start3A_100 = tpu.memref_slice %arg4[%add3A_27, %dma_start3A_98, %dma_start3A_99] : memref<201x64x4096xf32, #tpu.memory_space<hbm>> -> memref<1x64x4096xf32, #tpu.memory_space<hbm>>
      %dma_start3A_101 = tpu.memref_squeeze %dma_start3A_100 : memref<1x64x4096xf32, #tpu.memory_space<hbm>> -> memref<64x4096xf32, #tpu.memory_space<hbm>>
      %dma_start3A_102 = arith.constant 0 : i32
      %dma_start3A_103 = arith.constant 0 : i32
      %dma_start3A_104 = tpu.memref_slice %dma_start3A_101[%dma_start3A_102, %dma_start3A_103] : memref<64x4096xf32, #tpu.memory_space<hbm>> -> memref<8x4096xf32, #tpu.memory_space<hbm>>
      tpu.enqueue_dma source(%arg5 : memref<8x4096xf32, #tpu.memory_space<vmem>>) target(%dma_start3A_104 : memref<8x4096xf32, #tpu.memory_space<hbm>>) target_semaphore(%arg9 : memref<!tpu.dma_semaphore, #tpu.memory_space<semaphore_mem>>)
      %dma_wait3A_105 = arith.constant 0 : i32
      %dma_wait3A_106 = arith.constant 0 : i32
      %dma_wait3A_107 = tpu.memref_slice %arg4[%add3A_27, %dma_wait3A_105, %dma_wait3A_106] : memref<201x64x4096xf32, #tpu.memory_space<hbm>> -> memref<1x64x4096xf32, #tpu.memory_space<hbm>>
      %dma_wait3A_108 = tpu.memref_squeeze %dma_wait3A_107 : memref<1x64x4096xf32, #tpu.memory_space<hbm>> -> memref<64x4096xf32, #tpu.memory_space<hbm>>
      %dma_wait3A_109 = arith.constant 0 : i32
      %dma_wait3A_110 = arith.constant 0 : i32
      %dma_wait3A_111 = tpu.memref_slice %dma_wait3A_108[%dma_wait3A_109, %dma_wait3A_110] : memref<64x4096xf32, #tpu.memory_space<hbm>> -> memref<8x4096xf32, #tpu.memory_space<hbm>>
      %dma_wait3A_112 = arith.constant 0 : i32
      %dma_wait3A_113 = arith.constant 0 : i32
      %dma_wait3A_114 = tpu.memref_slice %arg4[%add3A_27, %dma_wait3A_112, %dma_wait3A_113] : memref<201x64x4096xf32, #tpu.memory_space<hbm>> -> memref<1x64x4096xf32, #tpu.memory_space<hbm>>
      %dma_wait3A_115 = tpu.memref_squeeze %dma_wait3A_114 : memref<1x64x4096xf32, #tpu.memory_space<hbm>> -> memref<64x4096xf32, #tpu.memory_space<hbm>>
      %dma_wait3A_116 = arith.constant 0 : i32
      %dma_wait3A_117 = arith.constant 0 : i32
      %dma_wait3A_118 = tpu.memref_slice %dma_wait3A_115[%dma_wait3A_116, %dma_wait3A_117] : memref<64x4096xf32, #tpu.memory_space<hbm>> -> memref<8x4096xf32, #tpu.memory_space<hbm>>
      tpu.wait_dma2 semaphore(%arg9 : memref<!tpu.dma_semaphore, #tpu.memory_space<semaphore_mem>>) src(%arg5 : memref<8x4096xf32, #tpu.memory_space<vmem>>) dst(%dma_wait3A_118 : memref<8x4096xf32, #tpu.memory_space<hbm>>)
      %dma_start3A_119 = arith.constant 0 : i32
      %dma_start3A_120 = arith.constant 0 : i32
      %dma_start3A_121 = tpu.memref_slice %arg2[%add3A_27, %dma_start3A_119, %dma_start3A_120] : memref<200x64x4096xf32, #tpu.memory_space<hbm>> -> memref<1x64x4096xf32, #tpu.memory_space<hbm>>
      %dma_start3A_122 = tpu.memref_squeeze %dma_start3A_121 : memref<1x64x4096xf32, #tpu.memory_space<hbm>> -> memref<64x4096xf32, #tpu.memory_space<hbm>>
      %dma_start3A_123 = arith.constant 16 : i32
      %dma_start3A_124 = arith.constant 0 : i32
      %dma_start3A_125 = tpu.memref_slice %dma_start3A_122[%dma_start3A_123, %dma_start3A_124] : memref<64x4096xf32, #tpu.memory_space<hbm>> -> memref<8x4096xf32, #tpu.memory_space<hbm>>
      %dma_start3A_126 = arith.constant 0 : i32
      %dma_start3A_127 = arith.constant 0 : i32
      %dma_start3A_128 = tpu.memref_slice %arg2[%add3A_27, %dma_start3A_126, %dma_start3A_127] : memref<200x64x4096xf32, #tpu.memory_space<hbm>> -> memref<1x64x4096xf32, #tpu.memory_space<hbm>>
      %dma_start3A_129 = tpu.memref_squeeze %dma_start3A_128 : memref<1x64x4096xf32, #tpu.memory_space<hbm>> -> memref<64x4096xf32, #tpu.memory_space<hbm>>
      %dma_start3A_130 = arith.constant 16 : i32
      %dma_start3A_131 = arith.constant 0 : i32
      %dma_start3A_132 = tpu.memref_slice %dma_start3A_129[%dma_start3A_130, %dma_start3A_131] : memref<64x4096xf32, #tpu.memory_space<hbm>> -> memref<8x4096xf32, #tpu.memory_space<hbm>>
      tpu.enqueue_dma source(%dma_start3A_132 : memref<8x4096xf32, #tpu.memory_space<hbm>>) target(%arg5 : memref<8x4096xf32, #tpu.memory_space<vmem>>) target_semaphore(%arg7 : memref<!tpu.dma_semaphore, #tpu.memory_space<semaphore_mem>>)
      %dma_wait3A_133 = arith.constant 0 : i32
      %dma_wait3A_134 = arith.constant 0 : i32
      %dma_wait3A_135 = tpu.memref_slice %arg2[%add3A_27, %dma_wait3A_133, %dma_wait3A_134] : memref<200x64x4096xf32, #tpu.memory_space<hbm>> -> memref<1x64x4096xf32, #tpu.memory_space<hbm>>
      %dma_wait3A_136 = tpu.memref_squeeze %dma_wait3A_135 : memref<1x64x4096xf32, #tpu.memory_space<hbm>> -> memref<64x4096xf32, #tpu.memory_space<hbm>>
      %dma_wait3A_137 = arith.constant 8 : i32
      %dma_wait3A_138 = arith.constant 0 : i32
      %dma_wait3A_139 = tpu.memref_slice %dma_wait3A_136[%dma_wait3A_137, %dma_wait3A_138] : memref<64x4096xf32, #tpu.memory_space<hbm>> -> memref<8x4096xf32, #tpu.memory_space<hbm>>
      %dma_wait3A_140 = arith.constant 0 : i32
      %dma_wait3A_141 = arith.constant 0 : i32
      %dma_wait3A_142 = tpu.memref_slice %arg2[%add3A_27, %dma_wait3A_140, %dma_wait3A_141] : memref<200x64x4096xf32, #tpu.memory_space<hbm>> -> memref<1x64x4096xf32, #tpu.memory_space<hbm>>
      %dma_wait3A_143 = tpu.memref_squeeze %dma_wait3A_142 : memref<1x64x4096xf32, #tpu.memory_space<hbm>> -> memref<64x4096xf32, #tpu.memory_space<hbm>>
      %dma_wait3A_144 = arith.constant 8 : i32
      %dma_wait3A_145 = arith.constant 0 : i32
      %dma_wait3A_146 = tpu.memref_slice %dma_wait3A_143[%dma_wait3A_144, %dma_wait3A_145] : memref<64x4096xf32, #tpu.memory_space<hbm>> -> memref<8x4096xf32, #tpu.memory_space<hbm>>
      tpu.wait_dma2 semaphore(%arg8 : memref<!tpu.dma_semaphore, #tpu.memory_space<semaphore_mem>>) src(%dma_wait3A_146 : memref<8x4096xf32, #tpu.memory_space<hbm>>) dst(%arg6 : memref<8x4096xf32, #tpu.memory_space<vmem>>)
      %dma_start3A_147 = arith.constant 0 : i32
      %dma_start3A_148 = arith.constant 0 : i32
      %dma_start3A_149 = tpu.memref_slice %arg4[%add3A_27, %dma_start3A_147, %dma_start3A_148] : memref<201x64x4096xf32, #tpu.memory_space<hbm>> -> memref<1x64x4096xf32, #tpu.memory_space<hbm>>
      %dma_start3A_150 = tpu.memref_squeeze %dma_start3A_149 : memref<1x64x4096xf32, #tpu.memory_space<hbm>> -> memref<64x4096xf32, #tpu.memory_space<hbm>>
      %dma_start3A_151 = arith.constant 8 : i32
      %dma_start3A_152 = arith.constant 0 : i32
      %dma_start3A_153 = tpu.memref_slice %dma_start3A_150[%dma_start3A_151, %dma_start3A_152] : memref<64x4096xf32, #tpu.memory_space<hbm>> -> memref<8x4096xf32, #tpu.memory_space<hbm>>
      %dma_start3A_154 = arith.constant 0 : i32
      %dma_start3A_155 = arith.constant 0 : i32
      %dma_start3A_156 = tpu.memref_slice %arg4[%add3A_27, %dma_start3A_154, %dma_start3A_155] : memref<201x64x4096xf32, #tpu.memory_space<hbm>> -> memref<1x64x4096xf32, #tpu.memory_space<hbm>>
      %dma_start3A_157 = tpu.memref_squeeze %dma_start3A_156 : memref<1x64x4096xf32, #tpu.memory_space<hbm>> -> memref<64x4096xf32, #tpu.memory_space<hbm>>
      %dma_start3A_158 = arith.constant 8 : i32
      %dma_start3A_159 = arith.constant 0 : i32
      %dma_start3A_160 = tpu.memref_slice %dma_start3A_157[%dma_start3A_158, %dma_start3A_159] : memref<64x4096xf32, #tpu.memory_space<hbm>> -> memref<8x4096xf32, #tpu.memory_space<hbm>>
      tpu.enqueue_dma source(%arg6 : memref<8x4096xf32, #tpu.memory_space<vmem>>) target(%dma_start3A_160 : memref<8x4096xf32, #tpu.memory_space<hbm>>) target_semaphore(%arg10 : memref<!tpu.dma_semaphore, #tpu.memory_space<semaphore_mem>>)
      %dma_wait3A_161 = arith.constant 0 : i32
      %dma_wait3A_162 = arith.constant 0 : i32
      %dma_wait3A_163 = tpu.memref_slice %arg4[%add3A_27, %dma_wait3A_161, %dma_wait3A_162] : memref<201x64x4096xf32, #tpu.memory_space<hbm>> -> memref<1x64x4096xf32, #tpu.memory_space<hbm>>
      %dma_wait3A_164 = tpu.memref_squeeze %dma_wait3A_163 : memref<1x64x4096xf32, #tpu.memory_space<hbm>> -> memref<64x4096xf32, #tpu.memory_space<hbm>>
      %dma_wait3A_165 = arith.constant 8 : i32
      %dma_wait3A_166 = arith.constant 0 : i32
      %dma_wait3A_167 = tpu.memref_slice %dma_wait3A_164[%dma_wait3A_165, %dma_wait3A_166] : memref<64x4096xf32, #tpu.memory_space<hbm>> -> memref<8x4096xf32, #tpu.memory_space<hbm>>
      %dma_wait3A_168 = arith.constant 0 : i32
      %dma_wait3A_169 = arith.constant 0 : i32
      %dma_wait3A_170 = tpu.memref_slice %arg4[%add3A_27, %dma_wait3A_168, %dma_wait3A_169] : memref<201x64x4096xf32, #tpu.memory_space<hbm>> -> memref<1x64x4096xf32, #tpu.memory_space<hbm>>
      %dma_wait3A_171 = tpu.memref_squeeze %dma_wait3A_170 : memref<1x64x4096xf32, #tpu.memory_space<hbm>> -> memref<64x4096xf32, #tpu.memory_space<hbm>>
      %dma_wait3A_172 = arith.constant 8 : i32
      %dma_wait3A_173 = arith.constant 0 : i32
      %dma_wait3A_174 = tpu.memref_slice %dma_wait3A_171[%dma_wait3A_172, %dma_wait3A_173] : memref<64x4096xf32, #tpu.memory_space<hbm>> -> memref<8x4096xf32, #tpu.memory_space<hbm>>
      tpu.wait_dma2 semaphore(%arg10 : memref<!tpu.dma_semaphore, #tpu.memory_space<semaphore_mem>>) src(%arg6 : memref<8x4096xf32, #tpu.memory_space<vmem>>) dst(%dma_wait3A_174 : memref<8x4096xf32, #tpu.memory_space<hbm>>)
      %dma_start3A_175 = arith.constant 0 : i32
      %dma_start3A_176 = arith.constant 0 : i32
      %dma_start3A_177 = tpu.memref_slice %arg2[%add3A_27, %dma_start3A_175, %dma_start3A_176] : memref<200x64x4096xf32, #tpu.memory_space<hbm>> -> memref<1x64x4096xf32, #tpu.memory_space<hbm>>
      %dma_start3A_178 = tpu.memref_squeeze %dma_start3A_177 : memref<1x64x4096xf32, #tpu.memory_space<hbm>> -> memref<64x4096xf32, #tpu.memory_space<hbm>>
      %dma_start3A_179 = arith.constant 24 : i32
      %dma_start3A_180 = arith.constant 0 : i32
      %dma_start3A_181 = tpu.memref_slice %dma_start3A_178[%dma_start3A_179, %dma_start3A_180] : memref<64x4096xf32, #tpu.memory_space<hbm>> -> memref<8x4096xf32, #tpu.memory_space<hbm>>
      %dma_start3A_182 = arith.constant 0 : i32
      %dma_start3A_183 = arith.constant 0 : i32
      %dma_start3A_184 = tpu.memref_slice %arg2[%add3A_27, %dma_start3A_182, %dma_start3A_183] : memref<200x64x4096xf32, #tpu.memory_space<hbm>> -> memref<1x64x4096xf32, #tpu.memory_space<hbm>>
      %dma_start3A_185 = tpu.memref_squeeze %dma_start3A_184 : memref<1x64x4096xf32, #tpu.memory_space<hbm>> -> memref<64x4096xf32, #tpu.memory_space<hbm>>
      %dma_start3A_186 = arith.constant 24 : i32
      %dma_start3A_187 = arith.constant 0 : i32
      %dma_start3A_188 = tpu.memref_slice %dma_start3A_185[%dma_start3A_186, %dma_start3A_187] : memref<64x4096xf32, #tpu.memory_space<hbm>> -> memref<8x4096xf32, #tpu.memory_space<hbm>>
      tpu.enqueue_dma source(%dma_start3A_188 : memref<8x4096xf32, #tpu.memory_space<hbm>>) target(%arg6 : memref<8x4096xf32, #tpu.memory_space<vmem>>) target_semaphore(%arg8 : memref<!tpu.dma_semaphore, #tpu.memory_space<semaphore_mem>>)
      %dma_wait3A_189 = arith.constant 0 : i32
      %dma_wait3A_190 = arith.constant 0 : i32
      %dma_wait3A_191 = tpu.memref_slice %arg2[%add3A_27, %dma_wait3A_189, %dma_wait3A_190] : memref<200x64x4096xf32, #tpu.memory_space<hbm>> -> memref<1x64x4096xf32, #tpu.memory_space<hbm>>
      %dma_wait3A_192 = tpu.memref_squeeze %dma_wait3A_191 : memref<1x64x4096xf32, #tpu.memory_space<hbm>> -> memref<64x4096xf32, #tpu.memory_space<hbm>>
      %dma_wait3A_193 = arith.constant 16 : i32
      %dma_wait3A_194 = arith.constant 0 : i32
      %dma_wait3A_195 = tpu.memref_slice %dma_wait3A_192[%dma_wait3A_193, %dma_wait3A_194] : memref<64x4096xf32, #tpu.memory_space<hbm>> -> memref<8x4096xf32, #tpu.memory_space<hbm>>
      %dma_wait3A_196 = arith.constant 0 : i32
      %dma_wait3A_197 = arith.constant 0 : i32
      %dma_wait3A_198 = tpu.memref_slice %arg2[%add3A_27, %dma_wait3A_196, %dma_wait3A_197] : memref<200x64x4096xf32, #tpu.memory_space<hbm>> -> memref<1x64x4096xf32, #tpu.memory_space<hbm>>
      %dma_wait3A_199 = tpu.memref_squeeze %dma_wait3A_198 : memref<1x64x4096xf32, #tpu.memory_space<hbm>> -> memref<64x4096xf32, #tpu.memory_space<hbm>>
      %dma_wait3A_200 = arith.constant 16 : i32
      %dma_wait3A_201 = arith.constant 0 : i32
      %dma_wait3A_202 = tpu.memref_slice %dma_wait3A_199[%dma_wait3A_200, %dma_wait3A_201] : memref<64x4096xf32, #tpu.memory_space<hbm>> -> memref<8x4096xf32, #tpu.memory_space<hbm>>
      tpu.wait_dma2 semaphore(%arg7 : memref<!tpu.dma_semaphore, #tpu.memory_space<semaphore_mem>>) src(%dma_wait3A_202 : memref<8x4096xf32, #tpu.memory_space<hbm>>) dst(%arg5 : memref<8x4096xf32, #tpu.memory_space<vmem>>)
      %dma_start3A_203 = arith.constant 0 : i32
      %dma_start3A_204 = arith.constant 0 : i32
      %dma_start3A_205 = tpu.memref_slice %arg4[%add3A_27, %dma_start3A_203, %dma_start3A_204] : memref<201x64x4096xf32, #tpu.memory_space<hbm>> -> memref<1x64x4096xf32, #tpu.memory_space<hbm>>
      %dma_start3A_206 = tpu.memref_squeeze %dma_start3A_205 : memref<1x64x4096xf32, #tpu.memory_space<hbm>> -> memref<64x4096xf32, #tpu.memory_space<hbm>>
      %dma_start3A_207 = arith.constant 16 : i32
      %dma_start3A_208 = arith.constant 0 : i32
      %dma_start3A_209 = tpu.memref_slice %dma_start3A_206[%dma_start3A_207, %dma_start3A_208] : memref<64x4096xf32, #tpu.memory_space<hbm>> -> memref<8x4096xf32, #tpu.memory_space<hbm>>
      %dma_start3A_210 = arith.constant 0 : i32
      %dma_start3A_211 = arith.constant 0 : i32
      %dma_start3A_212 = tpu.memref_slice %arg4[%add3A_27, %dma_start3A_210, %dma_start3A_211] : memref<201x64x4096xf32, #tpu.memory_space<hbm>> -> memref<1x64x4096xf32, #tpu.memory_space<hbm>>
      %dma_start3A_213 = tpu.memref_squeeze %dma_start3A_212 : memref<1x64x4096xf32, #tpu.memory_space<hbm>> -> memref<64x4096xf32, #tpu.memory_space<hbm>>
      %dma_start3A_214 = arith.constant 16 : i32
      %dma_start3A_215 = arith.constant 0 : i32
      %dma_start3A_216 = tpu.memref_slice %dma_start3A_213[%dma_start3A_214, %dma_start3A_215] : memref<64x4096xf32, #tpu.memory_space<hbm>> -> memref<8x4096xf32, #tpu.memory_space<hbm>>
      tpu.enqueue_dma source(%arg5 : memref<8x4096xf32, #tpu.memory_space<vmem>>) target(%dma_start3A_216 : memref<8x4096xf32, #tpu.memory_space<hbm>>) target_semaphore(%arg9 : memref<!tpu.dma_semaphore, #tpu.memory_space<semaphore_mem>>)
      %dma_wait3A_217 = arith.constant 0 : i32
      %dma_wait3A_218 = arith.constant 0 : i32
      %dma_wait3A_219 = tpu.memref_slice %arg4[%add3A_27, %dma_wait3A_217, %dma_wait3A_218] : memref<201x64x4096xf32, #tpu.memory_space<hbm>> -> memref<1x64x4096xf32, #tpu.memory_space<hbm>>
      %dma_wait3A_220 = tpu.memref_squeeze %dma_wait3A_219 : memref<1x64x4096xf32, #tpu.memory_space<hbm>> -> memref<64x4096xf32, #tpu.memory_space<hbm>>
      %dma_wait3A_221 = arith.constant 16 : i32
      %dma_wait3A_222 = arith.constant 0 : i32
      %dma_wait3A_223 = tpu.memref_slice %dma_wait3A_220[%dma_wait3A_221, %dma_wait3A_222] : memref<64x4096xf32, #tpu.memory_space<hbm>> -> memref<8x4096xf32, #tpu.memory_space<hbm>>
      %dma_wait3A_224 = arith.constant 0 : i32
      %dma_wait3A_225 = arith.constant 0 : i32
      %dma_wait3A_226 = tpu.memref_slice %arg4[%add3A_27, %dma_wait3A_224, %dma_wait3A_225] : memref<201x64x4096xf32, #tpu.memory_space<hbm>> -> memref<1x64x4096xf32, #tpu.memory_space<hbm>>
      %dma_wait3A_227 = tpu.memref_squeeze %dma_wait3A_226 : memref<1x64x4096xf32, #tpu.memory_space<hbm>> -> memref<64x4096xf32, #tpu.memory_space<hbm>>
      %dma_wait3A_228 = arith.constant 16 : i32
      %dma_wait3A_229 = arith.constant 0 : i32
      %dma_wait3A_230 = tpu.memref_slice %dma_wait3A_227[%dma_wait3A_228, %dma_wait3A_229] : memref<64x4096xf32, #tpu.memory_space<hbm>> -> memref<8x4096xf32, #tpu.memory_space<hbm>>
      tpu.wait_dma2 semaphore(%arg9 : memref<!tpu.dma_semaphore, #tpu.memory_space<semaphore_mem>>) src(%arg5 : memref<8x4096xf32, #tpu.memory_space<vmem>>) dst(%dma_wait3A_230 : memref<8x4096xf32, #tpu.memory_space<hbm>>)
      %dma_start3A_231 = arith.constant 0 : i32
      %dma_start3A_232 = arith.constant 0 : i32
      %dma_start3A_233 = tpu.memref_slice %arg2[%add3A_27, %dma_start3A_231, %dma_start3A_232] : memref<200x64x4096xf32, #tpu.memory_space<hbm>> -> memref<1x64x4096xf32, #tpu.memory_space<hbm>>
      %dma_start3A_234 = tpu.memref_squeeze %dma_start3A_233 : memref<1x64x4096xf32, #tpu.memory_space<hbm>> -> memref<64x4096xf32, #tpu.memory_space<hbm>>
      %dma_start3A_235 = arith.constant 32 : i32
      %dma_start3A_236 = arith.constant 0 : i32
      %dma_start3A_237 = tpu.memref_slice %dma_start3A_234[%dma_start3A_235, %dma_start3A_236] : memref<64x4096xf32, #tpu.memory_space<hbm>> -> memref<8x4096xf32, #tpu.memory_space<hbm>>
      %dma_start3A_238 = arith.constant 0 : i32
      %dma_start3A_239 = arith.constant 0 : i32
      %dma_start3A_240 = tpu.memref_slice %arg2[%add3A_27, %dma_start3A_238, %dma_start3A_239] : memref<200x64x4096xf32, #tpu.memory_space<hbm>> -> memref<1x64x4096xf32, #tpu.memory_space<hbm>>
      %dma_start3A_241 = tpu.memref_squeeze %dma_start3A_240 : memref<1x64x4096xf32, #tpu.memory_space<hbm>> -> memref<64x4096xf32, #tpu.memory_space<hbm>>
      %dma_start3A_242 = arith.constant 32 : i32
      %dma_start3A_243 = arith.constant 0 : i32
      %dma_start3A_244 = tpu.memref_slice %dma_start3A_241[%dma_start3A_242, %dma_start3A_243] : memref<64x4096xf32, #tpu.memory_space<hbm>> -> memref<8x4096xf32, #tpu.memory_space<hbm>>
      tpu.enqueue_dma source(%dma_start3A_244 : memref<8x4096xf32, #tpu.memory_space<hbm>>) target(%arg5 : memref<8x4096xf32, #tpu.memory_space<vmem>>) target_semaphore(%arg7 : memref<!tpu.dma_semaphore, #tpu.memory_space<semaphore_mem>>)
      %dma_wait3A_245 = arith.constant 0 : i32
      %dma_wait3A_246 = arith.constant 0 : i32
      %dma_wait3A_247 = tpu.memref_slice %arg2[%add3A_27, %dma_wait3A_245, %dma_wait3A_246] : memref<200x64x4096xf32, #tpu.memory_space<hbm>> -> memref<1x64x4096xf32, #tpu.memory_space<hbm>>
      %dma_wait3A_248 = tpu.memref_squeeze %dma_wait3A_247 : memref<1x64x4096xf32, #tpu.memory_space<hbm>> -> memref<64x4096xf32, #tpu.memory_space<hbm>>
      %dma_wait3A_249 = arith.constant 24 : i32
      %dma_wait3A_250 = arith.constant 0 : i32
      %dma_wait3A_251 = tpu.memref_slice %dma_wait3A_248[%dma_wait3A_249, %dma_wait3A_250] : memref<64x4096xf32, #tpu.memory_space<hbm>> -> memref<8x4096xf32, #tpu.memory_space<hbm>>
      %dma_wait3A_252 = arith.constant 0 : i32
      %dma_wait3A_253 = arith.constant 0 : i32
      %dma_wait3A_254 = tpu.memref_slice %arg2[%add3A_27, %dma_wait3A_252, %dma_wait3A_253] : memref<200x64x4096xf32, #tpu.memory_space<hbm>> -> memref<1x64x4096xf32, #tpu.memory_space<hbm>>
      %dma_wait3A_255 = tpu.memref_squeeze %dma_wait3A_254 : memref<1x64x4096xf32, #tpu.memory_space<hbm>> -> memref<64x4096xf32, #tpu.memory_space<hbm>>
      %dma_wait3A_256 = arith.constant 24 : i32
      %dma_wait3A_257 = arith.constant 0 : i32
      %dma_wait3A_258 = tpu.memref_slice %dma_wait3A_255[%dma_wait3A_256, %dma_wait3A_257] : memref<64x4096xf32, #tpu.memory_space<hbm>> -> memref<8x4096xf32, #tpu.memory_space<hbm>>
      tpu.wait_dma2 semaphore(%arg8 : memref<!tpu.dma_semaphore, #tpu.memory_space<semaphore_mem>>) src(%dma_wait3A_258 : memref<8x4096xf32, #tpu.memory_space<hbm>>) dst(%arg6 : memref<8x4096xf32, #tpu.memory_space<vmem>>)
      %dma_start3A_259 = arith.constant 0 : i32
      %dma_start3A_260 = arith.constant 0 : i32
      %dma_start3A_261 = tpu.memref_slice %arg4[%add3A_27, %dma_start3A_259, %dma_start3A_260] : memref<201x64x4096xf32, #tpu.memory_space<hbm>> -> memref<1x64x4096xf32, #tpu.memory_space<hbm>>
      %dma_start3A_262 = tpu.memref_squeeze %dma_start3A_261 : memref<1x64x4096xf32, #tpu.memory_space<hbm>> -> memref<64x4096xf32, #tpu.memory_space<hbm>>
      %dma_start3A_263 = arith.constant 24 : i32
      %dma_start3A_264 = arith.constant 0 : i32
      %dma_start3A_265 = tpu.memref_slice %dma_start3A_262[%dma_start3A_263, %dma_start3A_264] : memref<64x4096xf32, #tpu.memory_space<hbm>> -> memref<8x4096xf32, #tpu.memory_space<hbm>>
      %dma_start3A_266 = arith.constant 0 : i32
      %dma_start3A_267 = arith.constant 0 : i32
      %dma_start3A_268 = tpu.memref_slice %arg4[%add3A_27, %dma_start3A_266, %dma_start3A_267] : memref<201x64x4096xf32, #tpu.memory_space<hbm>> -> memref<1x64x4096xf32, #tpu.memory_space<hbm>>
      %dma_start3A_269 = tpu.memref_squeeze %dma_start3A_268 : memref<1x64x4096xf32, #tpu.memory_space<hbm>> -> memref<64x4096xf32, #tpu.memory_space<hbm>>
      %dma_start3A_270 = arith.constant 24 : i32
      %dma_start3A_271 = arith.constant 0 : i32
      %dma_start3A_272 = tpu.memref_slice %dma_start3A_269[%dma_start3A_270, %dma_start3A_271] : memref<64x4096xf32, #tpu.memory_space<hbm>> -> memref<8x4096xf32, #tpu.memory_space<hbm>>
      tpu.enqueue_dma source(%arg6 : memref<8x4096xf32, #tpu.memory_space<vmem>>) target(%dma_start3A_272 : memref<8x4096xf32, #tpu.memory_space<hbm>>) target_semaphore(%arg10 : memref<!tpu.dma_semaphore, #tpu.memory_space<semaphore_mem>>)
      %dma_wait3A_273 = arith.constant 0 : i32
      %dma_wait3A_274 = arith.constant 0 : i32
      %dma_wait3A_275 = tpu.memref_slice %arg4[%add3A_27, %dma_wait3A_273, %dma_wait3A_274] : memref<201x64x4096xf32, #tpu.memory_space<hbm>> -> memref<1x64x4096xf32, #tpu.memory_space<hbm>>
      %dma_wait3A_276 = tpu.memref_squeeze %dma_wait3A_275 : memref<1x64x4096xf32, #tpu.memory_space<hbm>> -> memref<64x4096xf32, #tpu.memory_space<hbm>>
      %dma_wait3A_277 = arith.constant 24 : i32
      %dma_wait3A_278 = arith.constant 0 : i32
      %dma_wait3A_279 = tpu.memref_slice %dma_wait3A_276[%dma_wait3A_277, %dma_wait3A_278] : memref<64x4096xf32, #tpu.memory_space<hbm>> -> memref<8x4096xf32, #tpu.memory_space<hbm>>
      %dma_wait3A_280 = arith.constant 0 : i32
      %dma_wait3A_281 = arith.constant 0 : i32
      %dma_wait3A_282 = tpu.memref_slice %arg4[%add3A_27, %dma_wait3A_280, %dma_wait3A_281] : memref<201x64x4096xf32, #tpu.memory_space<hbm>> -> memref<1x64x4096xf32, #tpu.memory_space<hbm>>
      %dma_wait3A_283 = tpu.memref_squeeze %dma_wait3A_282 : memref<1x64x4096xf32, #tpu.memory_space<hbm>> -> memref<64x4096xf32, #tpu.memory_space<hbm>>
      %dma_wait3A_284 = arith.constant 24 : i32
      %dma_wait3A_285 = arith.constant 0 : i32
      %dma_wait3A_286 = tpu.memref_slice %dma_wait3A_283[%dma_wait3A_284, %dma_wait3A_285] : memref<64x4096xf32, #tpu.memory_space<hbm>> -> memref<8x4096xf32, #tpu.memory_space<hbm>>
      tpu.wait_dma2 semaphore(%arg10 : memref<!tpu.dma_semaphore, #tpu.memory_space<semaphore_mem>>) src(%arg6 : memref<8x4096xf32, #tpu.memory_space<vmem>>) dst(%dma_wait3A_286 : memref<8x4096xf32, #tpu.memory_space<hbm>>)
      %dma_start3A_287 = arith.constant 0 : i32
      %dma_start3A_288 = arith.constant 0 : i32
      %dma_start3A_289 = tpu.memref_slice %arg2[%add3A_27, %dma_start3A_287, %dma_start3A_288] : memref<200x64x4096xf32, #tpu.memory_space<hbm>> -> memref<1x64x4096xf32, #tpu.memory_space<hbm>>
      %dma_start3A_290 = tpu.memref_squeeze %dma_start3A_289 : memref<1x64x4096xf32, #tpu.memory_space<hbm>> -> memref<64x4096xf32, #tpu.memory_space<hbm>>
      %dma_start3A_291 = arith.constant 40 : i32
      %dma_start3A_292 = arith.constant 0 : i32
      %dma_start3A_293 = tpu.memref_slice %dma_start3A_290[%dma_start3A_291, %dma_start3A_292] : memref<64x4096xf32, #tpu.memory_space<hbm>> -> memref<8x4096xf32, #tpu.memory_space<hbm>>
      %dma_start3A_294 = arith.constant 0 : i32
      %dma_start3A_295 = arith.constant 0 : i32
      %dma_start3A_296 = tpu.memref_slice %arg2[%add3A_27, %dma_start3A_294, %dma_start3A_295] : memref<200x64x4096xf32, #tpu.memory_space<hbm>> -> memref<1x64x4096xf32, #tpu.memory_space<hbm>>
      %dma_start3A_297 = tpu.memref_squeeze %dma_start3A_296 : memref<1x64x4096xf32, #tpu.memory_space<hbm>> -> memref<64x4096xf32, #tpu.memory_space<hbm>>
      %dma_start3A_298 = arith.constant 40 : i32
      %dma_start3A_299 = arith.constant 0 : i32
      %dma_start3A_300 = tpu.memref_slice %dma_start3A_297[%dma_start3A_298, %dma_start3A_299] : memref<64x4096xf32, #tpu.memory_space<hbm>> -> memref<8x4096xf32, #tpu.memory_space<hbm>>
      tpu.enqueue_dma source(%dma_start3A_300 : memref<8x4096xf32, #tpu.memory_space<hbm>>) target(%arg6 : memref<8x4096xf32, #tpu.memory_space<vmem>>) target_semaphore(%arg8 : memref<!tpu.dma_semaphore, #tpu.memory_space<semaphore_mem>>)
      %dma_wait3A_301 = arith.constant 0 : i32
      %dma_wait3A_302 = arith.constant 0 : i32
      %dma_wait3A_303 = tpu.memref_slice %arg2[%add3A_27, %dma_wait3A_301, %dma_wait3A_302] : memref<200x64x4096xf32, #tpu.memory_space<hbm>> -> memref<1x64x4096xf32, #tpu.memory_space<hbm>>
      %dma_wait3A_304 = tpu.memref_squeeze %dma_wait3A_303 : memref<1x64x4096xf32, #tpu.memory_space<hbm>> -> memref<64x4096xf32, #tpu.memory_space<hbm>>
      %dma_wait3A_305 = arith.constant 32 : i32
      %dma_wait3A_306 = arith.constant 0 : i32
      %dma_wait3A_307 = tpu.memref_slice %dma_wait3A_304[%dma_wait3A_305, %dma_wait3A_306] : memref<64x4096xf32, #tpu.memory_space<hbm>> -> memref<8x4096xf32, #tpu.memory_space<hbm>>
      %dma_wait3A_308 = arith.constant 0 : i32
      %dma_wait3A_309 = arith.constant 0 : i32
      %dma_wait3A_310 = tpu.memref_slice %arg2[%add3A_27, %dma_wait3A_308, %dma_wait3A_309] : memref<200x64x4096xf32, #tpu.memory_space<hbm>> -> memref<1x64x4096xf32, #tpu.memory_space<hbm>>
      %dma_wait3A_311 = tpu.memref_squeeze %dma_wait3A_310 : memref<1x64x4096xf32, #tpu.memory_space<hbm>> -> memref<64x4096xf32, #tpu.memory_space<hbm>>
      %dma_wait3A_312 = arith.constant 32 : i32
      %dma_wait3A_313 = arith.constant 0 : i32
      %dma_wait3A_314 = tpu.memref_slice %dma_wait3A_311[%dma_wait3A_312, %dma_wait3A_313] : memref<64x4096xf32, #tpu.memory_space<hbm>> -> memref<8x4096xf32, #tpu.memory_space<hbm>>
      tpu.wait_dma2 semaphore(%arg7 : memref<!tpu.dma_semaphore, #tpu.memory_space<semaphore_mem>>) src(%dma_wait3A_314 : memref<8x4096xf32, #tpu.memory_space<hbm>>) dst(%arg5 : memref<8x4096xf32, #tpu.memory_space<vmem>>)
      %dma_start3A_315 = arith.constant 0 : i32
      %dma_start3A_316 = arith.constant 0 : i32
      %dma_start3A_317 = tpu.memref_slice %arg4[%add3A_27, %dma_start3A_315, %dma_start3A_316] : memref<201x64x4096xf32, #tpu.memory_space<hbm>> -> memref<1x64x4096xf32, #tpu.memory_space<hbm>>
      %dma_start3A_318 = tpu.memref_squeeze %dma_start3A_317 : memref<1x64x4096xf32, #tpu.memory_space<hbm>> -> memref<64x4096xf32, #tpu.memory_space<hbm>>
      %dma_start3A_319 = arith.constant 32 : i32
      %dma_start3A_320 = arith.constant 0 : i32
      %dma_start3A_321 = tpu.memref_slice %dma_start3A_318[%dma_start3A_319, %dma_start3A_320] : memref<64x4096xf32, #tpu.memory_space<hbm>> -> memref<8x4096xf32, #tpu.memory_space<hbm>>
      %dma_start3A_322 = arith.constant 0 : i32
      %dma_start3A_323 = arith.constant 0 : i32
      %dma_start3A_324 = tpu.memref_slice %arg4[%add3A_27, %dma_start3A_322, %dma_start3A_323] : memref<201x64x4096xf32, #tpu.memory_space<hbm>> -> memref<1x64x4096xf32, #tpu.memory_space<hbm>>
      %dma_start3A_325 = tpu.memref_squeeze %dma_start3A_324 : memref<1x64x4096xf32, #tpu.memory_space<hbm>> -> memref<64x4096xf32, #tpu.memory_space<hbm>>
      %dma_start3A_326 = arith.constant 32 : i32
      %dma_start3A_327 = arith.constant 0 : i32
      %dma_start3A_328 = tpu.memref_slice %dma_start3A_325[%dma_start3A_326, %dma_start3A_327] : memref<64x4096xf32, #tpu.memory_space<hbm>> -> memref<8x4096xf32, #tpu.memory_space<hbm>>
      tpu.enqueue_dma source(%arg5 : memref<8x4096xf32, #tpu.memory_space<vmem>>) target(%dma_start3A_328 : memref<8x4096xf32, #tpu.memory_space<hbm>>) target_semaphore(%arg9 : memref<!tpu.dma_semaphore, #tpu.memory_space<semaphore_mem>>)
      %dma_wait3A_329 = arith.constant 0 : i32
      %dma_wait3A_330 = arith.constant 0 : i32
      %dma_wait3A_331 = tpu.memref_slice %arg4[%add3A_27, %dma_wait3A_329, %dma_wait3A_330] : memref<201x64x4096xf32, #tpu.memory_space<hbm>> -> memref<1x64x4096xf32, #tpu.memory_space<hbm>>
      %dma_wait3A_332 = tpu.memref_squeeze %dma_wait3A_331 : memref<1x64x4096xf32, #tpu.memory_space<hbm>> -> memref<64x4096xf32, #tpu.memory_space<hbm>>
      %dma_wait3A_333 = arith.constant 32 : i32
      %dma_wait3A_334 = arith.constant 0 : i32
      %dma_wait3A_335 = tpu.memref_slice %dma_wait3A_332[%dma_wait3A_333, %dma_wait3A_334] : memref<64x4096xf32, #tpu.memory_space<hbm>> -> memref<8x4096xf32, #tpu.memory_space<hbm>>
      %dma_wait3A_336 = arith.constant 0 : i32
      %dma_wait3A_337 = arith.constant 0 : i32
      %dma_wait3A_338 = tpu.memref_slice %arg4[%add3A_27, %dma_wait3A_336, %dma_wait3A_337] : memref<201x64x4096xf32, #tpu.memory_space<hbm>> -> memref<1x64x4096xf32, #tpu.memory_space<hbm>>
      %dma_wait3A_339 = tpu.memref_squeeze %dma_wait3A_338 : memref<1x64x4096xf32, #tpu.memory_space<hbm>> -> memref<64x4096xf32, #tpu.memory_space<hbm>>
      %dma_wait3A_340 = arith.constant 32 : i32
      %dma_wait3A_341 = arith.constant 0 : i32
      %dma_wait3A_342 = tpu.memref_slice %dma_wait3A_339[%dma_wait3A_340, %dma_wait3A_341] : memref<64x4096xf32, #tpu.memory_space<hbm>> -> memref<8x4096xf32, #tpu.memory_space<hbm>>
      tpu.wait_dma2 semaphore(%arg9 : memref<!tpu.dma_semaphore, #tpu.memory_space<semaphore_mem>>) src(%arg5 : memref<8x4096xf32, #tpu.memory_space<vmem>>) dst(%dma_wait3A_342 : memref<8x4096xf32, #tpu.memory_space<hbm>>)
      %dma_start3A_343 = arith.constant 0 : i32
      %dma_start3A_344 = arith.constant 0 : i32
      %dma_start3A_345 = tpu.memref_slice %arg2[%add3A_27, %dma_start3A_343, %dma_start3A_344] : memref<200x64x4096xf32, #tpu.memory_space<hbm>> -> memref<1x64x4096xf32, #tpu.memory_space<hbm>>
      %dma_start3A_346 = tpu.memref_squeeze %dma_start3A_345 : memref<1x64x4096xf32, #tpu.memory_space<hbm>> -> memref<64x4096xf32, #tpu.memory_space<hbm>>
      %dma_start3A_347 = arith.constant 48 : i32
      %dma_start3A_348 = arith.constant 0 : i32
      %dma_start3A_349 = tpu.memref_slice %dma_start3A_346[%dma_start3A_347, %dma_start3A_348] : memref<64x4096xf32, #tpu.memory_space<hbm>> -> memref<8x4096xf32, #tpu.memory_space<hbm>>
      %dma_start3A_350 = arith.constant 0 : i32
      %dma_start3A_351 = arith.constant 0 : i32
      %dma_start3A_352 = tpu.memref_slice %arg2[%add3A_27, %dma_start3A_350, %dma_start3A_351] : memref<200x64x4096xf32, #tpu.memory_space<hbm>> -> memref<1x64x4096xf32, #tpu.memory_space<hbm>>
      %dma_start3A_353 = tpu.memref_squeeze %dma_start3A_352 : memref<1x64x4096xf32, #tpu.memory_space<hbm>> -> memref<64x4096xf32, #tpu.memory_space<hbm>>
      %dma_start3A_354 = arith.constant 48 : i32
      %dma_start3A_355 = arith.constant 0 : i32
      %dma_start3A_356 = tpu.memref_slice %dma_start3A_353[%dma_start3A_354, %dma_start3A_355] : memref<64x4096xf32, #tpu.memory_space<hbm>> -> memref<8x4096xf32, #tpu.memory_space<hbm>>
      tpu.enqueue_dma source(%dma_start3A_356 : memref<8x4096xf32, #tpu.memory_space<hbm>>) target(%arg5 : memref<8x4096xf32, #tpu.memory_space<vmem>>) target_semaphore(%arg7 : memref<!tpu.dma_semaphore, #tpu.memory_space<semaphore_mem>>)
      %dma_wait3A_357 = arith.constant 0 : i32
      %dma_wait3A_358 = arith.constant 0 : i32
      %dma_wait3A_359 = tpu.memref_slice %arg2[%add3A_27, %dma_wait3A_357, %dma_wait3A_358] : memref<200x64x4096xf32, #tpu.memory_space<hbm>> -> memref<1x64x4096xf32, #tpu.memory_space<hbm>>
      %dma_wait3A_360 = tpu.memref_squeeze %dma_wait3A_359 : memref<1x64x4096xf32, #tpu.memory_space<hbm>> -> memref<64x4096xf32, #tpu.memory_space<hbm>>
      %dma_wait3A_361 = arith.constant 40 : i32
      %dma_wait3A_362 = arith.constant 0 : i32
      %dma_wait3A_363 = tpu.memref_slice %dma_wait3A_360[%dma_wait3A_361, %dma_wait3A_362] : memref<64x4096xf32, #tpu.memory_space<hbm>> -> memref<8x4096xf32, #tpu.memory_space<hbm>>
      %dma_wait3A_364 = arith.constant 0 : i32
      %dma_wait3A_365 = arith.constant 0 : i32
      %dma_wait3A_366 = tpu.memref_slice %arg2[%add3A_27, %dma_wait3A_364, %dma_wait3A_365] : memref<200x64x4096xf32, #tpu.memory_space<hbm>> -> memref<1x64x4096xf32, #tpu.memory_space<hbm>>
      %dma_wait3A_367 = tpu.memref_squeeze %dma_wait3A_366 : memref<1x64x4096xf32, #tpu.memory_space<hbm>> -> memref<64x4096xf32, #tpu.memory_space<hbm>>
      %dma_wait3A_368 = arith.constant 40 : i32
      %dma_wait3A_369 = arith.constant 0 : i32
      %dma_wait3A_370 = tpu.memref_slice %dma_wait3A_367[%dma_wait3A_368, %dma_wait3A_369] : memref<64x4096xf32, #tpu.memory_space<hbm>> -> memref<8x4096xf32, #tpu.memory_space<hbm>>
      tpu.wait_dma2 semaphore(%arg8 : memref<!tpu.dma_semaphore, #tpu.memory_space<semaphore_mem>>) src(%dma_wait3A_370 : memref<8x4096xf32, #tpu.memory_space<hbm>>) dst(%arg6 : memref<8x4096xf32, #tpu.memory_space<vmem>>)
      %dma_start3A_371 = arith.constant 0 : i32
      %dma_start3A_372 = arith.constant 0 : i32
      %dma_start3A_373 = tpu.memref_slice %arg4[%add3A_27, %dma_start3A_371, %dma_start3A_372] : memref<201x64x4096xf32, #tpu.memory_space<hbm>> -> memref<1x64x4096xf32, #tpu.memory_space<hbm>>
      %dma_start3A_374 = tpu.memref_squeeze %dma_start3A_373 : memref<1x64x4096xf32, #tpu.memory_space<hbm>> -> memref<64x4096xf32, #tpu.memory_space<hbm>>
      %dma_start3A_375 = arith.constant 40 : i32
      %dma_start3A_376 = arith.constant 0 : i32
      %dma_start3A_377 = tpu.memref_slice %dma_start3A_374[%dma_start3A_375, %dma_start3A_376] : memref<64x4096xf32, #tpu.memory_space<hbm>> -> memref<8x4096xf32, #tpu.memory_space<hbm>>
      %dma_start3A_378 = arith.constant 0 : i32
      %dma_start3A_379 = arith.constant 0 : i32
      %dma_start3A_380 = tpu.memref_slice %arg4[%add3A_27, %dma_start3A_378, %dma_start3A_379] : memref<201x64x4096xf32, #tpu.memory_space<hbm>> -> memref<1x64x4096xf32, #tpu.memory_space<hbm>>
      %dma_start3A_381 = tpu.memref_squeeze %dma_start3A_380 : memref<1x64x4096xf32, #tpu.memory_space<hbm>> -> memref<64x4096xf32, #tpu.memory_space<hbm>>
      %dma_start3A_382 = arith.constant 40 : i32
      %dma_start3A_383 = arith.constant 0 : i32
      %dma_start3A_384 = tpu.memref_slice %dma_start3A_381[%dma_start3A_382, %dma_start3A_383] : memref<64x4096xf32, #tpu.memory_space<hbm>> -> memref<8x4096xf32, #tpu.memory_space<hbm>>
      tpu.enqueue_dma source(%arg6 : memref<8x4096xf32, #tpu.memory_space<vmem>>) target(%dma_start3A_384 : memref<8x4096xf32, #tpu.memory_space<hbm>>) target_semaphore(%arg10 : memref<!tpu.dma_semaphore, #tpu.memory_space<semaphore_mem>>)
      %dma_wait3A_385 = arith.constant 0 : i32
      %dma_wait3A_386 = arith.constant 0 : i32
      %dma_wait3A_387 = tpu.memref_slice %arg4[%add3A_27, %dma_wait3A_385, %dma_wait3A_386] : memref<201x64x4096xf32, #tpu.memory_space<hbm>> -> memref<1x64x4096xf32, #tpu.memory_space<hbm>>
      %dma_wait3A_388 = tpu.memref_squeeze %dma_wait3A_387 : memref<1x64x4096xf32, #tpu.memory_space<hbm>> -> memref<64x4096xf32, #tpu.memory_space<hbm>>
      %dma_wait3A_389 = arith.constant 40 : i32
      %dma_wait3A_390 = arith.constant 0 : i32
      %dma_wait3A_391 = tpu.memref_slice %dma_wait3A_388[%dma_wait3A_389, %dma_wait3A_390] : memref<64x4096xf32, #tpu.memory_space<hbm>> -> memref<8x4096xf32, #tpu.memory_space<hbm>>
      %dma_wait3A_392 = arith.constant 0 : i32
      %dma_wait3A_393 = arith.constant 0 : i32
      %dma_wait3A_394 = tpu.memref_slice %arg4[%add3A_27, %dma_wait3A_392, %dma_wait3A_393] : memref<201x64x4096xf32, #tpu.memory_space<hbm>> -> memref<1x64x4096xf32, #tpu.memory_space<hbm>>
      %dma_wait3A_395 = tpu.memref_squeeze %dma_wait3A_394 : memref<1x64x4096xf32, #tpu.memory_space<hbm>> -> memref<64x4096xf32, #tpu.memory_space<hbm>>
      %dma_wait3A_396 = arith.constant 40 : i32
      %dma_wait3A_397 = arith.constant 0 : i32
      %dma_wait3A_398 = tpu.memref_slice %dma_wait3A_395[%dma_wait3A_396, %dma_wait3A_397] : memref<64x4096xf32, #tpu.memory_space<hbm>> -> memref<8x4096xf32, #tpu.memory_space<hbm>>
      tpu.wait_dma2 semaphore(%arg10 : memref<!tpu.dma_semaphore, #tpu.memory_space<semaphore_mem>>) src(%arg6 : memref<8x4096xf32, #tpu.memory_space<vmem>>) dst(%dma_wait3A_398 : memref<8x4096xf32, #tpu.memory_space<hbm>>)
      %dma_start3A_399 = arith.constant 0 : i32
      %dma_start3A_400 = arith.constant 0 : i32
      %dma_start3A_401 = tpu.memref_slice %arg2[%add3A_27, %dma_start3A_399, %dma_start3A_400] : memref<200x64x4096xf32, #tpu.memory_space<hbm>> -> memref<1x64x4096xf32, #tpu.memory_space<hbm>>
      %dma_start3A_402 = tpu.memref_squeeze %dma_start3A_401 : memref<1x64x4096xf32, #tpu.memory_space<hbm>> -> memref<64x4096xf32, #tpu.memory_space<hbm>>
      %dma_start3A_403 = arith.constant 56 : i32
      %dma_start3A_404 = arith.constant 0 : i32
      %dma_start3A_405 = tpu.memref_slice %dma_start3A_402[%dma_start3A_403, %dma_start3A_404] : memref<64x4096xf32, #tpu.memory_space<hbm>> -> memref<8x4096xf32, #tpu.memory_space<hbm>>
      %dma_start3A_406 = arith.constant 0 : i32
      %dma_start3A_407 = arith.constant 0 : i32
      %dma_start3A_408 = tpu.memref_slice %arg2[%add3A_27, %dma_start3A_406, %dma_start3A_407] : memref<200x64x4096xf32, #tpu.memory_space<hbm>> -> memref<1x64x4096xf32, #tpu.memory_space<hbm>>
      %dma_start3A_409 = tpu.memref_squeeze %dma_start3A_408 : memref<1x64x4096xf32, #tpu.memory_space<hbm>> -> memref<64x4096xf32, #tpu.memory_space<hbm>>
      %dma_start3A_410 = arith.constant 56 : i32
      %dma_start3A_411 = arith.constant 0 : i32
      %dma_start3A_412 = tpu.memref_slice %dma_start3A_409[%dma_start3A_410, %dma_start3A_411] : memref<64x4096xf32, #tpu.memory_space<hbm>> -> memref<8x4096xf32, #tpu.memory_space<hbm>>
      tpu.enqueue_dma source(%dma_start3A_412 : memref<8x4096xf32, #tpu.memory_space<hbm>>) target(%arg6 : memref<8x4096xf32, #tpu.memory_space<vmem>>) target_semaphore(%arg8 : memref<!tpu.dma_semaphore, #tpu.memory_space<semaphore_mem>>)
      %dma_wait3A_413 = arith.constant 0 : i32
      %dma_wait3A_414 = arith.constant 0 : i32
      %dma_wait3A_415 = tpu.memref_slice %arg2[%add3A_27, %dma_wait3A_413, %dma_wait3A_414] : memref<200x64x4096xf32, #tpu.memory_space<hbm>> -> memref<1x64x4096xf32, #tpu.memory_space<hbm>>
      %dma_wait3A_416 = tpu.memref_squeeze %dma_wait3A_415 : memref<1x64x4096xf32, #tpu.memory_space<hbm>> -> memref<64x4096xf32, #tpu.memory_space<hbm>>
      %dma_wait3A_417 = arith.constant 48 : i32
      %dma_wait3A_418 = arith.constant 0 : i32
      %dma_wait3A_419 = tpu.memref_slice %dma_wait3A_416[%dma_wait3A_417, %dma_wait3A_418] : memref<64x4096xf32, #tpu.memory_space<hbm>> -> memref<8x4096xf32, #tpu.memory_space<hbm>>
      %dma_wait3A_420 = arith.constant 0 : i32
      %dma_wait3A_421 = arith.constant 0 : i32
      %dma_wait3A_422 = tpu.memref_slice %arg2[%add3A_27, %dma_wait3A_420, %dma_wait3A_421] : memref<200x64x4096xf32, #tpu.memory_space<hbm>> -> memref<1x64x4096xf32, #tpu.memory_space<hbm>>
      %dma_wait3A_423 = tpu.memref_squeeze %dma_wait3A_422 : memref<1x64x4096xf32, #tpu.memory_space<hbm>> -> memref<64x4096xf32, #tpu.memory_space<hbm>>
      %dma_wait3A_424 = arith.constant 48 : i32
      %dma_wait3A_425 = arith.constant 0 : i32
      %dma_wait3A_426 = tpu.memref_slice %dma_wait3A_423[%dma_wait3A_424, %dma_wait3A_425] : memref<64x4096xf32, #tpu.memory_space<hbm>> -> memref<8x4096xf32, #tpu.memory_space<hbm>>
      tpu.wait_dma2 semaphore(%arg7 : memref<!tpu.dma_semaphore, #tpu.memory_space<semaphore_mem>>) src(%dma_wait3A_426 : memref<8x4096xf32, #tpu.memory_space<hbm>>) dst(%arg5 : memref<8x4096xf32, #tpu.memory_space<vmem>>)
      %dma_start3A_427 = arith.constant 0 : i32
      %dma_start3A_428 = arith.constant 0 : i32
      %dma_start3A_429 = tpu.memref_slice %arg4[%add3A_27, %dma_start3A_427, %dma_start3A_428] : memref<201x64x4096xf32, #tpu.memory_space<hbm>> -> memref<1x64x4096xf32, #tpu.memory_space<hbm>>
      %dma_start3A_430 = tpu.memref_squeeze %dma_start3A_429 : memref<1x64x4096xf32, #tpu.memory_space<hbm>> -> memref<64x4096xf32, #tpu.memory_space<hbm>>
      %dma_start3A_431 = arith.constant 48 : i32
      %dma_start3A_432 = arith.constant 0 : i32
      %dma_start3A_433 = tpu.memref_slice %dma_start3A_430[%dma_start3A_431, %dma_start3A_432] : memref<64x4096xf32, #tpu.memory_space<hbm>> -> memref<8x4096xf32, #tpu.memory_space<hbm>>
      %dma_start3A_434 = arith.constant 0 : i32
      %dma_start3A_435 = arith.constant 0 : i32
      %dma_start3A_436 = tpu.memref_slice %arg4[%add3A_27, %dma_start3A_434, %dma_start3A_435] : memref<201x64x4096xf32, #tpu.memory_space<hbm>> -> memref<1x64x4096xf32, #tpu.memory_space<hbm>>
      %dma_start3A_437 = tpu.memref_squeeze %dma_start3A_436 : memref<1x64x4096xf32, #tpu.memory_space<hbm>> -> memref<64x4096xf32, #tpu.memory_space<hbm>>
      %dma_start3A_438 = arith.constant 48 : i32
      %dma_start3A_439 = arith.constant 0 : i32
      %dma_start3A_440 = tpu.memref_slice %dma_start3A_437[%dma_start3A_438, %dma_start3A_439] : memref<64x4096xf32, #tpu.memory_space<hbm>> -> memref<8x4096xf32, #tpu.memory_space<hbm>>
      tpu.enqueue_dma source(%arg5 : memref<8x4096xf32, #tpu.memory_space<vmem>>) target(%dma_start3A_440 : memref<8x4096xf32, #tpu.memory_space<hbm>>) target_semaphore(%arg9 : memref<!tpu.dma_semaphore, #tpu.memory_space<semaphore_mem>>)
      %dma_wait3A_441 = arith.constant 0 : i32
      %dma_wait3A_442 = arith.constant 0 : i32
      %dma_wait3A_443 = tpu.memref_slice %arg2[%add3A_27, %dma_wait3A_441, %dma_wait3A_442] : memref<200x64x4096xf32, #tpu.memory_space<hbm>> -> memref<1x64x4096xf32, #tpu.memory_space<hbm>>
      %dma_wait3A_444 = tpu.memref_squeeze %dma_wait3A_443 : memref<1x64x4096xf32, #tpu.memory_space<hbm>> -> memref<64x4096xf32, #tpu.memory_space<hbm>>
      %dma_wait3A_445 = arith.constant 56 : i32
      %dma_wait3A_446 = arith.constant 0 : i32
      %dma_wait3A_447 = tpu.memref_slice %dma_wait3A_444[%dma_wait3A_445, %dma_wait3A_446] : memref<64x4096xf32, #tpu.memory_space<hbm>> -> memref<8x4096xf32, #tpu.memory_space<hbm>>
      %dma_wait3A_448 = arith.constant 0 : i32
      %dma_wait3A_449 = arith.constant 0 : i32
      %dma_wait3A_450 = tpu.memref_slice %arg2[%add3A_27, %dma_wait3A_448, %dma_wait3A_449] : memref<200x64x4096xf32, #tpu.memory_space<hbm>> -> memref<1x64x4096xf32, #tpu.memory_space<hbm>>
      %dma_wait3A_451 = tpu.memref_squeeze %dma_wait3A_450 : memref<1x64x4096xf32, #tpu.memory_space<hbm>> -> memref<64x4096xf32, #tpu.memory_space<hbm>>
      %dma_wait3A_452 = arith.constant 56 : i32
      %dma_wait3A_453 = arith.constant 0 : i32
      %dma_wait3A_454 = tpu.memref_slice %dma_wait3A_451[%dma_wait3A_452, %dma_wait3A_453] : memref<64x4096xf32, #tpu.memory_space<hbm>> -> memref<8x4096xf32, #tpu.memory_space<hbm>>
      tpu.wait_dma2 semaphore(%arg8 : memref<!tpu.dma_semaphore, #tpu.memory_space<semaphore_mem>>) src(%dma_wait3A_454 : memref<8x4096xf32, #tpu.memory_space<hbm>>) dst(%arg6 : memref<8x4096xf32, #tpu.memory_space<vmem>>)
      %dma_start3A_455 = arith.constant 0 : i32
      %dma_start3A_456 = arith.constant 0 : i32
      %dma_start3A_457 = tpu.memref_slice %arg4[%add3A_27, %dma_start3A_455, %dma_start3A_456] : memref<201x64x4096xf32, #tpu.memory_space<hbm>> -> memref<1x64x4096xf32, #tpu.memory_space<hbm>>
      %dma_start3A_458 = tpu.memref_squeeze %dma_start3A_457 : memref<1x64x4096xf32, #tpu.memory_space<hbm>> -> memref<64x4096xf32, #tpu.memory_space<hbm>>
      %dma_start3A_459 = arith.constant 56 : i32
      %dma_start3A_460 = arith.constant 0 : i32
      %dma_start3A_461 = tpu.memref_slice %dma_start3A_458[%dma_start3A_459, %dma_start3A_460] : memref<64x4096xf32, #tpu.memory_space<hbm>> -> memref<8x4096xf32, #tpu.memory_space<hbm>>
      %dma_start3A_462 = arith.constant 0 : i32
      %dma_start3A_463 = arith.constant 0 : i32
      %dma_start3A_464 = tpu.memref_slice %arg4[%add3A_27, %dma_start3A_462, %dma_start3A_463] : memref<201x64x4096xf32, #tpu.memory_space<hbm>> -> memref<1x64x4096xf32, #tpu.memory_space<hbm>>
      %dma_start3A_465 = tpu.memref_squeeze %dma_start3A_464 : memref<1x64x4096xf32, #tpu.memory_space<hbm>> -> memref<64x4096xf32, #tpu.memory_space<hbm>>
      %dma_start3A_466 = arith.constant 56 : i32
      %dma_start3A_467 = arith.constant 0 : i32
      %dma_start3A_468 = tpu.memref_slice %dma_start3A_465[%dma_start3A_466, %dma_start3A_467] : memref<64x4096xf32, #tpu.memory_space<hbm>> -> memref<8x4096xf32, #tpu.memory_space<hbm>>
      tpu.enqueue_dma source(%arg6 : memref<8x4096xf32, #tpu.memory_space<vmem>>) target(%dma_start3A_468 : memref<8x4096xf32, #tpu.memory_space<hbm>>) target_semaphore(%arg10 : memref<!tpu.dma_semaphore, #tpu.memory_space<semaphore_mem>>)
      %dma_wait3A_469 = arith.constant 0 : i32
      %dma_wait3A_470 = arith.constant 0 : i32
      %dma_wait3A_471 = tpu.memref_slice %arg4[%add3A_27, %dma_wait3A_469, %dma_wait3A_470] : memref<201x64x4096xf32, #tpu.memory_space<hbm>> -> memref<1x64x4096xf32, #tpu.memory_space<hbm>>
      %dma_wait3A_472 = tpu.memref_squeeze %dma_wait3A_471 : memref<1x64x4096xf32, #tpu.memory_space<hbm>> -> memref<64x4096xf32, #tpu.memory_space<hbm>>
      %dma_wait3A_473 = arith.constant 48 : i32
      %dma_wait3A_474 = arith.constant 0 : i32
      %dma_wait3A_475 = tpu.memref_slice %dma_wait3A_472[%dma_wait3A_473, %dma_wait3A_474] : memref<64x4096xf32, #tpu.memory_space<hbm>> -> memref<8x4096xf32, #tpu.memory_space<hbm>>
      %dma_wait3A_476 = arith.constant 0 : i32
      %dma_wait3A_477 = arith.constant 0 : i32
      %dma_wait3A_478 = tpu.memref_slice %arg4[%add3A_27, %dma_wait3A_476, %dma_wait3A_477] : memref<201x64x4096xf32, #tpu.memory_space<hbm>> -> memref<1x64x4096xf32, #tpu.memory_space<hbm>>
      %dma_wait3A_479 = tpu.memref_squeeze %dma_wait3A_478 : memref<1x64x4096xf32, #tpu.memory_space<hbm>> -> memref<64x4096xf32, #tpu.memory_space<hbm>>
      %dma_wait3A_480 = arith.constant 48 : i32
      %dma_wait3A_481 = arith.constant 0 : i32
      %dma_wait3A_482 = tpu.memref_slice %dma_wait3A_479[%dma_wait3A_480, %dma_wait3A_481] : memref<64x4096xf32, #tpu.memory_space<hbm>> -> memref<8x4096xf32, #tpu.memory_space<hbm>>
      tpu.wait_dma2 semaphore(%arg9 : memref<!tpu.dma_semaphore, #tpu.memory_space<semaphore_mem>>) src(%arg5 : memref<8x4096xf32, #tpu.memory_space<vmem>>) dst(%dma_wait3A_482 : memref<8x4096xf32, #tpu.memory_space<hbm>>)
      %dma_wait3A_483 = arith.constant 0 : i32
      %dma_wait3A_484 = arith.constant 0 : i32
      %dma_wait3A_485 = tpu.memref_slice %arg4[%add3A_27, %dma_wait3A_483, %dma_wait3A_484] : memref<201x64x4096xf32, #tpu.memory_space<hbm>> -> memref<1x64x4096xf32, #tpu.memory_space<hbm>>
      %dma_wait3A_486 = tpu.memref_squeeze %dma_wait3A_485 : memref<1x64x4096xf32, #tpu.memory_space<hbm>> -> memref<64x4096xf32, #tpu.memory_space<hbm>>
      %dma_wait3A_487 = arith.constant 56 : i32
      %dma_wait3A_488 = arith.constant 0 : i32
      %dma_wait3A_489 = tpu.memref_slice %dma_wait3A_486[%dma_wait3A_487, %dma_wait3A_488] : memref<64x4096xf32, #tpu.memory_space<hbm>> -> memref<8x4096xf32, #tpu.memory_space<hbm>>
      %dma_wait3A_490 = arith.constant 0 : i32
      %dma_wait3A_491 = arith.constant 0 : i32
      %dma_wait3A_492 = tpu.memref_slice %arg4[%add3A_27, %dma_wait3A_490, %dma_wait3A_491] : memref<201x64x4096xf32, #tpu.memory_space<hbm>> -> memref<1x64x4096xf32, #tpu.memory_space<hbm>>
      %dma_wait3A_493 = tpu.memref_squeeze %dma_wait3A_492 : memref<1x64x4096xf32, #tpu.memory_space<hbm>> -> memref<64x4096xf32, #tpu.memory_space<hbm>>
      %dma_wait3A_494 = arith.constant 56 : i32
      %dma_wait3A_495 = arith.constant 0 : i32
      %dma_wait3A_496 = tpu.memref_slice %dma_wait3A_493[%dma_wait3A_494, %dma_wait3A_495] : memref<64x4096xf32, #tpu.memory_space<hbm>> -> memref<8x4096xf32, #tpu.memory_space<hbm>>
      tpu.wait_dma2 semaphore(%arg10 : memref<!tpu.dma_semaphore, #tpu.memory_space<semaphore_mem>>) src(%arg6 : memref<8x4096xf32, #tpu.memory_space<vmem>>) dst(%dma_wait3A_496 : memref<8x4096xf32, #tpu.memory_space<hbm>>)
    } else {
    }
    %add3A_33 = arith.constant 160 : i32
    %add3A_34 = arith.addi %add3A, %add3A_33 : i32
    %lt3A_35 = arith.constant 200 : i32
    %lt3A_36 = arith.cmpi slt, %add3A_34, %lt3A_35 : i32
    %convert_element_type3A_37 = arith.extui %lt3A_36 : i1 to i32
    %cond3A_38 = arith.constant 0 : i32
    %cond3A_39 = arith.cmpi ne, %convert_element_type3A_37, %cond3A_38 : i32
    scf.if %cond3A_39 {
      %dma_start3A = arith.constant 0 : i32
      %dma_start3A_51 = arith.constant 0 : i32
      %dma_start3A_52 = tpu.memref_slice %arg2[%add3A_34, %dma_start3A, %dma_start3A_51] : memref<200x64x4096xf32, #tpu.memory_space<hbm>> -> memref<1x64x4096xf32, #tpu.memory_space<hbm>>
      %dma_start3A_53 = tpu.memref_squeeze %dma_start3A_52 : memref<1x64x4096xf32, #tpu.memory_space<hbm>> -> memref<64x4096xf32, #tpu.memory_space<hbm>>
      %dma_start3A_54 = arith.constant 0 : i32
      %dma_start3A_55 = arith.constant 0 : i32
      %dma_start3A_56 = tpu.memref_slice %dma_start3A_53[%dma_start3A_54, %dma_start3A_55] : memref<64x4096xf32, #tpu.memory_space<hbm>> -> memref<8x4096xf32, #tpu.memory_space<hbm>>
      %dma_start3A_57 = arith.constant 0 : i32
      %dma_start3A_58 = arith.constant 0 : i32
      %dma_start3A_59 = tpu.memref_slice %arg2[%add3A_34, %dma_start3A_57, %dma_start3A_58] : memref<200x64x4096xf32, #tpu.memory_space<hbm>> -> memref<1x64x4096xf32, #tpu.memory_space<hbm>>
      %dma_start3A_60 = tpu.memref_squeeze %dma_start3A_59 : memref<1x64x4096xf32, #tpu.memory_space<hbm>> -> memref<64x4096xf32, #tpu.memory_space<hbm>>
      %dma_start3A_61 = arith.constant 0 : i32
      %dma_start3A_62 = arith.constant 0 : i32
      %dma_start3A_63 = tpu.memref_slice %dma_start3A_60[%dma_start3A_61, %dma_start3A_62] : memref<64x4096xf32, #tpu.memory_space<hbm>> -> memref<8x4096xf32, #tpu.memory_space<hbm>>
      tpu.enqueue_dma source(%dma_start3A_63 : memref<8x4096xf32, #tpu.memory_space<hbm>>) target(%arg5 : memref<8x4096xf32, #tpu.memory_space<vmem>>) target_semaphore(%arg7 : memref<!tpu.dma_semaphore, #tpu.memory_space<semaphore_mem>>)
      %dma_start3A_64 = arith.constant 0 : i32
      %dma_start3A_65 = arith.constant 0 : i32
      %dma_start3A_66 = tpu.memref_slice %arg2[%add3A_34, %dma_start3A_64, %dma_start3A_65] : memref<200x64x4096xf32, #tpu.memory_space<hbm>> -> memref<1x64x4096xf32, #tpu.memory_space<hbm>>
      %dma_start3A_67 = tpu.memref_squeeze %dma_start3A_66 : memref<1x64x4096xf32, #tpu.memory_space<hbm>> -> memref<64x4096xf32, #tpu.memory_space<hbm>>
      %dma_start3A_68 = arith.constant 8 : i32
      %dma_start3A_69 = arith.constant 0 : i32
      %dma_start3A_70 = tpu.memref_slice %dma_start3A_67[%dma_start3A_68, %dma_start3A_69] : memref<64x4096xf32, #tpu.memory_space<hbm>> -> memref<8x4096xf32, #tpu.memory_space<hbm>>
      %dma_start3A_71 = arith.constant 0 : i32
      %dma_start3A_72 = arith.constant 0 : i32
      %dma_start3A_73 = tpu.memref_slice %arg2[%add3A_34, %dma_start3A_71, %dma_start3A_72] : memref<200x64x4096xf32, #tpu.memory_space<hbm>> -> memref<1x64x4096xf32, #tpu.memory_space<hbm>>
      %dma_start3A_74 = tpu.memref_squeeze %dma_start3A_73 : memref<1x64x4096xf32, #tpu.memory_space<hbm>> -> memref<64x4096xf32, #tpu.memory_space<hbm>>
      %dma_start3A_75 = arith.constant 8 : i32
      %dma_start3A_76 = arith.constant 0 : i32
      %dma_start3A_77 = tpu.memref_slice %dma_start3A_74[%dma_start3A_75, %dma_start3A_76] : memref<64x4096xf32, #tpu.memory_space<hbm>> -> memref<8x4096xf32, #tpu.memory_space<hbm>>
      tpu.enqueue_dma source(%dma_start3A_77 : memref<8x4096xf32, #tpu.memory_space<hbm>>) target(%arg6 : memref<8x4096xf32, #tpu.memory_space<vmem>>) target_semaphore(%arg8 : memref<!tpu.dma_semaphore, #tpu.memory_space<semaphore_mem>>)
      %dma_wait3A = arith.constant 0 : i32
      %dma_wait3A_78 = arith.constant 0 : i32
      %dma_wait3A_79 = tpu.memref_slice %arg2[%add3A_34, %dma_wait3A, %dma_wait3A_78] : memref<200x64x4096xf32, #tpu.memory_space<hbm>> -> memref<1x64x4096xf32, #tpu.memory_space<hbm>>
      %dma_wait3A_80 = tpu.memref_squeeze %dma_wait3A_79 : memref<1x64x4096xf32, #tpu.memory_space<hbm>> -> memref<64x4096xf32, #tpu.memory_space<hbm>>
      %dma_wait3A_81 = arith.constant 0 : i32
      %dma_wait3A_82 = arith.constant 0 : i32
      %dma_wait3A_83 = tpu.memref_slice %dma_wait3A_80[%dma_wait3A_81, %dma_wait3A_82] : memref<64x4096xf32, #tpu.memory_space<hbm>> -> memref<8x4096xf32, #tpu.memory_space<hbm>>
      %dma_wait3A_84 = arith.constant 0 : i32
      %dma_wait3A_85 = arith.constant 0 : i32
      %dma_wait3A_86 = tpu.memref_slice %arg2[%add3A_34, %dma_wait3A_84, %dma_wait3A_85] : memref<200x64x4096xf32, #tpu.memory_space<hbm>> -> memref<1x64x4096xf32, #tpu.memory_space<hbm>>
      %dma_wait3A_87 = tpu.memref_squeeze %dma_wait3A_86 : memref<1x64x4096xf32, #tpu.memory_space<hbm>> -> memref<64x4096xf32, #tpu.memory_space<hbm>>
      %dma_wait3A_88 = arith.constant 0 : i32
      %dma_wait3A_89 = arith.constant 0 : i32
      %dma_wait3A_90 = tpu.memref_slice %dma_wait3A_87[%dma_wait3A_88, %dma_wait3A_89] : memref<64x4096xf32, #tpu.memory_space<hbm>> -> memref<8x4096xf32, #tpu.memory_space<hbm>>
      tpu.wait_dma2 semaphore(%arg7 : memref<!tpu.dma_semaphore, #tpu.memory_space<semaphore_mem>>) src(%dma_wait3A_90 : memref<8x4096xf32, #tpu.memory_space<hbm>>) dst(%arg5 : memref<8x4096xf32, #tpu.memory_space<vmem>>)
      %dma_start3A_91 = arith.constant 0 : i32
      %dma_start3A_92 = arith.constant 0 : i32
      %dma_start3A_93 = tpu.memref_slice %arg4[%add3A_34, %dma_start3A_91, %dma_start3A_92] : memref<201x64x4096xf32, #tpu.memory_space<hbm>> -> memref<1x64x4096xf32, #tpu.memory_space<hbm>>
      %dma_start3A_94 = tpu.memref_squeeze %dma_start3A_93 : memref<1x64x4096xf32, #tpu.memory_space<hbm>> -> memref<64x4096xf32, #tpu.memory_space<hbm>>
      %dma_start3A_95 = arith.constant 0 : i32
      %dma_start3A_96 = arith.constant 0 : i32
      %dma_start3A_97 = tpu.memref_slice %dma_start3A_94[%dma_start3A_95, %dma_start3A_96] : memref<64x4096xf32, #tpu.memory_space<hbm>> -> memref<8x4096xf32, #tpu.memory_space<hbm>>
      %dma_start3A_98 = arith.constant 0 : i32
      %dma_start3A_99 = arith.constant 0 : i32
      %dma_start3A_100 = tpu.memref_slice %arg4[%add3A_34, %dma_start3A_98, %dma_start3A_99] : memref<201x64x4096xf32, #tpu.memory_space<hbm>> -> memref<1x64x4096xf32, #tpu.memory_space<hbm>>
      %dma_start3A_101 = tpu.memref_squeeze %dma_start3A_100 : memref<1x64x4096xf32, #tpu.memory_space<hbm>> -> memref<64x4096xf32, #tpu.memory_space<hbm>>
      %dma_start3A_102 = arith.constant 0 : i32
      %dma_start3A_103 = arith.constant 0 : i32
      %dma_start3A_104 = tpu.memref_slice %dma_start3A_101[%dma_start3A_102, %dma_start3A_103] : memref<64x4096xf32, #tpu.memory_space<hbm>> -> memref<8x4096xf32, #tpu.memory_space<hbm>>
      tpu.enqueue_dma source(%arg5 : memref<8x4096xf32, #tpu.memory_space<vmem>>) target(%dma_start3A_104 : memref<8x4096xf32, #tpu.memory_space<hbm>>) target_semaphore(%arg9 : memref<!tpu.dma_semaphore, #tpu.memory_space<semaphore_mem>>)
      %dma_wait3A_105 = arith.constant 0 : i32
      %dma_wait3A_106 = arith.constant 0 : i32
      %dma_wait3A_107 = tpu.memref_slice %arg4[%add3A_34, %dma_wait3A_105, %dma_wait3A_106] : memref<201x64x4096xf32, #tpu.memory_space<hbm>> -> memref<1x64x4096xf32, #tpu.memory_space<hbm>>
      %dma_wait3A_108 = tpu.memref_squeeze %dma_wait3A_107 : memref<1x64x4096xf32, #tpu.memory_space<hbm>> -> memref<64x4096xf32, #tpu.memory_space<hbm>>
      %dma_wait3A_109 = arith.constant 0 : i32
      %dma_wait3A_110 = arith.constant 0 : i32
      %dma_wait3A_111 = tpu.memref_slice %dma_wait3A_108[%dma_wait3A_109, %dma_wait3A_110] : memref<64x4096xf32, #tpu.memory_space<hbm>> -> memref<8x4096xf32, #tpu.memory_space<hbm>>
      %dma_wait3A_112 = arith.constant 0 : i32
      %dma_wait3A_113 = arith.constant 0 : i32
      %dma_wait3A_114 = tpu.memref_slice %arg4[%add3A_34, %dma_wait3A_112, %dma_wait3A_113] : memref<201x64x4096xf32, #tpu.memory_space<hbm>> -> memref<1x64x4096xf32, #tpu.memory_space<hbm>>
      %dma_wait3A_115 = tpu.memref_squeeze %dma_wait3A_114 : memref<1x64x4096xf32, #tpu.memory_space<hbm>> -> memref<64x4096xf32, #tpu.memory_space<hbm>>
      %dma_wait3A_116 = arith.constant 0 : i32
      %dma_wait3A_117 = arith.constant 0 : i32
      %dma_wait3A_118 = tpu.memref_slice %dma_wait3A_115[%dma_wait3A_116, %dma_wait3A_117] : memref<64x4096xf32, #tpu.memory_space<hbm>> -> memref<8x4096xf32, #tpu.memory_space<hbm>>
      tpu.wait_dma2 semaphore(%arg9 : memref<!tpu.dma_semaphore, #tpu.memory_space<semaphore_mem>>) src(%arg5 : memref<8x4096xf32, #tpu.memory_space<vmem>>) dst(%dma_wait3A_118 : memref<8x4096xf32, #tpu.memory_space<hbm>>)
      %dma_start3A_119 = arith.constant 0 : i32
      %dma_start3A_120 = arith.constant 0 : i32
      %dma_start3A_121 = tpu.memref_slice %arg2[%add3A_34, %dma_start3A_119, %dma_start3A_120] : memref<200x64x4096xf32, #tpu.memory_space<hbm>> -> memref<1x64x4096xf32, #tpu.memory_space<hbm>>
      %dma_start3A_122 = tpu.memref_squeeze %dma_start3A_121 : memref<1x64x4096xf32, #tpu.memory_space<hbm>> -> memref<64x4096xf32, #tpu.memory_space<hbm>>
      %dma_start3A_123 = arith.constant 16 : i32
      %dma_start3A_124 = arith.constant 0 : i32
      %dma_start3A_125 = tpu.memref_slice %dma_start3A_122[%dma_start3A_123, %dma_start3A_124] : memref<64x4096xf32, #tpu.memory_space<hbm>> -> memref<8x4096xf32, #tpu.memory_space<hbm>>
      %dma_start3A_126 = arith.constant 0 : i32
      %dma_start3A_127 = arith.constant 0 : i32
      %dma_start3A_128 = tpu.memref_slice %arg2[%add3A_34, %dma_start3A_126, %dma_start3A_127] : memref<200x64x4096xf32, #tpu.memory_space<hbm>> -> memref<1x64x4096xf32, #tpu.memory_space<hbm>>
      %dma_start3A_129 = tpu.memref_squeeze %dma_start3A_128 : memref<1x64x4096xf32, #tpu.memory_space<hbm>> -> memref<64x4096xf32, #tpu.memory_space<hbm>>
      %dma_start3A_130 = arith.constant 16 : i32
      %dma_start3A_131 = arith.constant 0 : i32
      %dma_start3A_132 = tpu.memref_slice %dma_start3A_129[%dma_start3A_130, %dma_start3A_131] : memref<64x4096xf32, #tpu.memory_space<hbm>> -> memref<8x4096xf32, #tpu.memory_space<hbm>>
      tpu.enqueue_dma source(%dma_start3A_132 : memref<8x4096xf32, #tpu.memory_space<hbm>>) target(%arg5 : memref<8x4096xf32, #tpu.memory_space<vmem>>) target_semaphore(%arg7 : memref<!tpu.dma_semaphore, #tpu.memory_space<semaphore_mem>>)
      %dma_wait3A_133 = arith.constant 0 : i32
      %dma_wait3A_134 = arith.constant 0 : i32
      %dma_wait3A_135 = tpu.memref_slice %arg2[%add3A_34, %dma_wait3A_133, %dma_wait3A_134] : memref<200x64x4096xf32, #tpu.memory_space<hbm>> -> memref<1x64x4096xf32, #tpu.memory_space<hbm>>
      %dma_wait3A_136 = tpu.memref_squeeze %dma_wait3A_135 : memref<1x64x4096xf32, #tpu.memory_space<hbm>> -> memref<64x4096xf32, #tpu.memory_space<hbm>>
      %dma_wait3A_137 = arith.constant 8 : i32
      %dma_wait3A_138 = arith.constant 0 : i32
      %dma_wait3A_139 = tpu.memref_slice %dma_wait3A_136[%dma_wait3A_137, %dma_wait3A_138] : memref<64x4096xf32, #tpu.memory_space<hbm>> -> memref<8x4096xf32, #tpu.memory_space<hbm>>
      %dma_wait3A_140 = arith.constant 0 : i32
      %dma_wait3A_141 = arith.constant 0 : i32
      %dma_wait3A_142 = tpu.memref_slice %arg2[%add3A_34, %dma_wait3A_140, %dma_wait3A_141] : memref<200x64x4096xf32, #tpu.memory_space<hbm>> -> memref<1x64x4096xf32, #tpu.memory_space<hbm>>
      %dma_wait3A_143 = tpu.memref_squeeze %dma_wait3A_142 : memref<1x64x4096xf32, #tpu.memory_space<hbm>> -> memref<64x4096xf32, #tpu.memory_space<hbm>>
      %dma_wait3A_144 = arith.constant 8 : i32
      %dma_wait3A_145 = arith.constant 0 : i32
      %dma_wait3A_146 = tpu.memref_slice %dma_wait3A_143[%dma_wait3A_144, %dma_wait3A_145] : memref<64x4096xf32, #tpu.memory_space<hbm>> -> memref<8x4096xf32, #tpu.memory_space<hbm>>
      tpu.wait_dma2 semaphore(%arg8 : memref<!tpu.dma_semaphore, #tpu.memory_space<semaphore_mem>>) src(%dma_wait3A_146 : memref<8x4096xf32, #tpu.memory_space<hbm>>) dst(%arg6 : memref<8x4096xf32, #tpu.memory_space<vmem>>)
      %dma_start3A_147 = arith.constant 0 : i32
      %dma_start3A_148 = arith.constant 0 : i32
      %dma_start3A_149 = tpu.memref_slice %arg4[%add3A_34, %dma_start3A_147, %dma_start3A_148] : memref<201x64x4096xf32, #tpu.memory_space<hbm>> -> memref<1x64x4096xf32, #tpu.memory_space<hbm>>
      %dma_start3A_150 = tpu.memref_squeeze %dma_start3A_149 : memref<1x64x4096xf32, #tpu.memory_space<hbm>> -> memref<64x4096xf32, #tpu.memory_space<hbm>>
      %dma_start3A_151 = arith.constant 8 : i32
      %dma_start3A_152 = arith.constant 0 : i32
      %dma_start3A_153 = tpu.memref_slice %dma_start3A_150[%dma_start3A_151, %dma_start3A_152] : memref<64x4096xf32, #tpu.memory_space<hbm>> -> memref<8x4096xf32, #tpu.memory_space<hbm>>
      %dma_start3A_154 = arith.constant 0 : i32
      %dma_start3A_155 = arith.constant 0 : i32
      %dma_start3A_156 = tpu.memref_slice %arg4[%add3A_34, %dma_start3A_154, %dma_start3A_155] : memref<201x64x4096xf32, #tpu.memory_space<hbm>> -> memref<1x64x4096xf32, #tpu.memory_space<hbm>>
      %dma_start3A_157 = tpu.memref_squeeze %dma_start3A_156 : memref<1x64x4096xf32, #tpu.memory_space<hbm>> -> memref<64x4096xf32, #tpu.memory_space<hbm>>
      %dma_start3A_158 = arith.constant 8 : i32
      %dma_start3A_159 = arith.constant 0 : i32
      %dma_start3A_160 = tpu.memref_slice %dma_start3A_157[%dma_start3A_158, %dma_start3A_159] : memref<64x4096xf32, #tpu.memory_space<hbm>> -> memref<8x4096xf32, #tpu.memory_space<hbm>>
      tpu.enqueue_dma source(%arg6 : memref<8x4096xf32, #tpu.memory_space<vmem>>) target(%dma_start3A_160 : memref<8x4096xf32, #tpu.memory_space<hbm>>) target_semaphore(%arg10 : memref<!tpu.dma_semaphore, #tpu.memory_space<semaphore_mem>>)
      %dma_wait3A_161 = arith.constant 0 : i32
      %dma_wait3A_162 = arith.constant 0 : i32
      %dma_wait3A_163 = tpu.memref_slice %arg4[%add3A_34, %dma_wait3A_161, %dma_wait3A_162] : memref<201x64x4096xf32, #tpu.memory_space<hbm>> -> memref<1x64x4096xf32, #tpu.memory_space<hbm>>
      %dma_wait3A_164 = tpu.memref_squeeze %dma_wait3A_163 : memref<1x64x4096xf32, #tpu.memory_space<hbm>> -> memref<64x4096xf32, #tpu.memory_space<hbm>>
      %dma_wait3A_165 = arith.constant 8 : i32
      %dma_wait3A_166 = arith.constant 0 : i32
      %dma_wait3A_167 = tpu.memref_slice %dma_wait3A_164[%dma_wait3A_165, %dma_wait3A_166] : memref<64x4096xf32, #tpu.memory_space<hbm>> -> memref<8x4096xf32, #tpu.memory_space<hbm>>
      %dma_wait3A_168 = arith.constant 0 : i32
      %dma_wait3A_169 = arith.constant 0 : i32
      %dma_wait3A_170 = tpu.memref_slice %arg4[%add3A_34, %dma_wait3A_168, %dma_wait3A_169] : memref<201x64x4096xf32, #tpu.memory_space<hbm>> -> memref<1x64x4096xf32, #tpu.memory_space<hbm>>
      %dma_wait3A_171 = tpu.memref_squeeze %dma_wait3A_170 : memref<1x64x4096xf32, #tpu.memory_space<hbm>> -> memref<64x4096xf32, #tpu.memory_space<hbm>>
      %dma_wait3A_172 = arith.constant 8 : i32
      %dma_wait3A_173 = arith.constant 0 : i32
      %dma_wait3A_174 = tpu.memref_slice %dma_wait3A_171[%dma_wait3A_172, %dma_wait3A_173] : memref<64x4096xf32, #tpu.memory_space<hbm>> -> memref<8x4096xf32, #tpu.memory_space<hbm>>
      tpu.wait_dma2 semaphore(%arg10 : memref<!tpu.dma_semaphore, #tpu.memory_space<semaphore_mem>>) src(%arg6 : memref<8x4096xf32, #tpu.memory_space<vmem>>) dst(%dma_wait3A_174 : memref<8x4096xf32, #tpu.memory_space<hbm>>)
      %dma_start3A_175 = arith.constant 0 : i32
      %dma_start3A_176 = arith.constant 0 : i32
      %dma_start3A_177 = tpu.memref_slice %arg2[%add3A_34, %dma_start3A_175, %dma_start3A_176] : memref<200x64x4096xf32, #tpu.memory_space<hbm>> -> memref<1x64x4096xf32, #tpu.memory_space<hbm>>
      %dma_start3A_178 = tpu.memref_squeeze %dma_start3A_177 : memref<1x64x4096xf32, #tpu.memory_space<hbm>> -> memref<64x4096xf32, #tpu.memory_space<hbm>>
      %dma_start3A_179 = arith.constant 24 : i32
      %dma_start3A_180 = arith.constant 0 : i32
      %dma_start3A_181 = tpu.memref_slice %dma_start3A_178[%dma_start3A_179, %dma_start3A_180] : memref<64x4096xf32, #tpu.memory_space<hbm>> -> memref<8x4096xf32, #tpu.memory_space<hbm>>
      %dma_start3A_182 = arith.constant 0 : i32
      %dma_start3A_183 = arith.constant 0 : i32
      %dma_start3A_184 = tpu.memref_slice %arg2[%add3A_34, %dma_start3A_182, %dma_start3A_183] : memref<200x64x4096xf32, #tpu.memory_space<hbm>> -> memref<1x64x4096xf32, #tpu.memory_space<hbm>>
      %dma_start3A_185 = tpu.memref_squeeze %dma_start3A_184 : memref<1x64x4096xf32, #tpu.memory_space<hbm>> -> memref<64x4096xf32, #tpu.memory_space<hbm>>
      %dma_start3A_186 = arith.constant 24 : i32
      %dma_start3A_187 = arith.constant 0 : i32
      %dma_start3A_188 = tpu.memref_slice %dma_start3A_185[%dma_start3A_186, %dma_start3A_187] : memref<64x4096xf32, #tpu.memory_space<hbm>> -> memref<8x4096xf32, #tpu.memory_space<hbm>>
      tpu.enqueue_dma source(%dma_start3A_188 : memref<8x4096xf32, #tpu.memory_space<hbm>>) target(%arg6 : memref<8x4096xf32, #tpu.memory_space<vmem>>) target_semaphore(%arg8 : memref<!tpu.dma_semaphore, #tpu.memory_space<semaphore_mem>>)
      %dma_wait3A_189 = arith.constant 0 : i32
      %dma_wait3A_190 = arith.constant 0 : i32
      %dma_wait3A_191 = tpu.memref_slice %arg2[%add3A_34, %dma_wait3A_189, %dma_wait3A_190] : memref<200x64x4096xf32, #tpu.memory_space<hbm>> -> memref<1x64x4096xf32, #tpu.memory_space<hbm>>
      %dma_wait3A_192 = tpu.memref_squeeze %dma_wait3A_191 : memref<1x64x4096xf32, #tpu.memory_space<hbm>> -> memref<64x4096xf32, #tpu.memory_space<hbm>>
      %dma_wait3A_193 = arith.constant 16 : i32
      %dma_wait3A_194 = arith.constant 0 : i32
      %dma_wait3A_195 = tpu.memref_slice %dma_wait3A_192[%dma_wait3A_193, %dma_wait3A_194] : memref<64x4096xf32, #tpu.memory_space<hbm>> -> memref<8x4096xf32, #tpu.memory_space<hbm>>
      %dma_wait3A_196 = arith.constant 0 : i32
      %dma_wait3A_197 = arith.constant 0 : i32
      %dma_wait3A_198 = tpu.memref_slice %arg2[%add3A_34, %dma_wait3A_196, %dma_wait3A_197] : memref<200x64x4096xf32, #tpu.memory_space<hbm>> -> memref<1x64x4096xf32, #tpu.memory_space<hbm>>
      %dma_wait3A_199 = tpu.memref_squeeze %dma_wait3A_198 : memref<1x64x4096xf32, #tpu.memory_space<hbm>> -> memref<64x4096xf32, #tpu.memory_space<hbm>>
      %dma_wait3A_200 = arith.constant 16 : i32
      %dma_wait3A_201 = arith.constant 0 : i32
      %dma_wait3A_202 = tpu.memref_slice %dma_wait3A_199[%dma_wait3A_200, %dma_wait3A_201] : memref<64x4096xf32, #tpu.memory_space<hbm>> -> memref<8x4096xf32, #tpu.memory_space<hbm>>
      tpu.wait_dma2 semaphore(%arg7 : memref<!tpu.dma_semaphore, #tpu.memory_space<semaphore_mem>>) src(%dma_wait3A_202 : memref<8x4096xf32, #tpu.memory_space<hbm>>) dst(%arg5 : memref<8x4096xf32, #tpu.memory_space<vmem>>)
      %dma_start3A_203 = arith.constant 0 : i32
      %dma_start3A_204 = arith.constant 0 : i32
      %dma_start3A_205 = tpu.memref_slice %arg4[%add3A_34, %dma_start3A_203, %dma_start3A_204] : memref<201x64x4096xf32, #tpu.memory_space<hbm>> -> memref<1x64x4096xf32, #tpu.memory_space<hbm>>
      %dma_start3A_206 = tpu.memref_squeeze %dma_start3A_205 : memref<1x64x4096xf32, #tpu.memory_space<hbm>> -> memref<64x4096xf32, #tpu.memory_space<hbm>>
      %dma_start3A_207 = arith.constant 16 : i32
      %dma_start3A_208 = arith.constant 0 : i32
      %dma_start3A_209 = tpu.memref_slice %dma_start3A_206[%dma_start3A_207, %dma_start3A_208] : memref<64x4096xf32, #tpu.memory_space<hbm>> -> memref<8x4096xf32, #tpu.memory_space<hbm>>
      %dma_start3A_210 = arith.constant 0 : i32
      %dma_start3A_211 = arith.constant 0 : i32
      %dma_start3A_212 = tpu.memref_slice %arg4[%add3A_34, %dma_start3A_210, %dma_start3A_211] : memref<201x64x4096xf32, #tpu.memory_space<hbm>> -> memref<1x64x4096xf32, #tpu.memory_space<hbm>>
      %dma_start3A_213 = tpu.memref_squeeze %dma_start3A_212 : memref<1x64x4096xf32, #tpu.memory_space<hbm>> -> memref<64x4096xf32, #tpu.memory_space<hbm>>
      %dma_start3A_214 = arith.constant 16 : i32
      %dma_start3A_215 = arith.constant 0 : i32
      %dma_start3A_216 = tpu.memref_slice %dma_start3A_213[%dma_start3A_214, %dma_start3A_215] : memref<64x4096xf32, #tpu.memory_space<hbm>> -> memref<8x4096xf32, #tpu.memory_space<hbm>>
      tpu.enqueue_dma source(%arg5 : memref<8x4096xf32, #tpu.memory_space<vmem>>) target(%dma_start3A_216 : memref<8x4096xf32, #tpu.memory_space<hbm>>) target_semaphore(%arg9 : memref<!tpu.dma_semaphore, #tpu.memory_space<semaphore_mem>>)
      %dma_wait3A_217 = arith.constant 0 : i32
      %dma_wait3A_218 = arith.constant 0 : i32
      %dma_wait3A_219 = tpu.memref_slice %arg4[%add3A_34, %dma_wait3A_217, %dma_wait3A_218] : memref<201x64x4096xf32, #tpu.memory_space<hbm>> -> memref<1x64x4096xf32, #tpu.memory_space<hbm>>
      %dma_wait3A_220 = tpu.memref_squeeze %dma_wait3A_219 : memref<1x64x4096xf32, #tpu.memory_space<hbm>> -> memref<64x4096xf32, #tpu.memory_space<hbm>>
      %dma_wait3A_221 = arith.constant 16 : i32
      %dma_wait3A_222 = arith.constant 0 : i32
      %dma_wait3A_223 = tpu.memref_slice %dma_wait3A_220[%dma_wait3A_221, %dma_wait3A_222] : memref<64x4096xf32, #tpu.memory_space<hbm>> -> memref<8x4096xf32, #tpu.memory_space<hbm>>
      %dma_wait3A_224 = arith.constant 0 : i32
      %dma_wait3A_225 = arith.constant 0 : i32
      %dma_wait3A_226 = tpu.memref_slice %arg4[%add3A_34, %dma_wait3A_224, %dma_wait3A_225] : memref<201x64x4096xf32, #tpu.memory_space<hbm>> -> memref<1x64x4096xf32, #tpu.memory_space<hbm>>
      %dma_wait3A_227 = tpu.memref_squeeze %dma_wait3A_226 : memref<1x64x4096xf32, #tpu.memory_space<hbm>> -> memref<64x4096xf32, #tpu.memory_space<hbm>>
      %dma_wait3A_228 = arith.constant 16 : i32
      %dma_wait3A_229 = arith.constant 0 : i32
      %dma_wait3A_230 = tpu.memref_slice %dma_wait3A_227[%dma_wait3A_228, %dma_wait3A_229] : memref<64x4096xf32, #tpu.memory_space<hbm>> -> memref<8x4096xf32, #tpu.memory_space<hbm>>
      tpu.wait_dma2 semaphore(%arg9 : memref<!tpu.dma_semaphore, #tpu.memory_space<semaphore_mem>>) src(%arg5 : memref<8x4096xf32, #tpu.memory_space<vmem>>) dst(%dma_wait3A_230 : memref<8x4096xf32, #tpu.memory_space<hbm>>)
      %dma_start3A_231 = arith.constant 0 : i32
      %dma_start3A_232 = arith.constant 0 : i32
      %dma_start3A_233 = tpu.memref_slice %arg2[%add3A_34, %dma_start3A_231, %dma_start3A_232] : memref<200x64x4096xf32, #tpu.memory_space<hbm>> -> memref<1x64x4096xf32, #tpu.memory_space<hbm>>
      %dma_start3A_234 = tpu.memref_squeeze %dma_start3A_233 : memref<1x64x4096xf32, #tpu.memory_space<hbm>> -> memref<64x4096xf32, #tpu.memory_space<hbm>>
      %dma_start3A_235 = arith.constant 32 : i32
      %dma_start3A_236 = arith.constant 0 : i32
      %dma_start3A_237 = tpu.memref_slice %dma_start3A_234[%dma_start3A_235, %dma_start3A_236] : memref<64x4096xf32, #tpu.memory_space<hbm>> -> memref<8x4096xf32, #tpu.memory_space<hbm>>
      %dma_start3A_238 = arith.constant 0 : i32
      %dma_start3A_239 = arith.constant 0 : i32
      %dma_start3A_240 = tpu.memref_slice %arg2[%add3A_34, %dma_start3A_238, %dma_start3A_239] : memref<200x64x4096xf32, #tpu.memory_space<hbm>> -> memref<1x64x4096xf32, #tpu.memory_space<hbm>>
      %dma_start3A_241 = tpu.memref_squeeze %dma_start3A_240 : memref<1x64x4096xf32, #tpu.memory_space<hbm>> -> memref<64x4096xf32, #tpu.memory_space<hbm>>
      %dma_start3A_242 = arith.constant 32 : i32
      %dma_start3A_243 = arith.constant 0 : i32
      %dma_start3A_244 = tpu.memref_slice %dma_start3A_241[%dma_start3A_242, %dma_start3A_243] : memref<64x4096xf32, #tpu.memory_space<hbm>> -> memref<8x4096xf32, #tpu.memory_space<hbm>>
      tpu.enqueue_dma source(%dma_start3A_244 : memref<8x4096xf32, #tpu.memory_space<hbm>>) target(%arg5 : memref<8x4096xf32, #tpu.memory_space<vmem>>) target_semaphore(%arg7 : memref<!tpu.dma_semaphore, #tpu.memory_space<semaphore_mem>>)
      %dma_wait3A_245 = arith.constant 0 : i32
      %dma_wait3A_246 = arith.constant 0 : i32
      %dma_wait3A_247 = tpu.memref_slice %arg2[%add3A_34, %dma_wait3A_245, %dma_wait3A_246] : memref<200x64x4096xf32, #tpu.memory_space<hbm>> -> memref<1x64x4096xf32, #tpu.memory_space<hbm>>
      %dma_wait3A_248 = tpu.memref_squeeze %dma_wait3A_247 : memref<1x64x4096xf32, #tpu.memory_space<hbm>> -> memref<64x4096xf32, #tpu.memory_space<hbm>>
      %dma_wait3A_249 = arith.constant 24 : i32
      %dma_wait3A_250 = arith.constant 0 : i32
      %dma_wait3A_251 = tpu.memref_slice %dma_wait3A_248[%dma_wait3A_249, %dma_wait3A_250] : memref<64x4096xf32, #tpu.memory_space<hbm>> -> memref<8x4096xf32, #tpu.memory_space<hbm>>
      %dma_wait3A_252 = arith.constant 0 : i32
      %dma_wait3A_253 = arith.constant 0 : i32
      %dma_wait3A_254 = tpu.memref_slice %arg2[%add3A_34, %dma_wait3A_252, %dma_wait3A_253] : memref<200x64x4096xf32, #tpu.memory_space<hbm>> -> memref<1x64x4096xf32, #tpu.memory_space<hbm>>
      %dma_wait3A_255 = tpu.memref_squeeze %dma_wait3A_254 : memref<1x64x4096xf32, #tpu.memory_space<hbm>> -> memref<64x4096xf32, #tpu.memory_space<hbm>>
      %dma_wait3A_256 = arith.constant 24 : i32
      %dma_wait3A_257 = arith.constant 0 : i32
      %dma_wait3A_258 = tpu.memref_slice %dma_wait3A_255[%dma_wait3A_256, %dma_wait3A_257] : memref<64x4096xf32, #tpu.memory_space<hbm>> -> memref<8x4096xf32, #tpu.memory_space<hbm>>
      tpu.wait_dma2 semaphore(%arg8 : memref<!tpu.dma_semaphore, #tpu.memory_space<semaphore_mem>>) src(%dma_wait3A_258 : memref<8x4096xf32, #tpu.memory_space<hbm>>) dst(%arg6 : memref<8x4096xf32, #tpu.memory_space<vmem>>)
      %dma_start3A_259 = arith.constant 0 : i32
      %dma_start3A_260 = arith.constant 0 : i32
      %dma_start3A_261 = tpu.memref_slice %arg4[%add3A_34, %dma_start3A_259, %dma_start3A_260] : memref<201x64x4096xf32, #tpu.memory_space<hbm>> -> memref<1x64x4096xf32, #tpu.memory_space<hbm>>
      %dma_start3A_262 = tpu.memref_squeeze %dma_start3A_261 : memref<1x64x4096xf32, #tpu.memory_space<hbm>> -> memref<64x4096xf32, #tpu.memory_space<hbm>>
      %dma_start3A_263 = arith.constant 24 : i32
      %dma_start3A_264 = arith.constant 0 : i32
      %dma_start3A_265 = tpu.memref_slice %dma_start3A_262[%dma_start3A_263, %dma_start3A_264] : memref<64x4096xf32, #tpu.memory_space<hbm>> -> memref<8x4096xf32, #tpu.memory_space<hbm>>
      %dma_start3A_266 = arith.constant 0 : i32
      %dma_start3A_267 = arith.constant 0 : i32
      %dma_start3A_268 = tpu.memref_slice %arg4[%add3A_34, %dma_start3A_266, %dma_start3A_267] : memref<201x64x4096xf32, #tpu.memory_space<hbm>> -> memref<1x64x4096xf32, #tpu.memory_space<hbm>>
      %dma_start3A_269 = tpu.memref_squeeze %dma_start3A_268 : memref<1x64x4096xf32, #tpu.memory_space<hbm>> -> memref<64x4096xf32, #tpu.memory_space<hbm>>
      %dma_start3A_270 = arith.constant 24 : i32
      %dma_start3A_271 = arith.constant 0 : i32
      %dma_start3A_272 = tpu.memref_slice %dma_start3A_269[%dma_start3A_270, %dma_start3A_271] : memref<64x4096xf32, #tpu.memory_space<hbm>> -> memref<8x4096xf32, #tpu.memory_space<hbm>>
      tpu.enqueue_dma source(%arg6 : memref<8x4096xf32, #tpu.memory_space<vmem>>) target(%dma_start3A_272 : memref<8x4096xf32, #tpu.memory_space<hbm>>) target_semaphore(%arg10 : memref<!tpu.dma_semaphore, #tpu.memory_space<semaphore_mem>>)
      %dma_wait3A_273 = arith.constant 0 : i32
      %dma_wait3A_274 = arith.constant 0 : i32
      %dma_wait3A_275 = tpu.memref_slice %arg4[%add3A_34, %dma_wait3A_273, %dma_wait3A_274] : memref<201x64x4096xf32, #tpu.memory_space<hbm>> -> memref<1x64x4096xf32, #tpu.memory_space<hbm>>
      %dma_wait3A_276 = tpu.memref_squeeze %dma_wait3A_275 : memref<1x64x4096xf32, #tpu.memory_space<hbm>> -> memref<64x4096xf32, #tpu.memory_space<hbm>>
      %dma_wait3A_277 = arith.constant 24 : i32
      %dma_wait3A_278 = arith.constant 0 : i32
      %dma_wait3A_279 = tpu.memref_slice %dma_wait3A_276[%dma_wait3A_277, %dma_wait3A_278] : memref<64x4096xf32, #tpu.memory_space<hbm>> -> memref<8x4096xf32, #tpu.memory_space<hbm>>
      %dma_wait3A_280 = arith.constant 0 : i32
      %dma_wait3A_281 = arith.constant 0 : i32
      %dma_wait3A_282 = tpu.memref_slice %arg4[%add3A_34, %dma_wait3A_280, %dma_wait3A_281] : memref<201x64x4096xf32, #tpu.memory_space<hbm>> -> memref<1x64x4096xf32, #tpu.memory_space<hbm>>
      %dma_wait3A_283 = tpu.memref_squeeze %dma_wait3A_282 : memref<1x64x4096xf32, #tpu.memory_space<hbm>> -> memref<64x4096xf32, #tpu.memory_space<hbm>>
      %dma_wait3A_284 = arith.constant 24 : i32
      %dma_wait3A_285 = arith.constant 0 : i32
      %dma_wait3A_286 = tpu.memref_slice %dma_wait3A_283[%dma_wait3A_284, %dma_wait3A_285] : memref<64x4096xf32, #tpu.memory_space<hbm>> -> memref<8x4096xf32, #tpu.memory_space<hbm>>
      tpu.wait_dma2 semaphore(%arg10 : memref<!tpu.dma_semaphore, #tpu.memory_space<semaphore_mem>>) src(%arg6 : memref<8x4096xf32, #tpu.memory_space<vmem>>) dst(%dma_wait3A_286 : memref<8x4096xf32, #tpu.memory_space<hbm>>)
      %dma_start3A_287 = arith.constant 0 : i32
      %dma_start3A_288 = arith.constant 0 : i32
      %dma_start3A_289 = tpu.memref_slice %arg2[%add3A_34, %dma_start3A_287, %dma_start3A_288] : memref<200x64x4096xf32, #tpu.memory_space<hbm>> -> memref<1x64x4096xf32, #tpu.memory_space<hbm>>
      %dma_start3A_290 = tpu.memref_squeeze %dma_start3A_289 : memref<1x64x4096xf32, #tpu.memory_space<hbm>> -> memref<64x4096xf32, #tpu.memory_space<hbm>>
      %dma_start3A_291 = arith.constant 40 : i32
      %dma_start3A_292 = arith.constant 0 : i32
      %dma_start3A_293 = tpu.memref_slice %dma_start3A_290[%dma_start3A_291, %dma_start3A_292] : memref<64x4096xf32, #tpu.memory_space<hbm>> -> memref<8x4096xf32, #tpu.memory_space<hbm>>
      %dma_start3A_294 = arith.constant 0 : i32
      %dma_start3A_295 = arith.constant 0 : i32
      %dma_start3A_296 = tpu.memref_slice %arg2[%add3A_34, %dma_start3A_294, %dma_start3A_295] : memref<200x64x4096xf32, #tpu.memory_space<hbm>> -> memref<1x64x4096xf32, #tpu.memory_space<hbm>>
      %dma_start3A_297 = tpu.memref_squeeze %dma_start3A_296 : memref<1x64x4096xf32, #tpu.memory_space<hbm>> -> memref<64x4096xf32, #tpu.memory_space<hbm>>
      %dma_start3A_298 = arith.constant 40 : i32
      %dma_start3A_299 = arith.constant 0 : i32
      %dma_start3A_300 = tpu.memref_slice %dma_start3A_297[%dma_start3A_298, %dma_start3A_299] : memref<64x4096xf32, #tpu.memory_space<hbm>> -> memref<8x4096xf32, #tpu.memory_space<hbm>>
      tpu.enqueue_dma source(%dma_start3A_300 : memref<8x4096xf32, #tpu.memory_space<hbm>>) target(%arg6 : memref<8x4096xf32, #tpu.memory_space<vmem>>) target_semaphore(%arg8 : memref<!tpu.dma_semaphore, #tpu.memory_space<semaphore_mem>>)
      %dma_wait3A_301 = arith.constant 0 : i32
      %dma_wait3A_302 = arith.constant 0 : i32
      %dma_wait3A_303 = tpu.memref_slice %arg2[%add3A_34, %dma_wait3A_301, %dma_wait3A_302] : memref<200x64x4096xf32, #tpu.memory_space<hbm>> -> memref<1x64x4096xf32, #tpu.memory_space<hbm>>
      %dma_wait3A_304 = tpu.memref_squeeze %dma_wait3A_303 : memref<1x64x4096xf32, #tpu.memory_space<hbm>> -> memref<64x4096xf32, #tpu.memory_space<hbm>>
      %dma_wait3A_305 = arith.constant 32 : i32
      %dma_wait3A_306 = arith.constant 0 : i32
      %dma_wait3A_307 = tpu.memref_slice %dma_wait3A_304[%dma_wait3A_305, %dma_wait3A_306] : memref<64x4096xf32, #tpu.memory_space<hbm>> -> memref<8x4096xf32, #tpu.memory_space<hbm>>
      %dma_wait3A_308 = arith.constant 0 : i32
      %dma_wait3A_309 = arith.constant 0 : i32
      %dma_wait3A_310 = tpu.memref_slice %arg2[%add3A_34, %dma_wait3A_308, %dma_wait3A_309] : memref<200x64x4096xf32, #tpu.memory_space<hbm>> -> memref<1x64x4096xf32, #tpu.memory_space<hbm>>
      %dma_wait3A_311 = tpu.memref_squeeze %dma_wait3A_310 : memref<1x64x4096xf32, #tpu.memory_space<hbm>> -> memref<64x4096xf32, #tpu.memory_space<hbm>>
      %dma_wait3A_312 = arith.constant 32 : i32
      %dma_wait3A_313 = arith.constant 0 : i32
      %dma_wait3A_314 = tpu.memref_slice %dma_wait3A_311[%dma_wait3A_312, %dma_wait3A_313] : memref<64x4096xf32, #tpu.memory_space<hbm>> -> memref<8x4096xf32, #tpu.memory_space<hbm>>
      tpu.wait_dma2 semaphore(%arg7 : memref<!tpu.dma_semaphore, #tpu.memory_space<semaphore_mem>>) src(%dma_wait3A_314 : memref<8x4096xf32, #tpu.memory_space<hbm>>) dst(%arg5 : memref<8x4096xf32, #tpu.memory_space<vmem>>)
      %dma_start3A_315 = arith.constant 0 : i32
      %dma_start3A_316 = arith.constant 0 : i32
      %dma_start3A_317 = tpu.memref_slice %arg4[%add3A_34, %dma_start3A_315, %dma_start3A_316] : memref<201x64x4096xf32, #tpu.memory_space<hbm>> -> memref<1x64x4096xf32, #tpu.memory_space<hbm>>
      %dma_start3A_318 = tpu.memref_squeeze %dma_start3A_317 : memref<1x64x4096xf32, #tpu.memory_space<hbm>> -> memref<64x4096xf32, #tpu.memory_space<hbm>>
      %dma_start3A_319 = arith.constant 32 : i32
      %dma_start3A_320 = arith.constant 0 : i32
      %dma_start3A_321 = tpu.memref_slice %dma_start3A_318[%dma_start3A_319, %dma_start3A_320] : memref<64x4096xf32, #tpu.memory_space<hbm>> -> memref<8x4096xf32, #tpu.memory_space<hbm>>
      %dma_start3A_322 = arith.constant 0 : i32
      %dma_start3A_323 = arith.constant 0 : i32
      %dma_start3A_324 = tpu.memref_slice %arg4[%add3A_34, %dma_start3A_322, %dma_start3A_323] : memref<201x64x4096xf32, #tpu.memory_space<hbm>> -> memref<1x64x4096xf32, #tpu.memory_space<hbm>>
      %dma_start3A_325 = tpu.memref_squeeze %dma_start3A_324 : memref<1x64x4096xf32, #tpu.memory_space<hbm>> -> memref<64x4096xf32, #tpu.memory_space<hbm>>
      %dma_start3A_326 = arith.constant 32 : i32
      %dma_start3A_327 = arith.constant 0 : i32
      %dma_start3A_328 = tpu.memref_slice %dma_start3A_325[%dma_start3A_326, %dma_start3A_327] : memref<64x4096xf32, #tpu.memory_space<hbm>> -> memref<8x4096xf32, #tpu.memory_space<hbm>>
      tpu.enqueue_dma source(%arg5 : memref<8x4096xf32, #tpu.memory_space<vmem>>) target(%dma_start3A_328 : memref<8x4096xf32, #tpu.memory_space<hbm>>) target_semaphore(%arg9 : memref<!tpu.dma_semaphore, #tpu.memory_space<semaphore_mem>>)
      %dma_wait3A_329 = arith.constant 0 : i32
      %dma_wait3A_330 = arith.constant 0 : i32
      %dma_wait3A_331 = tpu.memref_slice %arg4[%add3A_34, %dma_wait3A_329, %dma_wait3A_330] : memref<201x64x4096xf32, #tpu.memory_space<hbm>> -> memref<1x64x4096xf32, #tpu.memory_space<hbm>>
      %dma_wait3A_332 = tpu.memref_squeeze %dma_wait3A_331 : memref<1x64x4096xf32, #tpu.memory_space<hbm>> -> memref<64x4096xf32, #tpu.memory_space<hbm>>
      %dma_wait3A_333 = arith.constant 32 : i32
      %dma_wait3A_334 = arith.constant 0 : i32
      %dma_wait3A_335 = tpu.memref_slice %dma_wait3A_332[%dma_wait3A_333, %dma_wait3A_334] : memref<64x4096xf32, #tpu.memory_space<hbm>> -> memref<8x4096xf32, #tpu.memory_space<hbm>>
      %dma_wait3A_336 = arith.constant 0 : i32
      %dma_wait3A_337 = arith.constant 0 : i32
      %dma_wait3A_338 = tpu.memref_slice %arg4[%add3A_34, %dma_wait3A_336, %dma_wait3A_337] : memref<201x64x4096xf32, #tpu.memory_space<hbm>> -> memref<1x64x4096xf32, #tpu.memory_space<hbm>>
      %dma_wait3A_339 = tpu.memref_squeeze %dma_wait3A_338 : memref<1x64x4096xf32, #tpu.memory_space<hbm>> -> memref<64x4096xf32, #tpu.memory_space<hbm>>
      %dma_wait3A_340 = arith.constant 32 : i32
      %dma_wait3A_341 = arith.constant 0 : i32
      %dma_wait3A_342 = tpu.memref_slice %dma_wait3A_339[%dma_wait3A_340, %dma_wait3A_341] : memref<64x4096xf32, #tpu.memory_space<hbm>> -> memref<8x4096xf32, #tpu.memory_space<hbm>>
      tpu.wait_dma2 semaphore(%arg9 : memref<!tpu.dma_semaphore, #tpu.memory_space<semaphore_mem>>) src(%arg5 : memref<8x4096xf32, #tpu.memory_space<vmem>>) dst(%dma_wait3A_342 : memref<8x4096xf32, #tpu.memory_space<hbm>>)
      %dma_start3A_343 = arith.constant 0 : i32
      %dma_start3A_344 = arith.constant 0 : i32
      %dma_start3A_345 = tpu.memref_slice %arg2[%add3A_34, %dma_start3A_343, %dma_start3A_344] : memref<200x64x4096xf32, #tpu.memory_space<hbm>> -> memref<1x64x4096xf32, #tpu.memory_space<hbm>>
      %dma_start3A_346 = tpu.memref_squeeze %dma_start3A_345 : memref<1x64x4096xf32, #tpu.memory_space<hbm>> -> memref<64x4096xf32, #tpu.memory_space<hbm>>
      %dma_start3A_347 = arith.constant 48 : i32
      %dma_start3A_348 = arith.constant 0 : i32
      %dma_start3A_349 = tpu.memref_slice %dma_start3A_346[%dma_start3A_347, %dma_start3A_348] : memref<64x4096xf32, #tpu.memory_space<hbm>> -> memref<8x4096xf32, #tpu.memory_space<hbm>>
      %dma_start3A_350 = arith.constant 0 : i32
      %dma_start3A_351 = arith.constant 0 : i32
      %dma_start3A_352 = tpu.memref_slice %arg2[%add3A_34, %dma_start3A_350, %dma_start3A_351] : memref<200x64x4096xf32, #tpu.memory_space<hbm>> -> memref<1x64x4096xf32, #tpu.memory_space<hbm>>
      %dma_start3A_353 = tpu.memref_squeeze %dma_start3A_352 : memref<1x64x4096xf32, #tpu.memory_space<hbm>> -> memref<64x4096xf32, #tpu.memory_space<hbm>>
      %dma_start3A_354 = arith.constant 48 : i32
      %dma_start3A_355 = arith.constant 0 : i32
      %dma_start3A_356 = tpu.memref_slice %dma_start3A_353[%dma_start3A_354, %dma_start3A_355] : memref<64x4096xf32, #tpu.memory_space<hbm>> -> memref<8x4096xf32, #tpu.memory_space<hbm>>
      tpu.enqueue_dma source(%dma_start3A_356 : memref<8x4096xf32, #tpu.memory_space<hbm>>) target(%arg5 : memref<8x4096xf32, #tpu.memory_space<vmem>>) target_semaphore(%arg7 : memref<!tpu.dma_semaphore, #tpu.memory_space<semaphore_mem>>)
      %dma_wait3A_357 = arith.constant 0 : i32
      %dma_wait3A_358 = arith.constant 0 : i32
      %dma_wait3A_359 = tpu.memref_slice %arg2[%add3A_34, %dma_wait3A_357, %dma_wait3A_358] : memref<200x64x4096xf32, #tpu.memory_space<hbm>> -> memref<1x64x4096xf32, #tpu.memory_space<hbm>>
      %dma_wait3A_360 = tpu.memref_squeeze %dma_wait3A_359 : memref<1x64x4096xf32, #tpu.memory_space<hbm>> -> memref<64x4096xf32, #tpu.memory_space<hbm>>
      %dma_wait3A_361 = arith.constant 40 : i32
      %dma_wait3A_362 = arith.constant 0 : i32
      %dma_wait3A_363 = tpu.memref_slice %dma_wait3A_360[%dma_wait3A_361, %dma_wait3A_362] : memref<64x4096xf32, #tpu.memory_space<hbm>> -> memref<8x4096xf32, #tpu.memory_space<hbm>>
      %dma_wait3A_364 = arith.constant 0 : i32
      %dma_wait3A_365 = arith.constant 0 : i32
      %dma_wait3A_366 = tpu.memref_slice %arg2[%add3A_34, %dma_wait3A_364, %dma_wait3A_365] : memref<200x64x4096xf32, #tpu.memory_space<hbm>> -> memref<1x64x4096xf32, #tpu.memory_space<hbm>>
      %dma_wait3A_367 = tpu.memref_squeeze %dma_wait3A_366 : memref<1x64x4096xf32, #tpu.memory_space<hbm>> -> memref<64x4096xf32, #tpu.memory_space<hbm>>
      %dma_wait3A_368 = arith.constant 40 : i32
      %dma_wait3A_369 = arith.constant 0 : i32
      %dma_wait3A_370 = tpu.memref_slice %dma_wait3A_367[%dma_wait3A_368, %dma_wait3A_369] : memref<64x4096xf32, #tpu.memory_space<hbm>> -> memref<8x4096xf32, #tpu.memory_space<hbm>>
      tpu.wait_dma2 semaphore(%arg8 : memref<!tpu.dma_semaphore, #tpu.memory_space<semaphore_mem>>) src(%dma_wait3A_370 : memref<8x4096xf32, #tpu.memory_space<hbm>>) dst(%arg6 : memref<8x4096xf32, #tpu.memory_space<vmem>>)
      %dma_start3A_371 = arith.constant 0 : i32
      %dma_start3A_372 = arith.constant 0 : i32
      %dma_start3A_373 = tpu.memref_slice %arg4[%add3A_34, %dma_start3A_371, %dma_start3A_372] : memref<201x64x4096xf32, #tpu.memory_space<hbm>> -> memref<1x64x4096xf32, #tpu.memory_space<hbm>>
      %dma_start3A_374 = tpu.memref_squeeze %dma_start3A_373 : memref<1x64x4096xf32, #tpu.memory_space<hbm>> -> memref<64x4096xf32, #tpu.memory_space<hbm>>
      %dma_start3A_375 = arith.constant 40 : i32
      %dma_start3A_376 = arith.constant 0 : i32
      %dma_start3A_377 = tpu.memref_slice %dma_start3A_374[%dma_start3A_375, %dma_start3A_376] : memref<64x4096xf32, #tpu.memory_space<hbm>> -> memref<8x4096xf32, #tpu.memory_space<hbm>>
      %dma_start3A_378 = arith.constant 0 : i32
      %dma_start3A_379 = arith.constant 0 : i32
      %dma_start3A_380 = tpu.memref_slice %arg4[%add3A_34, %dma_start3A_378, %dma_start3A_379] : memref<201x64x4096xf32, #tpu.memory_space<hbm>> -> memref<1x64x4096xf32, #tpu.memory_space<hbm>>
      %dma_start3A_381 = tpu.memref_squeeze %dma_start3A_380 : memref<1x64x4096xf32, #tpu.memory_space<hbm>> -> memref<64x4096xf32, #tpu.memory_space<hbm>>
      %dma_start3A_382 = arith.constant 40 : i32
      %dma_start3A_383 = arith.constant 0 : i32
      %dma_start3A_384 = tpu.memref_slice %dma_start3A_381[%dma_start3A_382, %dma_start3A_383] : memref<64x4096xf32, #tpu.memory_space<hbm>> -> memref<8x4096xf32, #tpu.memory_space<hbm>>
      tpu.enqueue_dma source(%arg6 : memref<8x4096xf32, #tpu.memory_space<vmem>>) target(%dma_start3A_384 : memref<8x4096xf32, #tpu.memory_space<hbm>>) target_semaphore(%arg10 : memref<!tpu.dma_semaphore, #tpu.memory_space<semaphore_mem>>)
      %dma_wait3A_385 = arith.constant 0 : i32
      %dma_wait3A_386 = arith.constant 0 : i32
      %dma_wait3A_387 = tpu.memref_slice %arg4[%add3A_34, %dma_wait3A_385, %dma_wait3A_386] : memref<201x64x4096xf32, #tpu.memory_space<hbm>> -> memref<1x64x4096xf32, #tpu.memory_space<hbm>>
      %dma_wait3A_388 = tpu.memref_squeeze %dma_wait3A_387 : memref<1x64x4096xf32, #tpu.memory_space<hbm>> -> memref<64x4096xf32, #tpu.memory_space<hbm>>
      %dma_wait3A_389 = arith.constant 40 : i32
      %dma_wait3A_390 = arith.constant 0 : i32
      %dma_wait3A_391 = tpu.memref_slice %dma_wait3A_388[%dma_wait3A_389, %dma_wait3A_390] : memref<64x4096xf32, #tpu.memory_space<hbm>> -> memref<8x4096xf32, #tpu.memory_space<hbm>>
      %dma_wait3A_392 = arith.constant 0 : i32
      %dma_wait3A_393 = arith.constant 0 : i32
      %dma_wait3A_394 = tpu.memref_slice %arg4[%add3A_34, %dma_wait3A_392, %dma_wait3A_393] : memref<201x64x4096xf32, #tpu.memory_space<hbm>> -> memref<1x64x4096xf32, #tpu.memory_space<hbm>>
      %dma_wait3A_395 = tpu.memref_squeeze %dma_wait3A_394 : memref<1x64x4096xf32, #tpu.memory_space<hbm>> -> memref<64x4096xf32, #tpu.memory_space<hbm>>
      %dma_wait3A_396 = arith.constant 40 : i32
      %dma_wait3A_397 = arith.constant 0 : i32
      %dma_wait3A_398 = tpu.memref_slice %dma_wait3A_395[%dma_wait3A_396, %dma_wait3A_397] : memref<64x4096xf32, #tpu.memory_space<hbm>> -> memref<8x4096xf32, #tpu.memory_space<hbm>>
      tpu.wait_dma2 semaphore(%arg10 : memref<!tpu.dma_semaphore, #tpu.memory_space<semaphore_mem>>) src(%arg6 : memref<8x4096xf32, #tpu.memory_space<vmem>>) dst(%dma_wait3A_398 : memref<8x4096xf32, #tpu.memory_space<hbm>>)
      %dma_start3A_399 = arith.constant 0 : i32
      %dma_start3A_400 = arith.constant 0 : i32
      %dma_start3A_401 = tpu.memref_slice %arg2[%add3A_34, %dma_start3A_399, %dma_start3A_400] : memref<200x64x4096xf32, #tpu.memory_space<hbm>> -> memref<1x64x4096xf32, #tpu.memory_space<hbm>>
      %dma_start3A_402 = tpu.memref_squeeze %dma_start3A_401 : memref<1x64x4096xf32, #tpu.memory_space<hbm>> -> memref<64x4096xf32, #tpu.memory_space<hbm>>
      %dma_start3A_403 = arith.constant 56 : i32
      %dma_start3A_404 = arith.constant 0 : i32
      %dma_start3A_405 = tpu.memref_slice %dma_start3A_402[%dma_start3A_403, %dma_start3A_404] : memref<64x4096xf32, #tpu.memory_space<hbm>> -> memref<8x4096xf32, #tpu.memory_space<hbm>>
      %dma_start3A_406 = arith.constant 0 : i32
      %dma_start3A_407 = arith.constant 0 : i32
      %dma_start3A_408 = tpu.memref_slice %arg2[%add3A_34, %dma_start3A_406, %dma_start3A_407] : memref<200x64x4096xf32, #tpu.memory_space<hbm>> -> memref<1x64x4096xf32, #tpu.memory_space<hbm>>
      %dma_start3A_409 = tpu.memref_squeeze %dma_start3A_408 : memref<1x64x4096xf32, #tpu.memory_space<hbm>> -> memref<64x4096xf32, #tpu.memory_space<hbm>>
      %dma_start3A_410 = arith.constant 56 : i32
      %dma_start3A_411 = arith.constant 0 : i32
      %dma_start3A_412 = tpu.memref_slice %dma_start3A_409[%dma_start3A_410, %dma_start3A_411] : memref<64x4096xf32, #tpu.memory_space<hbm>> -> memref<8x4096xf32, #tpu.memory_space<hbm>>
      tpu.enqueue_dma source(%dma_start3A_412 : memref<8x4096xf32, #tpu.memory_space<hbm>>) target(%arg6 : memref<8x4096xf32, #tpu.memory_space<vmem>>) target_semaphore(%arg8 : memref<!tpu.dma_semaphore, #tpu.memory_space<semaphore_mem>>)
      %dma_wait3A_413 = arith.constant 0 : i32
      %dma_wait3A_414 = arith.constant 0 : i32
      %dma_wait3A_415 = tpu.memref_slice %arg2[%add3A_34, %dma_wait3A_413, %dma_wait3A_414] : memref<200x64x4096xf32, #tpu.memory_space<hbm>> -> memref<1x64x4096xf32, #tpu.memory_space<hbm>>
      %dma_wait3A_416 = tpu.memref_squeeze %dma_wait3A_415 : memref<1x64x4096xf32, #tpu.memory_space<hbm>> -> memref<64x4096xf32, #tpu.memory_space<hbm>>
      %dma_wait3A_417 = arith.constant 48 : i32
      %dma_wait3A_418 = arith.constant 0 : i32
      %dma_wait3A_419 = tpu.memref_slice %dma_wait3A_416[%dma_wait3A_417, %dma_wait3A_418] : memref<64x4096xf32, #tpu.memory_space<hbm>> -> memref<8x4096xf32, #tpu.memory_space<hbm>>
      %dma_wait3A_420 = arith.constant 0 : i32
      %dma_wait3A_421 = arith.constant 0 : i32
      %dma_wait3A_422 = tpu.memref_slice %arg2[%add3A_34, %dma_wait3A_420, %dma_wait3A_421] : memref<200x64x4096xf32, #tpu.memory_space<hbm>> -> memref<1x64x4096xf32, #tpu.memory_space<hbm>>
      %dma_wait3A_423 = tpu.memref_squeeze %dma_wait3A_422 : memref<1x64x4096xf32, #tpu.memory_space<hbm>> -> memref<64x4096xf32, #tpu.memory_space<hbm>>
      %dma_wait3A_424 = arith.constant 48 : i32
      %dma_wait3A_425 = arith.constant 0 : i32
      %dma_wait3A_426 = tpu.memref_slice %dma_wait3A_423[%dma_wait3A_424, %dma_wait3A_425] : memref<64x4096xf32, #tpu.memory_space<hbm>> -> memref<8x4096xf32, #tpu.memory_space<hbm>>
      tpu.wait_dma2 semaphore(%arg7 : memref<!tpu.dma_semaphore, #tpu.memory_space<semaphore_mem>>) src(%dma_wait3A_426 : memref<8x4096xf32, #tpu.memory_space<hbm>>) dst(%arg5 : memref<8x4096xf32, #tpu.memory_space<vmem>>)
      %dma_start3A_427 = arith.constant 0 : i32
      %dma_start3A_428 = arith.constant 0 : i32
      %dma_start3A_429 = tpu.memref_slice %arg4[%add3A_34, %dma_start3A_427, %dma_start3A_428] : memref<201x64x4096xf32, #tpu.memory_space<hbm>> -> memref<1x64x4096xf32, #tpu.memory_space<hbm>>
      %dma_start3A_430 = tpu.memref_squeeze %dma_start3A_429 : memref<1x64x4096xf32, #tpu.memory_space<hbm>> -> memref<64x4096xf32, #tpu.memory_space<hbm>>
      %dma_start3A_431 = arith.constant 48 : i32
      %dma_start3A_432 = arith.constant 0 : i32
      %dma_start3A_433 = tpu.memref_slice %dma_start3A_430[%dma_start3A_431, %dma_start3A_432] : memref<64x4096xf32, #tpu.memory_space<hbm>> -> memref<8x4096xf32, #tpu.memory_space<hbm>>
      %dma_start3A_434 = arith.constant 0 : i32
      %dma_start3A_435 = arith.constant 0 : i32
      %dma_start3A_436 = tpu.memref_slice %arg4[%add3A_34, %dma_start3A_434, %dma_start3A_435] : memref<201x64x4096xf32, #tpu.memory_space<hbm>> -> memref<1x64x4096xf32, #tpu.memory_space<hbm>>
      %dma_start3A_437 = tpu.memref_squeeze %dma_start3A_436 : memref<1x64x4096xf32, #tpu.memory_space<hbm>> -> memref<64x4096xf32, #tpu.memory_space<hbm>>
      %dma_start3A_438 = arith.constant 48 : i32
      %dma_start3A_439 = arith.constant 0 : i32
      %dma_start3A_440 = tpu.memref_slice %dma_start3A_437[%dma_start3A_438, %dma_start3A_439] : memref<64x4096xf32, #tpu.memory_space<hbm>> -> memref<8x4096xf32, #tpu.memory_space<hbm>>
      tpu.enqueue_dma source(%arg5 : memref<8x4096xf32, #tpu.memory_space<vmem>>) target(%dma_start3A_440 : memref<8x4096xf32, #tpu.memory_space<hbm>>) target_semaphore(%arg9 : memref<!tpu.dma_semaphore, #tpu.memory_space<semaphore_mem>>)
      %dma_wait3A_441 = arith.constant 0 : i32
      %dma_wait3A_442 = arith.constant 0 : i32
      %dma_wait3A_443 = tpu.memref_slice %arg2[%add3A_34, %dma_wait3A_441, %dma_wait3A_442] : memref<200x64x4096xf32, #tpu.memory_space<hbm>> -> memref<1x64x4096xf32, #tpu.memory_space<hbm>>
      %dma_wait3A_444 = tpu.memref_squeeze %dma_wait3A_443 : memref<1x64x4096xf32, #tpu.memory_space<hbm>> -> memref<64x4096xf32, #tpu.memory_space<hbm>>
      %dma_wait3A_445 = arith.constant 56 : i32
      %dma_wait3A_446 = arith.constant 0 : i32
      %dma_wait3A_447 = tpu.memref_slice %dma_wait3A_444[%dma_wait3A_445, %dma_wait3A_446] : memref<64x4096xf32, #tpu.memory_space<hbm>> -> memref<8x4096xf32, #tpu.memory_space<hbm>>
      %dma_wait3A_448 = arith.constant 0 : i32
      %dma_wait3A_449 = arith.constant 0 : i32
      %dma_wait3A_450 = tpu.memref_slice %arg2[%add3A_34, %dma_wait3A_448, %dma_wait3A_449] : memref<200x64x4096xf32, #tpu.memory_space<hbm>> -> memref<1x64x4096xf32, #tpu.memory_space<hbm>>
      %dma_wait3A_451 = tpu.memref_squeeze %dma_wait3A_450 : memref<1x64x4096xf32, #tpu.memory_space<hbm>> -> memref<64x4096xf32, #tpu.memory_space<hbm>>
      %dma_wait3A_452 = arith.constant 56 : i32
      %dma_wait3A_453 = arith.constant 0 : i32
      %dma_wait3A_454 = tpu.memref_slice %dma_wait3A_451[%dma_wait3A_452, %dma_wait3A_453] : memref<64x4096xf32, #tpu.memory_space<hbm>> -> memref<8x4096xf32, #tpu.memory_space<hbm>>
      tpu.wait_dma2 semaphore(%arg8 : memref<!tpu.dma_semaphore, #tpu.memory_space<semaphore_mem>>) src(%dma_wait3A_454 : memref<8x4096xf32, #tpu.memory_space<hbm>>) dst(%arg6 : memref<8x4096xf32, #tpu.memory_space<vmem>>)
      %dma_start3A_455 = arith.constant 0 : i32
      %dma_start3A_456 = arith.constant 0 : i32
      %dma_start3A_457 = tpu.memref_slice %arg4[%add3A_34, %dma_start3A_455, %dma_start3A_456] : memref<201x64x4096xf32, #tpu.memory_space<hbm>> -> memref<1x64x4096xf32, #tpu.memory_space<hbm>>
      %dma_start3A_458 = tpu.memref_squeeze %dma_start3A_457 : memref<1x64x4096xf32, #tpu.memory_space<hbm>> -> memref<64x4096xf32, #tpu.memory_space<hbm>>
      %dma_start3A_459 = arith.constant 56 : i32
      %dma_start3A_460 = arith.constant 0 : i32
      %dma_start3A_461 = tpu.memref_slice %dma_start3A_458[%dma_start3A_459, %dma_start3A_460] : memref<64x4096xf32, #tpu.memory_space<hbm>> -> memref<8x4096xf32, #tpu.memory_space<hbm>>
      %dma_start3A_462 = arith.constant 0 : i32
      %dma_start3A_463 = arith.constant 0 : i32
      %dma_start3A_464 = tpu.memref_slice %arg4[%add3A_34, %dma_start3A_462, %dma_start3A_463] : memref<201x64x4096xf32, #tpu.memory_space<hbm>> -> memref<1x64x4096xf32, #tpu.memory_space<hbm>>
      %dma_start3A_465 = tpu.memref_squeeze %dma_start3A_464 : memref<1x64x4096xf32, #tpu.memory_space<hbm>> -> memref<64x4096xf32, #tpu.memory_space<hbm>>
      %dma_start3A_466 = arith.constant 56 : i32
      %dma_start3A_467 = arith.constant 0 : i32
      %dma_start3A_468 = tpu.memref_slice %dma_start3A_465[%dma_start3A_466, %dma_start3A_467] : memref<64x4096xf32, #tpu.memory_space<hbm>> -> memref<8x4096xf32, #tpu.memory_space<hbm>>
      tpu.enqueue_dma source(%arg6 : memref<8x4096xf32, #tpu.memory_space<vmem>>) target(%dma_start3A_468 : memref<8x4096xf32, #tpu.memory_space<hbm>>) target_semaphore(%arg10 : memref<!tpu.dma_semaphore, #tpu.memory_space<semaphore_mem>>)
      %dma_wait3A_469 = arith.constant 0 : i32
      %dma_wait3A_470 = arith.constant 0 : i32
      %dma_wait3A_471 = tpu.memref_slice %arg4[%add3A_34, %dma_wait3A_469, %dma_wait3A_470] : memref<201x64x4096xf32, #tpu.memory_space<hbm>> -> memref<1x64x4096xf32, #tpu.memory_space<hbm>>
      %dma_wait3A_472 = tpu.memref_squeeze %dma_wait3A_471 : memref<1x64x4096xf32, #tpu.memory_space<hbm>> -> memref<64x4096xf32, #tpu.memory_space<hbm>>
      %dma_wait3A_473 = arith.constant 48 : i32
      %dma_wait3A_474 = arith.constant 0 : i32
      %dma_wait3A_475 = tpu.memref_slice %dma_wait3A_472[%dma_wait3A_473, %dma_wait3A_474] : memref<64x4096xf32, #tpu.memory_space<hbm>> -> memref<8x4096xf32, #tpu.memory_space<hbm>>
      %dma_wait3A_476 = arith.constant 0 : i32
      %dma_wait3A_477 = arith.constant 0 : i32
      %dma_wait3A_478 = tpu.memref_slice %arg4[%add3A_34, %dma_wait3A_476, %dma_wait3A_477] : memref<201x64x4096xf32, #tpu.memory_space<hbm>> -> memref<1x64x4096xf32, #tpu.memory_space<hbm>>
      %dma_wait3A_479 = tpu.memref_squeeze %dma_wait3A_478 : memref<1x64x4096xf32, #tpu.memory_space<hbm>> -> memref<64x4096xf32, #tpu.memory_space<hbm>>
      %dma_wait3A_480 = arith.constant 48 : i32
      %dma_wait3A_481 = arith.constant 0 : i32
      %dma_wait3A_482 = tpu.memref_slice %dma_wait3A_479[%dma_wait3A_480, %dma_wait3A_481] : memref<64x4096xf32, #tpu.memory_space<hbm>> -> memref<8x4096xf32, #tpu.memory_space<hbm>>
      tpu.wait_dma2 semaphore(%arg9 : memref<!tpu.dma_semaphore, #tpu.memory_space<semaphore_mem>>) src(%arg5 : memref<8x4096xf32, #tpu.memory_space<vmem>>) dst(%dma_wait3A_482 : memref<8x4096xf32, #tpu.memory_space<hbm>>)
      %dma_wait3A_483 = arith.constant 0 : i32
      %dma_wait3A_484 = arith.constant 0 : i32
      %dma_wait3A_485 = tpu.memref_slice %arg4[%add3A_34, %dma_wait3A_483, %dma_wait3A_484] : memref<201x64x4096xf32, #tpu.memory_space<hbm>> -> memref<1x64x4096xf32, #tpu.memory_space<hbm>>
      %dma_wait3A_486 = tpu.memref_squeeze %dma_wait3A_485 : memref<1x64x4096xf32, #tpu.memory_space<hbm>> -> memref<64x4096xf32, #tpu.memory_space<hbm>>
      %dma_wait3A_487 = arith.constant 56 : i32
      %dma_wait3A_488 = arith.constant 0 : i32
      %dma_wait3A_489 = tpu.memref_slice %dma_wait3A_486[%dma_wait3A_487, %dma_wait3A_488] : memref<64x4096xf32, #tpu.memory_space<hbm>> -> memref<8x4096xf32, #tpu.memory_space<hbm>>
      %dma_wait3A_490 = arith.constant 0 : i32
      %dma_wait3A_491 = arith.constant 0 : i32
      %dma_wait3A_492 = tpu.memref_slice %arg4[%add3A_34, %dma_wait3A_490, %dma_wait3A_491] : memref<201x64x4096xf32, #tpu.memory_space<hbm>> -> memref<1x64x4096xf32, #tpu.memory_space<hbm>>
      %dma_wait3A_493 = tpu.memref_squeeze %dma_wait3A_492 : memref<1x64x4096xf32, #tpu.memory_space<hbm>> -> memref<64x4096xf32, #tpu.memory_space<hbm>>
      %dma_wait3A_494 = arith.constant 56 : i32
      %dma_wait3A_495 = arith.constant 0 : i32
      %dma_wait3A_496 = tpu.memref_slice %dma_wait3A_493[%dma_wait3A_494, %dma_wait3A_495] : memref<64x4096xf32, #tpu.memory_space<hbm>> -> memref<8x4096xf32, #tpu.memory_space<hbm>>
      tpu.wait_dma2 semaphore(%arg10 : memref<!tpu.dma_semaphore, #tpu.memory_space<semaphore_mem>>) src(%arg6 : memref<8x4096xf32, #tpu.memory_space<vmem>>) dst(%dma_wait3A_496 : memref<8x4096xf32, #tpu.memory_space<hbm>>)
    } else {
    }
    %add3A_40 = arith.constant 192 : i32
    %add3A_41 = arith.addi %add3A, %add3A_40 : i32
    %lt3A_42 = arith.constant 200 : i32
    %lt3A_43 = arith.cmpi slt, %add3A_41, %lt3A_42 : i32
    %convert_element_type3A_44 = arith.extui %lt3A_43 : i1 to i32
    %cond3A_45 = arith.constant 0 : i32
    %cond3A_46 = arith.cmpi ne, %convert_element_type3A_44, %cond3A_45 : i32
    scf.if %cond3A_46 {
      %dma_start3A = arith.constant 0 : i32
      %dma_start3A_51 = arith.constant 0 : i32
      %dma_start3A_52 = tpu.memref_slice %arg2[%add3A_41, %dma_start3A, %dma_start3A_51] : memref<200x64x4096xf32, #tpu.memory_space<hbm>> -> memref<1x64x4096xf32, #tpu.memory_space<hbm>>
      %dma_start3A_53 = tpu.memref_squeeze %dma_start3A_52 : memref<1x64x4096xf32, #tpu.memory_space<hbm>> -> memref<64x4096xf32, #tpu.memory_space<hbm>>
      %dma_start3A_54 = arith.constant 0 : i32
      %dma_start3A_55 = arith.constant 0 : i32
      %dma_start3A_56 = tpu.memref_slice %dma_start3A_53[%dma_start3A_54, %dma_start3A_55] : memref<64x4096xf32, #tpu.memory_space<hbm>> -> memref<8x4096xf32, #tpu.memory_space<hbm>>
      %dma_start3A_57 = arith.constant 0 : i32
      %dma_start3A_58 = arith.constant 0 : i32
      %dma_start3A_59 = tpu.memref_slice %arg2[%add3A_41, %dma_start3A_57, %dma_start3A_58] : memref<200x64x4096xf32, #tpu.memory_space<hbm>> -> memref<1x64x4096xf32, #tpu.memory_space<hbm>>
      %dma_start3A_60 = tpu.memref_squeeze %dma_start3A_59 : memref<1x64x4096xf32, #tpu.memory_space<hbm>> -> memref<64x4096xf32, #tpu.memory_space<hbm>>
      %dma_start3A_61 = arith.constant 0 : i32
      %dma_start3A_62 = arith.constant 0 : i32
      %dma_start3A_63 = tpu.memref_slice %dma_start3A_60[%dma_start3A_61, %dma_start3A_62] : memref<64x4096xf32, #tpu.memory_space<hbm>> -> memref<8x4096xf32, #tpu.memory_space<hbm>>
      tpu.enqueue_dma source(%dma_start3A_63 : memref<8x4096xf32, #tpu.memory_space<hbm>>) target(%arg5 : memref<8x4096xf32, #tpu.memory_space<vmem>>) target_semaphore(%arg7 : memref<!tpu.dma_semaphore, #tpu.memory_space<semaphore_mem>>)
      %dma_start3A_64 = arith.constant 0 : i32
      %dma_start3A_65 = arith.constant 0 : i32
      %dma_start3A_66 = tpu.memref_slice %arg2[%add3A_41, %dma_start3A_64, %dma_start3A_65] : memref<200x64x4096xf32, #tpu.memory_space<hbm>> -> memref<1x64x4096xf32, #tpu.memory_space<hbm>>
      %dma_start3A_67 = tpu.memref_squeeze %dma_start3A_66 : memref<1x64x4096xf32, #tpu.memory_space<hbm>> -> memref<64x4096xf32, #tpu.memory_space<hbm>>
      %dma_start3A_68 = arith.constant 8 : i32
      %dma_start3A_69 = arith.constant 0 : i32
      %dma_start3A_70 = tpu.memref_slice %dma_start3A_67[%dma_start3A_68, %dma_start3A_69] : memref<64x4096xf32, #tpu.memory_space<hbm>> -> memref<8x4096xf32, #tpu.memory_space<hbm>>
      %dma_start3A_71 = arith.constant 0 : i32
      %dma_start3A_72 = arith.constant 0 : i32
      %dma_start3A_73 = tpu.memref_slice %arg2[%add3A_41, %dma_start3A_71, %dma_start3A_72] : memref<200x64x4096xf32, #tpu.memory_space<hbm>> -> memref<1x64x4096xf32, #tpu.memory_space<hbm>>
      %dma_start3A_74 = tpu.memref_squeeze %dma_start3A_73 : memref<1x64x4096xf32, #tpu.memory_space<hbm>> -> memref<64x4096xf32, #tpu.memory_space<hbm>>
      %dma_start3A_75 = arith.constant 8 : i32
      %dma_start3A_76 = arith.constant 0 : i32
      %dma_start3A_77 = tpu.memref_slice %dma_start3A_74[%dma_start3A_75, %dma_start3A_76] : memref<64x4096xf32, #tpu.memory_space<hbm>> -> memref<8x4096xf32, #tpu.memory_space<hbm>>
      tpu.enqueue_dma source(%dma_start3A_77 : memref<8x4096xf32, #tpu.memory_space<hbm>>) target(%arg6 : memref<8x4096xf32, #tpu.memory_space<vmem>>) target_semaphore(%arg8 : memref<!tpu.dma_semaphore, #tpu.memory_space<semaphore_mem>>)
      %dma_wait3A = arith.constant 0 : i32
      %dma_wait3A_78 = arith.constant 0 : i32
      %dma_wait3A_79 = tpu.memref_slice %arg2[%add3A_41, %dma_wait3A, %dma_wait3A_78] : memref<200x64x4096xf32, #tpu.memory_space<hbm>> -> memref<1x64x4096xf32, #tpu.memory_space<hbm>>
      %dma_wait3A_80 = tpu.memref_squeeze %dma_wait3A_79 : memref<1x64x4096xf32, #tpu.memory_space<hbm>> -> memref<64x4096xf32, #tpu.memory_space<hbm>>
      %dma_wait3A_81 = arith.constant 0 : i32
      %dma_wait3A_82 = arith.constant 0 : i32
      %dma_wait3A_83 = tpu.memref_slice %dma_wait3A_80[%dma_wait3A_81, %dma_wait3A_82] : memref<64x4096xf32, #tpu.memory_space<hbm>> -> memref<8x4096xf32, #tpu.memory_space<hbm>>
      %dma_wait3A_84 = arith.constant 0 : i32
      %dma_wait3A_85 = arith.constant 0 : i32
      %dma_wait3A_86 = tpu.memref_slice %arg2[%add3A_41, %dma_wait3A_84, %dma_wait3A_85] : memref<200x64x4096xf32, #tpu.memory_space<hbm>> -> memref<1x64x4096xf32, #tpu.memory_space<hbm>>
      %dma_wait3A_87 = tpu.memref_squeeze %dma_wait3A_86 : memref<1x64x4096xf32, #tpu.memory_space<hbm>> -> memref<64x4096xf32, #tpu.memory_space<hbm>>
      %dma_wait3A_88 = arith.constant 0 : i32
      %dma_wait3A_89 = arith.constant 0 : i32
      %dma_wait3A_90 = tpu.memref_slice %dma_wait3A_87[%dma_wait3A_88, %dma_wait3A_89] : memref<64x4096xf32, #tpu.memory_space<hbm>> -> memref<8x4096xf32, #tpu.memory_space<hbm>>
      tpu.wait_dma2 semaphore(%arg7 : memref<!tpu.dma_semaphore, #tpu.memory_space<semaphore_mem>>) src(%dma_wait3A_90 : memref<8x4096xf32, #tpu.memory_space<hbm>>) dst(%arg5 : memref<8x4096xf32, #tpu.memory_space<vmem>>)
      %dma_start3A_91 = arith.constant 0 : i32
      %dma_start3A_92 = arith.constant 0 : i32
      %dma_start3A_93 = tpu.memref_slice %arg4[%add3A_41, %dma_start3A_91, %dma_start3A_92] : memref<201x64x4096xf32, #tpu.memory_space<hbm>> -> memref<1x64x4096xf32, #tpu.memory_space<hbm>>
      %dma_start3A_94 = tpu.memref_squeeze %dma_start3A_93 : memref<1x64x4096xf32, #tpu.memory_space<hbm>> -> memref<64x4096xf32, #tpu.memory_space<hbm>>
      %dma_start3A_95 = arith.constant 0 : i32
      %dma_start3A_96 = arith.constant 0 : i32
      %dma_start3A_97 = tpu.memref_slice %dma_start3A_94[%dma_start3A_95, %dma_start3A_96] : memref<64x4096xf32, #tpu.memory_space<hbm>> -> memref<8x4096xf32, #tpu.memory_space<hbm>>
      %dma_start3A_98 = arith.constant 0 : i32
      %dma_start3A_99 = arith.constant 0 : i32
      %dma_start3A_100 = tpu.memref_slice %arg4[%add3A_41, %dma_start3A_98, %dma_start3A_99] : memref<201x64x4096xf32, #tpu.memory_space<hbm>> -> memref<1x64x4096xf32, #tpu.memory_space<hbm>>
      %dma_start3A_101 = tpu.memref_squeeze %dma_start3A_100 : memref<1x64x4096xf32, #tpu.memory_space<hbm>> -> memref<64x4096xf32, #tpu.memory_space<hbm>>
      %dma_start3A_102 = arith.constant 0 : i32
      %dma_start3A_103 = arith.constant 0 : i32
      %dma_start3A_104 = tpu.memref_slice %dma_start3A_101[%dma_start3A_102, %dma_start3A_103] : memref<64x4096xf32, #tpu.memory_space<hbm>> -> memref<8x4096xf32, #tpu.memory_space<hbm>>
      tpu.enqueue_dma source(%arg5 : memref<8x4096xf32, #tpu.memory_space<vmem>>) target(%dma_start3A_104 : memref<8x4096xf32, #tpu.memory_space<hbm>>) target_semaphore(%arg9 : memref<!tpu.dma_semaphore, #tpu.memory_space<semaphore_mem>>)
      %dma_wait3A_105 = arith.constant 0 : i32
      %dma_wait3A_106 = arith.constant 0 : i32
      %dma_wait3A_107 = tpu.memref_slice %arg4[%add3A_41, %dma_wait3A_105, %dma_wait3A_106] : memref<201x64x4096xf32, #tpu.memory_space<hbm>> -> memref<1x64x4096xf32, #tpu.memory_space<hbm>>
      %dma_wait3A_108 = tpu.memref_squeeze %dma_wait3A_107 : memref<1x64x4096xf32, #tpu.memory_space<hbm>> -> memref<64x4096xf32, #tpu.memory_space<hbm>>
      %dma_wait3A_109 = arith.constant 0 : i32
      %dma_wait3A_110 = arith.constant 0 : i32
      %dma_wait3A_111 = tpu.memref_slice %dma_wait3A_108[%dma_wait3A_109, %dma_wait3A_110] : memref<64x4096xf32, #tpu.memory_space<hbm>> -> memref<8x4096xf32, #tpu.memory_space<hbm>>
      %dma_wait3A_112 = arith.constant 0 : i32
      %dma_wait3A_113 = arith.constant 0 : i32
      %dma_wait3A_114 = tpu.memref_slice %arg4[%add3A_41, %dma_wait3A_112, %dma_wait3A_113] : memref<201x64x4096xf32, #tpu.memory_space<hbm>> -> memref<1x64x4096xf32, #tpu.memory_space<hbm>>
      %dma_wait3A_115 = tpu.memref_squeeze %dma_wait3A_114 : memref<1x64x4096xf32, #tpu.memory_space<hbm>> -> memref<64x4096xf32, #tpu.memory_space<hbm>>
      %dma_wait3A_116 = arith.constant 0 : i32
      %dma_wait3A_117 = arith.constant 0 : i32
      %dma_wait3A_118 = tpu.memref_slice %dma_wait3A_115[%dma_wait3A_116, %dma_wait3A_117] : memref<64x4096xf32, #tpu.memory_space<hbm>> -> memref<8x4096xf32, #tpu.memory_space<hbm>>
      tpu.wait_dma2 semaphore(%arg9 : memref<!tpu.dma_semaphore, #tpu.memory_space<semaphore_mem>>) src(%arg5 : memref<8x4096xf32, #tpu.memory_space<vmem>>) dst(%dma_wait3A_118 : memref<8x4096xf32, #tpu.memory_space<hbm>>)
      %dma_start3A_119 = arith.constant 0 : i32
      %dma_start3A_120 = arith.constant 0 : i32
      %dma_start3A_121 = tpu.memref_slice %arg2[%add3A_41, %dma_start3A_119, %dma_start3A_120] : memref<200x64x4096xf32, #tpu.memory_space<hbm>> -> memref<1x64x4096xf32, #tpu.memory_space<hbm>>
      %dma_start3A_122 = tpu.memref_squeeze %dma_start3A_121 : memref<1x64x4096xf32, #tpu.memory_space<hbm>> -> memref<64x4096xf32, #tpu.memory_space<hbm>>
      %dma_start3A_123 = arith.constant 16 : i32
      %dma_start3A_124 = arith.constant 0 : i32
      %dma_start3A_125 = tpu.memref_slice %dma_start3A_122[%dma_start3A_123, %dma_start3A_124] : memref<64x4096xf32, #tpu.memory_space<hbm>> -> memref<8x4096xf32, #tpu.memory_space<hbm>>
      %dma_start3A_126 = arith.constant 0 : i32
      %dma_start3A_127 = arith.constant 0 : i32
      %dma_start3A_128 = tpu.memref_slice %arg2[%add3A_41, %dma_start3A_126, %dma_start3A_127] : memref<200x64x4096xf32, #tpu.memory_space<hbm>> -> memref<1x64x4096xf32, #tpu.memory_space<hbm>>
      %dma_start3A_129 = tpu.memref_squeeze %dma_start3A_128 : memref<1x64x4096xf32, #tpu.memory_space<hbm>> -> memref<64x4096xf32, #tpu.memory_space<hbm>>
      %dma_start3A_130 = arith.constant 16 : i32
      %dma_start3A_131 = arith.constant 0 : i32
      %dma_start3A_132 = tpu.memref_slice %dma_start3A_129[%dma_start3A_130, %dma_start3A_131] : memref<64x4096xf32, #tpu.memory_space<hbm>> -> memref<8x4096xf32, #tpu.memory_space<hbm>>
      tpu.enqueue_dma source(%dma_start3A_132 : memref<8x4096xf32, #tpu.memory_space<hbm>>) target(%arg5 : memref<8x4096xf32, #tpu.memory_space<vmem>>) target_semaphore(%arg7 : memref<!tpu.dma_semaphore, #tpu.memory_space<semaphore_mem>>)
      %dma_wait3A_133 = arith.constant 0 : i32
      %dma_wait3A_134 = arith.constant 0 : i32
      %dma_wait3A_135 = tpu.memref_slice %arg2[%add3A_41, %dma_wait3A_133, %dma_wait3A_134] : memref<200x64x4096xf32, #tpu.memory_space<hbm>> -> memref<1x64x4096xf32, #tpu.memory_space<hbm>>
      %dma_wait3A_136 = tpu.memref_squeeze %dma_wait3A_135 : memref<1x64x4096xf32, #tpu.memory_space<hbm>> -> memref<64x4096xf32, #tpu.memory_space<hbm>>
      %dma_wait3A_137 = arith.constant 8 : i32
      %dma_wait3A_138 = arith.constant 0 : i32
      %dma_wait3A_139 = tpu.memref_slice %dma_wait3A_136[%dma_wait3A_137, %dma_wait3A_138] : memref<64x4096xf32, #tpu.memory_space<hbm>> -> memref<8x4096xf32, #tpu.memory_space<hbm>>
      %dma_wait3A_140 = arith.constant 0 : i32
      %dma_wait3A_141 = arith.constant 0 : i32
      %dma_wait3A_142 = tpu.memref_slice %arg2[%add3A_41, %dma_wait3A_140, %dma_wait3A_141] : memref<200x64x4096xf32, #tpu.memory_space<hbm>> -> memref<1x64x4096xf32, #tpu.memory_space<hbm>>
      %dma_wait3A_143 = tpu.memref_squeeze %dma_wait3A_142 : memref<1x64x4096xf32, #tpu.memory_space<hbm>> -> memref<64x4096xf32, #tpu.memory_space<hbm>>
      %dma_wait3A_144 = arith.constant 8 : i32
      %dma_wait3A_145 = arith.constant 0 : i32
      %dma_wait3A_146 = tpu.memref_slice %dma_wait3A_143[%dma_wait3A_144, %dma_wait3A_145] : memref<64x4096xf32, #tpu.memory_space<hbm>> -> memref<8x4096xf32, #tpu.memory_space<hbm>>
      tpu.wait_dma2 semaphore(%arg8 : memref<!tpu.dma_semaphore, #tpu.memory_space<semaphore_mem>>) src(%dma_wait3A_146 : memref<8x4096xf32, #tpu.memory_space<hbm>>) dst(%arg6 : memref<8x4096xf32, #tpu.memory_space<vmem>>)
      %dma_start3A_147 = arith.constant 0 : i32
      %dma_start3A_148 = arith.constant 0 : i32
      %dma_start3A_149 = tpu.memref_slice %arg4[%add3A_41, %dma_start3A_147, %dma_start3A_148] : memref<201x64x4096xf32, #tpu.memory_space<hbm>> -> memref<1x64x4096xf32, #tpu.memory_space<hbm>>
      %dma_start3A_150 = tpu.memref_squeeze %dma_start3A_149 : memref<1x64x4096xf32, #tpu.memory_space<hbm>> -> memref<64x4096xf32, #tpu.memory_space<hbm>>
      %dma_start3A_151 = arith.constant 8 : i32
      %dma_start3A_152 = arith.constant 0 : i32
      %dma_start3A_153 = tpu.memref_slice %dma_start3A_150[%dma_start3A_151, %dma_start3A_152] : memref<64x4096xf32, #tpu.memory_space<hbm>> -> memref<8x4096xf32, #tpu.memory_space<hbm>>
      %dma_start3A_154 = arith.constant 0 : i32
      %dma_start3A_155 = arith.constant 0 : i32
      %dma_start3A_156 = tpu.memref_slice %arg4[%add3A_41, %dma_start3A_154, %dma_start3A_155] : memref<201x64x4096xf32, #tpu.memory_space<hbm>> -> memref<1x64x4096xf32, #tpu.memory_space<hbm>>
      %dma_start3A_157 = tpu.memref_squeeze %dma_start3A_156 : memref<1x64x4096xf32, #tpu.memory_space<hbm>> -> memref<64x4096xf32, #tpu.memory_space<hbm>>
      %dma_start3A_158 = arith.constant 8 : i32
      %dma_start3A_159 = arith.constant 0 : i32
      %dma_start3A_160 = tpu.memref_slice %dma_start3A_157[%dma_start3A_158, %dma_start3A_159] : memref<64x4096xf32, #tpu.memory_space<hbm>> -> memref<8x4096xf32, #tpu.memory_space<hbm>>
      tpu.enqueue_dma source(%arg6 : memref<8x4096xf32, #tpu.memory_space<vmem>>) target(%dma_start3A_160 : memref<8x4096xf32, #tpu.memory_space<hbm>>) target_semaphore(%arg10 : memref<!tpu.dma_semaphore, #tpu.memory_space<semaphore_mem>>)
      %dma_wait3A_161 = arith.constant 0 : i32
      %dma_wait3A_162 = arith.constant 0 : i32
      %dma_wait3A_163 = tpu.memref_slice %arg4[%add3A_41, %dma_wait3A_161, %dma_wait3A_162] : memref<201x64x4096xf32, #tpu.memory_space<hbm>> -> memref<1x64x4096xf32, #tpu.memory_space<hbm>>
      %dma_wait3A_164 = tpu.memref_squeeze %dma_wait3A_163 : memref<1x64x4096xf32, #tpu.memory_space<hbm>> -> memref<64x4096xf32, #tpu.memory_space<hbm>>
      %dma_wait3A_165 = arith.constant 8 : i32
      %dma_wait3A_166 = arith.constant 0 : i32
      %dma_wait3A_167 = tpu.memref_slice %dma_wait3A_164[%dma_wait3A_165, %dma_wait3A_166] : memref<64x4096xf32, #tpu.memory_space<hbm>> -> memref<8x4096xf32, #tpu.memory_space<hbm>>
      %dma_wait3A_168 = arith.constant 0 : i32
      %dma_wait3A_169 = arith.constant 0 : i32
      %dma_wait3A_170 = tpu.memref_slice %arg4[%add3A_41, %dma_wait3A_168, %dma_wait3A_169] : memref<201x64x4096xf32, #tpu.memory_space<hbm>> -> memref<1x64x4096xf32, #tpu.memory_space<hbm>>
      %dma_wait3A_171 = tpu.memref_squeeze %dma_wait3A_170 : memref<1x64x4096xf32, #tpu.memory_space<hbm>> -> memref<64x4096xf32, #tpu.memory_space<hbm>>
      %dma_wait3A_172 = arith.constant 8 : i32
      %dma_wait3A_173 = arith.constant 0 : i32
      %dma_wait3A_174 = tpu.memref_slice %dma_wait3A_171[%dma_wait3A_172, %dma_wait3A_173] : memref<64x4096xf32, #tpu.memory_space<hbm>> -> memref<8x4096xf32, #tpu.memory_space<hbm>>
      tpu.wait_dma2 semaphore(%arg10 : memref<!tpu.dma_semaphore, #tpu.memory_space<semaphore_mem>>) src(%arg6 : memref<8x4096xf32, #tpu.memory_space<vmem>>) dst(%dma_wait3A_174 : memref<8x4096xf32, #tpu.memory_space<hbm>>)
      %dma_start3A_175 = arith.constant 0 : i32
      %dma_start3A_176 = arith.constant 0 : i32
      %dma_start3A_177 = tpu.memref_slice %arg2[%add3A_41, %dma_start3A_175, %dma_start3A_176] : memref<200x64x4096xf32, #tpu.memory_space<hbm>> -> memref<1x64x4096xf32, #tpu.memory_space<hbm>>
      %dma_start3A_178 = tpu.memref_squeeze %dma_start3A_177 : memref<1x64x4096xf32, #tpu.memory_space<hbm>> -> memref<64x4096xf32, #tpu.memory_space<hbm>>
      %dma_start3A_179 = arith.constant 24 : i32
      %dma_start3A_180 = arith.constant 0 : i32
      %dma_start3A_181 = tpu.memref_slice %dma_start3A_178[%dma_start3A_179, %dma_start3A_180] : memref<64x4096xf32, #tpu.memory_space<hbm>> -> memref<8x4096xf32, #tpu.memory_space<hbm>>
      %dma_start3A_182 = arith.constant 0 : i32
      %dma_start3A_183 = arith.constant 0 : i32
      %dma_start3A_184 = tpu.memref_slice %arg2[%add3A_41, %dma_start3A_182, %dma_start3A_183] : memref<200x64x4096xf32, #tpu.memory_space<hbm>> -> memref<1x64x4096xf32, #tpu.memory_space<hbm>>
      %dma_start3A_185 = tpu.memref_squeeze %dma_start3A_184 : memref<1x64x4096xf32, #tpu.memory_space<hbm>> -> memref<64x4096xf32, #tpu.memory_space<hbm>>
      %dma_start3A_186 = arith.constant 24 : i32
      %dma_start3A_187 = arith.constant 0 : i32
      %dma_start3A_188 = tpu.memref_slice %dma_start3A_185[%dma_start3A_186, %dma_start3A_187] : memref<64x4096xf32, #tpu.memory_space<hbm>> -> memref<8x4096xf32, #tpu.memory_space<hbm>>
      tpu.enqueue_dma source(%dma_start3A_188 : memref<8x4096xf32, #tpu.memory_space<hbm>>) target(%arg6 : memref<8x4096xf32, #tpu.memory_space<vmem>>) target_semaphore(%arg8 : memref<!tpu.dma_semaphore, #tpu.memory_space<semaphore_mem>>)
      %dma_wait3A_189 = arith.constant 0 : i32
      %dma_wait3A_190 = arith.constant 0 : i32
      %dma_wait3A_191 = tpu.memref_slice %arg2[%add3A_41, %dma_wait3A_189, %dma_wait3A_190] : memref<200x64x4096xf32, #tpu.memory_space<hbm>> -> memref<1x64x4096xf32, #tpu.memory_space<hbm>>
      %dma_wait3A_192 = tpu.memref_squeeze %dma_wait3A_191 : memref<1x64x4096xf32, #tpu.memory_space<hbm>> -> memref<64x4096xf32, #tpu.memory_space<hbm>>
      %dma_wait3A_193 = arith.constant 16 : i32
      %dma_wait3A_194 = arith.constant 0 : i32
      %dma_wait3A_195 = tpu.memref_slice %dma_wait3A_192[%dma_wait3A_193, %dma_wait3A_194] : memref<64x4096xf32, #tpu.memory_space<hbm>> -> memref<8x4096xf32, #tpu.memory_space<hbm>>
      %dma_wait3A_196 = arith.constant 0 : i32
      %dma_wait3A_197 = arith.constant 0 : i32
      %dma_wait3A_198 = tpu.memref_slice %arg2[%add3A_41, %dma_wait3A_196, %dma_wait3A_197] : memref<200x64x4096xf32, #tpu.memory_space<hbm>> -> memref<1x64x4096xf32, #tpu.memory_space<hbm>>
      %dma_wait3A_199 = tpu.memref_squeeze %dma_wait3A_198 : memref<1x64x4096xf32, #tpu.memory_space<hbm>> -> memref<64x4096xf32, #tpu.memory_space<hbm>>
      %dma_wait3A_200 = arith.constant 16 : i32
      %dma_wait3A_201 = arith.constant 0 : i32
      %dma_wait3A_202 = tpu.memref_slice %dma_wait3A_199[%dma_wait3A_200, %dma_wait3A_201] : memref<64x4096xf32, #tpu.memory_space<hbm>> -> memref<8x4096xf32, #tpu.memory_space<hbm>>
      tpu.wait_dma2 semaphore(%arg7 : memref<!tpu.dma_semaphore, #tpu.memory_space<semaphore_mem>>) src(%dma_wait3A_202 : memref<8x4096xf32, #tpu.memory_space<hbm>>) dst(%arg5 : memref<8x4096xf32, #tpu.memory_space<vmem>>)
      %dma_start3A_203 = arith.constant 0 : i32
      %dma_start3A_204 = arith.constant 0 : i32
      %dma_start3A_205 = tpu.memref_slice %arg4[%add3A_41, %dma_start3A_203, %dma_start3A_204] : memref<201x64x4096xf32, #tpu.memory_space<hbm>> -> memref<1x64x4096xf32, #tpu.memory_space<hbm>>
      %dma_start3A_206 = tpu.memref_squeeze %dma_start3A_205 : memref<1x64x4096xf32, #tpu.memory_space<hbm>> -> memref<64x4096xf32, #tpu.memory_space<hbm>>
      %dma_start3A_207 = arith.constant 16 : i32
      %dma_start3A_208 = arith.constant 0 : i32
      %dma_start3A_209 = tpu.memref_slice %dma_start3A_206[%dma_start3A_207, %dma_start3A_208] : memref<64x4096xf32, #tpu.memory_space<hbm>> -> memref<8x4096xf32, #tpu.memory_space<hbm>>
      %dma_start3A_210 = arith.constant 0 : i32
      %dma_start3A_211 = arith.constant 0 : i32
      %dma_start3A_212 = tpu.memref_slice %arg4[%add3A_41, %dma_start3A_210, %dma_start3A_211] : memref<201x64x4096xf32, #tpu.memory_space<hbm>> -> memref<1x64x4096xf32, #tpu.memory_space<hbm>>
      %dma_start3A_213 = tpu.memref_squeeze %dma_start3A_212 : memref<1x64x4096xf32, #tpu.memory_space<hbm>> -> memref<64x4096xf32, #tpu.memory_space<hbm>>
      %dma_start3A_214 = arith.constant 16 : i32
      %dma_start3A_215 = arith.constant 0 : i32
      %dma_start3A_216 = tpu.memref_slice %dma_start3A_213[%dma_start3A_214, %dma_start3A_215] : memref<64x4096xf32, #tpu.memory_space<hbm>> -> memref<8x4096xf32, #tpu.memory_space<hbm>>
      tpu.enqueue_dma source(%arg5 : memref<8x4096xf32, #tpu.memory_space<vmem>>) target(%dma_start3A_216 : memref<8x4096xf32, #tpu.memory_space<hbm>>) target_semaphore(%arg9 : memref<!tpu.dma_semaphore, #tpu.memory_space<semaphore_mem>>)
      %dma_wait3A_217 = arith.constant 0 : i32
      %dma_wait3A_218 = arith.constant 0 : i32
      %dma_wait3A_219 = tpu.memref_slice %arg4[%add3A_41, %dma_wait3A_217, %dma_wait3A_218] : memref<201x64x4096xf32, #tpu.memory_space<hbm>> -> memref<1x64x4096xf32, #tpu.memory_space<hbm>>
      %dma_wait3A_220 = tpu.memref_squeeze %dma_wait3A_219 : memref<1x64x4096xf32, #tpu.memory_space<hbm>> -> memref<64x4096xf32, #tpu.memory_space<hbm>>
      %dma_wait3A_221 = arith.constant 16 : i32
      %dma_wait3A_222 = arith.constant 0 : i32
      %dma_wait3A_223 = tpu.memref_slice %dma_wait3A_220[%dma_wait3A_221, %dma_wait3A_222] : memref<64x4096xf32, #tpu.memory_space<hbm>> -> memref<8x4096xf32, #tpu.memory_space<hbm>>
      %dma_wait3A_224 = arith.constant 0 : i32
      %dma_wait3A_225 = arith.constant 0 : i32
      %dma_wait3A_226 = tpu.memref_slice %arg4[%add3A_41, %dma_wait3A_224, %dma_wait3A_225] : memref<201x64x4096xf32, #tpu.memory_space<hbm>> -> memref<1x64x4096xf32, #tpu.memory_space<hbm>>
      %dma_wait3A_227 = tpu.memref_squeeze %dma_wait3A_226 : memref<1x64x4096xf32, #tpu.memory_space<hbm>> -> memref<64x4096xf32, #tpu.memory_space<hbm>>
      %dma_wait3A_228 = arith.constant 16 : i32
      %dma_wait3A_229 = arith.constant 0 : i32
      %dma_wait3A_230 = tpu.memref_slice %dma_wait3A_227[%dma_wait3A_228, %dma_wait3A_229] : memref<64x4096xf32, #tpu.memory_space<hbm>> -> memref<8x4096xf32, #tpu.memory_space<hbm>>
      tpu.wait_dma2 semaphore(%arg9 : memref<!tpu.dma_semaphore, #tpu.memory_space<semaphore_mem>>) src(%arg5 : memref<8x4096xf32, #tpu.memory_space<vmem>>) dst(%dma_wait3A_230 : memref<8x4096xf32, #tpu.memory_space<hbm>>)
      %dma_start3A_231 = arith.constant 0 : i32
      %dma_start3A_232 = arith.constant 0 : i32
      %dma_start3A_233 = tpu.memref_slice %arg2[%add3A_41, %dma_start3A_231, %dma_start3A_232] : memref<200x64x4096xf32, #tpu.memory_space<hbm>> -> memref<1x64x4096xf32, #tpu.memory_space<hbm>>
      %dma_start3A_234 = tpu.memref_squeeze %dma_start3A_233 : memref<1x64x4096xf32, #tpu.memory_space<hbm>> -> memref<64x4096xf32, #tpu.memory_space<hbm>>
      %dma_start3A_235 = arith.constant 32 : i32
      %dma_start3A_236 = arith.constant 0 : i32
      %dma_start3A_237 = tpu.memref_slice %dma_start3A_234[%dma_start3A_235, %dma_start3A_236] : memref<64x4096xf32, #tpu.memory_space<hbm>> -> memref<8x4096xf32, #tpu.memory_space<hbm>>
      %dma_start3A_238 = arith.constant 0 : i32
      %dma_start3A_239 = arith.constant 0 : i32
      %dma_start3A_240 = tpu.memref_slice %arg2[%add3A_41, %dma_start3A_238, %dma_start3A_239] : memref<200x64x4096xf32, #tpu.memory_space<hbm>> -> memref<1x64x4096xf32, #tpu.memory_space<hbm>>
      %dma_start3A_241 = tpu.memref_squeeze %dma_start3A_240 : memref<1x64x4096xf32, #tpu.memory_space<hbm>> -> memref<64x4096xf32, #tpu.memory_space<hbm>>
      %dma_start3A_242 = arith.constant 32 : i32
      %dma_start3A_243 = arith.constant 0 : i32
      %dma_start3A_244 = tpu.memref_slice %dma_start3A_241[%dma_start3A_242, %dma_start3A_243] : memref<64x4096xf32, #tpu.memory_space<hbm>> -> memref<8x4096xf32, #tpu.memory_space<hbm>>
      tpu.enqueue_dma source(%dma_start3A_244 : memref<8x4096xf32, #tpu.memory_space<hbm>>) target(%arg5 : memref<8x4096xf32, #tpu.memory_space<vmem>>) target_semaphore(%arg7 : memref<!tpu.dma_semaphore, #tpu.memory_space<semaphore_mem>>)
      %dma_wait3A_245 = arith.constant 0 : i32
      %dma_wait3A_246 = arith.constant 0 : i32
      %dma_wait3A_247 = tpu.memref_slice %arg2[%add3A_41, %dma_wait3A_245, %dma_wait3A_246] : memref<200x64x4096xf32, #tpu.memory_space<hbm>> -> memref<1x64x4096xf32, #tpu.memory_space<hbm>>
      %dma_wait3A_248 = tpu.memref_squeeze %dma_wait3A_247 : memref<1x64x4096xf32, #tpu.memory_space<hbm>> -> memref<64x4096xf32, #tpu.memory_space<hbm>>
      %dma_wait3A_249 = arith.constant 24 : i32
      %dma_wait3A_250 = arith.constant 0 : i32
      %dma_wait3A_251 = tpu.memref_slice %dma_wait3A_248[%dma_wait3A_249, %dma_wait3A_250] : memref<64x4096xf32, #tpu.memory_space<hbm>> -> memref<8x4096xf32, #tpu.memory_space<hbm>>
      %dma_wait3A_252 = arith.constant 0 : i32
      %dma_wait3A_253 = arith.constant 0 : i32
      %dma_wait3A_254 = tpu.memref_slice %arg2[%add3A_41, %dma_wait3A_252, %dma_wait3A_253] : memref<200x64x4096xf32, #tpu.memory_space<hbm>> -> memref<1x64x4096xf32, #tpu.memory_space<hbm>>
      %dma_wait3A_255 = tpu.memref_squeeze %dma_wait3A_254 : memref<1x64x4096xf32, #tpu.memory_space<hbm>> -> memref<64x4096xf32, #tpu.memory_space<hbm>>
      %dma_wait3A_256 = arith.constant 24 : i32
      %dma_wait3A_257 = arith.constant 0 : i32
      %dma_wait3A_258 = tpu.memref_slice %dma_wait3A_255[%dma_wait3A_256, %dma_wait3A_257] : memref<64x4096xf32, #tpu.memory_space<hbm>> -> memref<8x4096xf32, #tpu.memory_space<hbm>>
      tpu.wait_dma2 semaphore(%arg8 : memref<!tpu.dma_semaphore, #tpu.memory_space<semaphore_mem>>) src(%dma_wait3A_258 : memref<8x4096xf32, #tpu.memory_space<hbm>>) dst(%arg6 : memref<8x4096xf32, #tpu.memory_space<vmem>>)
      %dma_start3A_259 = arith.constant 0 : i32
      %dma_start3A_260 = arith.constant 0 : i32
      %dma_start3A_261 = tpu.memref_slice %arg4[%add3A_41, %dma_start3A_259, %dma_start3A_260] : memref<201x64x4096xf32, #tpu.memory_space<hbm>> -> memref<1x64x4096xf32, #tpu.memory_space<hbm>>
      %dma_start3A_262 = tpu.memref_squeeze %dma_start3A_261 : memref<1x64x4096xf32, #tpu.memory_space<hbm>> -> memref<64x4096xf32, #tpu.memory_space<hbm>>
      %dma_start3A_263 = arith.constant 24 : i32
      %dma_start3A_264 = arith.constant 0 : i32
      %dma_start3A_265 = tpu.memref_slice %dma_start3A_262[%dma_start3A_263, %dma_start3A_264] : memref<64x4096xf32, #tpu.memory_space<hbm>> -> memref<8x4096xf32, #tpu.memory_space<hbm>>
      %dma_start3A_266 = arith.constant 0 : i32
      %dma_start3A_267 = arith.constant 0 : i32
      %dma_start3A_268 = tpu.memref_slice %arg4[%add3A_41, %dma_start3A_266, %dma_start3A_267] : memref<201x64x4096xf32, #tpu.memory_space<hbm>> -> memref<1x64x4096xf32, #tpu.memory_space<hbm>>
      %dma_start3A_269 = tpu.memref_squeeze %dma_start3A_268 : memref<1x64x4096xf32, #tpu.memory_space<hbm>> -> memref<64x4096xf32, #tpu.memory_space<hbm>>
      %dma_start3A_270 = arith.constant 24 : i32
      %dma_start3A_271 = arith.constant 0 : i32
      %dma_start3A_272 = tpu.memref_slice %dma_start3A_269[%dma_start3A_270, %dma_start3A_271] : memref<64x4096xf32, #tpu.memory_space<hbm>> -> memref<8x4096xf32, #tpu.memory_space<hbm>>
      tpu.enqueue_dma source(%arg6 : memref<8x4096xf32, #tpu.memory_space<vmem>>) target(%dma_start3A_272 : memref<8x4096xf32, #tpu.memory_space<hbm>>) target_semaphore(%arg10 : memref<!tpu.dma_semaphore, #tpu.memory_space<semaphore_mem>>)
      %dma_wait3A_273 = arith.constant 0 : i32
      %dma_wait3A_274 = arith.constant 0 : i32
      %dma_wait3A_275 = tpu.memref_slice %arg4[%add3A_41, %dma_wait3A_273, %dma_wait3A_274] : memref<201x64x4096xf32, #tpu.memory_space<hbm>> -> memref<1x64x4096xf32, #tpu.memory_space<hbm>>
      %dma_wait3A_276 = tpu.memref_squeeze %dma_wait3A_275 : memref<1x64x4096xf32, #tpu.memory_space<hbm>> -> memref<64x4096xf32, #tpu.memory_space<hbm>>
      %dma_wait3A_277 = arith.constant 24 : i32
      %dma_wait3A_278 = arith.constant 0 : i32
      %dma_wait3A_279 = tpu.memref_slice %dma_wait3A_276[%dma_wait3A_277, %dma_wait3A_278] : memref<64x4096xf32, #tpu.memory_space<hbm>> -> memref<8x4096xf32, #tpu.memory_space<hbm>>
      %dma_wait3A_280 = arith.constant 0 : i32
      %dma_wait3A_281 = arith.constant 0 : i32
      %dma_wait3A_282 = tpu.memref_slice %arg4[%add3A_41, %dma_wait3A_280, %dma_wait3A_281] : memref<201x64x4096xf32, #tpu.memory_space<hbm>> -> memref<1x64x4096xf32, #tpu.memory_space<hbm>>
      %dma_wait3A_283 = tpu.memref_squeeze %dma_wait3A_282 : memref<1x64x4096xf32, #tpu.memory_space<hbm>> -> memref<64x4096xf32, #tpu.memory_space<hbm>>
      %dma_wait3A_284 = arith.constant 24 : i32
      %dma_wait3A_285 = arith.constant 0 : i32
      %dma_wait3A_286 = tpu.memref_slice %dma_wait3A_283[%dma_wait3A_284, %dma_wait3A_285] : memref<64x4096xf32, #tpu.memory_space<hbm>> -> memref<8x4096xf32, #tpu.memory_space<hbm>>
      tpu.wait_dma2 semaphore(%arg10 : memref<!tpu.dma_semaphore, #tpu.memory_space<semaphore_mem>>) src(%arg6 : memref<8x4096xf32, #tpu.memory_space<vmem>>) dst(%dma_wait3A_286 : memref<8x4096xf32, #tpu.memory_space<hbm>>)
      %dma_start3A_287 = arith.constant 0 : i32
      %dma_start3A_288 = arith.constant 0 : i32
      %dma_start3A_289 = tpu.memref_slice %arg2[%add3A_41, %dma_start3A_287, %dma_start3A_288] : memref<200x64x4096xf32, #tpu.memory_space<hbm>> -> memref<1x64x4096xf32, #tpu.memory_space<hbm>>
      %dma_start3A_290 = tpu.memref_squeeze %dma_start3A_289 : memref<1x64x4096xf32, #tpu.memory_space<hbm>> -> memref<64x4096xf32, #tpu.memory_space<hbm>>
      %dma_start3A_291 = arith.constant 40 : i32
      %dma_start3A_292 = arith.constant 0 : i32
      %dma_start3A_293 = tpu.memref_slice %dma_start3A_290[%dma_start3A_291, %dma_start3A_292] : memref<64x4096xf32, #tpu.memory_space<hbm>> -> memref<8x4096xf32, #tpu.memory_space<hbm>>
      %dma_start3A_294 = arith.constant 0 : i32
      %dma_start3A_295 = arith.constant 0 : i32
      %dma_start3A_296 = tpu.memref_slice %arg2[%add3A_41, %dma_start3A_294, %dma_start3A_295] : memref<200x64x4096xf32, #tpu.memory_space<hbm>> -> memref<1x64x4096xf32, #tpu.memory_space<hbm>>
      %dma_start3A_297 = tpu.memref_squeeze %dma_start3A_296 : memref<1x64x4096xf32, #tpu.memory_space<hbm>> -> memref<64x4096xf32, #tpu.memory_space<hbm>>
      %dma_start3A_298 = arith.constant 40 : i32
      %dma_start3A_299 = arith.constant 0 : i32
      %dma_start3A_300 = tpu.memref_slice %dma_start3A_297[%dma_start3A_298, %dma_start3A_299] : memref<64x4096xf32, #tpu.memory_space<hbm>> -> memref<8x4096xf32, #tpu.memory_space<hbm>>
      tpu.enqueue_dma source(%dma_start3A_300 : memref<8x4096xf32, #tpu.memory_space<hbm>>) target(%arg6 : memref<8x4096xf32, #tpu.memory_space<vmem>>) target_semaphore(%arg8 : memref<!tpu.dma_semaphore, #tpu.memory_space<semaphore_mem>>)
      %dma_wait3A_301 = arith.constant 0 : i32
      %dma_wait3A_302 = arith.constant 0 : i32
      %dma_wait3A_303 = tpu.memref_slice %arg2[%add3A_41, %dma_wait3A_301, %dma_wait3A_302] : memref<200x64x4096xf32, #tpu.memory_space<hbm>> -> memref<1x64x4096xf32, #tpu.memory_space<hbm>>
      %dma_wait3A_304 = tpu.memref_squeeze %dma_wait3A_303 : memref<1x64x4096xf32, #tpu.memory_space<hbm>> -> memref<64x4096xf32, #tpu.memory_space<hbm>>
      %dma_wait3A_305 = arith.constant 32 : i32
      %dma_wait3A_306 = arith.constant 0 : i32
      %dma_wait3A_307 = tpu.memref_slice %dma_wait3A_304[%dma_wait3A_305, %dma_wait3A_306] : memref<64x4096xf32, #tpu.memory_space<hbm>> -> memref<8x4096xf32, #tpu.memory_space<hbm>>
      %dma_wait3A_308 = arith.constant 0 : i32
      %dma_wait3A_309 = arith.constant 0 : i32
      %dma_wait3A_310 = tpu.memref_slice %arg2[%add3A_41, %dma_wait3A_308, %dma_wait3A_309] : memref<200x64x4096xf32, #tpu.memory_space<hbm>> -> memref<1x64x4096xf32, #tpu.memory_space<hbm>>
      %dma_wait3A_311 = tpu.memref_squeeze %dma_wait3A_310 : memref<1x64x4096xf32, #tpu.memory_space<hbm>> -> memref<64x4096xf32, #tpu.memory_space<hbm>>
      %dma_wait3A_312 = arith.constant 32 : i32
      %dma_wait3A_313 = arith.constant 0 : i32
      %dma_wait3A_314 = tpu.memref_slice %dma_wait3A_311[%dma_wait3A_312, %dma_wait3A_313] : memref<64x4096xf32, #tpu.memory_space<hbm>> -> memref<8x4096xf32, #tpu.memory_space<hbm>>
      tpu.wait_dma2 semaphore(%arg7 : memref<!tpu.dma_semaphore, #tpu.memory_space<semaphore_mem>>) src(%dma_wait3A_314 : memref<8x4096xf32, #tpu.memory_space<hbm>>) dst(%arg5 : memref<8x4096xf32, #tpu.memory_space<vmem>>)
      %dma_start3A_315 = arith.constant 0 : i32
      %dma_start3A_316 = arith.constant 0 : i32
      %dma_start3A_317 = tpu.memref_slice %arg4[%add3A_41, %dma_start3A_315, %dma_start3A_316] : memref<201x64x4096xf32, #tpu.memory_space<hbm>> -> memref<1x64x4096xf32, #tpu.memory_space<hbm>>
      %dma_start3A_318 = tpu.memref_squeeze %dma_start3A_317 : memref<1x64x4096xf32, #tpu.memory_space<hbm>> -> memref<64x4096xf32, #tpu.memory_space<hbm>>
      %dma_start3A_319 = arith.constant 32 : i32
      %dma_start3A_320 = arith.constant 0 : i32
      %dma_start3A_321 = tpu.memref_slice %dma_start3A_318[%dma_start3A_319, %dma_start3A_320] : memref<64x4096xf32, #tpu.memory_space<hbm>> -> memref<8x4096xf32, #tpu.memory_space<hbm>>
      %dma_start3A_322 = arith.constant 0 : i32
      %dma_start3A_323 = arith.constant 0 : i32
      %dma_start3A_324 = tpu.memref_slice %arg4[%add3A_41, %dma_start3A_322, %dma_start3A_323] : memref<201x64x4096xf32, #tpu.memory_space<hbm>> -> memref<1x64x4096xf32, #tpu.memory_space<hbm>>
      %dma_start3A_325 = tpu.memref_squeeze %dma_start3A_324 : memref<1x64x4096xf32, #tpu.memory_space<hbm>> -> memref<64x4096xf32, #tpu.memory_space<hbm>>
      %dma_start3A_326 = arith.constant 32 : i32
      %dma_start3A_327 = arith.constant 0 : i32
      %dma_start3A_328 = tpu.memref_slice %dma_start3A_325[%dma_start3A_326, %dma_start3A_327] : memref<64x4096xf32, #tpu.memory_space<hbm>> -> memref<8x4096xf32, #tpu.memory_space<hbm>>
      tpu.enqueue_dma source(%arg5 : memref<8x4096xf32, #tpu.memory_space<vmem>>) target(%dma_start3A_328 : memref<8x4096xf32, #tpu.memory_space<hbm>>) target_semaphore(%arg9 : memref<!tpu.dma_semaphore, #tpu.memory_space<semaphore_mem>>)
      %dma_wait3A_329 = arith.constant 0 : i32
      %dma_wait3A_330 = arith.constant 0 : i32
      %dma_wait3A_331 = tpu.memref_slice %arg4[%add3A_41, %dma_wait3A_329, %dma_wait3A_330] : memref<201x64x4096xf32, #tpu.memory_space<hbm>> -> memref<1x64x4096xf32, #tpu.memory_space<hbm>>
      %dma_wait3A_332 = tpu.memref_squeeze %dma_wait3A_331 : memref<1x64x4096xf32, #tpu.memory_space<hbm>> -> memref<64x4096xf32, #tpu.memory_space<hbm>>
      %dma_wait3A_333 = arith.constant 32 : i32
      %dma_wait3A_334 = arith.constant 0 : i32
      %dma_wait3A_335 = tpu.memref_slice %dma_wait3A_332[%dma_wait3A_333, %dma_wait3A_334] : memref<64x4096xf32, #tpu.memory_space<hbm>> -> memref<8x4096xf32, #tpu.memory_space<hbm>>
      %dma_wait3A_336 = arith.constant 0 : i32
      %dma_wait3A_337 = arith.constant 0 : i32
      %dma_wait3A_338 = tpu.memref_slice %arg4[%add3A_41, %dma_wait3A_336, %dma_wait3A_337] : memref<201x64x4096xf32, #tpu.memory_space<hbm>> -> memref<1x64x4096xf32, #tpu.memory_space<hbm>>
      %dma_wait3A_339 = tpu.memref_squeeze %dma_wait3A_338 : memref<1x64x4096xf32, #tpu.memory_space<hbm>> -> memref<64x4096xf32, #tpu.memory_space<hbm>>
      %dma_wait3A_340 = arith.constant 32 : i32
      %dma_wait3A_341 = arith.constant 0 : i32
      %dma_wait3A_342 = tpu.memref_slice %dma_wait3A_339[%dma_wait3A_340, %dma_wait3A_341] : memref<64x4096xf32, #tpu.memory_space<hbm>> -> memref<8x4096xf32, #tpu.memory_space<hbm>>
      tpu.wait_dma2 semaphore(%arg9 : memref<!tpu.dma_semaphore, #tpu.memory_space<semaphore_mem>>) src(%arg5 : memref<8x4096xf32, #tpu.memory_space<vmem>>) dst(%dma_wait3A_342 : memref<8x4096xf32, #tpu.memory_space<hbm>>)
      %dma_start3A_343 = arith.constant 0 : i32
      %dma_start3A_344 = arith.constant 0 : i32
      %dma_start3A_345 = tpu.memref_slice %arg2[%add3A_41, %dma_start3A_343, %dma_start3A_344] : memref<200x64x4096xf32, #tpu.memory_space<hbm>> -> memref<1x64x4096xf32, #tpu.memory_space<hbm>>
      %dma_start3A_346 = tpu.memref_squeeze %dma_start3A_345 : memref<1x64x4096xf32, #tpu.memory_space<hbm>> -> memref<64x4096xf32, #tpu.memory_space<hbm>>
      %dma_start3A_347 = arith.constant 48 : i32
      %dma_start3A_348 = arith.constant 0 : i32
      %dma_start3A_349 = tpu.memref_slice %dma_start3A_346[%dma_start3A_347, %dma_start3A_348] : memref<64x4096xf32, #tpu.memory_space<hbm>> -> memref<8x4096xf32, #tpu.memory_space<hbm>>
      %dma_start3A_350 = arith.constant 0 : i32
      %dma_start3A_351 = arith.constant 0 : i32
      %dma_start3A_352 = tpu.memref_slice %arg2[%add3A_41, %dma_start3A_350, %dma_start3A_351] : memref<200x64x4096xf32, #tpu.memory_space<hbm>> -> memref<1x64x4096xf32, #tpu.memory_space<hbm>>
      %dma_start3A_353 = tpu.memref_squeeze %dma_start3A_352 : memref<1x64x4096xf32, #tpu.memory_space<hbm>> -> memref<64x4096xf32, #tpu.memory_space<hbm>>
      %dma_start3A_354 = arith.constant 48 : i32
      %dma_start3A_355 = arith.constant 0 : i32
      %dma_start3A_356 = tpu.memref_slice %dma_start3A_353[%dma_start3A_354, %dma_start3A_355] : memref<64x4096xf32, #tpu.memory_space<hbm>> -> memref<8x4096xf32, #tpu.memory_space<hbm>>
      tpu.enqueue_dma source(%dma_start3A_356 : memref<8x4096xf32, #tpu.memory_space<hbm>>) target(%arg5 : memref<8x4096xf32, #tpu.memory_space<vmem>>) target_semaphore(%arg7 : memref<!tpu.dma_semaphore, #tpu.memory_space<semaphore_mem>>)
      %dma_wait3A_357 = arith.constant 0 : i32
      %dma_wait3A_358 = arith.constant 0 : i32
      %dma_wait3A_359 = tpu.memref_slice %arg2[%add3A_41, %dma_wait3A_357, %dma_wait3A_358] : memref<200x64x4096xf32, #tpu.memory_space<hbm>> -> memref<1x64x4096xf32, #tpu.memory_space<hbm>>
      %dma_wait3A_360 = tpu.memref_squeeze %dma_wait3A_359 : memref<1x64x4096xf32, #tpu.memory_space<hbm>> -> memref<64x4096xf32, #tpu.memory_space<hbm>>
      %dma_wait3A_361 = arith.constant 40 : i32
      %dma_wait3A_362 = arith.constant 0 : i32
      %dma_wait3A_363 = tpu.memref_slice %dma_wait3A_360[%dma_wait3A_361, %dma_wait3A_362] : memref<64x4096xf32, #tpu.memory_space<hbm>> -> memref<8x4096xf32, #tpu.memory_space<hbm>>
      %dma_wait3A_364 = arith.constant 0 : i32
      %dma_wait3A_365 = arith.constant 0 : i32
      %dma_wait3A_366 = tpu.memref_slice %arg2[%add3A_41, %dma_wait3A_364, %dma_wait3A_365] : memref<200x64x4096xf32, #tpu.memory_space<hbm>> -> memref<1x64x4096xf32, #tpu.memory_space<hbm>>
      %dma_wait3A_367 = tpu.memref_squeeze %dma_wait3A_366 : memref<1x64x4096xf32, #tpu.memory_space<hbm>> -> memref<64x4096xf32, #tpu.memory_space<hbm>>
      %dma_wait3A_368 = arith.constant 40 : i32
      %dma_wait3A_369 = arith.constant 0 : i32
      %dma_wait3A_370 = tpu.memref_slice %dma_wait3A_367[%dma_wait3A_368, %dma_wait3A_369] : memref<64x4096xf32, #tpu.memory_space<hbm>> -> memref<8x4096xf32, #tpu.memory_space<hbm>>
      tpu.wait_dma2 semaphore(%arg8 : memref<!tpu.dma_semaphore, #tpu.memory_space<semaphore_mem>>) src(%dma_wait3A_370 : memref<8x4096xf32, #tpu.memory_space<hbm>>) dst(%arg6 : memref<8x4096xf32, #tpu.memory_space<vmem>>)
      %dma_start3A_371 = arith.constant 0 : i32
      %dma_start3A_372 = arith.constant 0 : i32
      %dma_start3A_373 = tpu.memref_slice %arg4[%add3A_41, %dma_start3A_371, %dma_start3A_372] : memref<201x64x4096xf32, #tpu.memory_space<hbm>> -> memref<1x64x4096xf32, #tpu.memory_space<hbm>>
      %dma_start3A_374 = tpu.memref_squeeze %dma_start3A_373 : memref<1x64x4096xf32, #tpu.memory_space<hbm>> -> memref<64x4096xf32, #tpu.memory_space<hbm>>
      %dma_start3A_375 = arith.constant 40 : i32
      %dma_start3A_376 = arith.constant 0 : i32
      %dma_start3A_377 = tpu.memref_slice %dma_start3A_374[%dma_start3A_375, %dma_start3A_376] : memref<64x4096xf32, #tpu.memory_space<hbm>> -> memref<8x4096xf32, #tpu.memory_space<hbm>>
      %dma_start3A_378 = arith.constant 0 : i32
      %dma_start3A_379 = arith.constant 0 : i32
      %dma_start3A_380 = tpu.memref_slice %arg4[%add3A_41, %dma_start3A_378, %dma_start3A_379] : memref<201x64x4096xf32, #tpu.memory_space<hbm>> -> memref<1x64x4096xf32, #tpu.memory_space<hbm>>
      %dma_start3A_381 = tpu.memref_squeeze %dma_start3A_380 : memref<1x64x4096xf32, #tpu.memory_space<hbm>> -> memref<64x4096xf32, #tpu.memory_space<hbm>>
      %dma_start3A_382 = arith.constant 40 : i32
      %dma_start3A_383 = arith.constant 0 : i32
      %dma_start3A_384 = tpu.memref_slice %dma_start3A_381[%dma_start3A_382, %dma_start3A_383] : memref<64x4096xf32, #tpu.memory_space<hbm>> -> memref<8x4096xf32, #tpu.memory_space<hbm>>
      tpu.enqueue_dma source(%arg6 : memref<8x4096xf32, #tpu.memory_space<vmem>>) target(%dma_start3A_384 : memref<8x4096xf32, #tpu.memory_space<hbm>>) target_semaphore(%arg10 : memref<!tpu.dma_semaphore, #tpu.memory_space<semaphore_mem>>)
      %dma_wait3A_385 = arith.constant 0 : i32
      %dma_wait3A_386 = arith.constant 0 : i32
      %dma_wait3A_387 = tpu.memref_slice %arg4[%add3A_41, %dma_wait3A_385, %dma_wait3A_386] : memref<201x64x4096xf32, #tpu.memory_space<hbm>> -> memref<1x64x4096xf32, #tpu.memory_space<hbm>>
      %dma_wait3A_388 = tpu.memref_squeeze %dma_wait3A_387 : memref<1x64x4096xf32, #tpu.memory_space<hbm>> -> memref<64x4096xf32, #tpu.memory_space<hbm>>
      %dma_wait3A_389 = arith.constant 40 : i32
      %dma_wait3A_390 = arith.constant 0 : i32
      %dma_wait3A_391 = tpu.memref_slice %dma_wait3A_388[%dma_wait3A_389, %dma_wait3A_390] : memref<64x4096xf32, #tpu.memory_space<hbm>> -> memref<8x4096xf32, #tpu.memory_space<hbm>>
      %dma_wait3A_392 = arith.constant 0 : i32
      %dma_wait3A_393 = arith.constant 0 : i32
      %dma_wait3A_394 = tpu.memref_slice %arg4[%add3A_41, %dma_wait3A_392, %dma_wait3A_393] : memref<201x64x4096xf32, #tpu.memory_space<hbm>> -> memref<1x64x4096xf32, #tpu.memory_space<hbm>>
      %dma_wait3A_395 = tpu.memref_squeeze %dma_wait3A_394 : memref<1x64x4096xf32, #tpu.memory_space<hbm>> -> memref<64x4096xf32, #tpu.memory_space<hbm>>
      %dma_wait3A_396 = arith.constant 40 : i32
      %dma_wait3A_397 = arith.constant 0 : i32
      %dma_wait3A_398 = tpu.memref_slice %dma_wait3A_395[%dma_wait3A_396, %dma_wait3A_397] : memref<64x4096xf32, #tpu.memory_space<hbm>> -> memref<8x4096xf32, #tpu.memory_space<hbm>>
      tpu.wait_dma2 semaphore(%arg10 : memref<!tpu.dma_semaphore, #tpu.memory_space<semaphore_mem>>) src(%arg6 : memref<8x4096xf32, #tpu.memory_space<vmem>>) dst(%dma_wait3A_398 : memref<8x4096xf32, #tpu.memory_space<hbm>>)
      %dma_start3A_399 = arith.constant 0 : i32
      %dma_start3A_400 = arith.constant 0 : i32
      %dma_start3A_401 = tpu.memref_slice %arg2[%add3A_41, %dma_start3A_399, %dma_start3A_400] : memref<200x64x4096xf32, #tpu.memory_space<hbm>> -> memref<1x64x4096xf32, #tpu.memory_space<hbm>>
      %dma_start3A_402 = tpu.memref_squeeze %dma_start3A_401 : memref<1x64x4096xf32, #tpu.memory_space<hbm>> -> memref<64x4096xf32, #tpu.memory_space<hbm>>
      %dma_start3A_403 = arith.constant 56 : i32
      %dma_start3A_404 = arith.constant 0 : i32
      %dma_start3A_405 = tpu.memref_slice %dma_start3A_402[%dma_start3A_403, %dma_start3A_404] : memref<64x4096xf32, #tpu.memory_space<hbm>> -> memref<8x4096xf32, #tpu.memory_space<hbm>>
      %dma_start3A_406 = arith.constant 0 : i32
      %dma_start3A_407 = arith.constant 0 : i32
      %dma_start3A_408 = tpu.memref_slice %arg2[%add3A_41, %dma_start3A_406, %dma_start3A_407] : memref<200x64x4096xf32, #tpu.memory_space<hbm>> -> memref<1x64x4096xf32, #tpu.memory_space<hbm>>
      %dma_start3A_409 = tpu.memref_squeeze %dma_start3A_408 : memref<1x64x4096xf32, #tpu.memory_space<hbm>> -> memref<64x4096xf32, #tpu.memory_space<hbm>>
      %dma_start3A_410 = arith.constant 56 : i32
      %dma_start3A_411 = arith.constant 0 : i32
      %dma_start3A_412 = tpu.memref_slice %dma_start3A_409[%dma_start3A_410, %dma_start3A_411] : memref<64x4096xf32, #tpu.memory_space<hbm>> -> memref<8x4096xf32, #tpu.memory_space<hbm>>
      tpu.enqueue_dma source(%dma_start3A_412 : memref<8x4096xf32, #tpu.memory_space<hbm>>) target(%arg6 : memref<8x4096xf32, #tpu.memory_space<vmem>>) target_semaphore(%arg8 : memref<!tpu.dma_semaphore, #tpu.memory_space<semaphore_mem>>)
      %dma_wait3A_413 = arith.constant 0 : i32
      %dma_wait3A_414 = arith.constant 0 : i32
      %dma_wait3A_415 = tpu.memref_slice %arg2[%add3A_41, %dma_wait3A_413, %dma_wait3A_414] : memref<200x64x4096xf32, #tpu.memory_space<hbm>> -> memref<1x64x4096xf32, #tpu.memory_space<hbm>>
      %dma_wait3A_416 = tpu.memref_squeeze %dma_wait3A_415 : memref<1x64x4096xf32, #tpu.memory_space<hbm>> -> memref<64x4096xf32, #tpu.memory_space<hbm>>
      %dma_wait3A_417 = arith.constant 48 : i32
      %dma_wait3A_418 = arith.constant 0 : i32
      %dma_wait3A_419 = tpu.memref_slice %dma_wait3A_416[%dma_wait3A_417, %dma_wait3A_418] : memref<64x4096xf32, #tpu.memory_space<hbm>> -> memref<8x4096xf32, #tpu.memory_space<hbm>>
      %dma_wait3A_420 = arith.constant 0 : i32
      %dma_wait3A_421 = arith.constant 0 : i32
      %dma_wait3A_422 = tpu.memref_slice %arg2[%add3A_41, %dma_wait3A_420, %dma_wait3A_421] : memref<200x64x4096xf32, #tpu.memory_space<hbm>> -> memref<1x64x4096xf32, #tpu.memory_space<hbm>>
      %dma_wait3A_423 = tpu.memref_squeeze %dma_wait3A_422 : memref<1x64x4096xf32, #tpu.memory_space<hbm>> -> memref<64x4096xf32, #tpu.memory_space<hbm>>
      %dma_wait3A_424 = arith.constant 48 : i32
      %dma_wait3A_425 = arith.constant 0 : i32
      %dma_wait3A_426 = tpu.memref_slice %dma_wait3A_423[%dma_wait3A_424, %dma_wait3A_425] : memref<64x4096xf32, #tpu.memory_space<hbm>> -> memref<8x4096xf32, #tpu.memory_space<hbm>>
      tpu.wait_dma2 semaphore(%arg7 : memref<!tpu.dma_semaphore, #tpu.memory_space<semaphore_mem>>) src(%dma_wait3A_426 : memref<8x4096xf32, #tpu.memory_space<hbm>>) dst(%arg5 : memref<8x4096xf32, #tpu.memory_space<vmem>>)
      %dma_start3A_427 = arith.constant 0 : i32
      %dma_start3A_428 = arith.constant 0 : i32
      %dma_start3A_429 = tpu.memref_slice %arg4[%add3A_41, %dma_start3A_427, %dma_start3A_428] : memref<201x64x4096xf32, #tpu.memory_space<hbm>> -> memref<1x64x4096xf32, #tpu.memory_space<hbm>>
      %dma_start3A_430 = tpu.memref_squeeze %dma_start3A_429 : memref<1x64x4096xf32, #tpu.memory_space<hbm>> -> memref<64x4096xf32, #tpu.memory_space<hbm>>
      %dma_start3A_431 = arith.constant 48 : i32
      %dma_start3A_432 = arith.constant 0 : i32
      %dma_start3A_433 = tpu.memref_slice %dma_start3A_430[%dma_start3A_431, %dma_start3A_432] : memref<64x4096xf32, #tpu.memory_space<hbm>> -> memref<8x4096xf32, #tpu.memory_space<hbm>>
      %dma_start3A_434 = arith.constant 0 : i32
      %dma_start3A_435 = arith.constant 0 : i32
      %dma_start3A_436 = tpu.memref_slice %arg4[%add3A_41, %dma_start3A_434, %dma_start3A_435] : memref<201x64x4096xf32, #tpu.memory_space<hbm>> -> memref<1x64x4096xf32, #tpu.memory_space<hbm>>
      %dma_start3A_437 = tpu.memref_squeeze %dma_start3A_436 : memref<1x64x4096xf32, #tpu.memory_space<hbm>> -> memref<64x4096xf32, #tpu.memory_space<hbm>>
      %dma_start3A_438 = arith.constant 48 : i32
      %dma_start3A_439 = arith.constant 0 : i32
      %dma_start3A_440 = tpu.memref_slice %dma_start3A_437[%dma_start3A_438, %dma_start3A_439] : memref<64x4096xf32, #tpu.memory_space<hbm>> -> memref<8x4096xf32, #tpu.memory_space<hbm>>
      tpu.enqueue_dma source(%arg5 : memref<8x4096xf32, #tpu.memory_space<vmem>>) target(%dma_start3A_440 : memref<8x4096xf32, #tpu.memory_space<hbm>>) target_semaphore(%arg9 : memref<!tpu.dma_semaphore, #tpu.memory_space<semaphore_mem>>)
      %dma_wait3A_441 = arith.constant 0 : i32
      %dma_wait3A_442 = arith.constant 0 : i32
      %dma_wait3A_443 = tpu.memref_slice %arg2[%add3A_41, %dma_wait3A_441, %dma_wait3A_442] : memref<200x64x4096xf32, #tpu.memory_space<hbm>> -> memref<1x64x4096xf32, #tpu.memory_space<hbm>>
      %dma_wait3A_444 = tpu.memref_squeeze %dma_wait3A_443 : memref<1x64x4096xf32, #tpu.memory_space<hbm>> -> memref<64x4096xf32, #tpu.memory_space<hbm>>
      %dma_wait3A_445 = arith.constant 56 : i32
      %dma_wait3A_446 = arith.constant 0 : i32
      %dma_wait3A_447 = tpu.memref_slice %dma_wait3A_444[%dma_wait3A_445, %dma_wait3A_446] : memref<64x4096xf32, #tpu.memory_space<hbm>> -> memref<8x4096xf32, #tpu.memory_space<hbm>>
      %dma_wait3A_448 = arith.constant 0 : i32
      %dma_wait3A_449 = arith.constant 0 : i32
      %dma_wait3A_450 = tpu.memref_slice %arg2[%add3A_41, %dma_wait3A_448, %dma_wait3A_449] : memref<200x64x4096xf32, #tpu.memory_space<hbm>> -> memref<1x64x4096xf32, #tpu.memory_space<hbm>>
      %dma_wait3A_451 = tpu.memref_squeeze %dma_wait3A_450 : memref<1x64x4096xf32, #tpu.memory_space<hbm>> -> memref<64x4096xf32, #tpu.memory_space<hbm>>
      %dma_wait3A_452 = arith.constant 56 : i32
      %dma_wait3A_453 = arith.constant 0 : i32
      %dma_wait3A_454 = tpu.memref_slice %dma_wait3A_451[%dma_wait3A_452, %dma_wait3A_453] : memref<64x4096xf32, #tpu.memory_space<hbm>> -> memref<8x4096xf32, #tpu.memory_space<hbm>>
      tpu.wait_dma2 semaphore(%arg8 : memref<!tpu.dma_semaphore, #tpu.memory_space<semaphore_mem>>) src(%dma_wait3A_454 : memref<8x4096xf32, #tpu.memory_space<hbm>>) dst(%arg6 : memref<8x4096xf32, #tpu.memory_space<vmem>>)
      %dma_start3A_455 = arith.constant 0 : i32
      %dma_start3A_456 = arith.constant 0 : i32
      %dma_start3A_457 = tpu.memref_slice %arg4[%add3A_41, %dma_start3A_455, %dma_start3A_456] : memref<201x64x4096xf32, #tpu.memory_space<hbm>> -> memref<1x64x4096xf32, #tpu.memory_space<hbm>>
      %dma_start3A_458 = tpu.memref_squeeze %dma_start3A_457 : memref<1x64x4096xf32, #tpu.memory_space<hbm>> -> memref<64x4096xf32, #tpu.memory_space<hbm>>
      %dma_start3A_459 = arith.constant 56 : i32
      %dma_start3A_460 = arith.constant 0 : i32
      %dma_start3A_461 = tpu.memref_slice %dma_start3A_458[%dma_start3A_459, %dma_start3A_460] : memref<64x4096xf32, #tpu.memory_space<hbm>> -> memref<8x4096xf32, #tpu.memory_space<hbm>>
      %dma_start3A_462 = arith.constant 0 : i32
      %dma_start3A_463 = arith.constant 0 : i32
      %dma_start3A_464 = tpu.memref_slice %arg4[%add3A_41, %dma_start3A_462, %dma_start3A_463] : memref<201x64x4096xf32, #tpu.memory_space<hbm>> -> memref<1x64x4096xf32, #tpu.memory_space<hbm>>
      %dma_start3A_465 = tpu.memref_squeeze %dma_start3A_464 : memref<1x64x4096xf32, #tpu.memory_space<hbm>> -> memref<64x4096xf32, #tpu.memory_space<hbm>>
      %dma_start3A_466 = arith.constant 56 : i32
      %dma_start3A_467 = arith.constant 0 : i32
      %dma_start3A_468 = tpu.memref_slice %dma_start3A_465[%dma_start3A_466, %dma_start3A_467] : memref<64x4096xf32, #tpu.memory_space<hbm>> -> memref<8x4096xf32, #tpu.memory_space<hbm>>
      tpu.enqueue_dma source(%arg6 : memref<8x4096xf32, #tpu.memory_space<vmem>>) target(%dma_start3A_468 : memref<8x4096xf32, #tpu.memory_space<hbm>>) target_semaphore(%arg10 : memref<!tpu.dma_semaphore, #tpu.memory_space<semaphore_mem>>)
      %dma_wait3A_469 = arith.constant 0 : i32
      %dma_wait3A_470 = arith.constant 0 : i32
      %dma_wait3A_471 = tpu.memref_slice %arg4[%add3A_41, %dma_wait3A_469, %dma_wait3A_470] : memref<201x64x4096xf32, #tpu.memory_space<hbm>> -> memref<1x64x4096xf32, #tpu.memory_space<hbm>>
      %dma_wait3A_472 = tpu.memref_squeeze %dma_wait3A_471 : memref<1x64x4096xf32, #tpu.memory_space<hbm>> -> memref<64x4096xf32, #tpu.memory_space<hbm>>
      %dma_wait3A_473 = arith.constant 48 : i32
      %dma_wait3A_474 = arith.constant 0 : i32
      %dma_wait3A_475 = tpu.memref_slice %dma_wait3A_472[%dma_wait3A_473, %dma_wait3A_474] : memref<64x4096xf32, #tpu.memory_space<hbm>> -> memref<8x4096xf32, #tpu.memory_space<hbm>>
      %dma_wait3A_476 = arith.constant 0 : i32
      %dma_wait3A_477 = arith.constant 0 : i32
      %dma_wait3A_478 = tpu.memref_slice %arg4[%add3A_41, %dma_wait3A_476, %dma_wait3A_477] : memref<201x64x4096xf32, #tpu.memory_space<hbm>> -> memref<1x64x4096xf32, #tpu.memory_space<hbm>>
      %dma_wait3A_479 = tpu.memref_squeeze %dma_wait3A_478 : memref<1x64x4096xf32, #tpu.memory_space<hbm>> -> memref<64x4096xf32, #tpu.memory_space<hbm>>
      %dma_wait3A_480 = arith.constant 48 : i32
      %dma_wait3A_481 = arith.constant 0 : i32
      %dma_wait3A_482 = tpu.memref_slice %dma_wait3A_479[%dma_wait3A_480, %dma_wait3A_481] : memref<64x4096xf32, #tpu.memory_space<hbm>> -> memref<8x4096xf32, #tpu.memory_space<hbm>>
      tpu.wait_dma2 semaphore(%arg9 : memref<!tpu.dma_semaphore, #tpu.memory_space<semaphore_mem>>) src(%arg5 : memref<8x4096xf32, #tpu.memory_space<vmem>>) dst(%dma_wait3A_482 : memref<8x4096xf32, #tpu.memory_space<hbm>>)
      %dma_wait3A_483 = arith.constant 0 : i32
      %dma_wait3A_484 = arith.constant 0 : i32
      %dma_wait3A_485 = tpu.memref_slice %arg4[%add3A_41, %dma_wait3A_483, %dma_wait3A_484] : memref<201x64x4096xf32, #tpu.memory_space<hbm>> -> memref<1x64x4096xf32, #tpu.memory_space<hbm>>
      %dma_wait3A_486 = tpu.memref_squeeze %dma_wait3A_485 : memref<1x64x4096xf32, #tpu.memory_space<hbm>> -> memref<64x4096xf32, #tpu.memory_space<hbm>>
      %dma_wait3A_487 = arith.constant 56 : i32
      %dma_wait3A_488 = arith.constant 0 : i32
      %dma_wait3A_489 = tpu.memref_slice %dma_wait3A_486[%dma_wait3A_487, %dma_wait3A_488] : memref<64x4096xf32, #tpu.memory_space<hbm>> -> memref<8x4096xf32, #tpu.memory_space<hbm>>
      %dma_wait3A_490 = arith.constant 0 : i32
      %dma_wait3A_491 = arith.constant 0 : i32
      %dma_wait3A_492 = tpu.memref_slice %arg4[%add3A_41, %dma_wait3A_490, %dma_wait3A_491] : memref<201x64x4096xf32, #tpu.memory_space<hbm>> -> memref<1x64x4096xf32, #tpu.memory_space<hbm>>
      %dma_wait3A_493 = tpu.memref_squeeze %dma_wait3A_492 : memref<1x64x4096xf32, #tpu.memory_space<hbm>> -> memref<64x4096xf32, #tpu.memory_space<hbm>>
      %dma_wait3A_494 = arith.constant 56 : i32
      %dma_wait3A_495 = arith.constant 0 : i32
      %dma_wait3A_496 = tpu.memref_slice %dma_wait3A_493[%dma_wait3A_494, %dma_wait3A_495] : memref<64x4096xf32, #tpu.memory_space<hbm>> -> memref<8x4096xf32, #tpu.memory_space<hbm>>
      tpu.wait_dma2 semaphore(%arg10 : memref<!tpu.dma_semaphore, #tpu.memory_space<semaphore_mem>>) src(%arg6 : memref<8x4096xf32, #tpu.memory_space<vmem>>) dst(%dma_wait3A_496 : memref<8x4096xf32, #tpu.memory_space<hbm>>)
    } else {
    }
    %eq3A = arith.constant 31 : i32
    %eq3A_47 = arith.cmpi eq, %add3A, %eq3A : i32
    %convert_element_type3A_48 = arith.extui %eq3A_47 : i1 to i32
    %cond3A_49 = arith.constant 0 : i32
    %cond3A_50 = arith.cmpi ne, %convert_element_type3A_48, %cond3A_49 : i32
    scf.if %cond3A_50 {
      %dma_start3A = arith.constant 0 : i32
      %dma_start3A_51 = arith.constant 0 : i32
      %dma_start3A_52 = tpu.memref_slice %arg3[%dma_start3A, %dma_start3A_51] : memref<64x4096xf32, #tpu.memory_space<hbm>> -> memref<8x4096xf32, #tpu.memory_space<hbm>>
      %dma_start3A_53 = arith.constant 0 : i32
      %dma_start3A_54 = arith.constant 0 : i32
      %dma_start3A_55 = tpu.memref_slice %arg3[%dma_start3A_53, %dma_start3A_54] : memref<64x4096xf32, #tpu.memory_space<hbm>> -> memref<8x4096xf32, #tpu.memory_space<hbm>>
      tpu.enqueue_dma source(%dma_start3A_55 : memref<8x4096xf32, #tpu.memory_space<hbm>>) target(%arg5 : memref<8x4096xf32, #tpu.memory_space<vmem>>) target_semaphore(%arg7 : memref<!tpu.dma_semaphore, #tpu.memory_space<semaphore_mem>>)
      %dma_start3A_56 = arith.constant 8 : i32
      %dma_start3A_57 = arith.constant 0 : i32
      %dma_start3A_58 = tpu.memref_slice %arg3[%dma_start3A_56, %dma_start3A_57] : memref<64x4096xf32, #tpu.memory_space<hbm>> -> memref<8x4096xf32, #tpu.memory_space<hbm>>
      %dma_start3A_59 = arith.constant 8 : i32
      %dma_start3A_60 = arith.constant 0 : i32
      %dma_start3A_61 = tpu.memref_slice %arg3[%dma_start3A_59, %dma_start3A_60] : memref<64x4096xf32, #tpu.memory_space<hbm>> -> memref<8x4096xf32, #tpu.memory_space<hbm>>
      tpu.enqueue_dma source(%dma_start3A_61 : memref<8x4096xf32, #tpu.memory_space<hbm>>) target(%arg6 : memref<8x4096xf32, #tpu.memory_space<vmem>>) target_semaphore(%arg8 : memref<!tpu.dma_semaphore, #tpu.memory_space<semaphore_mem>>)
      %dma_wait3A = arith.constant 0 : i32
      %dma_wait3A_62 = arith.constant 0 : i32
      %dma_wait3A_63 = tpu.memref_slice %arg3[%dma_wait3A, %dma_wait3A_62] : memref<64x4096xf32, #tpu.memory_space<hbm>> -> memref<8x4096xf32, #tpu.memory_space<hbm>>
      %dma_wait3A_64 = arith.constant 0 : i32
      %dma_wait3A_65 = arith.constant 0 : i32
      %dma_wait3A_66 = tpu.memref_slice %arg3[%dma_wait3A_64, %dma_wait3A_65] : memref<64x4096xf32, #tpu.memory_space<hbm>> -> memref<8x4096xf32, #tpu.memory_space<hbm>>
      tpu.wait_dma2 semaphore(%arg7 : memref<!tpu.dma_semaphore, #tpu.memory_space<semaphore_mem>>) src(%dma_wait3A_66 : memref<8x4096xf32, #tpu.memory_space<hbm>>) dst(%arg5 : memref<8x4096xf32, #tpu.memory_space<vmem>>)
      %dma_start3A_67 = arith.constant 200 : i32
      %dma_start3A_68 = arith.constant 0 : i32
      %dma_start3A_69 = arith.constant 0 : i32
      %dma_start3A_70 = tpu.memref_slice %arg4[%dma_start3A_67, %dma_start3A_68, %dma_start3A_69] : memref<201x64x4096xf32, #tpu.memory_space<hbm>> -> memref<1x64x4096xf32, #tpu.memory_space<hbm>>
      %dma_start3A_71 = tpu.memref_squeeze %dma_start3A_70 : memref<1x64x4096xf32, #tpu.memory_space<hbm>> -> memref<64x4096xf32, #tpu.memory_space<hbm>>
      %dma_start3A_72 = arith.constant 0 : i32
      %dma_start3A_73 = arith.constant 0 : i32
      %dma_start3A_74 = tpu.memref_slice %dma_start3A_71[%dma_start3A_72, %dma_start3A_73] : memref<64x4096xf32, #tpu.memory_space<hbm>> -> memref<8x4096xf32, #tpu.memory_space<hbm>>
      %dma_start3A_75 = arith.constant 0 : i32
      %dma_start3A_76 = arith.constant 0 : i32
      %dma_start3A_77 = tpu.memref_slice %arg4[%dma_start3A_67, %dma_start3A_75, %dma_start3A_76] : memref<201x64x4096xf32, #tpu.memory_space<hbm>> -> memref<1x64x4096xf32, #tpu.memory_space<hbm>>
      %dma_start3A_78 = tpu.memref_squeeze %dma_start3A_77 : memref<1x64x4096xf32, #tpu.memory_space<hbm>> -> memref<64x4096xf32, #tpu.memory_space<hbm>>
      %dma_start3A_79 = arith.constant 0 : i32
      %dma_start3A_80 = arith.constant 0 : i32
      %dma_start3A_81 = tpu.memref_slice %dma_start3A_78[%dma_start3A_79, %dma_start3A_80] : memref<64x4096xf32, #tpu.memory_space<hbm>> -> memref<8x4096xf32, #tpu.memory_space<hbm>>
      tpu.enqueue_dma source(%arg5 : memref<8x4096xf32, #tpu.memory_space<vmem>>) target(%dma_start3A_81 : memref<8x4096xf32, #tpu.memory_space<hbm>>) target_semaphore(%arg9 : memref<!tpu.dma_semaphore, #tpu.memory_space<semaphore_mem>>)
      %dma_wait3A_82 = arith.constant 200 : i32
      %dma_wait3A_83 = arith.constant 0 : i32
      %dma_wait3A_84 = arith.constant 0 : i32
      %dma_wait3A_85 = tpu.memref_slice %arg4[%dma_wait3A_82, %dma_wait3A_83, %dma_wait3A_84] : memref<201x64x4096xf32, #tpu.memory_space<hbm>> -> memref<1x64x4096xf32, #tpu.memory_space<hbm>>
      %dma_wait3A_86 = tpu.memref_squeeze %dma_wait3A_85 : memref<1x64x4096xf32, #tpu.memory_space<hbm>> -> memref<64x4096xf32, #tpu.memory_space<hbm>>
      %dma_wait3A_87 = arith.constant 0 : i32
      %dma_wait3A_88 = arith.constant 0 : i32
      %dma_wait3A_89 = tpu.memref_slice %dma_wait3A_86[%dma_wait3A_87, %dma_wait3A_88] : memref<64x4096xf32, #tpu.memory_space<hbm>> -> memref<8x4096xf32, #tpu.memory_space<hbm>>
      %dma_wait3A_90 = arith.constant 0 : i32
      %dma_wait3A_91 = arith.constant 0 : i32
      %dma_wait3A_92 = tpu.memref_slice %arg4[%dma_wait3A_82, %dma_wait3A_90, %dma_wait3A_91] : memref<201x64x4096xf32, #tpu.memory_space<hbm>> -> memref<1x64x4096xf32, #tpu.memory_space<hbm>>
      %dma_wait3A_93 = tpu.memref_squeeze %dma_wait3A_92 : memref<1x64x4096xf32, #tpu.memory_space<hbm>> -> memref<64x4096xf32, #tpu.memory_space<hbm>>
      %dma_wait3A_94 = arith.constant 0 : i32
      %dma_wait3A_95 = arith.constant 0 : i32
      %dma_wait3A_96 = tpu.memref_slice %dma_wait3A_93[%dma_wait3A_94, %dma_wait3A_95] : memref<64x4096xf32, #tpu.memory_space<hbm>> -> memref<8x4096xf32, #tpu.memory_space<hbm>>
      tpu.wait_dma2 semaphore(%arg9 : memref<!tpu.dma_semaphore, #tpu.memory_space<semaphore_mem>>) src(%arg5 : memref<8x4096xf32, #tpu.memory_space<vmem>>) dst(%dma_wait3A_96 : memref<8x4096xf32, #tpu.memory_space<hbm>>)
      %dma_start3A_97 = arith.constant 16 : i32
      %dma_start3A_98 = arith.constant 0 : i32
      %dma_start3A_99 = tpu.memref_slice %arg3[%dma_start3A_97, %dma_start3A_98] : memref<64x4096xf32, #tpu.memory_space<hbm>> -> memref<8x4096xf32, #tpu.memory_space<hbm>>
      %dma_start3A_100 = arith.constant 16 : i32
      %dma_start3A_101 = arith.constant 0 : i32
      %dma_start3A_102 = tpu.memref_slice %arg3[%dma_start3A_100, %dma_start3A_101] : memref<64x4096xf32, #tpu.memory_space<hbm>> -> memref<8x4096xf32, #tpu.memory_space<hbm>>
      tpu.enqueue_dma source(%dma_start3A_102 : memref<8x4096xf32, #tpu.memory_space<hbm>>) target(%arg5 : memref<8x4096xf32, #tpu.memory_space<vmem>>) target_semaphore(%arg7 : memref<!tpu.dma_semaphore, #tpu.memory_space<semaphore_mem>>)
      %dma_wait3A_103 = arith.constant 8 : i32
      %dma_wait3A_104 = arith.constant 0 : i32
      %dma_wait3A_105 = tpu.memref_slice %arg3[%dma_wait3A_103, %dma_wait3A_104] : memref<64x4096xf32, #tpu.memory_space<hbm>> -> memref<8x4096xf32, #tpu.memory_space<hbm>>
      %dma_wait3A_106 = arith.constant 8 : i32
      %dma_wait3A_107 = arith.constant 0 : i32
      %dma_wait3A_108 = tpu.memref_slice %arg3[%dma_wait3A_106, %dma_wait3A_107] : memref<64x4096xf32, #tpu.memory_space<hbm>> -> memref<8x4096xf32, #tpu.memory_space<hbm>>
      tpu.wait_dma2 semaphore(%arg8 : memref<!tpu.dma_semaphore, #tpu.memory_space<semaphore_mem>>) src(%dma_wait3A_108 : memref<8x4096xf32, #tpu.memory_space<hbm>>) dst(%arg6 : memref<8x4096xf32, #tpu.memory_space<vmem>>)
      %dma_start3A_109 = arith.constant 200 : i32
      %dma_start3A_110 = arith.constant 0 : i32
      %dma_start3A_111 = arith.constant 0 : i32
      %dma_start3A_112 = tpu.memref_slice %arg4[%dma_start3A_109, %dma_start3A_110, %dma_start3A_111] : memref<201x64x4096xf32, #tpu.memory_space<hbm>> -> memref<1x64x4096xf32, #tpu.memory_space<hbm>>
      %dma_start3A_113 = tpu.memref_squeeze %dma_start3A_112 : memref<1x64x4096xf32, #tpu.memory_space<hbm>> -> memref<64x4096xf32, #tpu.memory_space<hbm>>
      %dma_start3A_114 = arith.constant 8 : i32
      %dma_start3A_115 = arith.constant 0 : i32
      %dma_start3A_116 = tpu.memref_slice %dma_start3A_113[%dma_start3A_114, %dma_start3A_115] : memref<64x4096xf32, #tpu.memory_space<hbm>> -> memref<8x4096xf32, #tpu.memory_space<hbm>>
      %dma_start3A_117 = arith.constant 0 : i32
      %dma_start3A_118 = arith.constant 0 : i32
      %dma_start3A_119 = tpu.memref_slice %arg4[%dma_start3A_109, %dma_start3A_117, %dma_start3A_118] : memref<201x64x4096xf32, #tpu.memory_space<hbm>> -> memref<1x64x4096xf32, #tpu.memory_space<hbm>>
      %dma_start3A_120 = tpu.memref_squeeze %dma_start3A_119 : memref<1x64x4096xf32, #tpu.memory_space<hbm>> -> memref<64x4096xf32, #tpu.memory_space<hbm>>
      %dma_start3A_121 = arith.constant 8 : i32
      %dma_start3A_122 = arith.constant 0 : i32
      %dma_start3A_123 = tpu.memref_slice %dma_start3A_120[%dma_start3A_121, %dma_start3A_122] : memref<64x4096xf32, #tpu.memory_space<hbm>> -> memref<8x4096xf32, #tpu.memory_space<hbm>>
      tpu.enqueue_dma source(%arg6 : memref<8x4096xf32, #tpu.memory_space<vmem>>) target(%dma_start3A_123 : memref<8x4096xf32, #tpu.memory_space<hbm>>) target_semaphore(%arg10 : memref<!tpu.dma_semaphore, #tpu.memory_space<semaphore_mem>>)
      %dma_wait3A_124 = arith.constant 200 : i32
      %dma_wait3A_125 = arith.constant 0 : i32
      %dma_wait3A_126 = arith.constant 0 : i32
      %dma_wait3A_127 = tpu.memref_slice %arg4[%dma_wait3A_124, %dma_wait3A_125, %dma_wait3A_126] : memref<201x64x4096xf32, #tpu.memory_space<hbm>> -> memref<1x64x4096xf32, #tpu.memory_space<hbm>>
      %dma_wait3A_128 = tpu.memref_squeeze %dma_wait3A_127 : memref<1x64x4096xf32, #tpu.memory_space<hbm>> -> memref<64x4096xf32, #tpu.memory_space<hbm>>
      %dma_wait3A_129 = arith.constant 8 : i32
      %dma_wait3A_130 = arith.constant 0 : i32
      %dma_wait3A_131 = tpu.memref_slice %dma_wait3A_128[%dma_wait3A_129, %dma_wait3A_130] : memref<64x4096xf32, #tpu.memory_space<hbm>> -> memref<8x4096xf32, #tpu.memory_space<hbm>>
      %dma_wait3A_132 = arith.constant 0 : i32
      %dma_wait3A_133 = arith.constant 0 : i32
      %dma_wait3A_134 = tpu.memref_slice %arg4[%dma_wait3A_124, %dma_wait3A_132, %dma_wait3A_133] : memref<201x64x4096xf32, #tpu.memory_space<hbm>> -> memref<1x64x4096xf32, #tpu.memory_space<hbm>>
      %dma_wait3A_135 = tpu.memref_squeeze %dma_wait3A_134 : memref<1x64x4096xf32, #tpu.memory_space<hbm>> -> memref<64x4096xf32, #tpu.memory_space<hbm>>
      %dma_wait3A_136 = arith.constant 8 : i32
      %dma_wait3A_137 = arith.constant 0 : i32
      %dma_wait3A_138 = tpu.memref_slice %dma_wait3A_135[%dma_wait3A_136, %dma_wait3A_137] : memref<64x4096xf32, #tpu.memory_space<hbm>> -> memref<8x4096xf32, #tpu.memory_space<hbm>>
      tpu.wait_dma2 semaphore(%arg10 : memref<!tpu.dma_semaphore, #tpu.memory_space<semaphore_mem>>) src(%arg6 : memref<8x4096xf32, #tpu.memory_space<vmem>>) dst(%dma_wait3A_138 : memref<8x4096xf32, #tpu.memory_space<hbm>>)
      %dma_start3A_139 = arith.constant 24 : i32
      %dma_start3A_140 = arith.constant 0 : i32
      %dma_start3A_141 = tpu.memref_slice %arg3[%dma_start3A_139, %dma_start3A_140] : memref<64x4096xf32, #tpu.memory_space<hbm>> -> memref<8x4096xf32, #tpu.memory_space<hbm>>
      %dma_start3A_142 = arith.constant 24 : i32
      %dma_start3A_143 = arith.constant 0 : i32
      %dma_start3A_144 = tpu.memref_slice %arg3[%dma_start3A_142, %dma_start3A_143] : memref<64x4096xf32, #tpu.memory_space<hbm>> -> memref<8x4096xf32, #tpu.memory_space<hbm>>
      tpu.enqueue_dma source(%dma_start3A_144 : memref<8x4096xf32, #tpu.memory_space<hbm>>) target(%arg6 : memref<8x4096xf32, #tpu.memory_space<vmem>>) target_semaphore(%arg8 : memref<!tpu.dma_semaphore, #tpu.memory_space<semaphore_mem>>)
      %dma_wait3A_145 = arith.constant 16 : i32
      %dma_wait3A_146 = arith.constant 0 : i32
      %dma_wait3A_147 = tpu.memref_slice %arg3[%dma_wait3A_145, %dma_wait3A_146] : memref<64x4096xf32, #tpu.memory_space<hbm>> -> memref<8x4096xf32, #tpu.memory_space<hbm>>
      %dma_wait3A_148 = arith.constant 16 : i32
      %dma_wait3A_149 = arith.constant 0 : i32
      %dma_wait3A_150 = tpu.memref_slice %arg3[%dma_wait3A_148, %dma_wait3A_149] : memref<64x4096xf32, #tpu.memory_space<hbm>> -> memref<8x4096xf32, #tpu.memory_space<hbm>>
      tpu.wait_dma2 semaphore(%arg7 : memref<!tpu.dma_semaphore, #tpu.memory_space<semaphore_mem>>) src(%dma_wait3A_150 : memref<8x4096xf32, #tpu.memory_space<hbm>>) dst(%arg5 : memref<8x4096xf32, #tpu.memory_space<vmem>>)
      %dma_start3A_151 = arith.constant 200 : i32
      %dma_start3A_152 = arith.constant 0 : i32
      %dma_start3A_153 = arith.constant 0 : i32
      %dma_start3A_154 = tpu.memref_slice %arg4[%dma_start3A_151, %dma_start3A_152, %dma_start3A_153] : memref<201x64x4096xf32, #tpu.memory_space<hbm>> -> memref<1x64x4096xf32, #tpu.memory_space<hbm>>
      %dma_start3A_155 = tpu.memref_squeeze %dma_start3A_154 : memref<1x64x4096xf32, #tpu.memory_space<hbm>> -> memref<64x4096xf32, #tpu.memory_space<hbm>>
      %dma_start3A_156 = arith.constant 16 : i32
      %dma_start3A_157 = arith.constant 0 : i32
      %dma_start3A_158 = tpu.memref_slice %dma_start3A_155[%dma_start3A_156, %dma_start3A_157] : memref<64x4096xf32, #tpu.memory_space<hbm>> -> memref<8x4096xf32, #tpu.memory_space<hbm>>
      %dma_start3A_159 = arith.constant 0 : i32
      %dma_start3A_160 = arith.constant 0 : i32
      %dma_start3A_161 = tpu.memref_slice %arg4[%dma_start3A_151, %dma_start3A_159, %dma_start3A_160] : memref<201x64x4096xf32, #tpu.memory_space<hbm>> -> memref<1x64x4096xf32, #tpu.memory_space<hbm>>
      %dma_start3A_162 = tpu.memref_squeeze %dma_start3A_161 : memref<1x64x4096xf32, #tpu.memory_space<hbm>> -> memref<64x4096xf32, #tpu.memory_space<hbm>>
      %dma_start3A_163 = arith.constant 16 : i32
      %dma_start3A_164 = arith.constant 0 : i32
      %dma_start3A_165 = tpu.memref_slice %dma_start3A_162[%dma_start3A_163, %dma_start3A_164] : memref<64x4096xf32, #tpu.memory_space<hbm>> -> memref<8x4096xf32, #tpu.memory_space<hbm>>
      tpu.enqueue_dma source(%arg5 : memref<8x4096xf32, #tpu.memory_space<vmem>>) target(%dma_start3A_165 : memref<8x4096xf32, #tpu.memory_space<hbm>>) target_semaphore(%arg9 : memref<!tpu.dma_semaphore, #tpu.memory_space<semaphore_mem>>)
      %dma_wait3A_166 = arith.constant 200 : i32
      %dma_wait3A_167 = arith.constant 0 : i32
      %dma_wait3A_168 = arith.constant 0 : i32
      %dma_wait3A_169 = tpu.memref_slice %arg4[%dma_wait3A_166, %dma_wait3A_167, %dma_wait3A_168] : memref<201x64x4096xf32, #tpu.memory_space<hbm>> -> memref<1x64x4096xf32, #tpu.memory_space<hbm>>
      %dma_wait3A_170 = tpu.memref_squeeze %dma_wait3A_169 : memref<1x64x4096xf32, #tpu.memory_space<hbm>> -> memref<64x4096xf32, #tpu.memory_space<hbm>>
      %dma_wait3A_171 = arith.constant 16 : i32
      %dma_wait3A_172 = arith.constant 0 : i32
      %dma_wait3A_173 = tpu.memref_slice %dma_wait3A_170[%dma_wait3A_171, %dma_wait3A_172] : memref<64x4096xf32, #tpu.memory_space<hbm>> -> memref<8x4096xf32, #tpu.memory_space<hbm>>
      %dma_wait3A_174 = arith.constant 0 : i32
      %dma_wait3A_175 = arith.constant 0 : i32
      %dma_wait3A_176 = tpu.memref_slice %arg4[%dma_wait3A_166, %dma_wait3A_174, %dma_wait3A_175] : memref<201x64x4096xf32, #tpu.memory_space<hbm>> -> memref<1x64x4096xf32, #tpu.memory_space<hbm>>
      %dma_wait3A_177 = tpu.memref_squeeze %dma_wait3A_176 : memref<1x64x4096xf32, #tpu.memory_space<hbm>> -> memref<64x4096xf32, #tpu.memory_space<hbm>>
      %dma_wait3A_178 = arith.constant 16 : i32
      %dma_wait3A_179 = arith.constant 0 : i32
      %dma_wait3A_180 = tpu.memref_slice %dma_wait3A_177[%dma_wait3A_178, %dma_wait3A_179] : memref<64x4096xf32, #tpu.memory_space<hbm>> -> memref<8x4096xf32, #tpu.memory_space<hbm>>
      tpu.wait_dma2 semaphore(%arg9 : memref<!tpu.dma_semaphore, #tpu.memory_space<semaphore_mem>>) src(%arg5 : memref<8x4096xf32, #tpu.memory_space<vmem>>) dst(%dma_wait3A_180 : memref<8x4096xf32, #tpu.memory_space<hbm>>)
      %dma_start3A_181 = arith.constant 32 : i32
      %dma_start3A_182 = arith.constant 0 : i32
      %dma_start3A_183 = tpu.memref_slice %arg3[%dma_start3A_181, %dma_start3A_182] : memref<64x4096xf32, #tpu.memory_space<hbm>> -> memref<8x4096xf32, #tpu.memory_space<hbm>>
      %dma_start3A_184 = arith.constant 32 : i32
      %dma_start3A_185 = arith.constant 0 : i32
      %dma_start3A_186 = tpu.memref_slice %arg3[%dma_start3A_184, %dma_start3A_185] : memref<64x4096xf32, #tpu.memory_space<hbm>> -> memref<8x4096xf32, #tpu.memory_space<hbm>>
      tpu.enqueue_dma source(%dma_start3A_186 : memref<8x4096xf32, #tpu.memory_space<hbm>>) target(%arg5 : memref<8x4096xf32, #tpu.memory_space<vmem>>) target_semaphore(%arg7 : memref<!tpu.dma_semaphore, #tpu.memory_space<semaphore_mem>>)
      %dma_wait3A_187 = arith.constant 24 : i32
      %dma_wait3A_188 = arith.constant 0 : i32
      %dma_wait3A_189 = tpu.memref_slice %arg3[%dma_wait3A_187, %dma_wait3A_188] : memref<64x4096xf32, #tpu.memory_space<hbm>> -> memref<8x4096xf32, #tpu.memory_space<hbm>>
      %dma_wait3A_190 = arith.constant 24 : i32
      %dma_wait3A_191 = arith.constant 0 : i32
      %dma_wait3A_192 = tpu.memref_slice %arg3[%dma_wait3A_190, %dma_wait3A_191] : memref<64x4096xf32, #tpu.memory_space<hbm>> -> memref<8x4096xf32, #tpu.memory_space<hbm>>
      tpu.wait_dma2 semaphore(%arg8 : memref<!tpu.dma_semaphore, #tpu.memory_space<semaphore_mem>>) src(%dma_wait3A_192 : memref<8x4096xf32, #tpu.memory_space<hbm>>) dst(%arg6 : memref<8x4096xf32, #tpu.memory_space<vmem>>)
      %dma_start3A_193 = arith.constant 200 : i32
      %dma_start3A_194 = arith.constant 0 : i32
      %dma_start3A_195 = arith.constant 0 : i32
      %dma_start3A_196 = tpu.memref_slice %arg4[%dma_start3A_193, %dma_start3A_194, %dma_start3A_195] : memref<201x64x4096xf32, #tpu.memory_space<hbm>> -> memref<1x64x4096xf32, #tpu.memory_space<hbm>>
      %dma_start3A_197 = tpu.memref_squeeze %dma_start3A_196 : memref<1x64x4096xf32, #tpu.memory_space<hbm>> -> memref<64x4096xf32, #tpu.memory_space<hbm>>
      %dma_start3A_198 = arith.constant 24 : i32
      %dma_start3A_199 = arith.constant 0 : i32
      %dma_start3A_200 = tpu.memref_slice %dma_start3A_197[%dma_start3A_198, %dma_start3A_199] : memref<64x4096xf32, #tpu.memory_space<hbm>> -> memref<8x4096xf32, #tpu.memory_space<hbm>>
      %dma_start3A_201 = arith.constant 0 : i32
      %dma_start3A_202 = arith.constant 0 : i32
      %dma_start3A_203 = tpu.memref_slice %arg4[%dma_start3A_193, %dma_start3A_201, %dma_start3A_202] : memref<201x64x4096xf32, #tpu.memory_space<hbm>> -> memref<1x64x4096xf32, #tpu.memory_space<hbm>>
      %dma_start3A_204 = tpu.memref_squeeze %dma_start3A_203 : memref<1x64x4096xf32, #tpu.memory_space<hbm>> -> memref<64x4096xf32, #tpu.memory_space<hbm>>
      %dma_start3A_205 = arith.constant 24 : i32
      %dma_start3A_206 = arith.constant 0 : i32
      %dma_start3A_207 = tpu.memref_slice %dma_start3A_204[%dma_start3A_205, %dma_start3A_206] : memref<64x4096xf32, #tpu.memory_space<hbm>> -> memref<8x4096xf32, #tpu.memory_space<hbm>>
      tpu.enqueue_dma source(%arg6 : memref<8x4096xf32, #tpu.memory_space<vmem>>) target(%dma_start3A_207 : memref<8x4096xf32, #tpu.memory_space<hbm>>) target_semaphore(%arg10 : memref<!tpu.dma_semaphore, #tpu.memory_space<semaphore_mem>>)
      %dma_wait3A_208 = arith.constant 200 : i32
      %dma_wait3A_209 = arith.constant 0 : i32
      %dma_wait3A_210 = arith.constant 0 : i32
      %dma_wait3A_211 = tpu.memref_slice %arg4[%dma_wait3A_208, %dma_wait3A_209, %dma_wait3A_210] : memref<201x64x4096xf32, #tpu.memory_space<hbm>> -> memref<1x64x4096xf32, #tpu.memory_space<hbm>>
      %dma_wait3A_212 = tpu.memref_squeeze %dma_wait3A_211 : memref<1x64x4096xf32, #tpu.memory_space<hbm>> -> memref<64x4096xf32, #tpu.memory_space<hbm>>
      %dma_wait3A_213 = arith.constant 24 : i32
      %dma_wait3A_214 = arith.constant 0 : i32
      %dma_wait3A_215 = tpu.memref_slice %dma_wait3A_212[%dma_wait3A_213, %dma_wait3A_214] : memref<64x4096xf32, #tpu.memory_space<hbm>> -> memref<8x4096xf32, #tpu.memory_space<hbm>>
      %dma_wait3A_216 = arith.constant 0 : i32
      %dma_wait3A_217 = arith.constant 0 : i32
      %dma_wait3A_218 = tpu.memref_slice %arg4[%dma_wait3A_208, %dma_wait3A_216, %dma_wait3A_217] : memref<201x64x4096xf32, #tpu.memory_space<hbm>> -> memref<1x64x4096xf32, #tpu.memory_space<hbm>>
      %dma_wait3A_219 = tpu.memref_squeeze %dma_wait3A_218 : memref<1x64x4096xf32, #tpu.memory_space<hbm>> -> memref<64x4096xf32, #tpu.memory_space<hbm>>
      %dma_wait3A_220 = arith.constant 24 : i32
      %dma_wait3A_221 = arith.constant 0 : i32
      %dma_wait3A_222 = tpu.memref_slice %dma_wait3A_219[%dma_wait3A_220, %dma_wait3A_221] : memref<64x4096xf32, #tpu.memory_space<hbm>> -> memref<8x4096xf32, #tpu.memory_space<hbm>>
      tpu.wait_dma2 semaphore(%arg10 : memref<!tpu.dma_semaphore, #tpu.memory_space<semaphore_mem>>) src(%arg6 : memref<8x4096xf32, #tpu.memory_space<vmem>>) dst(%dma_wait3A_222 : memref<8x4096xf32, #tpu.memory_space<hbm>>)
      %dma_start3A_223 = arith.constant 40 : i32
      %dma_start3A_224 = arith.constant 0 : i32
      %dma_start3A_225 = tpu.memref_slice %arg3[%dma_start3A_223, %dma_start3A_224] : memref<64x4096xf32, #tpu.memory_space<hbm>> -> memref<8x4096xf32, #tpu.memory_space<hbm>>
      %dma_start3A_226 = arith.constant 40 : i32
      %dma_start3A_227 = arith.constant 0 : i32
      %dma_start3A_228 = tpu.memref_slice %arg3[%dma_start3A_226, %dma_start3A_227] : memref<64x4096xf32, #tpu.memory_space<hbm>> -> memref<8x4096xf32, #tpu.memory_space<hbm>>
      tpu.enqueue_dma source(%dma_start3A_228 : memref<8x4096xf32, #tpu.memory_space<hbm>>) target(%arg6 : memref<8x4096xf32, #tpu.memory_space<vmem>>) target_semaphore(%arg8 : memref<!tpu.dma_semaphore, #tpu.memory_space<semaphore_mem>>)
      %dma_wait3A_229 = arith.constant 32 : i32
      %dma_wait3A_230 = arith.constant 0 : i32
      %dma_wait3A_231 = tpu.memref_slice %arg3[%dma_wait3A_229, %dma_wait3A_230] : memref<64x4096xf32, #tpu.memory_space<hbm>> -> memref<8x4096xf32, #tpu.memory_space<hbm>>
      %dma_wait3A_232 = arith.constant 32 : i32
      %dma_wait3A_233 = arith.constant 0 : i32
      %dma_wait3A_234 = tpu.memref_slice %arg3[%dma_wait3A_232, %dma_wait3A_233] : memref<64x4096xf32, #tpu.memory_space<hbm>> -> memref<8x4096xf32, #tpu.memory_space<hbm>>
      tpu.wait_dma2 semaphore(%arg7 : memref<!tpu.dma_semaphore, #tpu.memory_space<semaphore_mem>>) src(%dma_wait3A_234 : memref<8x4096xf32, #tpu.memory_space<hbm>>) dst(%arg5 : memref<8x4096xf32, #tpu.memory_space<vmem>>)
      %dma_start3A_235 = arith.constant 200 : i32
      %dma_start3A_236 = arith.constant 0 : i32
      %dma_start3A_237 = arith.constant 0 : i32
      %dma_start3A_238 = tpu.memref_slice %arg4[%dma_start3A_235, %dma_start3A_236, %dma_start3A_237] : memref<201x64x4096xf32, #tpu.memory_space<hbm>> -> memref<1x64x4096xf32, #tpu.memory_space<hbm>>
      %dma_start3A_239 = tpu.memref_squeeze %dma_start3A_238 : memref<1x64x4096xf32, #tpu.memory_space<hbm>> -> memref<64x4096xf32, #tpu.memory_space<hbm>>
      %dma_start3A_240 = arith.constant 32 : i32
      %dma_start3A_241 = arith.constant 0 : i32
      %dma_start3A_242 = tpu.memref_slice %dma_start3A_239[%dma_start3A_240, %dma_start3A_241] : memref<64x4096xf32, #tpu.memory_space<hbm>> -> memref<8x4096xf32, #tpu.memory_space<hbm>>
      %dma_start3A_243 = arith.constant 0 : i32
      %dma_start3A_244 = arith.constant 0 : i32
      %dma_start3A_245 = tpu.memref_slice %arg4[%dma_start3A_235, %dma_start3A_243, %dma_start3A_244] : memref<201x64x4096xf32, #tpu.memory_space<hbm>> -> memref<1x64x4096xf32, #tpu.memory_space<hbm>>
      %dma_start3A_246 = tpu.memref_squeeze %dma_start3A_245 : memref<1x64x4096xf32, #tpu.memory_space<hbm>> -> memref<64x4096xf32, #tpu.memory_space<hbm>>
      %dma_start3A_247 = arith.constant 32 : i32
      %dma_start3A_248 = arith.constant 0 : i32
      %dma_start3A_249 = tpu.memref_slice %dma_start3A_246[%dma_start3A_247, %dma_start3A_248] : memref<64x4096xf32, #tpu.memory_space<hbm>> -> memref<8x4096xf32, #tpu.memory_space<hbm>>
      tpu.enqueue_dma source(%arg5 : memref<8x4096xf32, #tpu.memory_space<vmem>>) target(%dma_start3A_249 : memref<8x4096xf32, #tpu.memory_space<hbm>>) target_semaphore(%arg9 : memref<!tpu.dma_semaphore, #tpu.memory_space<semaphore_mem>>)
      %dma_wait3A_250 = arith.constant 200 : i32
      %dma_wait3A_251 = arith.constant 0 : i32
      %dma_wait3A_252 = arith.constant 0 : i32
      %dma_wait3A_253 = tpu.memref_slice %arg4[%dma_wait3A_250, %dma_wait3A_251, %dma_wait3A_252] : memref<201x64x4096xf32, #tpu.memory_space<hbm>> -> memref<1x64x4096xf32, #tpu.memory_space<hbm>>
      %dma_wait3A_254 = tpu.memref_squeeze %dma_wait3A_253 : memref<1x64x4096xf32, #tpu.memory_space<hbm>> -> memref<64x4096xf32, #tpu.memory_space<hbm>>
      %dma_wait3A_255 = arith.constant 32 : i32
      %dma_wait3A_256 = arith.constant 0 : i32
      %dma_wait3A_257 = tpu.memref_slice %dma_wait3A_254[%dma_wait3A_255, %dma_wait3A_256] : memref<64x4096xf32, #tpu.memory_space<hbm>> -> memref<8x4096xf32, #tpu.memory_space<hbm>>
      %dma_wait3A_258 = arith.constant 0 : i32
      %dma_wait3A_259 = arith.constant 0 : i32
      %dma_wait3A_260 = tpu.memref_slice %arg4[%dma_wait3A_250, %dma_wait3A_258, %dma_wait3A_259] : memref<201x64x4096xf32, #tpu.memory_space<hbm>> -> memref<1x64x4096xf32, #tpu.memory_space<hbm>>
      %dma_wait3A_261 = tpu.memref_squeeze %dma_wait3A_260 : memref<1x64x4096xf32, #tpu.memory_space<hbm>> -> memref<64x4096xf32, #tpu.memory_space<hbm>>
      %dma_wait3A_262 = arith.constant 32 : i32
      %dma_wait3A_263 = arith.constant 0 : i32
      %dma_wait3A_264 = tpu.memref_slice %dma_wait3A_261[%dma_wait3A_262, %dma_wait3A_263] : memref<64x4096xf32, #tpu.memory_space<hbm>> -> memref<8x4096xf32, #tpu.memory_space<hbm>>
      tpu.wait_dma2 semaphore(%arg9 : memref<!tpu.dma_semaphore, #tpu.memory_space<semaphore_mem>>) src(%arg5 : memref<8x4096xf32, #tpu.memory_space<vmem>>) dst(%dma_wait3A_264 : memref<8x4096xf32, #tpu.memory_space<hbm>>)
      %dma_start3A_265 = arith.constant 48 : i32
      %dma_start3A_266 = arith.constant 0 : i32
      %dma_start3A_267 = tpu.memref_slice %arg3[%dma_start3A_265, %dma_start3A_266] : memref<64x4096xf32, #tpu.memory_space<hbm>> -> memref<8x4096xf32, #tpu.memory_space<hbm>>
      %dma_start3A_268 = arith.constant 48 : i32
      %dma_start3A_269 = arith.constant 0 : i32
      %dma_start3A_270 = tpu.memref_slice %arg3[%dma_start3A_268, %dma_start3A_269] : memref<64x4096xf32, #tpu.memory_space<hbm>> -> memref<8x4096xf32, #tpu.memory_space<hbm>>
      tpu.enqueue_dma source(%dma_start3A_270 : memref<8x4096xf32, #tpu.memory_space<hbm>>) target(%arg5 : memref<8x4096xf32, #tpu.memory_space<vmem>>) target_semaphore(%arg7 : memref<!tpu.dma_semaphore, #tpu.memory_space<semaphore_mem>>)
      %dma_wait3A_271 = arith.constant 40 : i32
      %dma_wait3A_272 = arith.constant 0 : i32
      %dma_wait3A_273 = tpu.memref_slice %arg3[%dma_wait3A_271, %dma_wait3A_272] : memref<64x4096xf32, #tpu.memory_space<hbm>> -> memref<8x4096xf32, #tpu.memory_space<hbm>>
      %dma_wait3A_274 = arith.constant 40 : i32
      %dma_wait3A_275 = arith.constant 0 : i32
      %dma_wait3A_276 = tpu.memref_slice %arg3[%dma_wait3A_274, %dma_wait3A_275] : memref<64x4096xf32, #tpu.memory_space<hbm>> -> memref<8x4096xf32, #tpu.memory_space<hbm>>
      tpu.wait_dma2 semaphore(%arg8 : memref<!tpu.dma_semaphore, #tpu.memory_space<semaphore_mem>>) src(%dma_wait3A_276 : memref<8x4096xf32, #tpu.memory_space<hbm>>) dst(%arg6 : memref<8x4096xf32, #tpu.memory_space<vmem>>)
      %dma_start3A_277 = arith.constant 200 : i32
      %dma_start3A_278 = arith.constant 0 : i32
      %dma_start3A_279 = arith.constant 0 : i32
      %dma_start3A_280 = tpu.memref_slice %arg4[%dma_start3A_277, %dma_start3A_278, %dma_start3A_279] : memref<201x64x4096xf32, #tpu.memory_space<hbm>> -> memref<1x64x4096xf32, #tpu.memory_space<hbm>>
      %dma_start3A_281 = tpu.memref_squeeze %dma_start3A_280 : memref<1x64x4096xf32, #tpu.memory_space<hbm>> -> memref<64x4096xf32, #tpu.memory_space<hbm>>
      %dma_start3A_282 = arith.constant 40 : i32
      %dma_start3A_283 = arith.constant 0 : i32
      %dma_start3A_284 = tpu.memref_slice %dma_start3A_281[%dma_start3A_282, %dma_start3A_283] : memref<64x4096xf32, #tpu.memory_space<hbm>> -> memref<8x4096xf32, #tpu.memory_space<hbm>>
      %dma_start3A_285 = arith.constant 0 : i32
      %dma_start3A_286 = arith.constant 0 : i32
      %dma_start3A_287 = tpu.memref_slice %arg4[%dma_start3A_277, %dma_start3A_285, %dma_start3A_286] : memref<201x64x4096xf32, #tpu.memory_space<hbm>> -> memref<1x64x4096xf32, #tpu.memory_space<hbm>>
      %dma_start3A_288 = tpu.memref_squeeze %dma_start3A_287 : memref<1x64x4096xf32, #tpu.memory_space<hbm>> -> memref<64x4096xf32, #tpu.memory_space<hbm>>
      %dma_start3A_289 = arith.constant 40 : i32
      %dma_start3A_290 = arith.constant 0 : i32
      %dma_start3A_291 = tpu.memref_slice %dma_start3A_288[%dma_start3A_289, %dma_start3A_290] : memref<64x4096xf32, #tpu.memory_space<hbm>> -> memref<8x4096xf32, #tpu.memory_space<hbm>>
      tpu.enqueue_dma source(%arg6 : memref<8x4096xf32, #tpu.memory_space<vmem>>) target(%dma_start3A_291 : memref<8x4096xf32, #tpu.memory_space<hbm>>) target_semaphore(%arg10 : memref<!tpu.dma_semaphore, #tpu.memory_space<semaphore_mem>>)
      %dma_wait3A_292 = arith.constant 200 : i32
      %dma_wait3A_293 = arith.constant 0 : i32
      %dma_wait3A_294 = arith.constant 0 : i32
      %dma_wait3A_295 = tpu.memref_slice %arg4[%dma_wait3A_292, %dma_wait3A_293, %dma_wait3A_294] : memref<201x64x4096xf32, #tpu.memory_space<hbm>> -> memref<1x64x4096xf32, #tpu.memory_space<hbm>>
      %dma_wait3A_296 = tpu.memref_squeeze %dma_wait3A_295 : memref<1x64x4096xf32, #tpu.memory_space<hbm>> -> memref<64x4096xf32, #tpu.memory_space<hbm>>
      %dma_wait3A_297 = arith.constant 40 : i32
      %dma_wait3A_298 = arith.constant 0 : i32
      %dma_wait3A_299 = tpu.memref_slice %dma_wait3A_296[%dma_wait3A_297, %dma_wait3A_298] : memref<64x4096xf32, #tpu.memory_space<hbm>> -> memref<8x4096xf32, #tpu.memory_space<hbm>>
      %dma_wait3A_300 = arith.constant 0 : i32
      %dma_wait3A_301 = arith.constant 0 : i32
      %dma_wait3A_302 = tpu.memref_slice %arg4[%dma_wait3A_292, %dma_wait3A_300, %dma_wait3A_301] : memref<201x64x4096xf32, #tpu.memory_space<hbm>> -> memref<1x64x4096xf32, #tpu.memory_space<hbm>>
      %dma_wait3A_303 = tpu.memref_squeeze %dma_wait3A_302 : memref<1x64x4096xf32, #tpu.memory_space<hbm>> -> memref<64x4096xf32, #tpu.memory_space<hbm>>
      %dma_wait3A_304 = arith.constant 40 : i32
      %dma_wait3A_305 = arith.constant 0 : i32
      %dma_wait3A_306 = tpu.memref_slice %dma_wait3A_303[%dma_wait3A_304, %dma_wait3A_305] : memref<64x4096xf32, #tpu.memory_space<hbm>> -> memref<8x4096xf32, #tpu.memory_space<hbm>>
      tpu.wait_dma2 semaphore(%arg10 : memref<!tpu.dma_semaphore, #tpu.memory_space<semaphore_mem>>) src(%arg6 : memref<8x4096xf32, #tpu.memory_space<vmem>>) dst(%dma_wait3A_306 : memref<8x4096xf32, #tpu.memory_space<hbm>>)
      %dma_start3A_307 = arith.constant 56 : i32
      %dma_start3A_308 = arith.constant 0 : i32
      %dma_start3A_309 = tpu.memref_slice %arg3[%dma_start3A_307, %dma_start3A_308] : memref<64x4096xf32, #tpu.memory_space<hbm>> -> memref<8x4096xf32, #tpu.memory_space<hbm>>
      %dma_start3A_310 = arith.constant 56 : i32
      %dma_start3A_311 = arith.constant 0 : i32
      %dma_start3A_312 = tpu.memref_slice %arg3[%dma_start3A_310, %dma_start3A_311] : memref<64x4096xf32, #tpu.memory_space<hbm>> -> memref<8x4096xf32, #tpu.memory_space<hbm>>
      tpu.enqueue_dma source(%dma_start3A_312 : memref<8x4096xf32, #tpu.memory_space<hbm>>) target(%arg6 : memref<8x4096xf32, #tpu.memory_space<vmem>>) target_semaphore(%arg8 : memref<!tpu.dma_semaphore, #tpu.memory_space<semaphore_mem>>)
      %dma_wait3A_313 = arith.constant 48 : i32
      %dma_wait3A_314 = arith.constant 0 : i32
      %dma_wait3A_315 = tpu.memref_slice %arg3[%dma_wait3A_313, %dma_wait3A_314] : memref<64x4096xf32, #tpu.memory_space<hbm>> -> memref<8x4096xf32, #tpu.memory_space<hbm>>
      %dma_wait3A_316 = arith.constant 48 : i32
      %dma_wait3A_317 = arith.constant 0 : i32
      %dma_wait3A_318 = tpu.memref_slice %arg3[%dma_wait3A_316, %dma_wait3A_317] : memref<64x4096xf32, #tpu.memory_space<hbm>> -> memref<8x4096xf32, #tpu.memory_space<hbm>>
      tpu.wait_dma2 semaphore(%arg7 : memref<!tpu.dma_semaphore, #tpu.memory_space<semaphore_mem>>) src(%dma_wait3A_318 : memref<8x4096xf32, #tpu.memory_space<hbm>>) dst(%arg5 : memref<8x4096xf32, #tpu.memory_space<vmem>>)
      %dma_start3A_319 = arith.constant 200 : i32
      %dma_start3A_320 = arith.constant 0 : i32
      %dma_start3A_321 = arith.constant 0 : i32
      %dma_start3A_322 = tpu.memref_slice %arg4[%dma_start3A_319, %dma_start3A_320, %dma_start3A_321] : memref<201x64x4096xf32, #tpu.memory_space<hbm>> -> memref<1x64x4096xf32, #tpu.memory_space<hbm>>
      %dma_start3A_323 = tpu.memref_squeeze %dma_start3A_322 : memref<1x64x4096xf32, #tpu.memory_space<hbm>> -> memref<64x4096xf32, #tpu.memory_space<hbm>>
      %dma_start3A_324 = arith.constant 48 : i32
      %dma_start3A_325 = arith.constant 0 : i32
      %dma_start3A_326 = tpu.memref_slice %dma_start3A_323[%dma_start3A_324, %dma_start3A_325] : memref<64x4096xf32, #tpu.memory_space<hbm>> -> memref<8x4096xf32, #tpu.memory_space<hbm>>
      %dma_start3A_327 = arith.constant 0 : i32
      %dma_start3A_328 = arith.constant 0 : i32
      %dma_start3A_329 = tpu.memref_slice %arg4[%dma_start3A_319, %dma_start3A_327, %dma_start3A_328] : memref<201x64x4096xf32, #tpu.memory_space<hbm>> -> memref<1x64x4096xf32, #tpu.memory_space<hbm>>
      %dma_start3A_330 = tpu.memref_squeeze %dma_start3A_329 : memref<1x64x4096xf32, #tpu.memory_space<hbm>> -> memref<64x4096xf32, #tpu.memory_space<hbm>>
      %dma_start3A_331 = arith.constant 48 : i32
      %dma_start3A_332 = arith.constant 0 : i32
      %dma_start3A_333 = tpu.memref_slice %dma_start3A_330[%dma_start3A_331, %dma_start3A_332] : memref<64x4096xf32, #tpu.memory_space<hbm>> -> memref<8x4096xf32, #tpu.memory_space<hbm>>
      tpu.enqueue_dma source(%arg5 : memref<8x4096xf32, #tpu.memory_space<vmem>>) target(%dma_start3A_333 : memref<8x4096xf32, #tpu.memory_space<hbm>>) target_semaphore(%arg9 : memref<!tpu.dma_semaphore, #tpu.memory_space<semaphore_mem>>)
      %dma_wait3A_334 = arith.constant 56 : i32
      %dma_wait3A_335 = arith.constant 0 : i32
      %dma_wait3A_336 = tpu.memref_slice %arg3[%dma_wait3A_334, %dma_wait3A_335] : memref<64x4096xf32, #tpu.memory_space<hbm>> -> memref<8x4096xf32, #tpu.memory_space<hbm>>
      %dma_wait3A_337 = arith.constant 56 : i32
      %dma_wait3A_338 = arith.constant 0 : i32
      %dma_wait3A_339 = tpu.memref_slice %arg3[%dma_wait3A_337, %dma_wait3A_338] : memref<64x4096xf32, #tpu.memory_space<hbm>> -> memref<8x4096xf32, #tpu.memory_space<hbm>>
      tpu.wait_dma2 semaphore(%arg8 : memref<!tpu.dma_semaphore, #tpu.memory_space<semaphore_mem>>) src(%dma_wait3A_339 : memref<8x4096xf32, #tpu.memory_space<hbm>>) dst(%arg6 : memref<8x4096xf32, #tpu.memory_space<vmem>>)
      %dma_start3A_340 = arith.constant 200 : i32
      %dma_start3A_341 = arith.constant 0 : i32
      %dma_start3A_342 = arith.constant 0 : i32
      %dma_start3A_343 = tpu.memref_slice %arg4[%dma_start3A_340, %dma_start3A_341, %dma_start3A_342] : memref<201x64x4096xf32, #tpu.memory_space<hbm>> -> memref<1x64x4096xf32, #tpu.memory_space<hbm>>
      %dma_start3A_344 = tpu.memref_squeeze %dma_start3A_343 : memref<1x64x4096xf32, #tpu.memory_space<hbm>> -> memref<64x4096xf32, #tpu.memory_space<hbm>>
      %dma_start3A_345 = arith.constant 56 : i32
      %dma_start3A_346 = arith.constant 0 : i32
      %dma_start3A_347 = tpu.memref_slice %dma_start3A_344[%dma_start3A_345, %dma_start3A_346] : memref<64x4096xf32, #tpu.memory_space<hbm>> -> memref<8x4096xf32, #tpu.memory_space<hbm>>
      %dma_start3A_348 = arith.constant 0 : i32
      %dma_start3A_349 = arith.constant 0 : i32
      %dma_start3A_350 = tpu.memref_slice %arg4[%dma_start3A_340, %dma_start3A_348, %dma_start3A_349] : memref<201x64x4096xf32, #tpu.memory_space<hbm>> -> memref<1x64x4096xf32, #tpu.memory_space<hbm>>
      %dma_start3A_351 = tpu.memref_squeeze %dma_start3A_350 : memref<1x64x4096xf32, #tpu.memory_space<hbm>> -> memref<64x4096xf32, #tpu.memory_space<hbm>>
      %dma_start3A_352 = arith.constant 56 : i32
      %dma_start3A_353 = arith.constant 0 : i32
      %dma_start3A_354 = tpu.memref_slice %dma_start3A_351[%dma_start3A_352, %dma_start3A_353] : memref<64x4096xf32, #tpu.memory_space<hbm>> -> memref<8x4096xf32, #tpu.memory_space<hbm>>
      tpu.enqueue_dma source(%arg6 : memref<8x4096xf32, #tpu.memory_space<vmem>>) target(%dma_start3A_354 : memref<8x4096xf32, #tpu.memory_space<hbm>>) target_semaphore(%arg10 : memref<!tpu.dma_semaphore, #tpu.memory_space<semaphore_mem>>)
      %dma_wait3A_355 = arith.constant 200 : i32
      %dma_wait3A_356 = arith.constant 0 : i32
      %dma_wait3A_357 = arith.constant 0 : i32
      %dma_wait3A_358 = tpu.memref_slice %arg4[%dma_wait3A_355, %dma_wait3A_356, %dma_wait3A_357] : memref<201x64x4096xf32, #tpu.memory_space<hbm>> -> memref<1x64x4096xf32, #tpu.memory_space<hbm>>
      %dma_wait3A_359 = tpu.memref_squeeze %dma_wait3A_358 : memref<1x64x4096xf32, #tpu.memory_space<hbm>> -> memref<64x4096xf32, #tpu.memory_space<hbm>>
      %dma_wait3A_360 = arith.constant 48 : i32
      %dma_wait3A_361 = arith.constant 0 : i32
      %dma_wait3A_362 = tpu.memref_slice %dma_wait3A_359[%dma_wait3A_360, %dma_wait3A_361] : memref<64x4096xf32, #tpu.memory_space<hbm>> -> memref<8x4096xf32, #tpu.memory_space<hbm>>
      %dma_wait3A_363 = arith.constant 0 : i32
      %dma_wait3A_364 = arith.constant 0 : i32
      %dma_wait3A_365 = tpu.memref_slice %arg4[%dma_wait3A_355, %dma_wait3A_363, %dma_wait3A_364] : memref<201x64x4096xf32, #tpu.memory_space<hbm>> -> memref<1x64x4096xf32, #tpu.memory_space<hbm>>
      %dma_wait3A_366 = tpu.memref_squeeze %dma_wait3A_365 : memref<1x64x4096xf32, #tpu.memory_space<hbm>> -> memref<64x4096xf32, #tpu.memory_space<hbm>>
      %dma_wait3A_367 = arith.constant 48 : i32
      %dma_wait3A_368 = arith.constant 0 : i32
      %dma_wait3A_369 = tpu.memref_slice %dma_wait3A_366[%dma_wait3A_367, %dma_wait3A_368] : memref<64x4096xf32, #tpu.memory_space<hbm>> -> memref<8x4096xf32, #tpu.memory_space<hbm>>
      tpu.wait_dma2 semaphore(%arg9 : memref<!tpu.dma_semaphore, #tpu.memory_space<semaphore_mem>>) src(%arg5 : memref<8x4096xf32, #tpu.memory_space<vmem>>) dst(%dma_wait3A_369 : memref<8x4096xf32, #tpu.memory_space<hbm>>)
      %dma_wait3A_370 = arith.constant 200 : i32
      %dma_wait3A_371 = arith.constant 0 : i32
      %dma_wait3A_372 = arith.constant 0 : i32
      %dma_wait3A_373 = tpu.memref_slice %arg4[%dma_wait3A_370, %dma_wait3A_371, %dma_wait3A_372] : memref<201x64x4096xf32, #tpu.memory_space<hbm>> -> memref<1x64x4096xf32, #tpu.memory_space<hbm>>
      %dma_wait3A_374 = tpu.memref_squeeze %dma_wait3A_373 : memref<1x64x4096xf32, #tpu.memory_space<hbm>> -> memref<64x4096xf32, #tpu.memory_space<hbm>>
      %dma_wait3A_375 = arith.constant 56 : i32
      %dma_wait3A_376 = arith.constant 0 : i32
      %dma_wait3A_377 = tpu.memref_slice %dma_wait3A_374[%dma_wait3A_375, %dma_wait3A_376] : memref<64x4096xf32, #tpu.memory_space<hbm>> -> memref<8x4096xf32, #tpu.memory_space<hbm>>
      %dma_wait3A_378 = arith.constant 0 : i32
      %dma_wait3A_379 = arith.constant 0 : i32
      %dma_wait3A_380 = tpu.memref_slice %arg4[%dma_wait3A_370, %dma_wait3A_378, %dma_wait3A_379] : memref<201x64x4096xf32, #tpu.memory_space<hbm>> -> memref<1x64x4096xf32, #tpu.memory_space<hbm>>
      %dma_wait3A_381 = tpu.memref_squeeze %dma_wait3A_380 : memref<1x64x4096xf32, #tpu.memory_space<hbm>> -> memref<64x4096xf32, #tpu.memory_space<hbm>>
      %dma_wait3A_382 = arith.constant 56 : i32
      %dma_wait3A_383 = arith.constant 0 : i32
      %dma_wait3A_384 = tpu.memref_slice %dma_wait3A_381[%dma_wait3A_382, %dma_wait3A_383] : memref<64x4096xf32, #tpu.memory_space<hbm>> -> memref<8x4096xf32, #tpu.memory_space<hbm>>
      tpu.wait_dma2 semaphore(%arg10 : memref<!tpu.dma_semaphore, #tpu.memory_space<semaphore_mem>>) src(%arg6 : memref<8x4096xf32, #tpu.memory_space<vmem>>) dst(%dma_wait3A_384 : memref<8x4096xf32, #tpu.memory_space<hbm>>)
    } else {
    }
    return
  }
}

module attributes {stable_mosaic.version = 14 : i64} {
  func.func @_tc_body(%arg0: i32, %arg1: memref<64x128xf32, #tpu.memory_space<vmem>>, %arg2: memref<64x128xf32, #tpu.memory_space<vmem>>, %arg3: memref<200x64x128xf32, #tpu.memory_space<vmem>>, %arg4: memref<200x64x128xf32, #tpu.memory_space<vmem>>, %arg5: memref<1x128xf32, #tpu.memory_space<vmem>>, %arg6: memref<1x128xi32, #tpu.memory_space<vmem>>, %arg7: memref<1x2xf32, #tpu.memory_space<vmem>>, %arg8: memref<201x64x128xf32, #tpu.memory_space<vmem>>, %arg9: memref<65x128xf32, #tpu.memory_space<vmem>>) attributes {dimension_semantics = [#tpu.dimension_semantics<arbitrary>], iteration_bounds = array<i64: 32>, scalar_prefetch = 0 : i64, scratch_operands = 0 : i64, tpu.core_type = #tpu.core_type<tc>, window_params = [{transform_indices = @transform_0, window_bounds = array<i64: 64, 128>}, {transform_indices = @transform_1, window_bounds = array<i64: 64, 128>}, {transform_indices = @transform_2, window_bounds = array<i64: 200, 64, 128>}, {transform_indices = @transform_3, window_bounds = array<i64: 200, 64, 128>}, {transform_indices = @transform_4, window_bounds = array<i64: 1, 128>}, {transform_indices = @transform_5, window_bounds = array<i64: 1, 128>}, {pipeline_mode = #tpu.pipeline_mode<synchronous>, transform_indices = @transform_6, window_bounds = array<i64: 1, 2>}, {transform_indices = @transform_7, window_bounds = array<i64: 201, 64, 128>}, {transform_indices = @transform_8, window_bounds = array<i64: 65, 128>}]} {
    %get3A = arith.constant 0 : index
    %get3A_0 = arith.constant 0 : index
    %get3A_1 = arith.constant 0 : index
    %get3A_2 = vector.load %arg3[%get3A, %get3A_0, %get3A_1] : memref<200x64x128xf32, #tpu.memory_space<vmem>>, vector<200x64x128xf32>
    %get3A_3 = arith.constant 0 : index
    %get3A_4 = arith.constant 0 : index
    %get3A_5 = arith.constant 0 : index
    %get3A_6 = vector.load %arg4[%get3A_3, %get3A_4, %get3A_5] : memref<200x64x128xf32, #tpu.memory_space<vmem>>, vector<200x64x128xf32>
    %get3A_7 = arith.constant 0 : index
    %get3A_8 = arith.constant 0 : index
    %get3A_9 = vector.load %arg2[%get3A_7, %get3A_8] : memref<64x128xf32, #tpu.memory_space<vmem>>, vector<64x128xf32>
    %get3A_10 = arith.constant 0 : index
    %get3A_11 = arith.constant 0 : index
    %get3A_12 = vector.load %arg6[%get3A_10, %get3A_11] : memref<1x128xi32, #tpu.memory_space<vmem>>, vector<1x128xi32>
    %get3A_13 = arith.constant 0 : index
    %get3A_14 = arith.constant 0 : index
    %get3A_15 = vector.load %arg7[%get3A_13, %get3A_14] : memref<1x2xf32, #tpu.memory_space<vmem>>, vector<1x1xf32>
    %get3A_16 = vector.extract %get3A_15[0, 0] : f32 from vector<1x1xf32>
    %get3A_17 = arith.constant 0 : index
    %get3A_18 = arith.constant 1 : index
    %get3A_19 = vector.load %arg7[%get3A_17, %get3A_18] : memref<1x2xf32, #tpu.memory_space<vmem>>, vector<1x1xf32>
    %get3A_20 = vector.extract %get3A_19[0, 0] : f32 from vector<1x1xf32>
    %iota3A = tpu.iota {dimensions = array<i32: 0>} : vector<200x128xi32>
    %le3A = vector.broadcast %get3A_12 : vector<1x128xi32> to vector<200x128xi32>
    %le3A_21 = arith.cmpi sle, %iota3A, %le3A : vector<200x128xi32>
    %broadcast_in_dim3A = vector.shape_cast %get3A_9 : vector<64x128xf32> to vector<1x64x128xf32>
    %mul3A = vector.broadcast %broadcast_in_dim3A : vector<1x64x128xf32> to vector<200x64x128xf32>
    %mul3A_22 = arith.mulf %get3A_6, %mul3A : vector<200x64x128xf32>
    %reduce_sum3A = arith.constant dense<0.000000e+00> : vector<200x128xf32>
    %reduce_sum3A_23 = vector.multi_reduction <add>, %mul3A_22, %reduce_sum3A [1] : vector<200x64x128xf32> to vector<200x128xf32>
    %jit3A = arith.constant 0.000000e+00 : f32
    %broadcast_in_dim3A_24 = vector.broadcast %jit3A : f32 to vector<200x128xf32>
    %select_n3A = arith.select %le3A_21, %reduce_sum3A_23, %broadcast_in_dim3A_24 : vector<200x128xi1>, vector<200x128xf32>
    %reduce_max3A = arith.constant dense<0xFF800000> : vector<128xf32>
    %reduce_max3A_25 = vector.multi_reduction <maximumf>, %select_n3A, %reduce_max3A [0] : vector<200x128xf32> to vector<128xf32>
    %broadcast_in_dim3A_26 = vector.shape_cast %reduce_max3A_25 : vector<128xf32> to vector<1x128xf32>
    %sub3A = vector.broadcast %broadcast_in_dim3A_26 : vector<1x128xf32> to vector<200x128xf32>
    %sub3A_27 = arith.subf %select_n3A, %sub3A : vector<200x128xf32>
    %exp3A = math.exp %sub3A_27 : vector<200x128xf32>
    %reduce_sum3A_28 = arith.constant dense<0.000000e+00> : vector<128xf32>
    %reduce_sum3A_29 = vector.multi_reduction <add>, %exp3A, %reduce_sum3A_28 [0] : vector<200x128xf32> to vector<128xf32>
    %broadcast_in_dim3A_30 = vector.shape_cast %reduce_sum3A_29 : vector<128xf32> to vector<1x128xf32>
    %div3A = vector.broadcast %broadcast_in_dim3A_30 : vector<1x128xf32> to vector<200x128xf32>
    %div3A_31 = arith.divf %exp3A, %div3A : vector<200x128xf32>
    %mul3A_32 = vector.broadcast %get3A_16 : f32 to vector<200x128xf32>
    %mul3A_33 = arith.mulf %select_n3A, %mul3A_32 : vector<200x128xf32>
    %add3A = vector.broadcast %get3A_20 : f32 to vector<200x128xf32>
    %add3A_34 = arith.addf %mul3A_33, %add3A : vector<200x128xf32>
    %logistic3A = arith.negf %add3A_34 : vector<200x128xf32>
    %logistic3A_35 = math.exp %logistic3A : vector<200x128xf32>
    %logistic3A_36 = arith.constant 1.000000e+00 : f32
    %logistic3A_37 = vector.broadcast %logistic3A_36 : f32 to vector<200x128xf32>
    %logistic3A_38 = arith.addf %logistic3A_37, %logistic3A_35 : vector<200x128xf32>
    %logistic3A_39 = arith.divf %logistic3A_37, %logistic3A_38 : vector<200x128xf32>
    %broadcast_in_dim3A_40 = vector.shape_cast %div3A_31 : vector<200x128xf32> to vector<200x1x128xf32>
    %mul3A_41 = vector.broadcast %broadcast_in_dim3A_40 : vector<200x1x128xf32> to vector<200x64x128xf32>
    %mul3A_42 = arith.mulf %mul3A_41, %get3A_2 : vector<200x64x128xf32>
    %reduce_sum3A_43 = arith.constant dense<0.000000e+00> : vector<64x128xf32>
    %reduce_sum3A_44 = vector.multi_reduction <add>, %mul3A_42, %reduce_sum3A_43 [0] : vector<200x64x128xf32> to vector<64x128xf32>
    %mul3A_45 = arith.mulf %div3A_31, %logistic3A_39 : vector<200x128xf32>
    %reduce_sum3A_46 = arith.constant dense<0.000000e+00> : vector<128xf32>
    %reduce_sum3A_47 = vector.multi_reduction <add>, %mul3A_45, %reduce_sum3A_46 [0] : vector<200x128xf32> to vector<128xf32>
    %broadcast_in_dim3A_48 = vector.shape_cast %reduce_sum3A_47 : vector<128xf32> to vector<1x128xf32>
    %get3A_49 = arith.constant 0 : index
    %get3A_50 = arith.constant 0 : index
    %get3A_51 = vector.load %arg5[%get3A_49, %get3A_50] : memref<1x128xf32, #tpu.memory_space<vmem>>, vector<1x128xf32>
    %logistic3A_52 = arith.negf %get3A_51 : vector<1x128xf32>
    %logistic3A_53 = math.exp %logistic3A_52 : vector<1x128xf32>
    %logistic3A_54 = arith.constant 1.000000e+00 : f32
    %logistic3A_55 = vector.broadcast %logistic3A_54 : f32 to vector<1x128xf32>
    %logistic3A_56 = arith.addf %logistic3A_55, %logistic3A_53 : vector<1x128xf32>
    %logistic3A_57 = arith.divf %logistic3A_55, %logistic3A_56 : vector<1x128xf32>
    %gt3A = arith.constant 1 : i32
    %gt3A_58 = vector.broadcast %gt3A : i32 to vector<1x128xi32>
    %gt3A_59 = arith.cmpi sgt, %get3A_12, %gt3A_58 : vector<1x128xi32>
    %convert_element_type3A = arith.extui %gt3A_59 : vector<1x128xi1> to vector<1x128xi32>
    %convert_element_type3A_60 = arith.sitofp %convert_element_type3A : vector<1x128xi32> to vector<1x128xf32>
    %mul3A_61 = arith.mulf %logistic3A_57, %convert_element_type3A_60 : vector<1x128xf32>
    %mul3A_62 = vector.broadcast %mul3A_61 : vector<1x128xf32> to vector<64x128xf32>
    %mul3A_63 = arith.mulf %reduce_sum3A_44, %mul3A_62 : vector<64x128xf32>
    %swap3A = arith.constant 0 : index
    %swap3A_64 = arith.constant 0 : index
    %swap3A_65 = vector.load %arg9[%swap3A, %swap3A_64] : memref<65x128xf32, #tpu.memory_space<vmem>>, vector<64x128xf32>
    tpu.vector_store %arg9[%swap3A, %swap3A_64], %mul3A_63 {strides = array<i32>} : memref<65x128xf32, #tpu.memory_space<vmem>>, vector<64x128xf32>,
    %mul3A_66 = arith.mulf %broadcast_in_dim3A_48, %mul3A_61 : vector<1x128xf32>
    %swap3A_67 = arith.constant 64 : index
    %swap3A_68 = arith.constant 0 : index
    %swap3A_69 = vector.load %arg9[%swap3A_67, %swap3A_68] : memref<65x128xf32, #tpu.memory_space<vmem>>, vector<1x128xf32>
    tpu.vector_store %arg9[%swap3A_67, %swap3A_68], %mul3A_66 {strides = array<i32>} : memref<65x128xf32, #tpu.memory_space<vmem>>, vector<1x128xf32>,
    %swap3A_70 = arith.constant 0 : index
    %swap3A_71 = arith.constant 0 : index
    %swap3A_72 = arith.constant 0 : index
    %swap3A_73 = vector.load %arg8[%swap3A_70, %swap3A_71, %swap3A_72] : memref<201x64x128xf32, #tpu.memory_space<vmem>>, vector<200x64x128xf32>
    tpu.vector_store %arg8[%swap3A_70, %swap3A_71, %swap3A_72], %get3A_6 {strides = array<i32>} : memref<201x64x128xf32, #tpu.memory_space<vmem>>, vector<200x64x128xf32>,
    %broadcast_in_dim3A_74 = vector.shape_cast %get3A_9 : vector<64x128xf32> to vector<1x64x128xf32>
    %swap3A_75 = arith.constant 200 : index
    %swap3A_76 = arith.constant 0 : index
    %swap3A_77 = arith.constant 0 : index
    %swap3A_78 = vector.load %arg8[%swap3A_75, %swap3A_76, %swap3A_77] : memref<201x64x128xf32, #tpu.memory_space<vmem>>, vector<1x64x128xf32>
    tpu.vector_store %arg8[%swap3A_75, %swap3A_76, %swap3A_77], %broadcast_in_dim3A_74 {strides = array<i32>} : memref<201x64x128xf32, #tpu.memory_space<vmem>>, vector<1x64x128xf32>,
    return
  }
  func.func @transform_0(%arg0: i32) -> (i32, i32) {
    %c0_i32 = arith.constant 0 : i32
    %c0_i32_0 = arith.constant 0 : i32
    return %c0_i32, %arg0 : i32, i32
  }
  func.func @transform_1(%arg0: i32) -> (i32, i32) {
    %c0_i32 = arith.constant 0 : i32
    %c0_i32_0 = arith.constant 0 : i32
    return %c0_i32, %arg0 : i32, i32
  }
  func.func @transform_2(%arg0: i32) -> (i32, i32, i32) {
    %c0_i32 = arith.constant 0 : i32
    %c0_i32_0 = arith.constant 0 : i32
    %c0_i32_1 = arith.constant 0 : i32
    return %c0_i32, %c0_i32_0, %arg0 : i32, i32, i32
  }
  func.func @transform_3(%arg0: i32) -> (i32, i32, i32) {
    %c0_i32 = arith.constant 0 : i32
    %c0_i32_0 = arith.constant 0 : i32
    %c0_i32_1 = arith.constant 0 : i32
    return %c0_i32, %c0_i32_0, %arg0 : i32, i32, i32
  }
  func.func @transform_4(%arg0: i32) -> (i32, i32) {
    %c0_i32 = arith.constant 0 : i32
    %c0_i32_0 = arith.constant 0 : i32
    return %c0_i32, %arg0 : i32, i32
  }
  func.func @transform_5(%arg0: i32) -> (i32, i32) {
    %c0_i32 = arith.constant 0 : i32
    %c0_i32_0 = arith.constant 0 : i32
    return %c0_i32, %arg0 : i32, i32
  }
  func.func @transform_6(%arg0: i32) -> (i32, i32) {
    %c0_i32 = arith.constant 0 : i32
    %c0_i32_0 = arith.constant 0 : i32
    %c0_i32_1 = arith.constant 0 : i32
    return %c0_i32, %c0_i32_0 : i32, i32
  }
  func.func @transform_7(%arg0: i32) -> (i32, i32, i32) {
    %c0_i32 = arith.constant 0 : i32
    %c0_i32_0 = arith.constant 0 : i32
    %c0_i32_1 = arith.constant 0 : i32
    return %c0_i32, %c0_i32_0, %arg0 : i32, i32, i32
  }
  func.func @transform_8(%arg0: i32) -> (i32, i32) {
    %c0_i32 = arith.constant 0 : i32
    %c0_i32_0 = arith.constant 0 : i32
    return %c0_i32, %arg0 : i32, i32
  }
}

</mosaic_0001>

<sc_bundles>
// kernel: kernel.4.cloned.1.call-start
scs
__scs_entry_jumppad:
0x0: {  	(pc) =	sbr.rel $0x88, $3  }
0x1: {  	(tag) =	ssettag $0x0;
	lr =	simm.s32 $0x1  }
0x2: {  	[smem:$0x3F99] =	sst lr;
	_ =	strace $0xD0000000  }
0x3: {  	_ = 	snop  }
0x4: {  	_ = 	snop  }
0x5: {  	_ = 	snop  }
0x6: {  	_ = 	snop  }
0x7: {  	_ = 	snop  }
__scs_overlays_trampoline_lowered:
0x8: {  	[smem:$0x3FA8] =	sst s0  }
0x9: {  	[smem:$0x3FA9] =	sst s1  }
0xa: {  	[smem:$0x3FAA] =	sst s2  }
0xb: {  	[smem:$0x3FAB] =	sst s3  }
0xc: {  	[smem:$0x3FAC] =	sst s4  }
0xd: {  	[smem:$0x3FAD] =	sst s5  }
0xe: {  	[smem:$0x3FAE] =	sst s6  }
0xf: {  	[smem:$0x3FAF] =	sst s7  }
0x10: {  	[smem:$0x3FB0] =	sst s8  }
0x11: {  	[smem:$0x3FB1] =	sst s9;
	s0 =	simm.s32 @!p0 $0x0  }
0x12: {  	s1 =	sld [smem:$0x3F97];
	s0 =	simm.s32 @p0 $0x1  }
0x13: {  	[smem:$0x3FB2] =	sst s0;
	s0 =	simm.s32 @!p1 $0x0  }
0x14: {  	s2 =	sld [smem:$0x3F96];
	s0 =	simm.s32 @p1 $0x1  }
0x15: {  	[smem:$0x3FB3] =	sst s0;
	s0 =	simm.s32 @!p2 $0x0  }
0x16: {  	s3 =	sld [smem:$0x3FDB];
	s0 =	simm.s32 @p2 $0x1  }
0x17: {  	s4 =	simm.s32 $0x1BF5;
	[smem:$0x3FB5] =	sst s0  }
0x18: {  	s0 =	sld [smem:$0x3F98];
	_ =	swait.ge [sflag:s4], $0x0  }
0x19: {  	s7 =	sld [smem:$0x3F99]  }
0x1a: {  	s8 =	sadd.s32 $0xFFFFE003, lr  }
0x1b: {  	s9 =	sadd.s32 $0xFFFFFEF7, lr;
	s5 =	simm.s32 $0xFFFFFFFF;
	p2 =	slt.u32 s8, $0xFFFFF086  }
0x1c: {  	p1 =	slt.u32 s9, $0xF7A;
	s5 =	simm.s32 @!p2 $0x0  }
0x1d: {  	s5 =	simm.s32 @p1 $0x1;
	p0 =	seq.s32 s7, s2  }
0x1e: {  	s7 =	smul.u32 @!p0 $0xF7A, s2;
	p2 =	seq.s32 @!p0 s5, $0x0  }
0x1f: {  	s9 =	smul.u32 $0xF7A, s1;
	s8 =	simm.s32 @!p0 $0x1BF5;
	p2 =	por !p2, p0  }
0x20: {  	[sflag:s8] =	ssyncset.s32 @!p0 $0xFFFFF086;
	s6 =	sadd.s32 @!p0 s3, s7;
	s7 =	simm.s32 @!p0 $0x108  }
0x21: {  	s3 =	sadd.s32 s3, s9;
	s6 =	sadd.s32 @!p0 $0x88, s6;
	s7 =	simm.s32 @p2 $0x1082  }
0x22: {  	[simem:s7], [sflag:s8] =	dma.local @!p0 [hbm:s6], $0xF7A  }
0x23: {  	s9 =	sor.u32 $0xD0000000, s2;
	s6 =	simm.s32 $0x108;
	_ =	swait.ge @!p0 [sflag:s8], $0x0  }
0x24: {  	s3 =	sadd.s32 $0x88, s3;
	s6 =	simm.s32 @!p1 $0x1082;
	[sflag:s4] =	ssyncset.s32 $0xFFFFF086  }
0x25: {  	[simem:s6], [sflag:s4] =	dma.local [hbm:s3], $0xF7A  }
0x26: {  	[smem:$0x3F99] =	sst s1;
	(tag) =	ssettag s2;
	_ =	strace s9  }
0x27: {  	s1 =	sld [smem:$0x3FA9]  }
0x28: {  	s2 =	sld [smem:$0x3FAA]  }
0x29: {  	s4 =	sld [smem:$0x3FAC]  }
0x2a: {  	p0 =	seq.s32 s5, $0x0;
	s5 =	sld [smem:$0x3FAD]  }
0x2b: {  	s6 =	sld [smem:$0x3FAE]  }
0x2c: {  	s7 =	sld [smem:$0x3FAF]  }
0x2d: {  	s3 =	simm.s32 $0x108;
	s8 =	sld [smem:$0x3FB0]  }
0x2e: {  	s3 =	simm.s32 @!p0 $0x1082;
	s9 =	sld [smem:$0x3FB1]  }
0x2f: {  	lr =	sadd.s32 s0, s3;
	s0 =	sld [smem:$0x3FA8]  }
0x30: {  	s3 =	sld [smem:$0x3FAB]  }
0x31: {  	[smem:$0x3FB4] =	sst s10  }
0x32: {  	s10 =	sld [smem:$0x3FB2];
	_ =	sdelay $0x3  }
0x33: {  	p0 =	seq.s32 s10, $0x1;
	s10 =	sld [smem:$0x3FB4];
	_ =	sdelay $0x3  }
0x34: {  	[smem:$0x3FB4] =	sst s10  }
0x35: {  	s10 =	sld [smem:$0x3FB3];
	_ =	sdelay $0x3  }
0x36: {  	p1 =	seq.s32 s10, $0x1;
	s10 =	sld [smem:$0x3FB4];
	_ =	sdelay $0x3  }
0x37: {  	[smem:$0x3FB4] =	sst s10  }
0x38: {  	s10 =	sld [smem:$0x3FB5]  }
0x39: {  	_ = 	snop;
	(pc) =	sbr.ind lr, $3  }
0x3a: {  	_ = 	snop  }
0x3b: {  	_ = 	snop  }
0x3c: {  	p2 =	seq.s32 s10, $0x1;
	s10 =	sld [smem:$0x3FB4]  }
0x3d: {  	_ =	shalt  }
0x3e: {  	_ =	shalt  }
0x3f: {  	_ =	shalt  }
0x40: {  	_ =	shalt  }
0x41: {  	_ =	shalt  }
0x42: {  	_ =	shalt  }
0x43: {  	_ =	shalt  }
0x44: {  	_ =	shalt  }
0x45: {  	_ =	shalt  }
0x46: {  	_ =	shalt  }
0x47: {  	_ =	shalt  }
0x48: {  	_ =	shalt  }
0x49: {  	_ =	shalt  }
0x4a: {  	_ =	shalt  }
0x4b: {  	_ =	shalt  }
0x4c: {  	_ =	shalt  }
0x4d: {  	_ =	shalt  }
0x4e: {  	_ =	shalt  }
0x4f: {  	_ =	shalt  }
0x50: {  	_ =	shalt  }
0x51: {  	_ =	shalt  }
0x52: {  	_ =	shalt  }
0x53: {  	_ =	shalt  }
0x54: {  	_ =	shalt  }
0x55: {  	_ =	shalt  }
0x56: {  	_ =	shalt  }
0x57: {  	_ =	shalt  }
0x58: {  	_ =	shalt  }
0x59: {  	_ =	shalt  }
0x5a: {  	_ =	shalt  }
0x5b: {  	_ =	shalt  }
0x5c: {  	_ =	shalt  }
0x5d: {  	_ =	shalt  }
0x5e: {  	_ =	shalt  }
0x5f: {  	_ =	shalt  }
0x60: {  	_ =	shalt  }
0x61: {  	_ =	shalt  }
0x62: {  	_ =	shalt  }
0x63: {  	_ =	shalt  }
0x64: {  	_ =	shalt  }
0x65: {  	_ =	shalt  }
0x66: {  	_ =	shalt  }
0x67: {  	_ =	shalt  }
0x68: {  	_ =	shalt  }
0x69: {  	_ =	shalt  }
0x6a: {  	_ =	shalt  }
0x6b: {  	_ =	shalt  }
0x6c: {  	_ =	shalt  }
0x6d: {  	_ =	shalt  }
0x6e: {  	_ =	shalt  }
0x6f: {  	_ =	shalt  }
0x70: {  	_ =	shalt  }
0x71: {  	_ =	shalt  }
0x72: {  	_ =	shalt  }
0x73: {  	_ =	shalt  }
0x74: {  	_ =	shalt  }
0x75: {  	_ =	shalt  }
0x76: {  	_ =	shalt  }
0x77: {  	_ =	shalt  }
0x78: {  	_ =	shalt  }
0x79: {  	_ =	shalt  }
0x7a: {  	_ =	shalt  }
0x7b: {  	_ =	shalt  }
0x7c: {  	_ =	shalt  }
0x7d: {  	_ =	shalt  }
0x7e: {  	_ =	shalt  }
0x7f: {  	_ =	shalt  }
0x80: {  	_ =	shalt  }
0x81: {  	_ =	shalt  }
0x82: {  	_ =	shalt  }
0x83: {  	_ =	shalt  }
0x84: {  	_ =	shalt  }
0x85: {  	_ =	shalt  }
0x86: {  	_ =	shalt  }
0x87: {  	_ =	shalt  }
.Lfunc_end0:
.L_simem_size_0:
called_computation_lowered:
.L_overlay_start_0:
0x88: {  	s2 =	sld [smem:$0x3FD9]  }
0x89: {  	s3 =	sld [smem:$0x3FFE];
	_ =	sdelay $0x1  }
0x8a: {  	s1 =	srdreg.scid  }
0x8b: {  	s0 =	sand.u32 $0x1, s1  }
0x8c: {  	s15 =	sshll.u32 s0, $0xA;
	s2 =	sadd.s32 s3, s2  }
0x8d: {  	s2 =	sadd.s32 s2, s15  }
0x8e: {  	[smem:$0x3FC0] =	sst s2  }
0x8f: {  	_ = 	snop  }
0x90: {  	s2 =	sld [smem:$0x3FD0];
	_ =	sdelay $0x1  }
0x91: {  	s16 =	sld [smem:$0x3FC9]  }
0x92: {  	s5 =	simm.s32 $0xA;
	s6 =	simm.s32 $0x10;
	s4 =	sld [smem:$0x3FC7]  }
0x93: {  	[smem:s6], [sflag:s5] =	dma.local [hbm:s2], $0x1  }
0x94: {  	_ =	swait.eq [sflag:s5], $0x1  }
0x95: {  	[sflag:s5] =	ssyncset.done $0x0  }
0x96: {  	[sflag:s5] =	ssyncadd.s32 $0xFFFFFFFF  }
0x97: {  	s17 =	sld [smem:$0x10];
	(tm) =	ssettm $0x1  }
0x98: {  	s18 =	sld [smem:$0x3FFB];
	_ =	sdelay $0x3  }
0x99: {  	_ =	strace s18  }
0x9a: {  	s5 =	sld [smem:$0x3FFC];
	_ =	sdelay $0x3  }
0x9b: {  	_ =	strace s5  }
0x9c: {  	s5 =	sld [smem:$0x3FFD];
	_ =	sdelay $0x3  }
0x9d: {  	_ =	strace s5  }
0x9e: {  	_ =	strace $0x8FFFFFFF  }
0x9f: {  	s19 =	sld [smem:$0x3FDB];
	_ =	sdelay $0x1  }
0xa0: {  	s20 =	simm.s32 $_scs_section_size  }
0xa1: {  	s7 =	simm.s32 $_size__tile_overlayer_lowered;
	s8 =	simm.s32 $_tile_overlayer_lowered  }
0xa2: {  	s23 =	simm.s32 $0x1BFF;
	s22 =	sshll.u32 s8, $0x1;
	s5 =	sadd.s32 s20, s19  }
0xa3: {  	s9 =	simm.s32 $0x0;
	s21 =	sshll.u32 s7, $0x1;
	s7 =	sadd.s32 s22, s5  }
0xa4: {  	[timem:s9], [sflag:s23] =	dma.local [hbm:s7], s21  }
0xa5: {  	_ =	swait.ge [sflag:s23], s21  }
0xa6: {  	s6 =	ssub.s32 $0x0, s21;
	[sflag:s23] =	ssyncset.done $0x0  }
0xa7: {  	[sflag:s23] =	ssyncadd.s32 s6;
	_ =	sdelay $0x1  }
0xa8: {  	s24 =	simm.s32 $0x1B8B  }
0xa9: {  	_ =	swait.ge [sflag:s24], $0x1  }
0xaa: {  	[sflag:s24] =	ssyncset.done $0x0  }
0xab: {  	s25 =	simm.s32 $0x1B8E;
	[sflag:s24] =	ssyncadd.s32 $0xFFFFFFFF  }
0xac: {  	s26 =	simm.s32 $execute0_lowered;
	[smem:$0x3FD2] =	sst s25  }
0xad: {  	s6 =	sshll.u32 s26, $0x1;
	_ =	strace $0x80000046;
	[dreg:$0x1] =	wrdreg $0xFFFFFFFF  }
0xae: {  	s28 =	simm.s32 $_size_execute0_lowered;
	s5 =	sadd.s32 s5, s6;
	[dreg:$0x0] =	wrdreg $0x0  }
0xaf: {  	s6 =	sshll.u32 s28, $0x1;
	[dreg:$0x2] =	wrdreg s5  }
0xb0: {  	[dreg:$0x3] =	wrdreg s6  }
0xb1: {  	[dreg:$0x4] =	wrdreg $0xC0  }
0xb2: {  	_ =	task [dreg:s9], $0x5FFFF  }
0xb3: {  	[dreg:$0x1] =	wrdreg $0xFFFFFFFF  }
0xb4: {  	[dreg:$0x0] =	wrdreg $0x60  }
0xb5: {  	[dreg:$0x2] =	wrdreg s4  }
0xb6: {  	[dreg:$0x3] =	wrdreg s16  }
0xb7: {  	[dreg:$0x4] =	wrdreg s17  }
0xb8: {  	[dreg:$0x5] =	wrdreg $0x9  }
0xb9: {  	_ =	task.clear_ibuf [dreg:s9], $0x6FFFF;
	_ =	strace $0x90000046  }
0xba: {  	s29 =	simm.s32 $0x9;
	_ =	strace $0x80000048  }
0xbb: {  	_ =	swait.ge [sflag:s29], $0x1  }
0xbc: {  	[sflag:s29] =	ssyncadd.s32 $0xFFFFFFFF  }
0xbd: {  	_ =	strace $0x90000048  }
0xbe: {  	_ =	sfence  }
0xbf: {  	s30 =	sld [smem:$0x0];
	_ =	sdelay $0x2  }
0xc0: {  	s31 =	sshll.u32 s1, $0xD;
	s1 =	sshrl.u32 s1, $0x2  }
0xc1: {  	s3 =	sand.u32 $0x4000, s31;
	s1 =	sadd.s32 s1, s30  }
0xc2: {  	s0 =	sor.u32 s3, s0;
	s1 =	sshll.u32 s1, $0x11  }
0xc3: {  	s0 =	sor.u32 s1, s0  }
0xc4: {  	s0 =	sadd.s32 $0x8F2B, s0  }
0xc5: {  	[sflag:s0] =	ssyncadd.remote.s32 $0x1  }
0xc6: {  	_ =	sfence.sel $0xFFFF  }
0xc7: {  	[dreg:$0x0] =	wrdreg $0xFFFFFFFF;
	(pc) =	sbr.abs _section_cstart, $3  }
0xc8: {  	[dreg:$0x1] =	wrdreg $0xFFFFFFFF  }
0xc9: {  	_ =	task.clear_ibuf [dreg:s9], $0x2FFFF;
	_ =	strace $0x9FFFFFFF  }
0xca: {  	(tm) =	ssettm $0x7FFFFFFF  }
0xcb: {  	_ =	shalt  }
tec
execute0_lowered:
.L_overlay_start_1:
0x0: {  	(tag) =	ssettag $0x1  }
0x1: {  	s0 =	rddreg [dreg:$0x0]  }
0x2: {  	s28 =	rddreg [dreg:$0x1]  }
0x3: {  	s1 =	rddreg [dreg:$0x2]  }
0x4: {  	s2 =	srdreg.scid;
	s26 =	stileid.u32  }
0x5: {  	s3 =	simm.s32 $0x0;
	s29 =	simm.s32 $0x1;
	s30 =	simm.s32 $0x3  }
0x6: {  	s31 =	simm.s32 $0x2;
	s2 =	sand.u32 $0x1, s2;
	s4 =	sshll.u32 s26, $0x1  }
0x7: {  	[smem:$0x7FF] =	sst s3;
	p1 =	sgt.u32 s26, $0x3;
	s5 =	ssub.s32 $0x2, s2  }
0x8: {  	s2 =	sor.u32 s2, s4;
	_ =	strace $0x80000047;
	s23 =	sshrl.u32 s5, $0x1  }
0x9: {  	s22 =	sshll.u32 s2, $0xF;
	p0 =	sne.s32 s2, $0x1F;
	s2 =	sadd.s32 $0x2000, s28  }
0xa: {  	s25 =	ssub.s32 s5, s23;
	s4 =	sadd.s32 s0, s22;
	s6 =	sadd.s32 s1, s22  }
0xb: {  	s13 =	sor.u32 $0x100000, s22;
	s15 =	sor.u32 $0x200000, s22;
	s17 =	sor.u32 $0x300000, s22  }
0xc: {  	s19 =	sor.u32 $0x400000, s22;
	s21 =	sor.u32 $0x500000, s22;
	s24 =	sor.u32 $0x600000, s22  }
0xd: {  	[dreg:$0x5] =	wrdreg s2;
	s2 =	sadd.s32 $0x4000, s28;
	s5 =	sadd.s32 $0x1000, s4  }
0xe: {  	s7 =	sadd.s32 $0x2000, s4;
	s8 =	sadd.s32 $0x3000, s4;
	s9 =	sadd.s32 $0x4000, s4  }
0xf: {  	s10 =	sadd.s32 $0x5000, s4;
	s11 =	sadd.s32 $0x6000, s4;
	s12 =	sadd.s32 s0, s13  }
0x10: {  	s13 =	sadd.s32 s1, s13;
	s14 =	sadd.s32 s0, s15;
	s15 =	sadd.s32 s1, s15  }
0x11: {  	s16 =	sadd.s32 s0, s17;
	s17 =	sadd.s32 s1, s17;
	s18 =	sadd.s32 s0, s19  }
0x12: {  	s19 =	sadd.s32 s1, s19;
	s20 =	sadd.s32 s0, s21;
	s21 =	sadd.s32 s1, s21  }
0x13: {  	s22 =	sadd.s32 s0, s24;
	s23 =	sadd.s32 s1, s24;
	s24 =	sadd.s32 $0x640000, s1  }
.Ltmp0:
0x14: {  	s1 =	sadd.s32 $0x1000, s28;
	[dreg:$0x7] =	wrdreg s2;
	(pc) =	sbr.rel .LBB2_1-.Ltmp0, $4  }
0x15: {  	s25 =	smax.u32 s25, $0x1;
	s2 =	sadd.s32 $0x6000, s28;
	[dreg:$0x4] =	wrdreg s1  }
0x16: {  	s26 =	sadd.s32 $0x7000, s4;
	s1 =	sadd.s32 $0x3000, s28;
	[dreg:$0x9] =	wrdreg s2  }
0x17: {  	s0 =	simm.s32 $0x4;
	[dreg:$0x6] =	wrdreg s1;
	s1 =	sadd.s32 $0x5000, s28  }
0x18: {  	s2 =	sadd.s32 $0x7000, s28;
	s28 =	simm.s32 $0x8000;
	[dreg:$0x8] =	wrdreg s1  }
.LBB2_5:
0x19: {  	s25 =	sadd.s32 $0xFFFFFFFF, s25  }
0x1a: {  	p2 =	sne.s32 s25, $0x0  }
.Ltmp1:
0x1b: {  	_ = 	snop;
	(pc) =	sbr.rel @!p2 .LBB2_6-.Ltmp1, $1  }
0x1c: {  	_ =	sdelay $0x3  }
.LBB2_1:
0x1d: {  	[tilespmem:s3], [sflag:$0x1] =	stream.linear.gather [hbm4b:s4+s3], $0x8000, $0x38;
	[tilespmem:$0x10000] =	vst v63  }
0x1e: {  	_ = 	snop  }
0x1f: {  	[tilespmem:s28], [sflag:$0x2] =	stream.linear.gather [hbm4b:s5+s3], $0x8000, $0x38;
	[tilespmem:$0x10000] =	vst v63  }
0x20: {  	_ =	swait.ge [sflag:s29], $0x8000  }
0x21: {  	[sflag:s29] =	ssyncset.done $0x0  }
0x22: {  	[sflag:s29] =	ssyncadd.s32 $0xFFFF8000  }
0x23: {  	[hbm4b:s6+s3] =	stream.linear.scatter [tilespmem:s3], [sflag:$0x3], $0x8000, $0x38;
	[tilespmem:$0x10000] =	vst v63  }
0x24: {  	_ =	swait.ge [sflag:s30], $0x8000  }
0x25: {  	[sflag:s30] =	ssyncset.done $0x0  }
0x26: {  	[sflag:s30] =	ssyncadd.s32 $0xFFFF8000  }
0x27: {  	[tilespmem:s3], [sflag:$0x1] =	stream.linear.gather [hbm4b:s7+s3], $0x8000, $0x38;
	[tilespmem:$0x10000] =	vst v63  }
0x28: {  	_ =	swait.ge [sflag:s31], $0x8000  }
0x29: {  	[sflag:s31] =	ssyncset.done $0x0  }
0x2a: {  	s1 =	sadd.s32 $0x1000, s6;
	[sflag:s31] =	ssyncadd.s32 $0xFFFF8000  }
0x2b: {  	[hbm4b:s1+s3] =	stream.linear.scatter [tilespmem:s28], [sflag:$0x4], $0x8000, $0x38;
	[tilespmem:$0x10000] =	vst v63  }
0x2c: {  	_ =	swait.ge [sflag:s0], $0x8000  }
0x2d: {  	[sflag:s0] =	ssyncset.done $0x0  }
0x2e: {  	[sflag:s0] =	ssyncadd.s32 $0xFFFF8000  }
0x2f: {  	[tilespmem:s28], [sflag:$0x2] =	stream.linear.gather [hbm4b:s8+s3], $0x8000, $0x38;
	[tilespmem:$0x10000] =	vst v63  }
0x30: {  	_ =	swait.ge [sflag:s29], $0x8000  }
0x31: {  	[sflag:s29] =	ssyncset.done $0x0  }
0x32: {  	s1 =	sadd.s32 $0x2000, s6;
	[sflag:s29] =	ssyncadd.s32 $0xFFFF8000  }
0x33: {  	[hbm4b:s1+s3] =	stream.linear.scatter [tilespmem:s3], [sflag:$0x3], $0x8000, $0x38;
	[tilespmem:$0x10000] =	vst v63  }
0x34: {  	_ =	swait.ge [sflag:s30], $0x8000  }
0x35: {  	[sflag:s30] =	ssyncset.done $0x0  }
0x36: {  	[sflag:s30] =	ssyncadd.s32 $0xFFFF8000  }
0x37: {  	[tilespmem:s3], [sflag:$0x1] =	stream.linear.gather [hbm4b:s9+s3], $0x8000, $0x38;
	[tilespmem:$0x10000] =	vst v63  }
0x38: {  	_ =	swait.ge [sflag:s31], $0x8000  }
0x39: {  	[sflag:s31] =	ssyncset.done $0x0  }
0x3a: {  	s1 =	sadd.s32 $0x3000, s6;
	[sflag:s31] =	ssyncadd.s32 $0xFFFF8000  }
0x3b: {  	[hbm4b:s1+s3] =	stream.linear.scatter [tilespmem:s28], [sflag:$0x4], $0x8000, $0x38;
	[tilespmem:$0x10000] =	vst v63  }
0x3c: {  	_ =	swait.ge [sflag:s0], $0x8000  }
0x3d: {  	[sflag:s0] =	ssyncset.done $0x0  }
0x3e: {  	[sflag:s0] =	ssyncadd.s32 $0xFFFF8000  }
0x3f: {  	[tilespmem:s28], [sflag:$0x2] =	stream.linear.gather [hbm4b:s10+s3], $0x8000, $0x38;
	[tilespmem:$0x10000] =	vst v63  }
0x40: {  	_ =	swait.ge [sflag:s29], $0x8000  }
0x41: {  	[sflag:s29] =	ssyncset.done $0x0  }
0x42: {  	s1 =	sadd.s32 $0x4000, s6;
	[sflag:s29] =	ssyncadd.s32 $0xFFFF8000  }
0x43: {  	[hbm4b:s1+s3] =	stream.linear.scatter [tilespmem:s3], [sflag:$0x3], $0x8000, $0x38;
	[tilespmem:$0x10000] =	vst v63  }
0x44: {  	_ =	swait.ge [sflag:s30], $0x8000  }
0x45: {  	[sflag:s30] =	ssyncset.done $0x0  }
0x46: {  	[sflag:s30] =	ssyncadd.s32 $0xFFFF8000  }
0x47: {  	[tilespmem:s3], [sflag:$0x1] =	stream.linear.gather [hbm4b:s11+s3], $0x8000, $0x38;
	[tilespmem:$0x10000] =	vst v63  }
0x48: {  	_ =	swait.ge [sflag:s31], $0x8000  }
0x49: {  	[sflag:s31] =	ssyncset.done $0x0  }
0x4a: {  	s1 =	sadd.s32 $0x5000, s6;
	[sflag:s31] =	ssyncadd.s32 $0xFFFF8000  }
0x4b: {  	[hbm4b:s1+s3] =	stream.linear.scatter [tilespmem:s28], [sflag:$0x4], $0x8000, $0x38;
	[tilespmem:$0x10000] =	vst v63  }
0x4c: {  	_ =	swait.ge [sflag:s0], $0x8000  }
0x4d: {  	[sflag:s0] =	ssyncset.done $0x0  }
0x4e: {  	[sflag:s0] =	ssyncadd.s32 $0xFFFF8000  }
0x4f: {  	[tilespmem:s28], [sflag:$0x2] =	stream.linear.gather [hbm4b:s26+s3], $0x8000, $0x38;
	[tilespmem:$0x10000] =	vst v63  }
0x50: {  	_ =	swait.ge [sflag:s29], $0x8000  }
0x51: {  	[sflag:s29] =	ssyncset.done $0x0  }
0x52: {  	s1 =	sadd.s32 $0x6000, s6;
	[sflag:s29] =	ssyncadd.s32 $0xFFFF8000  }
0x53: {  	[hbm4b:s1+s3] =	stream.linear.scatter [tilespmem:s3], [sflag:$0x3], $0x8000, $0x38;
	[tilespmem:$0x10000] =	vst v63  }
0x54: {  	_ =	swait.ge [sflag:s31], $0x8000  }
0x55: {  	[sflag:s31] =	ssyncset.done $0x0  }
0x56: {  	s1 =	sadd.s32 $0x7000, s6;
	[sflag:s31] =	ssyncadd.s32 $0xFFFF8000  }
0x57: {  	[hbm4b:s1+s3] =	stream.linear.scatter [tilespmem:s28], [sflag:$0x4], $0x8000, $0x38;
	[tilespmem:$0x10000] =	vst v63  }
0x58: {  	_ =	swait.ge [sflag:s30], $0x8000  }
0x59: {  	[sflag:s30] =	ssyncset.done $0x0  }
0x5a: {  	[sflag:s30] =	ssyncadd.s32 $0xFFFF8000  }
0x5b: {  	_ =	swait.ge [sflag:s0], $0x8000  }
0x5c: {  	[sflag:s0] =	ssyncset.done $0x0  }
0x5d: {  	[sflag:s0] =	ssyncadd.s32 $0xFFFF8000  }
0x5e: {  	[tilespmem:s3], [sflag:$0x1] =	stream.linear.gather [hbm4b:s12+s3], $0x8000, $0x38;
	[tilespmem:$0x10000] =	vst v63  }
0x5f: {  	s1 =	sadd.s32 $0x1000, s12  }
0x60: {  	[tilespmem:s28], [sflag:$0x2] =	stream.linear.gather [hbm4b:s1+s3], $0x8000, $0x38;
	[tilespmem:$0x10000] =	vst v63  }
0x61: {  	_ =	swait.ge [sflag:s29], $0x8000  }
0x62: {  	[sflag:s29] =	ssyncset.done $0x0  }
0x63: {  	[sflag:s29] =	ssyncadd.s32 $0xFFFF8000  }
0x64: {  	[hbm4b:s13+s3] =	stream.linear.scatter [tilespmem:s3], [sflag:$0x3], $0x8000, $0x38;
	[tilespmem:$0x10000] =	vst v63  }
0x65: {  	_ =	swait.ge [sflag:s30], $0x8000  }
0x66: {  	[sflag:s30] =	ssyncset.done $0x0  }
0x67: {  	s1 =	sadd.s32 $0x2000, s12;
	[sflag:s30] =	ssyncadd.s32 $0xFFFF8000  }
0x68: {  	[tilespmem:s3], [sflag:$0x1] =	stream.linear.gather [hbm4b:s1+s3], $0x8000, $0x38;
	[tilespmem:$0x10000] =	vst v63  }
0x69: {  	_ =	swait.ge [sflag:s31], $0x8000  }
0x6a: {  	[sflag:s31] =	ssyncset.done $0x0  }
0x6b: {  	s1 =	sadd.s32 $0x1000, s13;
	[sflag:s31] =	ssyncadd.s32 $0xFFFF8000  }
0x6c: {  	[hbm4b:s1+s3] =	stream.linear.scatter [tilespmem:s28], [sflag:$0x4], $0x8000, $0x38;
	[tilespmem:$0x10000] =	vst v63  }
0x6d: {  	_ =	swait.ge [sflag:s0], $0x8000  }
0x6e: {  	[sflag:s0] =	ssyncset.done $0x0  }
0x6f: {  	s1 =	sadd.s32 $0x3000, s12;
	[sflag:s0] =	ssyncadd.s32 $0xFFFF8000  }
0x70: {  	[tilespmem:s28], [sflag:$0x2] =	stream.linear.gather [hbm4b:s1+s3], $0x8000, $0x38;
	[tilespmem:$0x10000] =	vst v63  }
0x71: {  	_ =	swait.ge [sflag:s29], $0x8000  }
0x72: {  	[sflag:s29] =	ssyncset.done $0x0  }
0x73: {  	s1 =	sadd.s32 $0x2000, s13;
	[sflag:s29] =	ssyncadd.s32 $0xFFFF8000  }
0x74: {  	[hbm4b:s1+s3] =	stream.linear.scatter [tilespmem:s3], [sflag:$0x3], $0x8000, $0x38;
	[tilespmem:$0x10000] =	vst v63  }
0x75: {  	_ =	swait.ge [sflag:s30], $0x8000  }
0x76: {  	[sflag:s30] =	ssyncset.done $0x0  }
0x77: {  	s1 =	sadd.s32 $0x4000, s12;
	[sflag:s30] =	ssyncadd.s32 $0xFFFF8000  }
0x78: {  	[tilespmem:s3], [sflag:$0x1] =	stream.linear.gather [hbm4b:s1+s3], $0x8000, $0x38;
	[tilespmem:$0x10000] =	vst v63  }
0x79: {  	_ =	swait.ge [sflag:s31], $0x8000  }
0x7a: {  	[sflag:s31] =	ssyncset.done $0x0  }
0x7b: {  	s1 =	sadd.s32 $0x3000, s13;
	[sflag:s31] =	ssyncadd.s32 $0xFFFF8000  }
0x7c: {  	[hbm4b:s1+s3] =	stream.linear.scatter [tilespmem:s28], [sflag:$0x4], $0x8000, $0x38;
	[tilespmem:$0x10000] =	vst v63  }
0x7d: {  	_ =	swait.ge [sflag:s0], $0x8000  }
0x7e: {  	[sflag:s0] =	ssyncset.done $0x0  }
0x7f: {  	s1 =	sadd.s32 $0x5000, s12;
	[sflag:s0] =	ssyncadd.s32 $0xFFFF8000  }
0x80: {  	[tilespmem:s28], [sflag:$0x2] =	stream.linear.gather [hbm4b:s1+s3], $0x8000, $0x38;
	[tilespmem:$0x10000] =	vst v63  }
0x81: {  	_ =	swait.ge [sflag:s29], $0x8000  }
0x82: {  	[sflag:s29] =	ssyncset.done $0x0  }
0x83: {  	s1 =	sadd.s32 $0x4000, s13;
	[sflag:s29] =	ssyncadd.s32 $0xFFFF8000  }
0x84: {  	[hbm4b:s1+s3] =	stream.linear.scatter [tilespmem:s3], [sflag:$0x3], $0x8000, $0x38;
	[tilespmem:$0x10000] =	vst v63  }
0x85: {  	_ =	swait.ge [sflag:s30], $0x8000  }
0x86: {  	[sflag:s30] =	ssyncset.done $0x0  }
0x87: {  	s1 =	sadd.s32 $0x6000, s12;
	[sflag:s30] =	ssyncadd.s32 $0xFFFF8000  }
0x88: {  	[tilespmem:s3], [sflag:$0x1] =	stream.linear.gather [hbm4b:s1+s3], $0x8000, $0x38;
	[tilespmem:$0x10000] =	vst v63  }
0x89: {  	_ =	swait.ge [sflag:s31], $0x8000  }
0x8a: {  	[sflag:s31] =	ssyncset.done $0x0  }
0x8b: {  	s1 =	sadd.s32 $0x5000, s13;
	[sflag:s31] =	ssyncadd.s32 $0xFFFF8000  }
0x8c: {  	[hbm4b:s1+s3] =	stream.linear.scatter [tilespmem:s28], [sflag:$0x4], $0x8000, $0x38;
	[tilespmem:$0x10000] =	vst v63  }
0x8d: {  	_ =	swait.ge [sflag:s0], $0x8000  }
0x8e: {  	[sflag:s0] =	ssyncset.done $0x0  }
0x8f: {  	s1 =	sadd.s32 $0x7000, s12;
	[sflag:s0] =	ssyncadd.s32 $0xFFFF8000  }
0x90: {  	[tilespmem:s28], [sflag:$0x2] =	stream.linear.gather [hbm4b:s1+s3], $0x8000, $0x38;
	[tilespmem:$0x10000] =	vst v63  }
0x91: {  	_ =	swait.ge [sflag:s29], $0x8000  }
0x92: {  	[sflag:s29] =	ssyncset.done $0x0  }
0x93: {  	s1 =	sadd.s32 $0x6000, s13;
	[sflag:s29] =	ssyncadd.s32 $0xFFFF8000  }
0x94: {  	[hbm4b:s1+s3] =	stream.linear.scatter [tilespmem:s3], [sflag:$0x3], $0x8000, $0x38;
	[tilespmem:$0x10000] =	vst v63  }
0x95: {  	_ =	swait.ge [sflag:s31], $0x8000  }
0x96: {  	[sflag:s31] =	ssyncset.done $0x0  }
0x97: {  	s1 =	sadd.s32 $0x7000, s13;
	[sflag:s31] =	ssyncadd.s32 $0xFFFF8000  }
0x98: {  	[hbm4b:s1+s3] =	stream.linear.scatter [tilespmem:s28], [sflag:$0x4], $0x8000, $0x38;
	[tilespmem:$0x10000] =	vst v63  }
0x99: {  	_ =	swait.ge [sflag:s30], $0x8000  }
0x9a: {  	[sflag:s30] =	ssyncset.done $0x0  }
0x9b: {  	[sflag:s30] =	ssyncadd.s32 $0xFFFF8000  }
0x9c: {  	_ =	swait.ge [sflag:s0], $0x8000  }
0x9d: {  	[sflag:s0] =	ssyncset.done $0x0  }
0x9e: {  	[sflag:s0] =	ssyncadd.s32 $0xFFFF8000  }
0x9f: {  	[tilespmem:s3], [sflag:$0x1] =	stream.linear.gather [hbm4b:s14+s3], $0x8000, $0x38;
	[tilespmem:$0x10000] =	vst v63  }
0xa0: {  	s1 =	sadd.s32 $0x1000, s14  }
0xa1: {  	[tilespmem:s28], [sflag:$0x2] =	stream.linear.gather [hbm4b:s1+s3], $0x8000, $0x38;
	[tilespmem:$0x10000] =	vst v63  }
0xa2: {  	_ =	swait.ge [sflag:s29], $0x8000  }
0xa3: {  	[sflag:s29] =	ssyncset.done $0x0  }
0xa4: {  	[sflag:s29] =	ssyncadd.s32 $0xFFFF8000  }
0xa5: {  	[hbm4b:s15+s3] =	stream.linear.scatter [tilespmem:s3], [sflag:$0x3], $0x8000, $0x38;
	[tilespmem:$0x10000] =	vst v63  }
0xa6: {  	_ =	swait.ge [sflag:s30], $0x8000  }
0xa7: {  	[sflag:s30] =	ssyncset.done $0x0  }
0xa8: {  	s1 =	sadd.s32 $0x2000, s14;
	[sflag:s30] =	ssyncadd.s32 $0xFFFF8000  }
0xa9: {  	[tilespmem:s3], [sflag:$0x1] =	stream.linear.gather [hbm4b:s1+s3], $0x8000, $0x38;
	[tilespmem:$0x10000] =	vst v63  }
0xaa: {  	_ =	swait.ge [sflag:s31], $0x8000  }
0xab: {  	[sflag:s31] =	ssyncset.done $0x0  }
0xac: {  	s1 =	sadd.s32 $0x1000, s15;
	[sflag:s31] =	ssyncadd.s32 $0xFFFF8000  }
0xad: {  	[hbm4b:s1+s3] =	stream.linear.scatter [tilespmem:s28], [sflag:$0x4], $0x8000, $0x38;
	[tilespmem:$0x10000] =	vst v63  }
0xae: {  	_ =	swait.ge [sflag:s0], $0x8000  }
0xaf: {  	[sflag:s0] =	ssyncset.done $0x0  }
0xb0: {  	s1 =	sadd.s32 $0x3000, s14;
	[sflag:s0] =	ssyncadd.s32 $0xFFFF8000  }
0xb1: {  	[tilespmem:s28], [sflag:$0x2] =	stream.linear.gather [hbm4b:s1+s3], $0x8000, $0x38;
	[tilespmem:$0x10000] =	vst v63  }
0xb2: {  	_ =	swait.ge [sflag:s29], $0x8000  }
0xb3: {  	[sflag:s29] =	ssyncset.done $0x0  }
0xb4: {  	s1 =	sadd.s32 $0x2000, s15;
	[sflag:s29] =	ssyncadd.s32 $0xFFFF8000  }
0xb5: {  	[hbm4b:s1+s3] =	stream.linear.scatter [tilespmem:s3], [sflag:$0x3], $0x8000, $0x38;
	[tilespmem:$0x10000] =	vst v63  }
0xb6: {  	_ =	swait.ge [sflag:s30], $0x8000  }
0xb7: {  	[sflag:s30] =	ssyncset.done $0x0  }
0xb8: {  	s1 =	sadd.s32 $0x4000, s14;
	[sflag:s30] =	ssyncadd.s32 $0xFFFF8000  }
0xb9: {  	[tilespmem:s3], [sflag:$0x1] =	stream.linear.gather [hbm4b:s1+s3], $0x8000, $0x38;
	[tilespmem:$0x10000] =	vst v63  }
0xba: {  	_ =	swait.ge [sflag:s31], $0x8000  }
0xbb: {  	[sflag:s31] =	ssyncset.done $0x0  }
0xbc: {  	s1 =	sadd.s32 $0x3000, s15;
	[sflag:s31] =	ssyncadd.s32 $0xFFFF8000  }
0xbd: {  	[hbm4b:s1+s3] =	stream.linear.scatter [tilespmem:s28], [sflag:$0x4], $0x8000, $0x38;
	[tilespmem:$0x10000] =	vst v63  }
0xbe: {  	_ =	swait.ge [sflag:s0], $0x8000  }
0xbf: {  	[sflag:s0] =	ssyncset.done $0x0  }
0xc0: {  	s1 =	sadd.s32 $0x5000, s14;
	[sflag:s0] =	ssyncadd.s32 $0xFFFF8000  }
0xc1: {  	[tilespmem:s28], [sflag:$0x2] =	stream.linear.gather [hbm4b:s1+s3], $0x8000, $0x38;
	[tilespmem:$0x10000] =	vst v63  }
0xc2: {  	_ =	swait.ge [sflag:s29], $0x8000  }
0xc3: {  	[sflag:s29] =	ssyncset.done $0x0  }
0xc4: {  	s1 =	sadd.s32 $0x4000, s15;
	[sflag:s29] =	ssyncadd.s32 $0xFFFF8000  }
0xc5: {  	[hbm4b:s1+s3] =	stream.linear.scatter [tilespmem:s3], [sflag:$0x3], $0x8000, $0x38;
	[tilespmem:$0x10000] =	vst v63  }
0xc6: {  	_ =	swait.ge [sflag:s30], $0x8000  }
0xc7: {  	[sflag:s30] =	ssyncset.done $0x0  }
0xc8: {  	s1 =	sadd.s32 $0x6000, s14;
	[sflag:s30] =	ssyncadd.s32 $0xFFFF8000  }
0xc9: {  	[tilespmem:s3], [sflag:$0x1] =	stream.linear.gather [hbm4b:s1+s3], $0x8000, $0x38;
	[tilespmem:$0x10000] =	vst v63  }
0xca: {  	_ =	swait.ge [sflag:s31], $0x8000  }
0xcb: {  	[sflag:s31] =	ssyncset.done $0x0  }
0xcc: {  	s1 =	sadd.s32 $0x5000, s15;
	[sflag:s31] =	ssyncadd.s32 $0xFFFF8000  }
0xcd: {  	[hbm4b:s1+s3] =	stream.linear.scatter [tilespmem:s28], [sflag:$0x4], $0x8000, $0x38;
	[tilespmem:$0x10000] =	vst v63  }
0xce: {  	_ =	swait.ge [sflag:s0], $0x8000  }
0xcf: {  	[sflag:s0] =	ssyncset.done $0x0  }
0xd0: {  	s1 =	sadd.s32 $0x7000, s14;
	[sflag:s0] =	ssyncadd.s32 $0xFFFF8000  }
0xd1: {  	[tilespmem:s28], [sflag:$0x2] =	stream.linear.gather [hbm4b:s1+s3], $0x8000, $0x38;
	[tilespmem:$0x10000] =	vst v63  }
0xd2: {  	_ =	swait.ge [sflag:s29], $0x8000  }
0xd3: {  	[sflag:s29] =	ssyncset.done $0x0  }
0xd4: {  	s1 =	sadd.s32 $0x6000, s15;
	[sflag:s29] =	ssyncadd.s32 $0xFFFF8000  }
0xd5: {  	[hbm4b:s1+s3] =	stream.linear.scatter [tilespmem:s3], [sflag:$0x3], $0x8000, $0x38;
	[tilespmem:$0x10000] =	vst v63  }
0xd6: {  	_ =	swait.ge [sflag:s31], $0x8000  }
0xd7: {  	[sflag:s31] =	ssyncset.done $0x0  }
0xd8: {  	s1 =	sadd.s32 $0x7000, s15;
	[sflag:s31] =	ssyncadd.s32 $0xFFFF8000  }
0xd9: {  	[hbm4b:s1+s3] =	stream.linear.scatter [tilespmem:s28], [sflag:$0x4], $0x8000, $0x38;
	[tilespmem:$0x10000] =	vst v63  }
0xda: {  	_ =	swait.ge [sflag:s30], $0x8000  }
0xdb: {  	[sflag:s30] =	ssyncset.done $0x0  }
0xdc: {  	[sflag:s30] =	ssyncadd.s32 $0xFFFF8000  }
0xdd: {  	_ =	swait.ge [sflag:s0], $0x8000  }
0xde: {  	[sflag:s0] =	ssyncset.done $0x0  }
0xdf: {  	[sflag:s0] =	ssyncadd.s32 $0xFFFF8000  }
0xe0: {  	[tilespmem:s3], [sflag:$0x1] =	stream.linear.gather [hbm4b:s16+s3], $0x8000, $0x38;
	[tilespmem:$0x10000] =	vst v63  }
0xe1: {  	s1 =	sadd.s32 $0x1000, s16  }
0xe2: {  	[tilespmem:s28], [sflag:$0x2] =	stream.linear.gather [hbm4b:s1+s3], $0x8000, $0x38;
	[tilespmem:$0x10000] =	vst v63  }
0xe3: {  	_ =	swait.ge [sflag:s29], $0x8000  }
0xe4: {  	[sflag:s29] =	ssyncset.done $0x0  }
0xe5: {  	[sflag:s29] =	ssyncadd.s32 $0xFFFF8000  }
0xe6: {  	[hbm4b:s17+s3] =	stream.linear.scatter [tilespmem:s3], [sflag:$0x3], $0x8000, $0x38;
	[tilespmem:$0x10000] =	vst v63  }
0xe7: {  	_ =	swait.ge [sflag:s30], $0x8000  }
0xe8: {  	[sflag:s30] =	ssyncset.done $0x0  }
0xe9: {  	s1 =	sadd.s32 $0x2000, s16;
	[sflag:s30] =	ssyncadd.s32 $0xFFFF8000  }
0xea: {  	[tilespmem:s3], [sflag:$0x1] =	stream.linear.gather [hbm4b:s1+s3], $0x8000, $0x38;
	[tilespmem:$0x10000] =	vst v63  }
0xeb: {  	_ =	swait.ge [sflag:s31], $0x8000  }
0xec: {  	[sflag:s31] =	ssyncset.done $0x0  }
0xed: {  	s1 =	sadd.s32 $0x1000, s17;
	[sflag:s31] =	ssyncadd.s32 $0xFFFF8000  }
0xee: {  	[hbm4b:s1+s3] =	stream.linear.scatter [tilespmem:s28], [sflag:$0x4], $0x8000, $0x38;
	[tilespmem:$0x10000] =	vst v63  }
0xef: {  	_ =	swait.ge [sflag:s0], $0x8000  }
0xf0: {  	[sflag:s0] =	ssyncset.done $0x0  }
0xf1: {  	s1 =	sadd.s32 $0x3000, s16;
	[sflag:s0] =	ssyncadd.s32 $0xFFFF8000  }
0xf2: {  	[tilespmem:s28], [sflag:$0x2] =	stream.linear.gather [hbm4b:s1+s3], $0x8000, $0x38;
	[tilespmem:$0x10000] =	vst v63  }
0xf3: {  	_ =	swait.ge [sflag:s29], $0x8000  }
0xf4: {  	[sflag:s29] =	ssyncset.done $0x0  }
0xf5: {  	s1 =	sadd.s32 $0x2000, s17;
	[sflag:s29] =	ssyncadd.s32 $0xFFFF8000  }
0xf6: {  	[hbm4b:s1+s3] =	stream.linear.scatter [tilespmem:s3], [sflag:$0x3], $0x8000, $0x38;
	[tilespmem:$0x10000] =	vst v63  }
0xf7: {  	_ =	swait.ge [sflag:s30], $0x8000  }
0xf8: {  	[sflag:s30] =	ssyncset.done $0x0  }
0xf9: {  	s1 =	sadd.s32 $0x4000, s16;
	[sflag:s30] =	ssyncadd.s32 $0xFFFF8000  }
0xfa: {  	[tilespmem:s3], [sflag:$0x1] =	stream.linear.gather [hbm4b:s1+s3], $0x8000, $0x38;
	[tilespmem:$0x10000] =	vst v63  }
0xfb: {  	_ =	swait.ge [sflag:s31], $0x8000  }
0xfc: {  	[sflag:s31] =	ssyncset.done $0x0  }
0xfd: {  	s1 =	sadd.s32 $0x3000, s17;
	[sflag:s31] =	ssyncadd.s32 $0xFFFF8000  }
0xfe: {  	[hbm4b:s1+s3] =	stream.linear.scatter [tilespmem:s28], [sflag:$0x4], $0x8000, $0x38;
	[tilespmem:$0x10000] =	vst v63  }
0xff: {  	_ =	swait.ge [sflag:s0], $0x8000  }
0x100: {  	[sflag:s0] =	ssyncset.done $0x0  }
0x101: {  	s1 =	sadd.s32 $0x5000, s16;
	[sflag:s0] =	ssyncadd.s32 $0xFFFF8000  }
0x102: {  	[tilespmem:s28], [sflag:$0x2] =	stream.linear.gather [hbm4b:s1+s3], $0x8000, $0x38;
	[tilespmem:$0x10000] =	vst v63  }
0x103: {  	_ =	swait.ge [sflag:s29], $0x8000  }
0x104: {  	[sflag:s29] =	ssyncset.done $0x0  }
0x105: {  	s1 =	sadd.s32 $0x4000, s17;
	[sflag:s29] =	ssyncadd.s32 $0xFFFF8000  }
0x106: {  	[hbm4b:s1+s3] =	stream.linear.scatter [tilespmem:s3], [sflag:$0x3], $0x8000, $0x38;
	[tilespmem:$0x10000] =	vst v63  }
0x107: {  	_ =	swait.ge [sflag:s30], $0x8000  }
0x108: {  	[sflag:s30] =	ssyncset.done $0x0  }
0x109: {  	s1 =	sadd.s32 $0x6000, s16;
	[sflag:s30] =	ssyncadd.s32 $0xFFFF8000  }
0x10a: {  	[tilespmem:s3], [sflag:$0x1] =	stream.linear.gather [hbm4b:s1+s3], $0x8000, $0x38;
	[tilespmem:$0x10000] =	vst v63  }
0x10b: {  	_ =	swait.ge [sflag:s31], $0x8000  }
0x10c: {  	[sflag:s31] =	ssyncset.done $0x0  }
0x10d: {  	s1 =	sadd.s32 $0x5000, s17;
	[sflag:s31] =	ssyncadd.s32 $0xFFFF8000  }
0x10e: {  	[hbm4b:s1+s3] =	stream.linear.scatter [tilespmem:s28], [sflag:$0x4], $0x8000, $0x38;
	[tilespmem:$0x10000] =	vst v63  }
0x10f: {  	_ =	swait.ge [sflag:s0], $0x8000  }
0x110: {  	[sflag:s0] =	ssyncset.done $0x0  }
0x111: {  	s1 =	sadd.s32 $0x7000, s16;
	[sflag:s0] =	ssyncadd.s32 $0xFFFF8000  }
0x112: {  	[tilespmem:s28], [sflag:$0x2] =	stream.linear.gather [hbm4b:s1+s3], $0x8000, $0x38;
	[tilespmem:$0x10000] =	vst v63  }
0x113: {  	_ =	swait.ge [sflag:s29], $0x8000  }
0x114: {  	[sflag:s29] =	ssyncset.done $0x0  }
0x115: {  	s1 =	sadd.s32 $0x6000, s17;
	[sflag:s29] =	ssyncadd.s32 $0xFFFF8000  }
0x116: {  	[hbm4b:s1+s3] =	stream.linear.scatter [tilespmem:s3], [sflag:$0x3], $0x8000, $0x38;
	[tilespmem:$0x10000] =	vst v63  }
0x117: {  	_ =	swait.ge [sflag:s31], $0x8000  }
0x118: {  	[sflag:s31] =	ssyncset.done $0x0  }
0x119: {  	s1 =	sadd.s32 $0x7000, s17;
	[sflag:s31] =	ssyncadd.s32 $0xFFFF8000  }
0x11a: {  	[hbm4b:s1+s3] =	stream.linear.scatter [tilespmem:s28], [sflag:$0x4], $0x8000, $0x38;
	[tilespmem:$0x10000] =	vst v63  }
0x11b: {  	_ =	swait.ge [sflag:s30], $0x8000  }
0x11c: {  	[sflag:s30] =	ssyncset.done $0x0  }
0x11d: {  	[sflag:s30] =	ssyncadd.s32 $0xFFFF8000  }
0x11e: {  	_ =	swait.ge [sflag:s0], $0x8000  }
0x11f: {  	[sflag:s0] =	ssyncset.done $0x0  }
0x120: {  	[sflag:s0] =	ssyncadd.s32 $0xFFFF8000  }
0x121: {  	[tilespmem:s3], [sflag:$0x1] =	stream.linear.gather [hbm4b:s18+s3], $0x8000, $0x38;
	[tilespmem:$0x10000] =	vst v63  }
0x122: {  	s1 =	sadd.s32 $0x1000, s18  }
0x123: {  	[tilespmem:s28], [sflag:$0x2] =	stream.linear.gather [hbm4b:s1+s3], $0x8000, $0x38;
	[tilespmem:$0x10000] =	vst v63  }
0x124: {  	_ =	swait.ge [sflag:s29], $0x8000  }
0x125: {  	[sflag:s29] =	ssyncset.done $0x0  }
0x126: {  	[sflag:s29] =	ssyncadd.s32 $0xFFFF8000  }
0x127: {  	[hbm4b:s19+s3] =	stream.linear.scatter [tilespmem:s3], [sflag:$0x3], $0x8000, $0x38;
	[tilespmem:$0x10000] =	vst v63  }
0x128: {  	_ =	swait.ge [sflag:s30], $0x8000  }
0x129: {  	[sflag:s30] =	ssyncset.done $0x0  }
0x12a: {  	s1 =	sadd.s32 $0x2000, s18;
	[sflag:s30] =	ssyncadd.s32 $0xFFFF8000  }
0x12b: {  	[tilespmem:s3], [sflag:$0x1] =	stream.linear.gather [hbm4b:s1+s3], $0x8000, $0x38;
	[tilespmem:$0x10000] =	vst v63  }
0x12c: {  	_ =	swait.ge [sflag:s31], $0x8000  }
0x12d: {  	[sflag:s31] =	ssyncset.done $0x0  }
0x12e: {  	s1 =	sadd.s32 $0x1000, s19;
	[sflag:s31] =	ssyncadd.s32 $0xFFFF8000  }
0x12f: {  	[hbm4b:s1+s3] =	stream.linear.scatter [tilespmem:s28], [sflag:$0x4], $0x8000, $0x38;
	[tilespmem:$0x10000] =	vst v63  }
0x130: {  	_ =	swait.ge [sflag:s0], $0x8000  }
0x131: {  	[sflag:s0] =	ssyncset.done $0x0  }
0x132: {  	s1 =	sadd.s32 $0x3000, s18;
	[sflag:s0] =	ssyncadd.s32 $0xFFFF8000  }
0x133: {  	[tilespmem:s28], [sflag:$0x2] =	stream.linear.gather [hbm4b:s1+s3], $0x8000, $0x38;
	[tilespmem:$0x10000] =	vst v63  }
0x134: {  	_ =	swait.ge [sflag:s29], $0x8000  }
0x135: {  	[sflag:s29] =	ssyncset.done $0x0  }
0x136: {  	s1 =	sadd.s32 $0x2000, s19;
	[sflag:s29] =	ssyncadd.s32 $0xFFFF8000  }
0x137: {  	[hbm4b:s1+s3] =	stream.linear.scatter [tilespmem:s3], [sflag:$0x3], $0x8000, $0x38;
	[tilespmem:$0x10000] =	vst v63  }
0x138: {  	_ =	swait.ge [sflag:s30], $0x8000  }
0x139: {  	[sflag:s30] =	ssyncset.done $0x0  }
0x13a: {  	s1 =	sadd.s32 $0x4000, s18;
	[sflag:s30] =	ssyncadd.s32 $0xFFFF8000  }
0x13b: {  	[tilespmem:s3], [sflag:$0x1] =	stream.linear.gather [hbm4b:s1+s3], $0x8000, $0x38;
	[tilespmem:$0x10000] =	vst v63  }
0x13c: {  	_ =	swait.ge [sflag:s31], $0x8000  }
0x13d: {  	[sflag:s31] =	ssyncset.done $0x0  }
0x13e: {  	s1 =	sadd.s32 $0x3000, s19;
	[sflag:s31] =	ssyncadd.s32 $0xFFFF8000  }
0x13f: {  	[hbm4b:s1+s3] =	stream.linear.scatter [tilespmem:s28], [sflag:$0x4], $0x8000, $0x38;
	[tilespmem:$0x10000] =	vst v63  }
0x140: {  	_ =	swait.ge [sflag:s0], $0x8000  }
0x141: {  	[sflag:s0] =	ssyncset.done $0x0  }
0x142: {  	s1 =	sadd.s32 $0x5000, s18;
	[sflag:s0] =	ssyncadd.s32 $0xFFFF8000  }
0x143: {  	[tilespmem:s28], [sflag:$0x2] =	stream.linear.gather [hbm4b:s1+s3], $0x8000, $0x38;
	[tilespmem:$0x10000] =	vst v63  }
0x144: {  	_ =	swait.ge [sflag:s29], $0x8000  }
0x145: {  	[sflag:s29] =	ssyncset.done $0x0  }
0x146: {  	s1 =	sadd.s32 $0x4000, s19;
	[sflag:s29] =	ssyncadd.s32 $0xFFFF8000  }
0x147: {  	[hbm4b:s1+s3] =	stream.linear.scatter [tilespmem:s3], [sflag:$0x3], $0x8000, $0x38;
	[tilespmem:$0x10000] =	vst v63  }
0x148: {  	_ =	swait.ge [sflag:s30], $0x8000  }
0x149: {  	[sflag:s30] =	ssyncset.done $0x0  }
0x14a: {  	s1 =	sadd.s32 $0x6000, s18;
	[sflag:s30] =	ssyncadd.s32 $0xFFFF8000  }
0x14b: {  	[tilespmem:s3], [sflag:$0x1] =	stream.linear.gather [hbm4b:s1+s3], $0x8000, $0x38;
	[tilespmem:$0x10000] =	vst v63  }
0x14c: {  	_ =	swait.ge [sflag:s31], $0x8000  }
0x14d: {  	[sflag:s31] =	ssyncset.done $0x0  }
0x14e: {  	s1 =	sadd.s32 $0x5000, s19;
	[sflag:s31] =	ssyncadd.s32 $0xFFFF8000  }
0x14f: {  	[hbm4b:s1+s3] =	stream.linear.scatter [tilespmem:s28], [sflag:$0x4], $0x8000, $0x38;
	[tilespmem:$0x10000] =	vst v63  }
0x150: {  	_ =	swait.ge [sflag:s0], $0x8000  }
0x151: {  	[sflag:s0] =	ssyncset.done $0x0  }
0x152: {  	s1 =	sadd.s32 $0x7000, s18;
	[sflag:s0] =	ssyncadd.s32 $0xFFFF8000  }
0x153: {  	[tilespmem:s28], [sflag:$0x2] =	stream.linear.gather [hbm4b:s1+s3], $0x8000, $0x38;
	[tilespmem:$0x10000] =	vst v63  }
0x154: {  	_ =	swait.ge [sflag:s29], $0x8000  }
0x155: {  	[sflag:s29] =	ssyncset.done $0x0  }
0x156: {  	s1 =	sadd.s32 $0x6000, s19;
	[sflag:s29] =	ssyncadd.s32 $0xFFFF8000  }
0x157: {  	[hbm4b:s1+s3] =	stream.linear.scatter [tilespmem:s3], [sflag:$0x3], $0x8000, $0x38;
	[tilespmem:$0x10000] =	vst v63  }
0x158: {  	_ =	swait.ge [sflag:s31], $0x8000  }
0x159: {  	[sflag:s31] =	ssyncset.done $0x0  }
0x15a: {  	s1 =	sadd.s32 $0x7000, s19;
	[sflag:s31] =	ssyncadd.s32 $0xFFFF8000  }
0x15b: {  	[hbm4b:s1+s3] =	stream.linear.scatter [tilespmem:s28], [sflag:$0x4], $0x8000, $0x38;
	[tilespmem:$0x10000] =	vst v63  }
0x15c: {  	_ =	swait.ge [sflag:s30], $0x8000  }
0x15d: {  	[sflag:s30] =	ssyncset.done $0x0  }
0x15e: {  	[sflag:s30] =	ssyncadd.s32 $0xFFFF8000  }
0x15f: {  	_ =	swait.ge [sflag:s0], $0x8000  }
0x160: {  	[sflag:s0] =	ssyncset.done $0x0  }
0x161: {  	[sflag:s0] =	ssyncadd.s32 $0xFFFF8000  }
0x162: {  	[tilespmem:s3], [sflag:$0x1] =	stream.linear.gather [hbm4b:s20+s3], $0x8000, $0x38;
	[tilespmem:$0x10000] =	vst v63  }
0x163: {  	s1 =	sadd.s32 $0x1000, s20  }
0x164: {  	[tilespmem:s28], [sflag:$0x2] =	stream.linear.gather [hbm4b:s1+s3], $0x8000, $0x38;
	[tilespmem:$0x10000] =	vst v63  }
0x165: {  	_ =	swait.ge [sflag:s29], $0x8000  }
0x166: {  	[sflag:s29] =	ssyncset.done $0x0  }
0x167: {  	[sflag:s29] =	ssyncadd.s32 $0xFFFF8000  }
0x168: {  	[hbm4b:s21+s3] =	stream.linear.scatter [tilespmem:s3], [sflag:$0x3], $0x8000, $0x38;
	[tilespmem:$0x10000] =	vst v63  }
0x169: {  	_ =	swait.ge [sflag:s30], $0x8000  }
0x16a: {  	[sflag:s30] =	ssyncset.done $0x0  }
0x16b: {  	s1 =	sadd.s32 $0x2000, s20;
	[sflag:s30] =	ssyncadd.s32 $0xFFFF8000  }
0x16c: {  	[tilespmem:s3], [sflag:$0x1] =	stream.linear.gather [hbm4b:s1+s3], $0x8000, $0x38;
	[tilespmem:$0x10000] =	vst v63  }
0x16d: {  	_ =	swait.ge [sflag:s31], $0x8000  }
0x16e: {  	[sflag:s31] =	ssyncset.done $0x0  }
0x16f: {  	s1 =	sadd.s32 $0x1000, s21;
	[sflag:s31] =	ssyncadd.s32 $0xFFFF8000  }
0x170: {  	[hbm4b:s1+s3] =	stream.linear.scatter [tilespmem:s28], [sflag:$0x4], $0x8000, $0x38;
	[tilespmem:$0x10000] =	vst v63  }
0x171: {  	_ =	swait.ge [sflag:s0], $0x8000  }
0x172: {  	[sflag:s0] =	ssyncset.done $0x0  }
0x173: {  	s1 =	sadd.s32 $0x3000, s20;
	[sflag:s0] =	ssyncadd.s32 $0xFFFF8000  }
0x174: {  	[tilespmem:s28], [sflag:$0x2] =	stream.linear.gather [hbm4b:s1+s3], $0x8000, $0x38;
	[tilespmem:$0x10000] =	vst v63  }
0x175: {  	_ =	swait.ge [sflag:s29], $0x8000  }
0x176: {  	[sflag:s29] =	ssyncset.done $0x0  }
0x177: {  	s1 =	sadd.s32 $0x2000, s21;
	[sflag:s29] =	ssyncadd.s32 $0xFFFF8000  }
0x178: {  	[hbm4b:s1+s3] =	stream.linear.scatter [tilespmem:s3], [sflag:$0x3], $0x8000, $0x38;
	[tilespmem:$0x10000] =	vst v63  }
0x179: {  	_ =	swait.ge [sflag:s30], $0x8000  }
0x17a: {  	[sflag:s30] =	ssyncset.done $0x0  }
0x17b: {  	s1 =	sadd.s32 $0x4000, s20;
	[sflag:s30] =	ssyncadd.s32 $0xFFFF8000  }
0x17c: {  	[tilespmem:s3], [sflag:$0x1] =	stream.linear.gather [hbm4b:s1+s3], $0x8000, $0x38;
	[tilespmem:$0x10000] =	vst v63  }
0x17d: {  	_ =	swait.ge [sflag:s31], $0x8000  }
0x17e: {  	[sflag:s31] =	ssyncset.done $0x0  }
0x17f: {  	s1 =	sadd.s32 $0x3000, s21;
	[sflag:s31] =	ssyncadd.s32 $0xFFFF8000  }
0x180: {  	[hbm4b:s1+s3] =	stream.linear.scatter [tilespmem:s28], [sflag:$0x4], $0x8000, $0x38;
	[tilespmem:$0x10000] =	vst v63  }
0x181: {  	_ =	swait.ge [sflag:s0], $0x8000  }
0x182: {  	[sflag:s0] =	ssyncset.done $0x0  }
0x183: {  	s1 =	sadd.s32 $0x5000, s20;
	[sflag:s0] =	ssyncadd.s32 $0xFFFF8000  }
0x184: {  	[tilespmem:s28], [sflag:$0x2] =	stream.linear.gather [hbm4b:s1+s3], $0x8000, $0x38;
	[tilespmem:$0x10000] =	vst v63  }
0x185: {  	_ =	swait.ge [sflag:s29], $0x8000  }
0x186: {  	[sflag:s29] =	ssyncset.done $0x0  }
0x187: {  	s1 =	sadd.s32 $0x4000, s21;
	[sflag:s29] =	ssyncadd.s32 $0xFFFF8000  }
0x188: {  	[hbm4b:s1+s3] =	stream.linear.scatter [tilespmem:s3], [sflag:$0x3], $0x8000, $0x38;
	[tilespmem:$0x10000] =	vst v63  }
0x189: {  	_ =	swait.ge [sflag:s30], $0x8000  }
0x18a: {  	[sflag:s30] =	ssyncset.done $0x0  }
0x18b: {  	s1 =	sadd.s32 $0x6000, s20;
	[sflag:s30] =	ssyncadd.s32 $0xFFFF8000  }
0x18c: {  	[tilespmem:s3], [sflag:$0x1] =	stream.linear.gather [hbm4b:s1+s3], $0x8000, $0x38;
	[tilespmem:$0x10000] =	vst v63  }
0x18d: {  	_ =	swait.ge [sflag:s31], $0x8000  }
0x18e: {  	[sflag:s31] =	ssyncset.done $0x0  }
0x18f: {  	s1 =	sadd.s32 $0x5000, s21;
	[sflag:s31] =	ssyncadd.s32 $0xFFFF8000  }
0x190: {  	[hbm4b:s1+s3] =	stream.linear.scatter [tilespmem:s28], [sflag:$0x4], $0x8000, $0x38;
	[tilespmem:$0x10000] =	vst v63  }
0x191: {  	_ =	swait.ge [sflag:s0], $0x8000  }
0x192: {  	[sflag:s0] =	ssyncset.done $0x0  }
0x193: {  	s1 =	sadd.s32 $0x7000, s20;
	[sflag:s0] =	ssyncadd.s32 $0xFFFF8000  }
0x194: {  	[tilespmem:s28], [sflag:$0x2] =	stream.linear.gather [hbm4b:s1+s3], $0x8000, $0x38;
	[tilespmem:$0x10000] =	vst v63  }
0x195: {  	_ =	swait.ge [sflag:s29], $0x8000  }
0x196: {  	[sflag:s29] =	ssyncset.done $0x0  }
0x197: {  	s1 =	sadd.s32 $0x6000, s21;
	[sflag:s29] =	ssyncadd.s32 $0xFFFF8000  }
0x198: {  	[hbm4b:s1+s3] =	stream.linear.scatter [tilespmem:s3], [sflag:$0x3], $0x8000, $0x38;
	[tilespmem:$0x10000] =	vst v63  }
0x199: {  	_ =	swait.ge [sflag:s31], $0x8000  }
0x19a: {  	[sflag:s31] =	ssyncset.done $0x0  }
0x19b: {  	s1 =	sadd.s32 $0x7000, s21;
	[sflag:s31] =	ssyncadd.s32 $0xFFFF8000  }
0x19c: {  	[hbm4b:s1+s3] =	stream.linear.scatter [tilespmem:s28], [sflag:$0x4], $0x8000, $0x38;
	[tilespmem:$0x10000] =	vst v63  }
0x19d: {  	_ =	swait.ge [sflag:s30], $0x8000  }
.Ltmp2:
0x19e: {  	[sflag:s30] =	ssyncset.done $0x0;
	(pc) =	sbr.rel @p1 .LBB2_3-.Ltmp2, $4  }
0x19f: {  	[sflag:s30] =	ssyncadd.s32 $0xFFFF8000  }
0x1a0: {  	_ =	swait.ge [sflag:s0], $0x8000  }
0x1a1: {  	[sflag:s0] =	ssyncset.done $0x0  }
0x1a2: {  	[sflag:s0] =	ssyncadd.s32 $0xFFFF8000  }
0x1a3: {  	[tilespmem:s3], [sflag:$0x1] =	stream.linear.gather [hbm4b:s22+s3], $0x8000, $0x38;
	[tilespmem:$0x10000] =	vst v63  }
0x1a4: {  	s1 =	sadd.s32 $0x1000, s22  }
0x1a5: {  	[tilespmem:s28], [sflag:$0x2] =	stream.linear.gather [hbm4b:s1+s3], $0x8000, $0x38;
	[tilespmem:$0x10000] =	vst v63  }
0x1a6: {  	_ =	swait.ge [sflag:s29], $0x8000  }
0x1a7: {  	[sflag:s29] =	ssyncset.done $0x0  }
0x1a8: {  	[sflag:s29] =	ssyncadd.s32 $0xFFFF8000  }
0x1a9: {  	[hbm4b:s23+s3] =	stream.linear.scatter [tilespmem:s3], [sflag:$0x3], $0x8000, $0x38;
	[tilespmem:$0x10000] =	vst v63  }
0x1aa: {  	_ =	swait.ge [sflag:s30], $0x8000  }
0x1ab: {  	[sflag:s30] =	ssyncset.done $0x0  }
0x1ac: {  	s1 =	sadd.s32 $0x2000, s22;
	[sflag:s30] =	ssyncadd.s32 $0xFFFF8000  }
0x1ad: {  	[tilespmem:s3], [sflag:$0x1] =	stream.linear.gather [hbm4b:s1+s3], $0x8000, $0x38;
	[tilespmem:$0x10000] =	vst v63  }
0x1ae: {  	_ =	swait.ge [sflag:s31], $0x8000  }
0x1af: {  	[sflag:s31] =	ssyncset.done $0x0  }
0x1b0: {  	s1 =	sadd.s32 $0x1000, s23;
	[sflag:s31] =	ssyncadd.s32 $0xFFFF8000  }
0x1b1: {  	[hbm4b:s1+s3] =	stream.linear.scatter [tilespmem:s28], [sflag:$0x4], $0x8000, $0x38;
	[tilespmem:$0x10000] =	vst v63  }
0x1b2: {  	_ =	swait.ge [sflag:s0], $0x8000  }
0x1b3: {  	[sflag:s0] =	ssyncset.done $0x0  }
0x1b4: {  	s1 =	sadd.s32 $0x3000, s22;
	[sflag:s0] =	ssyncadd.s32 $0xFFFF8000  }
0x1b5: {  	[tilespmem:s28], [sflag:$0x2] =	stream.linear.gather [hbm4b:s1+s3], $0x8000, $0x38;
	[tilespmem:$0x10000] =	vst v63  }
0x1b6: {  	_ =	swait.ge [sflag:s29], $0x8000  }
0x1b7: {  	[sflag:s29] =	ssyncset.done $0x0  }
0x1b8: {  	s1 =	sadd.s32 $0x2000, s23;
	[sflag:s29] =	ssyncadd.s32 $0xFFFF8000  }
0x1b9: {  	[hbm4b:s1+s3] =	stream.linear.scatter [tilespmem:s3], [sflag:$0x3], $0x8000, $0x38;
	[tilespmem:$0x10000] =	vst v63  }
0x1ba: {  	_ =	swait.ge [sflag:s30], $0x8000  }
0x1bb: {  	[sflag:s30] =	ssyncset.done $0x0  }
0x1bc: {  	s1 =	sadd.s32 $0x4000, s22;
	[sflag:s30] =	ssyncadd.s32 $0xFFFF8000  }
0x1bd: {  	[tilespmem:s3], [sflag:$0x1] =	stream.linear.gather [hbm4b:s1+s3], $0x8000, $0x38;
	[tilespmem:$0x10000] =	vst v63  }
0x1be: {  	_ =	swait.ge [sflag:s31], $0x8000  }
0x1bf: {  	[sflag:s31] =	ssyncset.done $0x0  }
0x1c0: {  	s1 =	sadd.s32 $0x3000, s23;
	[sflag:s31] =	ssyncadd.s32 $0xFFFF8000  }
0x1c1: {  	[hbm4b:s1+s3] =	stream.linear.scatter [tilespmem:s28], [sflag:$0x4], $0x8000, $0x38;
	[tilespmem:$0x10000] =	vst v63  }
0x1c2: {  	_ =	swait.ge [sflag:s0], $0x8000  }
0x1c3: {  	[sflag:s0] =	ssyncset.done $0x0  }
0x1c4: {  	s1 =	sadd.s32 $0x5000, s22;
	[sflag:s0] =	ssyncadd.s32 $0xFFFF8000  }
0x1c5: {  	[tilespmem:s28], [sflag:$0x2] =	stream.linear.gather [hbm4b:s1+s3], $0x8000, $0x38;
	[tilespmem:$0x10000] =	vst v63  }
0x1c6: {  	_ =	swait.ge [sflag:s29], $0x8000  }
0x1c7: {  	[sflag:s29] =	ssyncset.done $0x0  }
0x1c8: {  	s1 =	sadd.s32 $0x4000, s23;
	[sflag:s29] =	ssyncadd.s32 $0xFFFF8000  }
0x1c9: {  	[hbm4b:s1+s3] =	stream.linear.scatter [tilespmem:s3], [sflag:$0x3], $0x8000, $0x38;
	[tilespmem:$0x10000] =	vst v63  }
0x1ca: {  	_ =	swait.ge [sflag:s30], $0x8000  }
0x1cb: {  	[sflag:s30] =	ssyncset.done $0x0  }
0x1cc: {  	s1 =	sadd.s32 $0x6000, s22;
	[sflag:s30] =	ssyncadd.s32 $0xFFFF8000  }
0x1cd: {  	[tilespmem:s3], [sflag:$0x1] =	stream.linear.gather [hbm4b:s1+s3], $0x8000, $0x38;
	[tilespmem:$0x10000] =	vst v63  }
0x1ce: {  	_ =	swait.ge [sflag:s31], $0x8000  }
0x1cf: {  	[sflag:s31] =	ssyncset.done $0x0  }
0x1d0: {  	s1 =	sadd.s32 $0x5000, s23;
	[sflag:s31] =	ssyncadd.s32 $0xFFFF8000  }
0x1d1: {  	[hbm4b:s1+s3] =	stream.linear.scatter [tilespmem:s28], [sflag:$0x4], $0x8000, $0x38;
	[tilespmem:$0x10000] =	vst v63  }
0x1d2: {  	_ =	swait.ge [sflag:s0], $0x8000  }
0x1d3: {  	[sflag:s0] =	ssyncset.done $0x0  }
0x1d4: {  	s1 =	sadd.s32 $0x7000, s22;
	[sflag:s0] =	ssyncadd.s32 $0xFFFF8000  }
0x1d5: {  	[tilespmem:s28], [sflag:$0x2] =	stream.linear.gather [hbm4b:s1+s3], $0x8000, $0x38;
	[tilespmem:$0x10000] =	vst v63  }
0x1d6: {  	_ =	swait.ge [sflag:s29], $0x8000  }
0x1d7: {  	[sflag:s29] =	ssyncset.done $0x0  }
0x1d8: {  	s1 =	sadd.s32 $0x6000, s23;
	[sflag:s29] =	ssyncadd.s32 $0xFFFF8000  }
0x1d9: {  	[hbm4b:s1+s3] =	stream.linear.scatter [tilespmem:s3], [sflag:$0x3], $0x8000, $0x38;
	[tilespmem:$0x10000] =	vst v63  }
0x1da: {  	_ =	swait.ge [sflag:s31], $0x8000  }
0x1db: {  	[sflag:s31] =	ssyncset.done $0x0  }
0x1dc: {  	s1 =	sadd.s32 $0x7000, s23;
	[sflag:s31] =	ssyncadd.s32 $0xFFFF8000  }
0x1dd: {  	[hbm4b:s1+s3] =	stream.linear.scatter [tilespmem:s28], [sflag:$0x4], $0x8000, $0x38;
	[tilespmem:$0x10000] =	vst v63  }
0x1de: {  	_ =	swait.ge [sflag:s30], $0x8000  }
0x1df: {  	[sflag:s30] =	ssyncset.done $0x0  }
0x1e0: {  	[sflag:s30] =	ssyncadd.s32 $0xFFFF8000  }
0x1e1: {  	_ =	swait.ge [sflag:s0], $0x8000  }
0x1e2: {  	[sflag:s0] =	ssyncset.done $0x0  }
0x1e3: {  	[sflag:s0] =	ssyncadd.s32 $0xFFFF8000  }
.LBB2_3:
.Ltmp3:
0x1e4: {  	(pc) =	sbr.rel @p0 .LBB2_5-.Ltmp3, $1  }
0x1e5: {  	_ =	sdelay $0x3  }
0x1e6: {  	s1 =	rddreg [dreg:$0x1]  }
0x1e7: {  	[tilespmem:s3], [sflag:$0x1] =	stream.linear.gather [hbm4b:s1+s3], $0x8000, $0x38;
	[tilespmem:$0x10000] =	vst v63  }
0x1e8: {  	s1 =	rddreg [dreg:$0x4]  }
0x1e9: {  	[tilespmem:s28], [sflag:$0x2] =	stream.linear.gather [hbm4b:s1+s3], $0x8000, $0x38;
	[tilespmem:$0x10000] =	vst v63  }
0x1ea: {  	_ =	swait.ge [sflag:s29], $0x8000  }
0x1eb: {  	[sflag:s29] =	ssyncset.done $0x0  }
0x1ec: {  	[sflag:s29] =	ssyncadd.s32 $0xFFFF8000  }
0x1ed: {  	[hbm4b:s24+s3] =	stream.linear.scatter [tilespmem:s3], [sflag:$0x3], $0x8000, $0x38;
	[tilespmem:$0x10000] =	vst v63  }
0x1ee: {  	_ =	swait.ge [sflag:s30], $0x8000  }
0x1ef: {  	[sflag:s30] =	ssyncset.done $0x0  }
0x1f0: {  	s1 =	rddreg [dreg:$0x5];
	[sflag:s30] =	ssyncadd.s32 $0xFFFF8000  }
0x1f1: {  	[tilespmem:s3], [sflag:$0x1] =	stream.linear.gather [hbm4b:s1+s3], $0x8000, $0x38;
	[tilespmem:$0x10000] =	vst v63  }
0x1f2: {  	_ =	swait.ge [sflag:s31], $0x8000  }
0x1f3: {  	[sflag:s31] =	ssyncset.done $0x0  }
0x1f4: {  	s1 =	sadd.s32 $0x1000, s24;
	[sflag:s31] =	ssyncadd.s32 $0xFFFF8000  }
0x1f5: {  	[hbm4b:s1+s3] =	stream.linear.scatter [tilespmem:s28], [sflag:$0x4], $0x8000, $0x38;
	[tilespmem:$0x10000] =	vst v63  }
0x1f6: {  	_ =	swait.ge [sflag:s0], $0x8000  }
0x1f7: {  	[sflag:s0] =	ssyncset.done $0x0  }
0x1f8: {  	s1 =	rddreg [dreg:$0x6];
	[sflag:s0] =	ssyncadd.s32 $0xFFFF8000  }
0x1f9: {  	[tilespmem:s28], [sflag:$0x2] =	stream.linear.gather [hbm4b:s1+s3], $0x8000, $0x38;
	[tilespmem:$0x10000] =	vst v63  }
0x1fa: {  	_ =	swait.ge [sflag:s29], $0x8000  }
0x1fb: {  	[sflag:s29] =	ssyncset.done $0x0  }
0x1fc: {  	s1 =	sadd.s32 $0x2000, s24;
	[sflag:s29] =	ssyncadd.s32 $0xFFFF8000  }
0x1fd: {  	[hbm4b:s1+s3] =	stream.linear.scatter [tilespmem:s3], [sflag:$0x3], $0x8000, $0x38;
	[tilespmem:$0x10000] =	vst v63  }
0x1fe: {  	_ =	swait.ge [sflag:s30], $0x8000  }
0x1ff: {  	[sflag:s30] =	ssyncset.done $0x0  }
0x200: {  	s1 =	rddreg [dreg:$0x7];
	[sflag:s30] =	ssyncadd.s32 $0xFFFF8000  }
0x201: {  	[tilespmem:s3], [sflag:$0x1] =	stream.linear.gather [hbm4b:s1+s3], $0x8000, $0x38;
	[tilespmem:$0x10000] =	vst v63  }
0x202: {  	_ =	swait.ge [sflag:s31], $0x8000  }
0x203: {  	[sflag:s31] =	ssyncset.done $0x0  }
0x204: {  	s1 =	sadd.s32 $0x3000, s24;
	[sflag:s31] =	ssyncadd.s32 $0xFFFF8000  }
0x205: {  	[hbm4b:s1+s3] =	stream.linear.scatter [tilespmem:s28], [sflag:$0x4], $0x8000, $0x38;
	[tilespmem:$0x10000] =	vst v63  }
0x206: {  	_ =	swait.ge [sflag:s0], $0x8000  }
0x207: {  	[sflag:s0] =	ssyncset.done $0x0  }
0x208: {  	s1 =	rddreg [dreg:$0x8];
	[sflag:s0] =	ssyncadd.s32 $0xFFFF8000  }
0x209: {  	[tilespmem:s28], [sflag:$0x2] =	stream.linear.gather [hbm4b:s1+s3], $0x8000, $0x38;
	[tilespmem:$0x10000] =	vst v63  }
0x20a: {  	_ =	swait.ge [sflag:s29], $0x8000  }
0x20b: {  	[sflag:s29] =	ssyncset.done $0x0  }
0x20c: {  	s1 =	sadd.s32 $0x4000, s24;
	[sflag:s29] =	ssyncadd.s32 $0xFFFF8000  }
0x20d: {  	[hbm4b:s1+s3] =	stream.linear.scatter [tilespmem:s3], [sflag:$0x3], $0x8000, $0x38;
	[tilespmem:$0x10000] =	vst v63  }
0x20e: {  	_ =	swait.ge [sflag:s30], $0x8000  }
0x20f: {  	[sflag:s30] =	ssyncset.done $0x0  }
0x210: {  	s1 =	rddreg [dreg:$0x9];
	[sflag:s30] =	ssyncadd.s32 $0xFFFF8000  }
0x211: {  	[tilespmem:s3], [sflag:$0x1] =	stream.linear.gather [hbm4b:s1+s3], $0x8000, $0x38;
	[tilespmem:$0x10000] =	vst v63  }
0x212: {  	_ =	swait.ge [sflag:s31], $0x8000  }
0x213: {  	[sflag:s31] =	ssyncset.done $0x0  }
0x214: {  	s1 =	sadd.s32 $0x5000, s24;
	[sflag:s31] =	ssyncadd.s32 $0xFFFF8000  }
0x215: {  	[hbm4b:s1+s3] =	stream.linear.scatter [tilespmem:s28], [sflag:$0x4], $0x8000, $0x38;
	[tilespmem:$0x10000] =	vst v63  }
0x216: {  	_ =	swait.ge [sflag:s0], $0x8000  }
0x217: {  	[sflag:s0] =	ssyncset.done $0x0  }
0x218: {  	[sflag:s0] =	ssyncadd.s32 $0xFFFF8000  }
0x219: {  	[tilespmem:s28], [sflag:$0x2] =	stream.linear.gather [hbm4b:s2+s3], $0x8000, $0x38;
	[tilespmem:$0x10000] =	vst v63  }
0x21a: {  	_ =	swait.ge [sflag:s29], $0x8000  }
0x21b: {  	[sflag:s29] =	ssyncset.done $0x0  }
0x21c: {  	s1 =	sadd.s32 $0x6000, s24;
	[sflag:s29] =	ssyncadd.s32 $0xFFFF8000  }
0x21d: {  	[hbm4b:s1+s3] =	stream.linear.scatter [tilespmem:s3], [sflag:$0x3], $0x8000, $0x38;
	[tilespmem:$0x10000] =	vst v63  }
0x21e: {  	_ =	swait.ge [sflag:s31], $0x8000  }
0x21f: {  	[sflag:s31] =	ssyncset.done $0x0  }
0x220: {  	s1 =	sadd.s32 $0x7000, s24;
	[sflag:s31] =	ssyncadd.s32 $0xFFFF8000  }
0x221: {  	[hbm4b:s1+s3] =	stream.linear.scatter [tilespmem:s28], [sflag:$0x4], $0x8000, $0x38;
	[tilespmem:$0x10000] =	vst v63  }
0x222: {  	_ =	swait.ge [sflag:s30], $0x8000  }
.Ltmp4:
0x223: {  	[sflag:s30] =	ssyncset.done $0x0;
	(pc) =	sbr.rel .LBB2_5-.Ltmp4, $4  }
0x224: {  	[sflag:s30] =	ssyncadd.s32 $0xFFFF8000  }
0x225: {  	_ =	swait.ge [sflag:s0], $0x8000  }
0x226: {  	[sflag:s0] =	ssyncset.done $0x0  }
0x227: {  	[sflag:s0] =	ssyncadd.s32 $0xFFFF8000  }
.LBB2_6:
0x228: {  	_ =	sfence.sel $0x180000  }
0x229: {  	[bflag:$0x0] =	sbarrier.arrive $0xFFFF  }
0x22a: {  	_ =	strace $0x90000047  }
0x22b: {  	s0 =	stileid.u32;
	[bflag:$0x2] =	sbarrier.arrive $0xFFFF  }
0x22c: {  	p0 =	sne.s32 s0, $0x0;
	s0 =	rddreg [dreg:$0x3]  }
0x22d: {  	s0 =	sadd.s32 @!p0 $0x100000, s0  }
0x22e: {  	[sflag:s0] =	ssyncadd.tile.s32 @!p0 $0x1;
	_ =	shalt  }
.Lfunc_end2:
_tile_overlayer_lowered:
.L_overlay_start_2:
0x22f: {  	(tag) =	ssettag $0x2  }
0x230: {  	s0 =	rddreg [dreg:$0x0];
	s2 =	stileid.u32  }
0x231: {  	s1 =	rddreg [dreg:$0x1];
	p0 =	sne.s32 s2, $0x0  }
0x232: {  	s3 =	rddreg [dreg:$0x2];
	[bflag:$0x3] =	sbarrier.arrive $0xFFFF;
	s2 =	simm.s32 @!p0 $0x1C05  }
0x233: {  	[timem:s3], [sflag:s2] =	dma.local @!p0 [hbm:s0], s1  }
0x234: {  	s0 =	simm.s32 @!p0 $0x5  }
0x235: {  	_ =	swait.ge @!p0 [sflag:s0], s1  }
0x236: {  	s1 =	ssub.s32 @!p0 $0x0, s1;
	[sflag:s0] =	ssyncset.done @!p0 $0x0  }
0x237: {  	[sflag:s0] =	ssyncadd.s32 @!p0 s1  }
0x238: {  	[bflag:$0x3] =	sbarrier.arrive $0xFFFF  }
0x239: {  	_ =	shalt  }

</sc_bundles>
